<compile_context>
chip_gen: v7x
topology: tpu7x:2x2x1
jax: 0.10.2.dev20260603
libtpu: 0.0.44.dev20260713+nightly
codegen_flags: <defaults>
</compile_context>

<pallas_src>
import jax
import jax.numpy as jnp
from jax import lax
from jax.experimental import pallas as pl
from jax.experimental.pallas import tpu as pltpu
from jax.experimental.pallas import tpu_sc as plsc

VOCAB = 1000000
EMBED_DIM = 32
BATCH = 16384
SEQ = 200

_NW = 32
_W = BATCH // _NW


def _body(enc4, table, out3,
          idx0, idx1, rows0, rows1, ob0, ob1,
          isem0, isem1, gsem0, gsem1, osem0, osem1):
    w = lax.axis_index("s") * 2 + lax.axis_index("c")
    k0 = w * (_W * 8)
    idx_v = (idx0, idx1)
    rows_v = (rows0, rows1)
    obuf = (ob0, ob1)
    isem = (isem0, isem1)
    gsem = (gsem0, gsem1)
    osem = (osem0, osem1)
    iota16 = lax.iota(jnp.int32, 16)

    def idx_start(s, b):
        for c2 in range(4):
            pltpu.async_copy(
                enc4.at[s >> 3, 4 * w + c2, s & 7],
                idx_v[b].at[pl.ds(128 * c2, 128)], isem[b])

    def idx_wait(b):
        for c2 in range(4):
            pltpu.make_async_copy(
                enc4.at[0, 0, 0],
                idx_v[b].at[pl.ds(128 * c2, 128)], isem[b]).wait()

    def gather_start(b):
        pltpu.async_copy(table.at[idx_v[b]], rows_v[b], gsem[b])

    def gather_wait(b):
        pltpu.make_async_copy(table.at[idx_v[b]], rows_v[b], gsem[b]).wait()

    def out_start(s, b):
        for r2 in range(4):
            pltpu.async_copy(
                obuf[b].at[pl.ds(r2 * 4096, 4096)],
                out3.at[s, r2, pl.ds(k0, 4096)], osem[b])

    def out_wait(b):
        for r2 in range(4):
            pltpu.make_async_copy(
                obuf[b].at[pl.ds(r2 * 4096, 4096)],
                out3.at[0, r2, pl.ds(k0, 4096)], osem[b]).wait()

    colv = [iota16 ^ k for k in range(16)]
    sctr = [((iota16 ^ k) >> 3) * 4096 + ((iota16 ^ k) & 7) * 128 + iota16
            for k in range(16)]

    def transpose(b):
        rows = rows_v[b]
        ob = obuf[b]

        @plsc.parallel_loop(0, _W // 16, unroll=2)
        def _jb_body(jb):
            rowv = iota16 + jb * 16
            base_s = (jb >> 3) * 1024 + (jb & 7) * 16
            for eb in range(2):
                for k in range(16):
                    v = plsc.load_gather(rows, [rowv, colv[k] + 16 * eb])
                    plsc.store_scatter(
                        ob, [sctr[k] + (base_s + 8192 * eb)], v)

    def step(s, b):
        bp = 1 - b

        @pl.when(s + 1 < SEQ)
        def _next_gather():
            idx_wait(bp)
            gather_start(bp)

        gather_wait(b)

        @pl.when(s + 2 < SEQ)
        def _prefetch_idx():
            idx_start(s + 2, b)

        @pl.when(s >= 2)
        def _reclaim_obuf():
            out_wait(b)

        transpose(b)
        out_start(s, b)

    idx_start(0, 0)
    idx_start(1, 1)
    idx_wait(0)
    gather_start(0)

    def pair(p, carry):
        step(2 * p, 0)
        step(2 * p + 1, 1)
        return carry

    lax.fori_loop(0, SEQ // 2, pair, 0)

    out_wait(0)
    out_wait(1)


@jax.jit
def kernel(enc, enc_mask, table):
    enc4 = enc.T.reshape(25, 8, 128, 128).transpose(0, 2, 1, 3)
    mesh = plsc.VectorSubcoreMesh(core_axis_name="c", subcore_axis_name="s")
    gather = pl.kernel(
        _body,
        mesh=mesh,
        out_type=jax.ShapeDtypeStruct((SEQ, 4, BATCH * 8), jnp.float32),
        scratch_types=[
            pltpu.VMEM((_W,), jnp.int32),
            pltpu.VMEM((_W,), jnp.int32),
            pltpu.VMEM((_W, EMBED_DIM), jnp.float32),
            pltpu.VMEM((_W, EMBED_DIM), jnp.float32),
            pltpu.VMEM((_W * EMBED_DIM,), jnp.float32),
            pltpu.VMEM((_W * EMBED_DIM,), jnp.float32),
            pltpu.SemaphoreType.DMA,
            pltpu.SemaphoreType.DMA,
            pltpu.SemaphoreType.DMA,
            pltpu.SemaphoreType.DMA,
            pltpu.SemaphoreType.DMA,
            pltpu.SemaphoreType.DMA,
        ],
        compiler_params=pltpu.CompilerParams(
            use_tc_tiling_on_sc=False, needs_layout_passes=False),
    )
    o3 = gather(enc4, table)
    dec = (o3.reshape(SEQ, 4, 128, 8, 128)
              .transpose(2, 4, 0, 1, 3)
              .reshape(BATCH, SEQ, EMBED_DIM))
    return (dec, enc_mask)

# --- scband reference (transcript-rebuilt; emitter-appended) ---
"""Pipeline reference for scband-energy-encoder-54906861912467 (READ-ONLY COPY).

The authoritative reference and input builder live on the scoring server;
editing this copy changes nothing except your own understanding.
"""

import jax, jax.numpy as jnp
import numpy as np

VOCAB = 1000000
EMBED_DIM = 32
BATCH = 16384
SEQ = 200

def setup_inputs(seed: int = 0) -> dict:
    key = jax.random.key(seed)
    k1, k2 = jax.random.split(key)
    enc = jax.random.randint(k1, (BATCH, SEQ), 0, VOCAB, dtype=jnp.int64 if jax.config.jax_enable_x64 else jnp.int32)
    enc_mask = jnp.ones((BATCH, SEQ), dtype=jnp.bool_)
    table = jax.random.normal(k2, (VOCAB, EMBED_DIM), dtype=jnp.float32) * 0.02
    return {"enc": enc, "enc_mask": enc_mask, "table": table}

def reference(enc, enc_mask, table):
    # EnergyEncoder.forward: dec = Embedding(enc); mask passed through.
    dec = jnp.take(table, enc, axis=0)
    return (dec, enc_mask)

if __name__ == "__main__":
    import jax
    _d = setup_inputs()
    print(jax.jit(kernel)(*tuple(_d.values())))

</pallas_src>

<mosaic_0001>
#map = affine_map<(d0, d1) -> (0, 0, 0, 0)>
#map1 = affine_map<(d0, d1) -> (0, 0)>
#map2 = affine_map<(d0, d1) -> (0, 0, 0)>
module attributes {stable_mosaic.version = 14 : i64} {
  func.func @_body(%arg0: i32, %arg1: i32, %arg2: memref<25x128x8x128xi32, #tpu.memory_space<hbm>>, %arg3: memref<1000000x32xf32, #tpu.memory_space<hbm>>, %arg4: memref<200x4x131072xf32, #tpu.memory_space<hbm>>, %arg5: memref<512xi32, #tpu.memory_space<vmem>>, %arg6: memref<512xi32, #tpu.memory_space<vmem>>, %arg7: memref<512x32xf32, #tpu.memory_space<vmem>>, %arg8: memref<512x32xf32, #tpu.memory_space<vmem>>, %arg9: memref<16384xf32, #tpu.memory_space<vmem>>, %arg10: memref<16384xf32, #tpu.memory_space<vmem>>, %arg11: memref<!tpu.dma_semaphore, #tpu.memory_space<semaphore_mem>>, %arg12: memref<!tpu.dma_semaphore, #tpu.memory_space<semaphore_mem>>, %arg13: memref<!tpu.dma_semaphore, #tpu.memory_space<semaphore_mem>>, %arg14: memref<!tpu.dma_semaphore, #tpu.memory_space<semaphore_mem>>, %arg15: memref<!tpu.dma_semaphore, #tpu.memory_space<semaphore_mem>>, %arg16: memref<!tpu.dma_semaphore, #tpu.memory_space<semaphore_mem>>) attributes {dimension_semantics = [#tpu.dimension_semantics<core_parallel>, #tpu.dimension_semantics<subcore_parallel>], iteration_bounds = array<i64: 2, 16>, scalar_prefetch = 0 : i64, scratch_operands = 12 : i64, tpu.core_type = #tpu.core_type<sc_vector_subcore>, window_params = [{transform_indices = #map}, {transform_indices = #map1}, {transform_indices = #map2}]} {
    %mul3A = arith.constant 2 : i32
    %mul3A_0 = arith.muli %arg1, %mul3A : i32
    %add3A = arith.addi %mul3A_0, %arg0 : i32
    %mul3A_1 = arith.constant 4096 : i32
    %mul3A_2 = arith.muli %add3A, %mul3A_1 : i32
    %iota3A = tpu.iota {dimensions = array<i32: 0>} : vector<16xi32>
    %xor3A = arith.constant 0 : i32
    %xor3A_3 = vector.broadcast %xor3A : i32 to vector<16xi32>
    %xor3A_4 = arith.xori %iota3A, %xor3A_3 : vector<16xi32>
    %xor3A_5 = arith.constant 1 : i32
    %xor3A_6 = vector.broadcast %xor3A_5 : i32 to vector<16xi32>
    %xor3A_7 = arith.xori %iota3A, %xor3A_6 : vector<16xi32>
    %xor3A_8 = arith.constant 2 : i32
    %xor3A_9 = vector.broadcast %xor3A_8 : i32 to vector<16xi32>
    %xor3A_10 = arith.xori %iota3A, %xor3A_9 : vector<16xi32>
    %xor3A_11 = arith.constant 3 : i32
    %xor3A_12 = vector.broadcast %xor3A_11 : i32 to vector<16xi32>
    %xor3A_13 = arith.xori %iota3A, %xor3A_12 : vector<16xi32>
    %xor3A_14 = arith.constant 4 : i32
    %xor3A_15 = vector.broadcast %xor3A_14 : i32 to vector<16xi32>
    %xor3A_16 = arith.xori %iota3A, %xor3A_15 : vector<16xi32>
    %xor3A_17 = arith.constant 5 : i32
    %xor3A_18 = vector.broadcast %xor3A_17 : i32 to vector<16xi32>
    %xor3A_19 = arith.xori %iota3A, %xor3A_18 : vector<16xi32>
    %xor3A_20 = arith.constant 6 : i32
    %xor3A_21 = vector.broadcast %xor3A_20 : i32 to vector<16xi32>
    %xor3A_22 = arith.xori %iota3A, %xor3A_21 : vector<16xi32>
    %xor3A_23 = arith.constant 7 : i32
    %xor3A_24 = vector.broadcast %xor3A_23 : i32 to vector<16xi32>
    %xor3A_25 = arith.xori %iota3A, %xor3A_24 : vector<16xi32>
    %xor3A_26 = arith.constant 8 : i32
    %xor3A_27 = vector.broadcast %xor3A_26 : i32 to vector<16xi32>
    %xor3A_28 = arith.xori %iota3A, %xor3A_27 : vector<16xi32>
    %xor3A_29 = arith.constant 9 : i32
    %xor3A_30 = vector.broadcast %xor3A_29 : i32 to vector<16xi32>
    %xor3A_31 = arith.xori %iota3A, %xor3A_30 : vector<16xi32>
    %xor3A_32 = arith.constant 10 : i32
    %xor3A_33 = vector.broadcast %xor3A_32 : i32 to vector<16xi32>
    %xor3A_34 = arith.xori %iota3A, %xor3A_33 : vector<16xi32>
    %xor3A_35 = arith.constant 11 : i32
    %xor3A_36 = vector.broadcast %xor3A_35 : i32 to vector<16xi32>
    %xor3A_37 = arith.xori %iota3A, %xor3A_36 : vector<16xi32>
    %xor3A_38 = arith.constant 12 : i32
    %xor3A_39 = vector.broadcast %xor3A_38 : i32 to vector<16xi32>
    %xor3A_40 = arith.xori %iota3A, %xor3A_39 : vector<16xi32>
    %xor3A_41 = arith.constant 13 : i32
    %xor3A_42 = vector.broadcast %xor3A_41 : i32 to vector<16xi32>
    %xor3A_43 = arith.xori %iota3A, %xor3A_42 : vector<16xi32>
    %xor3A_44 = arith.constant 14 : i32
    %xor3A_45 = vector.broadcast %xor3A_44 : i32 to vector<16xi32>
    %xor3A_46 = arith.xori %iota3A, %xor3A_45 : vector<16xi32>
    %xor3A_47 = arith.constant 15 : i32
    %xor3A_48 = vector.broadcast %xor3A_47 : i32 to vector<16xi32>
    %xor3A_49 = arith.xori %iota3A, %xor3A_48 : vector<16xi32>
    %xor3A_50 = arith.constant 0 : i32
    %xor3A_51 = vector.broadcast %xor3A_50 : i32 to vector<16xi32>
    %xor3A_52 = arith.xori %iota3A, %xor3A_51 : vector<16xi32>
    %shift_right_arithmetic3A = arith.constant 3 : i32
    %shift_right_arithmetic3A_53 = vector.broadcast %shift_right_arithmetic3A : i32 to vector<16xi32>
    %shift_right_arithmetic3A_54 = arith.shrsi %xor3A_52, %shift_right_arithmetic3A_53 : vector<16xi32>
    %mul3A_55 = arith.constant 4096 : i32
    %mul3A_56 = vector.broadcast %mul3A_55 : i32 to vector<16xi32>
    %mul3A_57 = arith.muli %shift_right_arithmetic3A_54, %mul3A_56 : vector<16xi32>
    %xor3A_58 = arith.constant 0 : i32
    %xor3A_59 = vector.broadcast %xor3A_58 : i32 to vector<16xi32>
    %xor3A_60 = arith.xori %iota3A, %xor3A_59 : vector<16xi32>
    %and3A = arith.constant 7 : i32
    %and3A_61 = vector.broadcast %and3A : i32 to vector<16xi32>
    %and3A_62 = arith.andi %xor3A_60, %and3A_61 : vector<16xi32>
    %mul3A_63 = arith.constant 128 : i32
    %mul3A_64 = vector.broadcast %mul3A_63 : i32 to vector<16xi32>
    %mul3A_65 = arith.muli %and3A_62, %mul3A_64 : vector<16xi32>
    %add3A_66 = arith.addi %mul3A_57, %mul3A_65 : vector<16xi32>
    %add3A_67 = arith.addi %add3A_66, %iota3A : vector<16xi32>
    %xor3A_68 = arith.constant 1 : i32
    %xor3A_69 = vector.broadcast %xor3A_68 : i32 to vector<16xi32>
    %xor3A_70 = arith.xori %iota3A, %xor3A_69 : vector<16xi32>
    %shift_right_arithmetic3A_71 = arith.constant 3 : i32
    %shift_right_arithmetic3A_72 = vector.broadcast %shift_right_arithmetic3A_71 : i32 to vector<16xi32>
    %shift_right_arithmetic3A_73 = arith.shrsi %xor3A_70, %shift_right_arithmetic3A_72 : vector<16xi32>
    %mul3A_74 = arith.constant 4096 : i32
    %mul3A_75 = vector.broadcast %mul3A_74 : i32 to vector<16xi32>
    %mul3A_76 = arith.muli %shift_right_arithmetic3A_73, %mul3A_75 : vector<16xi32>
    %xor3A_77 = arith.constant 1 : i32
    %xor3A_78 = vector.broadcast %xor3A_77 : i32 to vector<16xi32>
    %xor3A_79 = arith.xori %iota3A, %xor3A_78 : vector<16xi32>
    %and3A_80 = arith.constant 7 : i32
    %and3A_81 = vector.broadcast %and3A_80 : i32 to vector<16xi32>
    %and3A_82 = arith.andi %xor3A_79, %and3A_81 : vector<16xi32>
    %mul3A_83 = arith.constant 128 : i32
    %mul3A_84 = vector.broadcast %mul3A_83 : i32 to vector<16xi32>
    %mul3A_85 = arith.muli %and3A_82, %mul3A_84 : vector<16xi32>
    %add3A_86 = arith.addi %mul3A_76, %mul3A_85 : vector<16xi32>
    %add3A_87 = arith.addi %add3A_86, %iota3A : vector<16xi32>
    %xor3A_88 = arith.constant 2 : i32
    %xor3A_89 = vector.broadcast %xor3A_88 : i32 to vector<16xi32>
    %xor3A_90 = arith.xori %iota3A, %xor3A_89 : vector<16xi32>
    %shift_right_arithmetic3A_91 = arith.constant 3 : i32
    %shift_right_arithmetic3A_92 = vector.broadcast %shift_right_arithmetic3A_91 : i32 to vector<16xi32>
    %shift_right_arithmetic3A_93 = arith.shrsi %xor3A_90, %shift_right_arithmetic3A_92 : vector<16xi32>
    %mul3A_94 = arith.constant 4096 : i32
    %mul3A_95 = vector.broadcast %mul3A_94 : i32 to vector<16xi32>
    %mul3A_96 = arith.muli %shift_right_arithmetic3A_93, %mul3A_95 : vector<16xi32>
    %xor3A_97 = arith.constant 2 : i32
    %xor3A_98 = vector.broadcast %xor3A_97 : i32 to vector<16xi32>
    %xor3A_99 = arith.xori %iota3A, %xor3A_98 : vector<16xi32>
    %and3A_100 = arith.constant 7 : i32
    %and3A_101 = vector.broadcast %and3A_100 : i32 to vector<16xi32>
    %and3A_102 = arith.andi %xor3A_99, %and3A_101 : vector<16xi32>
    %mul3A_103 = arith.constant 128 : i32
    %mul3A_104 = vector.broadcast %mul3A_103 : i32 to vector<16xi32>
    %mul3A_105 = arith.muli %and3A_102, %mul3A_104 : vector<16xi32>
    %add3A_106 = arith.addi %mul3A_96, %mul3A_105 : vector<16xi32>
    %add3A_107 = arith.addi %add3A_106, %iota3A : vector<16xi32>
    %xor3A_108 = arith.constant 3 : i32
    %xor3A_109 = vector.broadcast %xor3A_108 : i32 to vector<16xi32>
    %xor3A_110 = arith.xori %iota3A, %xor3A_109 : vector<16xi32>
    %shift_right_arithmetic3A_111 = arith.constant 3 : i32
    %shift_right_arithmetic3A_112 = vector.broadcast %shift_right_arithmetic3A_111 : i32 to vector<16xi32>
    %shift_right_arithmetic3A_113 = arith.shrsi %xor3A_110, %shift_right_arithmetic3A_112 : vector<16xi32>
    %mul3A_114 = arith.constant 4096 : i32
    %mul3A_115 = vector.broadcast %mul3A_114 : i32 to vector<16xi32>
    %mul3A_116 = arith.muli %shift_right_arithmetic3A_113, %mul3A_115 : vector<16xi32>
    %xor3A_117 = arith.constant 3 : i32
    %xor3A_118 = vector.broadcast %xor3A_117 : i32 to vector<16xi32>
    %xor3A_119 = arith.xori %iota3A, %xor3A_118 : vector<16xi32>
    %and3A_120 = arith.constant 7 : i32
    %and3A_121 = vector.broadcast %and3A_120 : i32 to vector<16xi32>
    %and3A_122 = arith.andi %xor3A_119, %and3A_121 : vector<16xi32>
    %mul3A_123 = arith.constant 128 : i32
    %mul3A_124 = vector.broadcast %mul3A_123 : i32 to vector<16xi32>
    %mul3A_125 = arith.muli %and3A_122, %mul3A_124 : vector<16xi32>
    %add3A_126 = arith.addi %mul3A_116, %mul3A_125 : vector<16xi32>
    %add3A_127 = arith.addi %add3A_126, %iota3A : vector<16xi32>
    %xor3A_128 = arith.constant 4 : i32
    %xor3A_129 = vector.broadcast %xor3A_128 : i32 to vector<16xi32>
    %xor3A_130 = arith.xori %iota3A, %xor3A_129 : vector<16xi32>
    %shift_right_arithmetic3A_131 = arith.constant 3 : i32
    %shift_right_arithmetic3A_132 = vector.broadcast %shift_right_arithmetic3A_131 : i32 to vector<16xi32>
    %shift_right_arithmetic3A_133 = arith.shrsi %xor3A_130, %shift_right_arithmetic3A_132 : vector<16xi32>
    %mul3A_134 = arith.constant 4096 : i32
    %mul3A_135 = vector.broadcast %mul3A_134 : i32 to vector<16xi32>
    %mul3A_136 = arith.muli %shift_right_arithmetic3A_133, %mul3A_135 : vector<16xi32>
    %xor3A_137 = arith.constant 4 : i32
    %xor3A_138 = vector.broadcast %xor3A_137 : i32 to vector<16xi32>
    %xor3A_139 = arith.xori %iota3A, %xor3A_138 : vector<16xi32>
    %and3A_140 = arith.constant 7 : i32
    %and3A_141 = vector.broadcast %and3A_140 : i32 to vector<16xi32>
    %and3A_142 = arith.andi %xor3A_139, %and3A_141 : vector<16xi32>
    %mul3A_143 = arith.constant 128 : i32
    %mul3A_144 = vector.broadcast %mul3A_143 : i32 to vector<16xi32>
    %mul3A_145 = arith.muli %and3A_142, %mul3A_144 : vector<16xi32>
    %add3A_146 = arith.addi %mul3A_136, %mul3A_145 : vector<16xi32>
    %add3A_147 = arith.addi %add3A_146, %iota3A : vector<16xi32>
    %xor3A_148 = arith.constant 5 : i32
    %xor3A_149 = vector.broadcast %xor3A_148 : i32 to vector<16xi32>
    %xor3A_150 = arith.xori %iota3A, %xor3A_149 : vector<16xi32>
    %shift_right_arithmetic3A_151 = arith.constant 3 : i32
    %shift_right_arithmetic3A_152 = vector.broadcast %shift_right_arithmetic3A_151 : i32 to vector<16xi32>
    %shift_right_arithmetic3A_153 = arith.shrsi %xor3A_150, %shift_right_arithmetic3A_152 : vector<16xi32>
    %mul3A_154 = arith.constant 4096 : i32
    %mul3A_155 = vector.broadcast %mul3A_154 : i32 to vector<16xi32>
    %mul3A_156 = arith.muli %shift_right_arithmetic3A_153, %mul3A_155 : vector<16xi32>
    %xor3A_157 = arith.constant 5 : i32
    %xor3A_158 = vector.broadcast %xor3A_157 : i32 to vector<16xi32>
    %xor3A_159 = arith.xori %iota3A, %xor3A_158 : vector<16xi32>
    %and3A_160 = arith.constant 7 : i32
    %and3A_161 = vector.broadcast %and3A_160 : i32 to vector<16xi32>
    %and3A_162 = arith.andi %xor3A_159, %and3A_161 : vector<16xi32>
    %mul3A_163 = arith.constant 128 : i32
    %mul3A_164 = vector.broadcast %mul3A_163 : i32 to vector<16xi32>
    %mul3A_165 = arith.muli %and3A_162, %mul3A_164 : vector<16xi32>
    %add3A_166 = arith.addi %mul3A_156, %mul3A_165 : vector<16xi32>
    %add3A_167 = arith.addi %add3A_166, %iota3A : vector<16xi32>
    %xor3A_168 = arith.constant 6 : i32
    %xor3A_169 = vector.broadcast %xor3A_168 : i32 to vector<16xi32>
    %xor3A_170 = arith.xori %iota3A, %xor3A_169 : vector<16xi32>
    %shift_right_arithmetic3A_171 = arith.constant 3 : i32
    %shift_right_arithmetic3A_172 = vector.broadcast %shift_right_arithmetic3A_171 : i32 to vector<16xi32>
    %shift_right_arithmetic3A_173 = arith.shrsi %xor3A_170, %shift_right_arithmetic3A_172 : vector<16xi32>
    %mul3A_174 = arith.constant 4096 : i32
    %mul3A_175 = vector.broadcast %mul3A_174 : i32 to vector<16xi32>
    %mul3A_176 = arith.muli %shift_right_arithmetic3A_173, %mul3A_175 : vector<16xi32>
    %xor3A_177 = arith.constant 6 : i32
    %xor3A_178 = vector.broadcast %xor3A_177 : i32 to vector<16xi32>
    %xor3A_179 = arith.xori %iota3A, %xor3A_178 : vector<16xi32>
    %and3A_180 = arith.constant 7 : i32
    %and3A_181 = vector.broadcast %and3A_180 : i32 to vector<16xi32>
    %and3A_182 = arith.andi %xor3A_179, %and3A_181 : vector<16xi32>
    %mul3A_183 = arith.constant 128 : i32
    %mul3A_184 = vector.broadcast %mul3A_183 : i32 to vector<16xi32>
    %mul3A_185 = arith.muli %and3A_182, %mul3A_184 : vector<16xi32>
    %add3A_186 = arith.addi %mul3A_176, %mul3A_185 : vector<16xi32>
    %add3A_187 = arith.addi %add3A_186, %iota3A : vector<16xi32>
    %xor3A_188 = arith.constant 7 : i32
    %xor3A_189 = vector.broadcast %xor3A_188 : i32 to vector<16xi32>
    %xor3A_190 = arith.xori %iota3A, %xor3A_189 : vector<16xi32>
    %shift_right_arithmetic3A_191 = arith.constant 3 : i32
    %shift_right_arithmetic3A_192 = vector.broadcast %shift_right_arithmetic3A_191 : i32 to vector<16xi32>
    %shift_right_arithmetic3A_193 = arith.shrsi %xor3A_190, %shift_right_arithmetic3A_192 : vector<16xi32>
    %mul3A_194 = arith.constant 4096 : i32
    %mul3A_195 = vector.broadcast %mul3A_194 : i32 to vector<16xi32>
    %mul3A_196 = arith.muli %shift_right_arithmetic3A_193, %mul3A_195 : vector<16xi32>
    %xor3A_197 = arith.constant 7 : i32
    %xor3A_198 = vector.broadcast %xor3A_197 : i32 to vector<16xi32>
    %xor3A_199 = arith.xori %iota3A, %xor3A_198 : vector<16xi32>
    %and3A_200 = arith.constant 7 : i32
    %and3A_201 = vector.broadcast %and3A_200 : i32 to vector<16xi32>
    %and3A_202 = arith.andi %xor3A_199, %and3A_201 : vector<16xi32>
    %mul3A_203 = arith.constant 128 : i32
    %mul3A_204 = vector.broadcast %mul3A_203 : i32 to vector<16xi32>
    %mul3A_205 = arith.muli %and3A_202, %mul3A_204 : vector<16xi32>
    %add3A_206 = arith.addi %mul3A_196, %mul3A_205 : vector<16xi32>
    %add3A_207 = arith.addi %add3A_206, %iota3A : vector<16xi32>
    %xor3A_208 = arith.constant 8 : i32
    %xor3A_209 = vector.broadcast %xor3A_208 : i32 to vector<16xi32>
    %xor3A_210 = arith.xori %iota3A, %xor3A_209 : vector<16xi32>
    %shift_right_arithmetic3A_211 = arith.constant 3 : i32
    %shift_right_arithmetic3A_212 = vector.broadcast %shift_right_arithmetic3A_211 : i32 to vector<16xi32>
    %shift_right_arithmetic3A_213 = arith.shrsi %xor3A_210, %shift_right_arithmetic3A_212 : vector<16xi32>
    %mul3A_214 = arith.constant 4096 : i32
    %mul3A_215 = vector.broadcast %mul3A_214 : i32 to vector<16xi32>
    %mul3A_216 = arith.muli %shift_right_arithmetic3A_213, %mul3A_215 : vector<16xi32>
    %xor3A_217 = arith.constant 8 : i32
    %xor3A_218 = vector.broadcast %xor3A_217 : i32 to vector<16xi32>
    %xor3A_219 = arith.xori %iota3A, %xor3A_218 : vector<16xi32>
    %and3A_220 = arith.constant 7 : i32
    %and3A_221 = vector.broadcast %and3A_220 : i32 to vector<16xi32>
    %and3A_222 = arith.andi %xor3A_219, %and3A_221 : vector<16xi32>
    %mul3A_223 = arith.constant 128 : i32
    %mul3A_224 = vector.broadcast %mul3A_223 : i32 to vector<16xi32>
    %mul3A_225 = arith.muli %and3A_222, %mul3A_224 : vector<16xi32>
    %add3A_226 = arith.addi %mul3A_216, %mul3A_225 : vector<16xi32>
    %add3A_227 = arith.addi %add3A_226, %iota3A : vector<16xi32>
    %xor3A_228 = arith.constant 9 : i32
    %xor3A_229 = vector.broadcast %xor3A_228 : i32 to vector<16xi32>
    %xor3A_230 = arith.xori %iota3A, %xor3A_229 : vector<16xi32>
    %shift_right_arithmetic3A_231 = arith.constant 3 : i32
    %shift_right_arithmetic3A_232 = vector.broadcast %shift_right_arithmetic3A_231 : i32 to vector<16xi32>
    %shift_right_arithmetic3A_233 = arith.shrsi %xor3A_230, %shift_right_arithmetic3A_232 : vector<16xi32>
    %mul3A_234 = arith.constant 4096 : i32
    %mul3A_235 = vector.broadcast %mul3A_234 : i32 to vector<16xi32>
    %mul3A_236 = arith.muli %shift_right_arithmetic3A_233, %mul3A_235 : vector<16xi32>
    %xor3A_237 = arith.constant 9 : i32
    %xor3A_238 = vector.broadcast %xor3A_237 : i32 to vector<16xi32>
    %xor3A_239 = arith.xori %iota3A, %xor3A_238 : vector<16xi32>
    %and3A_240 = arith.constant 7 : i32
    %and3A_241 = vector.broadcast %and3A_240 : i32 to vector<16xi32>
    %and3A_242 = arith.andi %xor3A_239, %and3A_241 : vector<16xi32>
    %mul3A_243 = arith.constant 128 : i32
    %mul3A_244 = vector.broadcast %mul3A_243 : i32 to vector<16xi32>
    %mul3A_245 = arith.muli %and3A_242, %mul3A_244 : vector<16xi32>
    %add3A_246 = arith.addi %mul3A_236, %mul3A_245 : vector<16xi32>
    %add3A_247 = arith.addi %add3A_246, %iota3A : vector<16xi32>
    %xor3A_248 = arith.constant 10 : i32
    %xor3A_249 = vector.broadcast %xor3A_248 : i32 to vector<16xi32>
    %xor3A_250 = arith.xori %iota3A, %xor3A_249 : vector<16xi32>
    %shift_right_arithmetic3A_251 = arith.constant 3 : i32
    %shift_right_arithmetic3A_252 = vector.broadcast %shift_right_arithmetic3A_251 : i32 to vector<16xi32>
    %shift_right_arithmetic3A_253 = arith.shrsi %xor3A_250, %shift_right_arithmetic3A_252 : vector<16xi32>
    %mul3A_254 = arith.constant 4096 : i32
    %mul3A_255 = vector.broadcast %mul3A_254 : i32 to vector<16xi32>
    %mul3A_256 = arith.muli %shift_right_arithmetic3A_253, %mul3A_255 : vector<16xi32>
    %xor3A_257 = arith.constant 10 : i32
    %xor3A_258 = vector.broadcast %xor3A_257 : i32 to vector<16xi32>
    %xor3A_259 = arith.xori %iota3A, %xor3A_258 : vector<16xi32>
    %and3A_260 = arith.constant 7 : i32
    %and3A_261 = vector.broadcast %and3A_260 : i32 to vector<16xi32>
    %and3A_262 = arith.andi %xor3A_259, %and3A_261 : vector<16xi32>
    %mul3A_263 = arith.constant 128 : i32
    %mul3A_264 = vector.broadcast %mul3A_263 : i32 to vector<16xi32>
    %mul3A_265 = arith.muli %and3A_262, %mul3A_264 : vector<16xi32>
    %add3A_266 = arith.addi %mul3A_256, %mul3A_265 : vector<16xi32>
    %add3A_267 = arith.addi %add3A_266, %iota3A : vector<16xi32>
    %xor3A_268 = arith.constant 11 : i32
    %xor3A_269 = vector.broadcast %xor3A_268 : i32 to vector<16xi32>
    %xor3A_270 = arith.xori %iota3A, %xor3A_269 : vector<16xi32>
    %shift_right_arithmetic3A_271 = arith.constant 3 : i32
    %shift_right_arithmetic3A_272 = vector.broadcast %shift_right_arithmetic3A_271 : i32 to vector<16xi32>
    %shift_right_arithmetic3A_273 = arith.shrsi %xor3A_270, %shift_right_arithmetic3A_272 : vector<16xi32>
    %mul3A_274 = arith.constant 4096 : i32
    %mul3A_275 = vector.broadcast %mul3A_274 : i32 to vector<16xi32>
    %mul3A_276 = arith.muli %shift_right_arithmetic3A_273, %mul3A_275 : vector<16xi32>
    %xor3A_277 = arith.constant 11 : i32
    %xor3A_278 = vector.broadcast %xor3A_277 : i32 to vector<16xi32>
    %xor3A_279 = arith.xori %iota3A, %xor3A_278 : vector<16xi32>
    %and3A_280 = arith.constant 7 : i32
    %and3A_281 = vector.broadcast %and3A_280 : i32 to vector<16xi32>
    %and3A_282 = arith.andi %xor3A_279, %and3A_281 : vector<16xi32>
    %mul3A_283 = arith.constant 128 : i32
    %mul3A_284 = vector.broadcast %mul3A_283 : i32 to vector<16xi32>
    %mul3A_285 = arith.muli %and3A_282, %mul3A_284 : vector<16xi32>
    %add3A_286 = arith.addi %mul3A_276, %mul3A_285 : vector<16xi32>
    %add3A_287 = arith.addi %add3A_286, %iota3A : vector<16xi32>
    %xor3A_288 = arith.constant 12 : i32
    %xor3A_289 = vector.broadcast %xor3A_288 : i32 to vector<16xi32>
    %xor3A_290 = arith.xori %iota3A, %xor3A_289 : vector<16xi32>
    %shift_right_arithmetic3A_291 = arith.constant 3 : i32
    %shift_right_arithmetic3A_292 = vector.broadcast %shift_right_arithmetic3A_291 : i32 to vector<16xi32>
    %shift_right_arithmetic3A_293 = arith.shrsi %xor3A_290, %shift_right_arithmetic3A_292 : vector<16xi32>
    %mul3A_294 = arith.constant 4096 : i32
    %mul3A_295 = vector.broadcast %mul3A_294 : i32 to vector<16xi32>
    %mul3A_296 = arith.muli %shift_right_arithmetic3A_293, %mul3A_295 : vector<16xi32>
    %xor3A_297 = arith.constant 12 : i32
    %xor3A_298 = vector.broadcast %xor3A_297 : i32 to vector<16xi32>
    %xor3A_299 = arith.xori %iota3A, %xor3A_298 : vector<16xi32>
    %and3A_300 = arith.constant 7 : i32
    %and3A_301 = vector.broadcast %and3A_300 : i32 to vector<16xi32>
    %and3A_302 = arith.andi %xor3A_299, %and3A_301 : vector<16xi32>
    %mul3A_303 = arith.constant 128 : i32
    %mul3A_304 = vector.broadcast %mul3A_303 : i32 to vector<16xi32>
    %mul3A_305 = arith.muli %and3A_302, %mul3A_304 : vector<16xi32>
    %add3A_306 = arith.addi %mul3A_296, %mul3A_305 : vector<16xi32>
    %add3A_307 = arith.addi %add3A_306, %iota3A : vector<16xi32>
    %xor3A_308 = arith.constant 13 : i32
    %xor3A_309 = vector.broadcast %xor3A_308 : i32 to vector<16xi32>
    %xor3A_310 = arith.xori %iota3A, %xor3A_309 : vector<16xi32>
    %shift_right_arithmetic3A_311 = arith.constant 3 : i32
    %shift_right_arithmetic3A_312 = vector.broadcast %shift_right_arithmetic3A_311 : i32 to vector<16xi32>
    %shift_right_arithmetic3A_313 = arith.shrsi %xor3A_310, %shift_right_arithmetic3A_312 : vector<16xi32>
    %mul3A_314 = arith.constant 4096 : i32
    %mul3A_315 = vector.broadcast %mul3A_314 : i32 to vector<16xi32>
    %mul3A_316 = arith.muli %shift_right_arithmetic3A_313, %mul3A_315 : vector<16xi32>
    %xor3A_317 = arith.constant 13 : i32
    %xor3A_318 = vector.broadcast %xor3A_317 : i32 to vector<16xi32>
    %xor3A_319 = arith.xori %iota3A, %xor3A_318 : vector<16xi32>
    %and3A_320 = arith.constant 7 : i32
    %and3A_321 = vector.broadcast %and3A_320 : i32 to vector<16xi32>
    %and3A_322 = arith.andi %xor3A_319, %and3A_321 : vector<16xi32>
    %mul3A_323 = arith.constant 128 : i32
    %mul3A_324 = vector.broadcast %mul3A_323 : i32 to vector<16xi32>
    %mul3A_325 = arith.muli %and3A_322, %mul3A_324 : vector<16xi32>
    %add3A_326 = arith.addi %mul3A_316, %mul3A_325 : vector<16xi32>
    %add3A_327 = arith.addi %add3A_326, %iota3A : vector<16xi32>
    %xor3A_328 = arith.constant 14 : i32
    %xor3A_329 = vector.broadcast %xor3A_328 : i32 to vector<16xi32>
    %xor3A_330 = arith.xori %iota3A, %xor3A_329 : vector<16xi32>
    %shift_right_arithmetic3A_331 = arith.constant 3 : i32
    %shift_right_arithmetic3A_332 = vector.broadcast %shift_right_arithmetic3A_331 : i32 to vector<16xi32>
    %shift_right_arithmetic3A_333 = arith.shrsi %xor3A_330, %shift_right_arithmetic3A_332 : vector<16xi32>
    %mul3A_334 = arith.constant 4096 : i32
    %mul3A_335 = vector.broadcast %mul3A_334 : i32 to vector<16xi32>
    %mul3A_336 = arith.muli %shift_right_arithmetic3A_333, %mul3A_335 : vector<16xi32>
    %xor3A_337 = arith.constant 14 : i32
    %xor3A_338 = vector.broadcast %xor3A_337 : i32 to vector<16xi32>
    %xor3A_339 = arith.xori %iota3A, %xor3A_338 : vector<16xi32>
    %and3A_340 = arith.constant 7 : i32
    %and3A_341 = vector.broadcast %and3A_340 : i32 to vector<16xi32>
    %and3A_342 = arith.andi %xor3A_339, %and3A_341 : vector<16xi32>
    %mul3A_343 = arith.constant 128 : i32
    %mul3A_344 = vector.broadcast %mul3A_343 : i32 to vector<16xi32>
    %mul3A_345 = arith.muli %and3A_342, %mul3A_344 : vector<16xi32>
    %add3A_346 = arith.addi %mul3A_336, %mul3A_345 : vector<16xi32>
    %add3A_347 = arith.addi %add3A_346, %iota3A : vector<16xi32>
    %xor3A_348 = arith.constant 15 : i32
    %xor3A_349 = vector.broadcast %xor3A_348 : i32 to vector<16xi32>
    %xor3A_350 = arith.xori %iota3A, %xor3A_349 : vector<16xi32>
    %shift_right_arithmetic3A_351 = arith.constant 3 : i32
    %shift_right_arithmetic3A_352 = vector.broadcast %shift_right_arithmetic3A_351 : i32 to vector<16xi32>
    %shift_right_arithmetic3A_353 = arith.shrsi %xor3A_350, %shift_right_arithmetic3A_352 : vector<16xi32>
    %mul3A_354 = arith.constant 4096 : i32
    %mul3A_355 = vector.broadcast %mul3A_354 : i32 to vector<16xi32>
    %mul3A_356 = arith.muli %shift_right_arithmetic3A_353, %mul3A_355 : vector<16xi32>
    %xor3A_357 = arith.constant 15 : i32
    %xor3A_358 = vector.broadcast %xor3A_357 : i32 to vector<16xi32>
    %xor3A_359 = arith.xori %iota3A, %xor3A_358 : vector<16xi32>
    %and3A_360 = arith.constant 7 : i32
    %and3A_361 = vector.broadcast %and3A_360 : i32 to vector<16xi32>
    %and3A_362 = arith.andi %xor3A_359, %and3A_361 : vector<16xi32>
    %mul3A_363 = arith.constant 128 : i32
    %mul3A_364 = vector.broadcast %mul3A_363 : i32 to vector<16xi32>
    %mul3A_365 = arith.muli %and3A_362, %mul3A_364 : vector<16xi32>
    %add3A_366 = arith.addi %mul3A_356, %mul3A_365 : vector<16xi32>
    %add3A_367 = arith.addi %add3A_366, %iota3A : vector<16xi32>
    %mul3A_368 = arith.constant 4 : i32
    %mul3A_369 = arith.muli %mul3A_368, %add3A : i32
    %add3A_370 = arith.constant 0 : i32
    %add3A_371 = arith.addi %mul3A_369, %add3A_370 : i32
    %dma_start3A = arith.constant 0 : i32
    %dma_start3A_372 = arith.constant 0 : i32
    %dma_start3A_373 = arith.constant 0 : i32
    %dma_start3A_374 = tpu.memref_slice %arg5[%dma_start3A_373] : memref<512xi32, #tpu.memory_space<vmem>> -> memref<128xi32, #tpu.memory_space<vmem>>
    %dma_start3A_375 = arith.constant 0 : i32
    %dma_start3A_376 = tpu.memref_slice %arg2[%dma_start3A, %add3A_371, %dma_start3A_372, %dma_start3A_375] : memref<25x128x8x128xi32, #tpu.memory_space<hbm>> -> memref<1x1x1x128xi32, #tpu.memory_space<hbm>>
    %dma_start3A_377 = tpu.memref_squeeze %dma_start3A_376 : memref<1x1x1x128xi32, #tpu.memory_space<hbm>> -> memref<128xi32, #tpu.memory_space<hbm>>
    %dma_start3A_378 = arith.constant 0 : i32
    %dma_start3A_379 = tpu.memref_slice %arg5[%dma_start3A_378] : memref<512xi32, #tpu.memory_space<vmem>> -> memref<128xi32, #tpu.memory_space<vmem>>
    %dma_start3A_380 = arith.constant 0 : i32
    %dma_start3A_381 = tpu.memref_slice %arg2[%dma_start3A, %add3A_371, %dma_start3A_372, %dma_start3A_380] : memref<25x128x8x128xi32, #tpu.memory_space<hbm>> -> memref<1x1x1x128xi32, #tpu.memory_space<hbm>>
    %dma_start3A_382 = tpu.memref_squeeze %dma_start3A_381 : memref<1x1x1x128xi32, #tpu.memory_space<hbm>> -> memref<128xi32, #tpu.memory_space<hbm>>
    tpu.enqueue_dma source(%dma_start3A_382 : memref<128xi32, #tpu.memory_space<hbm>>) target(%dma_start3A_379 : memref<128xi32, #tpu.memory_space<vmem>>) target_semaphore(%arg11 : memref<!tpu.dma_semaphore, #tpu.memory_space<semaphore_mem>>)
    %mul3A_383 = arith.constant 4 : i32
    %mul3A_384 = arith.muli %mul3A_383, %add3A : i32
    %add3A_385 = arith.constant 1 : i32
    %add3A_386 = arith.addi %mul3A_384, %add3A_385 : i32
    %dma_start3A_387 = arith.constant 0 : i32
    %dma_start3A_388 = arith.constant 0 : i32
    %dma_start3A_389 = arith.constant 128 : i32
    %dma_start3A_390 = tpu.memref_slice %arg5[%dma_start3A_389] : memref<512xi32, #tpu.memory_space<vmem>> -> memref<128xi32, #tpu.memory_space<vmem>>
    %dma_start3A_391 = arith.constant 0 : i32
    %dma_start3A_392 = tpu.memref_slice %arg2[%dma_start3A_387, %add3A_386, %dma_start3A_388, %dma_start3A_391] : memref<25x128x8x128xi32, #tpu.memory_space<hbm>> -> memref<1x1x1x128xi32, #tpu.memory_space<hbm>>
    %dma_start3A_393 = tpu.memref_squeeze %dma_start3A_392 : memref<1x1x1x128xi32, #tpu.memory_space<hbm>> -> memref<128xi32, #tpu.memory_space<hbm>>
    %dma_start3A_394 = arith.constant 128 : i32
    %dma_start3A_395 = tpu.memref_slice %arg5[%dma_start3A_394] : memref<512xi32, #tpu.memory_space<vmem>> -> memref<128xi32, #tpu.memory_space<vmem>>
    %dma_start3A_396 = arith.constant 0 : i32
    %dma_start3A_397 = tpu.memref_slice %arg2[%dma_start3A_387, %add3A_386, %dma_start3A_388, %dma_start3A_396] : memref<25x128x8x128xi32, #tpu.memory_space<hbm>> -> memref<1x1x1x128xi32, #tpu.memory_space<hbm>>
    %dma_start3A_398 = tpu.memref_squeeze %dma_start3A_397 : memref<1x1x1x128xi32, #tpu.memory_space<hbm>> -> memref<128xi32, #tpu.memory_space<hbm>>
    tpu.enqueue_dma source(%dma_start3A_398 : memref<128xi32, #tpu.memory_space<hbm>>) target(%dma_start3A_395 : memref<128xi32, #tpu.memory_space<vmem>>) target_semaphore(%arg11 : memref<!tpu.dma_semaphore, #tpu.memory_space<semaphore_mem>>)
    %mul3A_399 = arith.constant 4 : i32
    %mul3A_400 = arith.muli %mul3A_399, %add3A : i32
    %add3A_401 = arith.constant 2 : i32
    %add3A_402 = arith.addi %mul3A_400, %add3A_401 : i32
    %dma_start3A_403 = arith.constant 0 : i32
    %dma_start3A_404 = arith.constant 0 : i32
    %dma_start3A_405 = arith.constant 256 : i32
    %dma_start3A_406 = tpu.memref_slice %arg5[%dma_start3A_405] : memref<512xi32, #tpu.memory_space<vmem>> -> memref<128xi32, #tpu.memory_space<vmem>>
    %dma_start3A_407 = arith.constant 0 : i32
    %dma_start3A_408 = tpu.memref_slice %arg2[%dma_start3A_403, %add3A_402, %dma_start3A_404, %dma_start3A_407] : memref<25x128x8x128xi32, #tpu.memory_space<hbm>> -> memref<1x1x1x128xi32, #tpu.memory_space<hbm>>
    %dma_start3A_409 = tpu.memref_squeeze %dma_start3A_408 : memref<1x1x1x128xi32, #tpu.memory_space<hbm>> -> memref<128xi32, #tpu.memory_space<hbm>>
    %dma_start3A_410 = arith.constant 256 : i32
    %dma_start3A_411 = tpu.memref_slice %arg5[%dma_start3A_410] : memref<512xi32, #tpu.memory_space<vmem>> -> memref<128xi32, #tpu.memory_space<vmem>>
    %dma_start3A_412 = arith.constant 0 : i32
    %dma_start3A_413 = tpu.memref_slice %arg2[%dma_start3A_403, %add3A_402, %dma_start3A_404, %dma_start3A_412] : memref<25x128x8x128xi32, #tpu.memory_space<hbm>> -> memref<1x1x1x128xi32, #tpu.memory_space<hbm>>
    %dma_start3A_414 = tpu.memref_squeeze %dma_start3A_413 : memref<1x1x1x128xi32, #tpu.memory_space<hbm>> -> memref<128xi32, #tpu.memory_space<hbm>>
    tpu.enqueue_dma source(%dma_start3A_414 : memref<128xi32, #tpu.memory_space<hbm>>) target(%dma_start3A_411 : memref<128xi32, #tpu.memory_space<vmem>>) target_semaphore(%arg11 : memref<!tpu.dma_semaphore, #tpu.memory_space<semaphore_mem>>)
    %mul3A_415 = arith.constant 4 : i32
    %mul3A_416 = arith.muli %mul3A_415, %add3A : i32
    %add3A_417 = arith.constant 3 : i32
    %add3A_418 = arith.addi %mul3A_416, %add3A_417 : i32
    %dma_start3A_419 = arith.constant 0 : i32
    %dma_start3A_420 = arith.constant 0 : i32
    %dma_start3A_421 = arith.constant 384 : i32
    %dma_start3A_422 = tpu.memref_slice %arg5[%dma_start3A_421] : memref<512xi32, #tpu.memory_space<vmem>> -> memref<128xi32, #tpu.memory_space<vmem>>
    %dma_start3A_423 = arith.constant 0 : i32
    %dma_start3A_424 = tpu.memref_slice %arg2[%dma_start3A_419, %add3A_418, %dma_start3A_420, %dma_start3A_423] : memref<25x128x8x128xi32, #tpu.memory_space<hbm>> -> memref<1x1x1x128xi32, #tpu.memory_space<hbm>>
    %dma_start3A_425 = tpu.memref_squeeze %dma_start3A_424 : memref<1x1x1x128xi32, #tpu.memory_space<hbm>> -> memref<128xi32, #tpu.memory_space<hbm>>
    %dma_start3A_426 = arith.constant 384 : i32
    %dma_start3A_427 = tpu.memref_slice %arg5[%dma_start3A_426] : memref<512xi32, #tpu.memory_space<vmem>> -> memref<128xi32, #tpu.memory_space<vmem>>
    %dma_start3A_428 = arith.constant 0 : i32
    %dma_start3A_429 = tpu.memref_slice %arg2[%dma_start3A_419, %add3A_418, %dma_start3A_420, %dma_start3A_428] : memref<25x128x8x128xi32, #tpu.memory_space<hbm>> -> memref<1x1x1x128xi32, #tpu.memory_space<hbm>>
    %dma_start3A_430 = tpu.memref_squeeze %dma_start3A_429 : memref<1x1x1x128xi32, #tpu.memory_space<hbm>> -> memref<128xi32, #tpu.memory_space<hbm>>
    tpu.enqueue_dma source(%dma_start3A_430 : memref<128xi32, #tpu.memory_space<hbm>>) target(%dma_start3A_427 : memref<128xi32, #tpu.memory_space<vmem>>) target_semaphore(%arg11 : memref<!tpu.dma_semaphore, #tpu.memory_space<semaphore_mem>>)
    %mul3A_431 = arith.constant 4 : i32
    %mul3A_432 = arith.muli %mul3A_431, %add3A : i32
    %add3A_433 = arith.constant 0 : i32
    %add3A_434 = arith.addi %mul3A_432, %add3A_433 : i32
    %dma_start3A_435 = arith.constant 0 : i32
    %dma_start3A_436 = arith.constant 1 : i32
    %dma_start3A_437 = arith.constant 0 : i32
    %dma_start3A_438 = tpu.memref_slice %arg6[%dma_start3A_437] : memref<512xi32, #tpu.memory_space<vmem>> -> memref<128xi32, #tpu.memory_space<vmem>>
    %dma_start3A_439 = arith.constant 0 : i32
    %dma_start3A_440 = tpu.memref_slice %arg2[%dma_start3A_435, %add3A_434, %dma_start3A_436, %dma_start3A_439] : memref<25x128x8x128xi32, #tpu.memory_space<hbm>> -> memref<1x1x1x128xi32, #tpu.memory_space<hbm>>
    %dma_start3A_441 = tpu.memref_squeeze %dma_start3A_440 : memref<1x1x1x128xi32, #tpu.memory_space<hbm>> -> memref<128xi32, #tpu.memory_space<hbm>>
    %dma_start3A_442 = arith.constant 0 : i32
    %dma_start3A_443 = tpu.memref_slice %arg6[%dma_start3A_442] : memref<512xi32, #tpu.memory_space<vmem>> -> memref<128xi32, #tpu.memory_space<vmem>>
    %dma_start3A_444 = arith.constant 0 : i32
    %dma_start3A_445 = tpu.memref_slice %arg2[%dma_start3A_435, %add3A_434, %dma_start3A_436, %dma_start3A_444] : memref<25x128x8x128xi32, #tpu.memory_space<hbm>> -> memref<1x1x1x128xi32, #tpu.memory_space<hbm>>
    %dma_start3A_446 = tpu.memref_squeeze %dma_start3A_445 : memref<1x1x1x128xi32, #tpu.memory_space<hbm>> -> memref<128xi32, #tpu.memory_space<hbm>>
    tpu.enqueue_dma source(%dma_start3A_446 : memref<128xi32, #tpu.memory_space<hbm>>) target(%dma_start3A_443 : memref<128xi32, #tpu.memory_space<vmem>>) target_semaphore(%arg12 : memref<!tpu.dma_semaphore, #tpu.memory_space<semaphore_mem>>)
    %mul3A_447 = arith.constant 4 : i32
    %mul3A_448 = arith.muli %mul3A_447, %add3A : i32
    %add3A_449 = arith.constant 1 : i32
    %add3A_450 = arith.addi %mul3A_448, %add3A_449 : i32
    %dma_start3A_451 = arith.constant 0 : i32
    %dma_start3A_452 = arith.constant 1 : i32
    %dma_start3A_453 = arith.constant 128 : i32
    %dma_start3A_454 = tpu.memref_slice %arg6[%dma_start3A_453] : memref<512xi32, #tpu.memory_space<vmem>> -> memref<128xi32, #tpu.memory_space<vmem>>
    %dma_start3A_455 = arith.constant 0 : i32
    %dma_start3A_456 = tpu.memref_slice %arg2[%dma_start3A_451, %add3A_450, %dma_start3A_452, %dma_start3A_455] : memref<25x128x8x128xi32, #tpu.memory_space<hbm>> -> memref<1x1x1x128xi32, #tpu.memory_space<hbm>>
    %dma_start3A_457 = tpu.memref_squeeze %dma_start3A_456 : memref<1x1x1x128xi32, #tpu.memory_space<hbm>> -> memref<128xi32, #tpu.memory_space<hbm>>
    %dma_start3A_458 = arith.constant 128 : i32
    %dma_start3A_459 = tpu.memref_slice %arg6[%dma_start3A_458] : memref<512xi32, #tpu.memory_space<vmem>> -> memref<128xi32, #tpu.memory_space<vmem>>
    %dma_start3A_460 = arith.constant 0 : i32
    %dma_start3A_461 = tpu.memref_slice %arg2[%dma_start3A_451, %add3A_450, %dma_start3A_452, %dma_start3A_460] : memref<25x128x8x128xi32, #tpu.memory_space<hbm>> -> memref<1x1x1x128xi32, #tpu.memory_space<hbm>>
    %dma_start3A_462 = tpu.memref_squeeze %dma_start3A_461 : memref<1x1x1x128xi32, #tpu.memory_space<hbm>> -> memref<128xi32, #tpu.memory_space<hbm>>
    tpu.enqueue_dma source(%dma_start3A_462 : memref<128xi32, #tpu.memory_space<hbm>>) target(%dma_start3A_459 : memref<128xi32, #tpu.memory_space<vmem>>) target_semaphore(%arg12 : memref<!tpu.dma_semaphore, #tpu.memory_space<semaphore_mem>>)
    %mul3A_463 = arith.constant 4 : i32
    %mul3A_464 = arith.muli %mul3A_463, %add3A : i32
    %add3A_465 = arith.constant 2 : i32
    %add3A_466 = arith.addi %mul3A_464, %add3A_465 : i32
    %dma_start3A_467 = arith.constant 0 : i32
    %dma_start3A_468 = arith.constant 1 : i32
    %dma_start3A_469 = arith.constant 256 : i32
    %dma_start3A_470 = tpu.memref_slice %arg6[%dma_start3A_469] : memref<512xi32, #tpu.memory_space<vmem>> -> memref<128xi32, #tpu.memory_space<vmem>>
    %dma_start3A_471 = arith.constant 0 : i32
    %dma_start3A_472 = tpu.memref_slice %arg2[%dma_start3A_467, %add3A_466, %dma_start3A_468, %dma_start3A_471] : memref<25x128x8x128xi32, #tpu.memory_space<hbm>> -> memref<1x1x1x128xi32, #tpu.memory_space<hbm>>
    %dma_start3A_473 = tpu.memref_squeeze %dma_start3A_472 : memref<1x1x1x128xi32, #tpu.memory_space<hbm>> -> memref<128xi32, #tpu.memory_space<hbm>>
    %dma_start3A_474 = arith.constant 256 : i32
    %dma_start3A_475 = tpu.memref_slice %arg6[%dma_start3A_474] : memref<512xi32, #tpu.memory_space<vmem>> -> memref<128xi32, #tpu.memory_space<vmem>>
    %dma_start3A_476 = arith.constant 0 : i32
    %dma_start3A_477 = tpu.memref_slice %arg2[%dma_start3A_467, %add3A_466, %dma_start3A_468, %dma_start3A_476] : memref<25x128x8x128xi32, #tpu.memory_space<hbm>> -> memref<1x1x1x128xi32, #tpu.memory_space<hbm>>
    %dma_start3A_478 = tpu.memref_squeeze %dma_start3A_477 : memref<1x1x1x128xi32, #tpu.memory_space<hbm>> -> memref<128xi32, #tpu.memory_space<hbm>>
    tpu.enqueue_dma source(%dma_start3A_478 : memref<128xi32, #tpu.memory_space<hbm>>) target(%dma_start3A_475 : memref<128xi32, #tpu.memory_space<vmem>>) target_semaphore(%arg12 : memref<!tpu.dma_semaphore, #tpu.memory_space<semaphore_mem>>)
    %mul3A_479 = arith.constant 4 : i32
    %mul3A_480 = arith.muli %mul3A_479, %add3A : i32
    %add3A_481 = arith.constant 3 : i32
    %add3A_482 = arith.addi %mul3A_480, %add3A_481 : i32
    %dma_start3A_483 = arith.constant 0 : i32
    %dma_start3A_484 = arith.constant 1 : i32
    %dma_start3A_485 = arith.constant 384 : i32
    %dma_start3A_486 = tpu.memref_slice %arg6[%dma_start3A_485] : memref<512xi32, #tpu.memory_space<vmem>> -> memref<128xi32, #tpu.memory_space<vmem>>
    %dma_start3A_487 = arith.constant 0 : i32
    %dma_start3A_488 = tpu.memref_slice %arg2[%dma_start3A_483, %add3A_482, %dma_start3A_484, %dma_start3A_487] : memref<25x128x8x128xi32, #tpu.memory_space<hbm>> -> memref<1x1x1x128xi32, #tpu.memory_space<hbm>>
    %dma_start3A_489 = tpu.memref_squeeze %dma_start3A_488 : memref<1x1x1x128xi32, #tpu.memory_space<hbm>> -> memref<128xi32, #tpu.memory_space<hbm>>
    %dma_start3A_490 = arith.constant 384 : i32
    %dma_start3A_491 = tpu.memref_slice %arg6[%dma_start3A_490] : memref<512xi32, #tpu.memory_space<vmem>> -> memref<128xi32, #tpu.memory_space<vmem>>
    %dma_start3A_492 = arith.constant 0 : i32
    %dma_start3A_493 = tpu.memref_slice %arg2[%dma_start3A_483, %add3A_482, %dma_start3A_484, %dma_start3A_492] : memref<25x128x8x128xi32, #tpu.memory_space<hbm>> -> memref<1x1x1x128xi32, #tpu.memory_space<hbm>>
    %dma_start3A_494 = tpu.memref_squeeze %dma_start3A_493 : memref<1x1x1x128xi32, #tpu.memory_space<hbm>> -> memref<128xi32, #tpu.memory_space<hbm>>
    tpu.enqueue_dma source(%dma_start3A_494 : memref<128xi32, #tpu.memory_space<hbm>>) target(%dma_start3A_491 : memref<128xi32, #tpu.memory_space<vmem>>) target_semaphore(%arg12 : memref<!tpu.dma_semaphore, #tpu.memory_space<semaphore_mem>>)
    %dma_wait3A = arith.constant 0 : i32
    %dma_wait3A_495 = arith.constant 0 : i32
    %dma_wait3A_496 = arith.constant 0 : i32
    %dma_wait3A_497 = arith.constant 0 : i32
    %dma_wait3A_498 = tpu.memref_slice %arg5[%dma_wait3A_497] : memref<512xi32, #tpu.memory_space<vmem>> -> memref<128xi32, #tpu.memory_space<vmem>>
    %dma_wait3A_499 = arith.constant 0 : i32
    %dma_wait3A_500 = tpu.memref_slice %arg2[%dma_wait3A, %dma_wait3A_495, %dma_wait3A_496, %dma_wait3A_499] : memref<25x128x8x128xi32, #tpu.memory_space<hbm>> -> memref<1x1x1x128xi32, #tpu.memory_space<hbm>>
    %dma_wait3A_501 = tpu.memref_squeeze %dma_wait3A_500 : memref<1x1x1x128xi32, #tpu.memory_space<hbm>> -> memref<128xi32, #tpu.memory_space<hbm>>
    %dma_wait3A_502 = arith.constant 0 : i32
    %dma_wait3A_503 = tpu.memref_slice %arg5[%dma_wait3A_502] : memref<512xi32, #tpu.memory_space<vmem>> -> memref<128xi32, #tpu.memory_space<vmem>>
    %dma_wait3A_504 = arith.constant 0 : i32
    %dma_wait3A_505 = tpu.memref_slice %arg2[%dma_wait3A, %dma_wait3A_495, %dma_wait3A_496, %dma_wait3A_504] : memref<25x128x8x128xi32, #tpu.memory_space<hbm>> -> memref<1x1x1x128xi32, #tpu.memory_space<hbm>>
    %dma_wait3A_506 = tpu.memref_squeeze %dma_wait3A_505 : memref<1x1x1x128xi32, #tpu.memory_space<hbm>> -> memref<128xi32, #tpu.memory_space<hbm>>
    tpu.wait_dma2 semaphore(%arg11 : memref<!tpu.dma_semaphore, #tpu.memory_space<semaphore_mem>>) src(%dma_wait3A_506 : memref<128xi32, #tpu.memory_space<hbm>>) dst(%dma_wait3A_503 : memref<128xi32, #tpu.memory_space<vmem>>)
    %dma_wait3A_507 = arith.constant 0 : i32
    %dma_wait3A_508 = arith.constant 0 : i32
    %dma_wait3A_509 = arith.constant 0 : i32
    %dma_wait3A_510 = arith.constant 128 : i32
    %dma_wait3A_511 = tpu.memref_slice %arg5[%dma_wait3A_510] : memref<512xi32, #tpu.memory_space<vmem>> -> memref<128xi32, #tpu.memory_space<vmem>>
    %dma_wait3A_512 = arith.constant 0 : i32
    %dma_wait3A_513 = tpu.memref_slice %arg2[%dma_wait3A_507, %dma_wait3A_508, %dma_wait3A_509, %dma_wait3A_512] : memref<25x128x8x128xi32, #tpu.memory_space<hbm>> -> memref<1x1x1x128xi32, #tpu.memory_space<hbm>>
    %dma_wait3A_514 = tpu.memref_squeeze %dma_wait3A_513 : memref<1x1x1x128xi32, #tpu.memory_space<hbm>> -> memref<128xi32, #tpu.memory_space<hbm>>
    %dma_wait3A_515 = arith.constant 128 : i32
    %dma_wait3A_516 = tpu.memref_slice %arg5[%dma_wait3A_515] : memref<512xi32, #tpu.memory_space<vmem>> -> memref<128xi32, #tpu.memory_space<vmem>>
    %dma_wait3A_517 = arith.constant 0 : i32
    %dma_wait3A_518 = tpu.memref_slice %arg2[%dma_wait3A_507, %dma_wait3A_508, %dma_wait3A_509, %dma_wait3A_517] : memref<25x128x8x128xi32, #tpu.memory_space<hbm>> -> memref<1x1x1x128xi32, #tpu.memory_space<hbm>>
    %dma_wait3A_519 = tpu.memref_squeeze %dma_wait3A_518 : memref<1x1x1x128xi32, #tpu.memory_space<hbm>> -> memref<128xi32, #tpu.memory_space<hbm>>
    tpu.wait_dma2 semaphore(%arg11 : memref<!tpu.dma_semaphore, #tpu.memory_space<semaphore_mem>>) src(%dma_wait3A_519 : memref<128xi32, #tpu.memory_space<hbm>>) dst(%dma_wait3A_516 : memref<128xi32, #tpu.memory_space<vmem>>)
    %dma_wait3A_520 = arith.constant 0 : i32
    %dma_wait3A_521 = arith.constant 0 : i32
    %dma_wait3A_522 = arith.constant 0 : i32
    %dma_wait3A_523 = arith.constant 256 : i32
    %dma_wait3A_524 = tpu.memref_slice %arg5[%dma_wait3A_523] : memref<512xi32, #tpu.memory_space<vmem>> -> memref<128xi32, #tpu.memory_space<vmem>>
    %dma_wait3A_525 = arith.constant 0 : i32
    %dma_wait3A_526 = tpu.memref_slice %arg2[%dma_wait3A_520, %dma_wait3A_521, %dma_wait3A_522, %dma_wait3A_525] : memref<25x128x8x128xi32, #tpu.memory_space<hbm>> -> memref<1x1x1x128xi32, #tpu.memory_space<hbm>>
    %dma_wait3A_527 = tpu.memref_squeeze %dma_wait3A_526 : memref<1x1x1x128xi32, #tpu.memory_space<hbm>> -> memref<128xi32, #tpu.memory_space<hbm>>
    %dma_wait3A_528 = arith.constant 256 : i32
    %dma_wait3A_529 = tpu.memref_slice %arg5[%dma_wait3A_528] : memref<512xi32, #tpu.memory_space<vmem>> -> memref<128xi32, #tpu.memory_space<vmem>>
    %dma_wait3A_530 = arith.constant 0 : i32
    %dma_wait3A_531 = tpu.memref_slice %arg2[%dma_wait3A_520, %dma_wait3A_521, %dma_wait3A_522, %dma_wait3A_530] : memref<25x128x8x128xi32, #tpu.memory_space<hbm>> -> memref<1x1x1x128xi32, #tpu.memory_space<hbm>>
    %dma_wait3A_532 = tpu.memref_squeeze %dma_wait3A_531 : memref<1x1x1x128xi32, #tpu.memory_space<hbm>> -> memref<128xi32, #tpu.memory_space<hbm>>
    tpu.wait_dma2 semaphore(%arg11 : memref<!tpu.dma_semaphore, #tpu.memory_space<semaphore_mem>>) src(%dma_wait3A_532 : memref<128xi32, #tpu.memory_space<hbm>>) dst(%dma_wait3A_529 : memref<128xi32, #tpu.memory_space<vmem>>)
    %dma_wait3A_533 = arith.constant 0 : i32
    %dma_wait3A_534 = arith.constant 0 : i32
    %dma_wait3A_535 = arith.constant 0 : i32
    %dma_wait3A_536 = arith.constant 384 : i32
    %dma_wait3A_537 = tpu.memref_slice %arg5[%dma_wait3A_536] : memref<512xi32, #tpu.memory_space<vmem>> -> memref<128xi32, #tpu.memory_space<vmem>>
    %dma_wait3A_538 = arith.constant 0 : i32
    %dma_wait3A_539 = tpu.memref_slice %arg2[%dma_wait3A_533, %dma_wait3A_534, %dma_wait3A_535, %dma_wait3A_538] : memref<25x128x8x128xi32, #tpu.memory_space<hbm>> -> memref<1x1x1x128xi32, #tpu.memory_space<hbm>>
    %dma_wait3A_540 = tpu.memref_squeeze %dma_wait3A_539 : memref<1x1x1x128xi32, #tpu.memory_space<hbm>> -> memref<128xi32, #tpu.memory_space<hbm>>
    %dma_wait3A_541 = arith.constant 384 : i32
    %dma_wait3A_542 = tpu.memref_slice %arg5[%dma_wait3A_541] : memref<512xi32, #tpu.memory_space<vmem>> -> memref<128xi32, #tpu.memory_space<vmem>>
    %dma_wait3A_543 = arith.constant 0 : i32
    %dma_wait3A_544 = tpu.memref_slice %arg2[%dma_wait3A_533, %dma_wait3A_534, %dma_wait3A_535, %dma_wait3A_543] : memref<25x128x8x128xi32, #tpu.memory_space<hbm>> -> memref<1x1x1x128xi32, #tpu.memory_space<hbm>>
    %dma_wait3A_545 = tpu.memref_squeeze %dma_wait3A_544 : memref<1x1x1x128xi32, #tpu.memory_space<hbm>> -> memref<128xi32, #tpu.memory_space<hbm>>
    tpu.wait_dma2 semaphore(%arg11 : memref<!tpu.dma_semaphore, #tpu.memory_space<semaphore_mem>>) src(%dma_wait3A_545 : memref<128xi32, #tpu.memory_space<hbm>>) dst(%dma_wait3A_542 : memref<128xi32, #tpu.memory_space<vmem>>)
    %dma_start3A_546 = arith.constant 0 : i32
    %dma_start3A_547 = arith.constant 0 : i32
    %dma_start3A_548 = tpu.memref_slice %arg3[%dma_start3A_546, %dma_start3A_547] : memref<1000000x32xf32, #tpu.memory_space<hbm>> -> memref<1000000x32xf32, #tpu.memory_space<hbm>>
    tpu.enqueue_indirect_dma source(%dma_start3A_548 : memref<1000000x32xf32, #tpu.memory_space<hbm>>) target(%arg7 : memref<512x32xf32, #tpu.memory_space<vmem>>) offsets(%arg5 : memref<512xi32, #tpu.memory_space<vmem>>) semaphore(%arg13 : memref<!tpu.dma_semaphore, #tpu.memory_space<semaphore_mem>>)
    %scan3A = arith.constant 0 : i32
    %scan3A_549 = arith.constant 0 : i32
    %scan3A_550 = arith.constant 100 : i32
    %scan3A_551 = arith.addi %scan3A_549, %scan3A_550 : i32
    %scan3A_552 = arith.constant 1 : i32
    scf.for %scan3A_634 = %scan3A_549 to %scan3A_551 step %scan3A_552  : i32 {
      %mul3A_635 = arith.constant 2 : i32
      %mul3A_636 = arith.muli %mul3A_635, %scan3A_634 : i32
      %add3A_637 = arith.constant 1 : i32
      %add3A_638 = arith.addi %mul3A_636, %add3A_637 : i32
      %lt3A = arith.constant 200 : i32
      %lt3A_639 = arith.cmpi slt, %add3A_638, %lt3A : i32
      %convert_element_type3A = arith.extui %lt3A_639 : i1 to i32
      %cond3A = arith.constant 0 : i32
      %cond3A_640 = arith.cmpi ne, %convert_element_type3A, %cond3A : i32
      scf.if %cond3A_640 {
        %dma_wait3A_758 = arith.constant 0 : i32
        %dma_wait3A_759 = arith.constant 0 : i32
        %dma_wait3A_760 = arith.constant 0 : i32
        %dma_wait3A_761 = arith.constant 0 : i32
        %dma_wait3A_762 = tpu.memref_slice %arg6[%dma_wait3A_761] : memref<512xi32, #tpu.memory_space<vmem>> -> memref<128xi32, #tpu.memory_space<vmem>>
        %dma_wait3A_763 = arith.constant 0 : i32
        %dma_wait3A_764 = tpu.memref_slice %arg2[%dma_wait3A_758, %dma_wait3A_759, %dma_wait3A_760, %dma_wait3A_763] : memref<25x128x8x128xi32, #tpu.memory_space<hbm>> -> memref<1x1x1x128xi32, #tpu.memory_space<hbm>>
        %dma_wait3A_765 = tpu.memref_squeeze %dma_wait3A_764 : memref<1x1x1x128xi32, #tpu.memory_space<hbm>> -> memref<128xi32, #tpu.memory_space<hbm>>
        %dma_wait3A_766 = arith.constant 0 : i32
        %dma_wait3A_767 = tpu.memref_slice %arg6[%dma_wait3A_766] : memref<512xi32, #tpu.memory_space<vmem>> -> memref<128xi32, #tpu.memory_space<vmem>>
        %dma_wait3A_768 = arith.constant 0 : i32
        %dma_wait3A_769 = tpu.memref_slice %arg2[%dma_wait3A_758, %dma_wait3A_759, %dma_wait3A_760, %dma_wait3A_768] : memref<25x128x8x128xi32, #tpu.memory_space<hbm>> -> memref<1x1x1x128xi32, #tpu.memory_space<hbm>>
        %dma_wait3A_770 = tpu.memref_squeeze %dma_wait3A_769 : memref<1x1x1x128xi32, #tpu.memory_space<hbm>> -> memref<128xi32, #tpu.memory_space<hbm>>
        tpu.wait_dma2 semaphore(%arg12 : memref<!tpu.dma_semaphore, #tpu.memory_space<semaphore_mem>>) src(%dma_wait3A_770 : memref<128xi32, #tpu.memory_space<hbm>>) dst(%dma_wait3A_767 : memref<128xi32, #tpu.memory_space<vmem>>)
        %dma_wait3A_771 = arith.constant 0 : i32
        %dma_wait3A_772 = arith.constant 0 : i32
        %dma_wait3A_773 = arith.constant 0 : i32
        %dma_wait3A_774 = arith.constant 128 : i32
        %dma_wait3A_775 = tpu.memref_slice %arg6[%dma_wait3A_774] : memref<512xi32, #tpu.memory_space<vmem>> -> memref<128xi32, #tpu.memory_space<vmem>>
        %dma_wait3A_776 = arith.constant 0 : i32
        %dma_wait3A_777 = tpu.memref_slice %arg2[%dma_wait3A_771, %dma_wait3A_772, %dma_wait3A_773, %dma_wait3A_776] : memref<25x128x8x128xi32, #tpu.memory_space<hbm>> -> memref<1x1x1x128xi32, #tpu.memory_space<hbm>>
        %dma_wait3A_778 = tpu.memref_squeeze %dma_wait3A_777 : memref<1x1x1x128xi32, #tpu.memory_space<hbm>> -> memref<128xi32, #tpu.memory_space<hbm>>
        %dma_wait3A_779 = arith.constant 128 : i32
        %dma_wait3A_780 = tpu.memref_slice %arg6[%dma_wait3A_779] : memref<512xi32, #tpu.memory_space<vmem>> -> memref<128xi32, #tpu.memory_space<vmem>>
        %dma_wait3A_781 = arith.constant 0 : i32
        %dma_wait3A_782 = tpu.memref_slice %arg2[%dma_wait3A_771, %dma_wait3A_772, %dma_wait3A_773, %dma_wait3A_781] : memref<25x128x8x128xi32, #tpu.memory_space<hbm>> -> memref<1x1x1x128xi32, #tpu.memory_space<hbm>>
        %dma_wait3A_783 = tpu.memref_squeeze %dma_wait3A_782 : memref<1x1x1x128xi32, #tpu.memory_space<hbm>> -> memref<128xi32, #tpu.memory_space<hbm>>
        tpu.wait_dma2 semaphore(%arg12 : memref<!tpu.dma_semaphore, #tpu.memory_space<semaphore_mem>>) src(%dma_wait3A_783 : memref<128xi32, #tpu.memory_space<hbm>>) dst(%dma_wait3A_780 : memref<128xi32, #tpu.memory_space<vmem>>)
        %dma_wait3A_784 = arith.constant 0 : i32
        %dma_wait3A_785 = arith.constant 0 : i32
        %dma_wait3A_786 = arith.constant 0 : i32
        %dma_wait3A_787 = arith.constant 256 : i32
        %dma_wait3A_788 = tpu.memref_slice %arg6[%dma_wait3A_787] : memref<512xi32, #tpu.memory_space<vmem>> -> memref<128xi32, #tpu.memory_space<vmem>>
        %dma_wait3A_789 = arith.constant 0 : i32
        %dma_wait3A_790 = tpu.memref_slice %arg2[%dma_wait3A_784, %dma_wait3A_785, %dma_wait3A_786, %dma_wait3A_789] : memref<25x128x8x128xi32, #tpu.memory_space<hbm>> -> memref<1x1x1x128xi32, #tpu.memory_space<hbm>>
        %dma_wait3A_791 = tpu.memref_squeeze %dma_wait3A_790 : memref<1x1x1x128xi32, #tpu.memory_space<hbm>> -> memref<128xi32, #tpu.memory_space<hbm>>
        %dma_wait3A_792 = arith.constant 256 : i32
        %dma_wait3A_793 = tpu.memref_slice %arg6[%dma_wait3A_792] : memref<512xi32, #tpu.memory_space<vmem>> -> memref<128xi32, #tpu.memory_space<vmem>>
        %dma_wait3A_794 = arith.constant 0 : i32
        %dma_wait3A_795 = tpu.memref_slice %arg2[%dma_wait3A_784, %dma_wait3A_785, %dma_wait3A_786, %dma_wait3A_794] : memref<25x128x8x128xi32, #tpu.memory_space<hbm>> -> memref<1x1x1x128xi32, #tpu.memory_space<hbm>>
        %dma_wait3A_796 = tpu.memref_squeeze %dma_wait3A_795 : memref<1x1x1x128xi32, #tpu.memory_space<hbm>> -> memref<128xi32, #tpu.memory_space<hbm>>
        tpu.wait_dma2 semaphore(%arg12 : memref<!tpu.dma_semaphore, #tpu.memory_space<semaphore_mem>>) src(%dma_wait3A_796 : memref<128xi32, #tpu.memory_space<hbm>>) dst(%dma_wait3A_793 : memref<128xi32, #tpu.memory_space<vmem>>)
        %dma_wait3A_797 = arith.constant 0 : i32
        %dma_wait3A_798 = arith.constant 0 : i32
        %dma_wait3A_799 = arith.constant 0 : i32
        %dma_wait3A_800 = arith.constant 384 : i32
        %dma_wait3A_801 = tpu.memref_slice %arg6[%dma_wait3A_800] : memref<512xi32, #tpu.memory_space<vmem>> -> memref<128xi32, #tpu.memory_space<vmem>>
        %dma_wait3A_802 = arith.constant 0 : i32
        %dma_wait3A_803 = tpu.memref_slice %arg2[%dma_wait3A_797, %dma_wait3A_798, %dma_wait3A_799, %dma_wait3A_802] : memref<25x128x8x128xi32, #tpu.memory_space<hbm>> -> memref<1x1x1x128xi32, #tpu.memory_space<hbm>>
        %dma_wait3A_804 = tpu.memref_squeeze %dma_wait3A_803 : memref<1x1x1x128xi32, #tpu.memory_space<hbm>> -> memref<128xi32, #tpu.memory_space<hbm>>
        %dma_wait3A_805 = arith.constant 384 : i32
        %dma_wait3A_806 = tpu.memref_slice %arg6[%dma_wait3A_805] : memref<512xi32, #tpu.memory_space<vmem>> -> memref<128xi32, #tpu.memory_space<vmem>>
        %dma_wait3A_807 = arith.constant 0 : i32
        %dma_wait3A_808 = tpu.memref_slice %arg2[%dma_wait3A_797, %dma_wait3A_798, %dma_wait3A_799, %dma_wait3A_807] : memref<25x128x8x128xi32, #tpu.memory_space<hbm>> -> memref<1x1x1x128xi32, #tpu.memory_space<hbm>>
        %dma_wait3A_809 = tpu.memref_squeeze %dma_wait3A_808 : memref<1x1x1x128xi32, #tpu.memory_space<hbm>> -> memref<128xi32, #tpu.memory_space<hbm>>
        tpu.wait_dma2 semaphore(%arg12 : memref<!tpu.dma_semaphore, #tpu.memory_space<semaphore_mem>>) src(%dma_wait3A_809 : memref<128xi32, #tpu.memory_space<hbm>>) dst(%dma_wait3A_806 : memref<128xi32, #tpu.memory_space<vmem>>)
        %dma_start3A_810 = arith.constant 0 : i32
        %dma_start3A_811 = arith.constant 0 : i32
        %dma_start3A_812 = tpu.memref_slice %arg3[%dma_start3A_810, %dma_start3A_811] : memref<1000000x32xf32, #tpu.memory_space<hbm>> -> memref<1000000x32xf32, #tpu.memory_space<hbm>>
        tpu.enqueue_indirect_dma source(%dma_start3A_812 : memref<1000000x32xf32, #tpu.memory_space<hbm>>) target(%arg8 : memref<512x32xf32, #tpu.memory_space<vmem>>) offsets(%arg6 : memref<512xi32, #tpu.memory_space<vmem>>) semaphore(%arg14 : memref<!tpu.dma_semaphore, #tpu.memory_space<semaphore_mem>>)
      } else {
      }
      %dma_wait3A_641 = arith.constant 0 : i32
      %dma_wait3A_642 = arith.constant 0 : i32
      %dma_wait3A_643 = tpu.memref_slice %arg3[%dma_wait3A_641, %dma_wait3A_642] : memref<1000000x32xf32, #tpu.memory_space<hbm>> -> memref<1000000x32xf32, #tpu.memory_space<hbm>>
      tpu.wait_indirect_dma semaphore(%arg13 : memref<!tpu.dma_semaphore, #tpu.memory_space<semaphore_mem>>) src(%dma_wait3A_643 : memref<1000000x32xf32, #tpu.memory_space<hbm>>) dst(%arg7 : memref<512x32xf32, #tpu.memory_space<vmem>>)
      %add3A_644 = arith.constant 2 : i32
      %add3A_645 = arith.addi %mul3A_636, %add3A_644 : i32
      %lt3A_646 = arith.constant 200 : i32
      %lt3A_647 = arith.cmpi slt, %add3A_645, %lt3A_646 : i32
      %convert_element_type3A_648 = arith.extui %lt3A_647 : i1 to i32
      %cond3A_649 = arith.constant 0 : i32
      %cond3A_650 = arith.cmpi ne, %convert_element_type3A_648, %cond3A_649 : i32
      scf.if %cond3A_650 {
        %add3A_758 = arith.constant 2 : i32
        %add3A_759 = arith.addi %mul3A_636, %add3A_758 : i32
        %shift_right_arithmetic3A_760 = arith.constant 3 : i32
        %shift_right_arithmetic3A_761 = arith.shrsi %add3A_759, %shift_right_arithmetic3A_760 : i32
        %mul3A_762 = arith.constant 4 : i32
        %mul3A_763 = arith.muli %mul3A_762, %add3A : i32
        %add3A_764 = arith.constant 0 : i32
        %add3A_765 = arith.addi %mul3A_763, %add3A_764 : i32
        %and3A_766 = arith.constant 7 : i32
        %and3A_767 = arith.andi %add3A_759, %and3A_766 : i32
        %dma_start3A_768 = arith.constant 0 : i32
        %dma_start3A_769 = tpu.memref_slice %arg5[%dma_start3A_768] : memref<512xi32, #tpu.memory_space<vmem>> -> memref<128xi32, #tpu.memory_space<vmem>>
        %dma_start3A_770 = arith.constant 0 : i32
        %dma_start3A_771 = tpu.memref_slice %arg2[%shift_right_arithmetic3A_761, %add3A_765, %and3A_767, %dma_start3A_770] : memref<25x128x8x128xi32, #tpu.memory_space<hbm>> -> memref<1x1x1x128xi32, #tpu.memory_space<hbm>>
        %dma_start3A_772 = tpu.memref_squeeze %dma_start3A_771 : memref<1x1x1x128xi32, #tpu.memory_space<hbm>> -> memref<128xi32, #tpu.memory_space<hbm>>
        %dma_start3A_773 = arith.constant 0 : i32
        %dma_start3A_774 = tpu.memref_slice %arg5[%dma_start3A_773] : memref<512xi32, #tpu.memory_space<vmem>> -> memref<128xi32, #tpu.memory_space<vmem>>
        %dma_start3A_775 = arith.constant 0 : i32
        %dma_start3A_776 = tpu.memref_slice %arg2[%shift_right_arithmetic3A_761, %add3A_765, %and3A_767, %dma_start3A_775] : memref<25x128x8x128xi32, #tpu.memory_space<hbm>> -> memref<1x1x1x128xi32, #tpu.memory_space<hbm>>
        %dma_start3A_777 = tpu.memref_squeeze %dma_start3A_776 : memref<1x1x1x128xi32, #tpu.memory_space<hbm>> -> memref<128xi32, #tpu.memory_space<hbm>>
        tpu.enqueue_dma source(%dma_start3A_777 : memref<128xi32, #tpu.memory_space<hbm>>) target(%dma_start3A_774 : memref<128xi32, #tpu.memory_space<vmem>>) target_semaphore(%arg11 : memref<!tpu.dma_semaphore, #tpu.memory_space<semaphore_mem>>)
        %shift_right_arithmetic3A_778 = arith.constant 3 : i32
        %shift_right_arithmetic3A_779 = arith.shrsi %add3A_759, %shift_right_arithmetic3A_778 : i32
        %mul3A_780 = arith.constant 4 : i32
        %mul3A_781 = arith.muli %mul3A_780, %add3A : i32
        %add3A_782 = arith.constant 1 : i32
        %add3A_783 = arith.addi %mul3A_781, %add3A_782 : i32
        %and3A_784 = arith.constant 7 : i32
        %and3A_785 = arith.andi %add3A_759, %and3A_784 : i32
        %dma_start3A_786 = arith.constant 128 : i32
        %dma_start3A_787 = tpu.memref_slice %arg5[%dma_start3A_786] : memref<512xi32, #tpu.memory_space<vmem>> -> memref<128xi32, #tpu.memory_space<vmem>>
        %dma_start3A_788 = arith.constant 0 : i32
        %dma_start3A_789 = tpu.memref_slice %arg2[%shift_right_arithmetic3A_779, %add3A_783, %and3A_785, %dma_start3A_788] : memref<25x128x8x128xi32, #tpu.memory_space<hbm>> -> memref<1x1x1x128xi32, #tpu.memory_space<hbm>>
        %dma_start3A_790 = tpu.memref_squeeze %dma_start3A_789 : memref<1x1x1x128xi32, #tpu.memory_space<hbm>> -> memref<128xi32, #tpu.memory_space<hbm>>
        %dma_start3A_791 = arith.constant 128 : i32
        %dma_start3A_792 = tpu.memref_slice %arg5[%dma_start3A_791] : memref<512xi32, #tpu.memory_space<vmem>> -> memref<128xi32, #tpu.memory_space<vmem>>
        %dma_start3A_793 = arith.constant 0 : i32
        %dma_start3A_794 = tpu.memref_slice %arg2[%shift_right_arithmetic3A_779, %add3A_783, %and3A_785, %dma_start3A_793] : memref<25x128x8x128xi32, #tpu.memory_space<hbm>> -> memref<1x1x1x128xi32, #tpu.memory_space<hbm>>
        %dma_start3A_795 = tpu.memref_squeeze %dma_start3A_794 : memref<1x1x1x128xi32, #tpu.memory_space<hbm>> -> memref<128xi32, #tpu.memory_space<hbm>>
        tpu.enqueue_dma source(%dma_start3A_795 : memref<128xi32, #tpu.memory_space<hbm>>) target(%dma_start3A_792 : memref<128xi32, #tpu.memory_space<vmem>>) target_semaphore(%arg11 : memref<!tpu.dma_semaphore, #tpu.memory_space<semaphore_mem>>)
        %shift_right_arithmetic3A_796 = arith.constant 3 : i32
        %shift_right_arithmetic3A_797 = arith.shrsi %add3A_759, %shift_right_arithmetic3A_796 : i32
        %mul3A_798 = arith.constant 4 : i32
        %mul3A_799 = arith.muli %mul3A_798, %add3A : i32
        %add3A_800 = arith.constant 2 : i32
        %add3A_801 = arith.addi %mul3A_799, %add3A_800 : i32
        %and3A_802 = arith.constant 7 : i32
        %and3A_803 = arith.andi %add3A_759, %and3A_802 : i32
        %dma_start3A_804 = arith.constant 256 : i32
        %dma_start3A_805 = tpu.memref_slice %arg5[%dma_start3A_804] : memref<512xi32, #tpu.memory_space<vmem>> -> memref<128xi32, #tpu.memory_space<vmem>>
        %dma_start3A_806 = arith.constant 0 : i32
        %dma_start3A_807 = tpu.memref_slice %arg2[%shift_right_arithmetic3A_797, %add3A_801, %and3A_803, %dma_start3A_806] : memref<25x128x8x128xi32, #tpu.memory_space<hbm>> -> memref<1x1x1x128xi32, #tpu.memory_space<hbm>>
        %dma_start3A_808 = tpu.memref_squeeze %dma_start3A_807 : memref<1x1x1x128xi32, #tpu.memory_space<hbm>> -> memref<128xi32, #tpu.memory_space<hbm>>
        %dma_start3A_809 = arith.constant 256 : i32
        %dma_start3A_810 = tpu.memref_slice %arg5[%dma_start3A_809] : memref<512xi32, #tpu.memory_space<vmem>> -> memref<128xi32, #tpu.memory_space<vmem>>
        %dma_start3A_811 = arith.constant 0 : i32
        %dma_start3A_812 = tpu.memref_slice %arg2[%shift_right_arithmetic3A_797, %add3A_801, %and3A_803, %dma_start3A_811] : memref<25x128x8x128xi32, #tpu.memory_space<hbm>> -> memref<1x1x1x128xi32, #tpu.memory_space<hbm>>
        %dma_start3A_813 = tpu.memref_squeeze %dma_start3A_812 : memref<1x1x1x128xi32, #tpu.memory_space<hbm>> -> memref<128xi32, #tpu.memory_space<hbm>>
        tpu.enqueue_dma source(%dma_start3A_813 : memref<128xi32, #tpu.memory_space<hbm>>) target(%dma_start3A_810 : memref<128xi32, #tpu.memory_space<vmem>>) target_semaphore(%arg11 : memref<!tpu.dma_semaphore, #tpu.memory_space<semaphore_mem>>)
        %shift_right_arithmetic3A_814 = arith.constant 3 : i32
        %shift_right_arithmetic3A_815 = arith.shrsi %add3A_759, %shift_right_arithmetic3A_814 : i32
        %mul3A_816 = arith.constant 4 : i32
        %mul3A_817 = arith.muli %mul3A_816, %add3A : i32
        %add3A_818 = arith.constant 3 : i32
        %add3A_819 = arith.addi %mul3A_817, %add3A_818 : i32
        %and3A_820 = arith.constant 7 : i32
        %and3A_821 = arith.andi %add3A_759, %and3A_820 : i32
        %dma_start3A_822 = arith.constant 384 : i32
        %dma_start3A_823 = tpu.memref_slice %arg5[%dma_start3A_822] : memref<512xi32, #tpu.memory_space<vmem>> -> memref<128xi32, #tpu.memory_space<vmem>>
        %dma_start3A_824 = arith.constant 0 : i32
        %dma_start3A_825 = tpu.memref_slice %arg2[%shift_right_arithmetic3A_815, %add3A_819, %and3A_821, %dma_start3A_824] : memref<25x128x8x128xi32, #tpu.memory_space<hbm>> -> memref<1x1x1x128xi32, #tpu.memory_space<hbm>>
        %dma_start3A_826 = tpu.memref_squeeze %dma_start3A_825 : memref<1x1x1x128xi32, #tpu.memory_space<hbm>> -> memref<128xi32, #tpu.memory_space<hbm>>
        %dma_start3A_827 = arith.constant 384 : i32
        %dma_start3A_828 = tpu.memref_slice %arg5[%dma_start3A_827] : memref<512xi32, #tpu.memory_space<vmem>> -> memref<128xi32, #tpu.memory_space<vmem>>
        %dma_start3A_829 = arith.constant 0 : i32
        %dma_start3A_830 = tpu.memref_slice %arg2[%shift_right_arithmetic3A_815, %add3A_819, %and3A_821, %dma_start3A_829] : memref<25x128x8x128xi32, #tpu.memory_space<hbm>> -> memref<1x1x1x128xi32, #tpu.memory_space<hbm>>
        %dma_start3A_831 = tpu.memref_squeeze %dma_start3A_830 : memref<1x1x1x128xi32, #tpu.memory_space<hbm>> -> memref<128xi32, #tpu.memory_space<hbm>>
        tpu.enqueue_dma source(%dma_start3A_831 : memref<128xi32, #tpu.memory_space<hbm>>) target(%dma_start3A_828 : memref<128xi32, #tpu.memory_space<vmem>>) target_semaphore(%arg11 : memref<!tpu.dma_semaphore, #tpu.memory_space<semaphore_mem>>)
      } else {
      }
      %ge3A = arith.constant 2 : i32
      %ge3A_651 = arith.cmpi sge, %mul3A_636, %ge3A : i32
      %convert_element_type3A_652 = arith.extui %ge3A_651 : i1 to i32
      %cond3A_653 = arith.constant 0 : i32
      %cond3A_654 = arith.cmpi ne, %convert_element_type3A_652, %cond3A_653 : i32
      scf.if %cond3A_654 {
        %dma_wait3A_758 = arith.constant 0 : i32
        %dma_wait3A_759 = arith.constant 0 : i32
        %dma_wait3A_760 = arith.constant 0 : i32
        %dma_wait3A_761 = tpu.memref_slice %arg9[%dma_wait3A_760] : memref<16384xf32, #tpu.memory_space<vmem>> -> memref<4096xf32, #tpu.memory_space<vmem>>
        %dma_wait3A_762 = tpu.memref_slice %arg4[%dma_wait3A_758, %dma_wait3A_759, %mul3A_2] : memref<200x4x131072xf32, #tpu.memory_space<hbm>> -> memref<1x1x4096xf32, #tpu.memory_space<hbm>>
        %dma_wait3A_763 = tpu.memref_squeeze %dma_wait3A_762 : memref<1x1x4096xf32, #tpu.memory_space<hbm>> -> memref<4096xf32, #tpu.memory_space<hbm>>
        %dma_wait3A_764 = tpu.memref_slice %arg4[%dma_wait3A_758, %dma_wait3A_759, %mul3A_2] : memref<200x4x131072xf32, #tpu.memory_space<hbm>> -> memref<1x1x4096xf32, #tpu.memory_space<hbm>>
        %dma_wait3A_765 = tpu.memref_squeeze %dma_wait3A_764 : memref<1x1x4096xf32, #tpu.memory_space<hbm>> -> memref<4096xf32, #tpu.memory_space<hbm>>
        %dma_wait3A_766 = arith.constant 0 : i32
        %dma_wait3A_767 = tpu.memref_slice %arg9[%dma_wait3A_766] : memref<16384xf32, #tpu.memory_space<vmem>> -> memref<4096xf32, #tpu.memory_space<vmem>>
        tpu.wait_dma2 semaphore(%arg15 : memref<!tpu.dma_semaphore, #tpu.memory_space<semaphore_mem>>) src(%dma_wait3A_767 : memref<4096xf32, #tpu.memory_space<vmem>>) dst(%dma_wait3A_765 : memref<4096xf32, #tpu.memory_space<hbm>>)
        %dma_wait3A_768 = arith.constant 0 : i32
        %dma_wait3A_769 = arith.constant 1 : i32
        %dma_wait3A_770 = arith.constant 4096 : i32
        %dma_wait3A_771 = tpu.memref_slice %arg9[%dma_wait3A_770] : memref<16384xf32, #tpu.memory_space<vmem>> -> memref<4096xf32, #tpu.memory_space<vmem>>
        %dma_wait3A_772 = tpu.memref_slice %arg4[%dma_wait3A_768, %dma_wait3A_769, %mul3A_2] : memref<200x4x131072xf32, #tpu.memory_space<hbm>> -> memref<1x1x4096xf32, #tpu.memory_space<hbm>>
        %dma_wait3A_773 = tpu.memref_squeeze %dma_wait3A_772 : memref<1x1x4096xf32, #tpu.memory_space<hbm>> -> memref<4096xf32, #tpu.memory_space<hbm>>
        %dma_wait3A_774 = tpu.memref_slice %arg4[%dma_wait3A_768, %dma_wait3A_769, %mul3A_2] : memref<200x4x131072xf32, #tpu.memory_space<hbm>> -> memref<1x1x4096xf32, #tpu.memory_space<hbm>>
        %dma_wait3A_775 = tpu.memref_squeeze %dma_wait3A_774 : memref<1x1x4096xf32, #tpu.memory_space<hbm>> -> memref<4096xf32, #tpu.memory_space<hbm>>
        %dma_wait3A_776 = arith.constant 4096 : i32
        %dma_wait3A_777 = tpu.memref_slice %arg9[%dma_wait3A_776] : memref<16384xf32, #tpu.memory_space<vmem>> -> memref<4096xf32, #tpu.memory_space<vmem>>
        tpu.wait_dma2 semaphore(%arg15 : memref<!tpu.dma_semaphore, #tpu.memory_space<semaphore_mem>>) src(%dma_wait3A_777 : memref<4096xf32, #tpu.memory_space<vmem>>) dst(%dma_wait3A_775 : memref<4096xf32, #tpu.memory_space<hbm>>)
        %dma_wait3A_778 = arith.constant 0 : i32
        %dma_wait3A_779 = arith.constant 2 : i32
        %dma_wait3A_780 = arith.constant 8192 : i32
        %dma_wait3A_781 = tpu.memref_slice %arg9[%dma_wait3A_780] : memref<16384xf32, #tpu.memory_space<vmem>> -> memref<4096xf32, #tpu.memory_space<vmem>>
        %dma_wait3A_782 = tpu.memref_slice %arg4[%dma_wait3A_778, %dma_wait3A_779, %mul3A_2] : memref<200x4x131072xf32, #tpu.memory_space<hbm>> -> memref<1x1x4096xf32, #tpu.memory_space<hbm>>
        %dma_wait3A_783 = tpu.memref_squeeze %dma_wait3A_782 : memref<1x1x4096xf32, #tpu.memory_space<hbm>> -> memref<4096xf32, #tpu.memory_space<hbm>>
        %dma_wait3A_784 = tpu.memref_slice %arg4[%dma_wait3A_778, %dma_wait3A_779, %mul3A_2] : memref<200x4x131072xf32, #tpu.memory_space<hbm>> -> memref<1x1x4096xf32, #tpu.memory_space<hbm>>
        %dma_wait3A_785 = tpu.memref_squeeze %dma_wait3A_784 : memref<1x1x4096xf32, #tpu.memory_space<hbm>> -> memref<4096xf32, #tpu.memory_space<hbm>>
        %dma_wait3A_786 = arith.constant 8192 : i32
        %dma_wait3A_787 = tpu.memref_slice %arg9[%dma_wait3A_786] : memref<16384xf32, #tpu.memory_space<vmem>> -> memref<4096xf32, #tpu.memory_space<vmem>>
        tpu.wait_dma2 semaphore(%arg15 : memref<!tpu.dma_semaphore, #tpu.memory_space<semaphore_mem>>) src(%dma_wait3A_787 : memref<4096xf32, #tpu.memory_space<vmem>>) dst(%dma_wait3A_785 : memref<4096xf32, #tpu.memory_space<hbm>>)
        %dma_wait3A_788 = arith.constant 0 : i32
        %dma_wait3A_789 = arith.constant 3 : i32
        %dma_wait3A_790 = arith.constant 12288 : i32
        %dma_wait3A_791 = tpu.memref_slice %arg9[%dma_wait3A_790] : memref<16384xf32, #tpu.memory_space<vmem>> -> memref<4096xf32, #tpu.memory_space<vmem>>
        %dma_wait3A_792 = tpu.memref_slice %arg4[%dma_wait3A_788, %dma_wait3A_789, %mul3A_2] : memref<200x4x131072xf32, #tpu.memory_space<hbm>> -> memref<1x1x4096xf32, #tpu.memory_space<hbm>>
        %dma_wait3A_793 = tpu.memref_squeeze %dma_wait3A_792 : memref<1x1x4096xf32, #tpu.memory_space<hbm>> -> memref<4096xf32, #tpu.memory_space<hbm>>
        %dma_wait3A_794 = tpu.memref_slice %arg4[%dma_wait3A_788, %dma_wait3A_789, %mul3A_2] : memref<200x4x131072xf32, #tpu.memory_space<hbm>> -> memref<1x1x4096xf32, #tpu.memory_space<hbm>>
        %dma_wait3A_795 = tpu.memref_squeeze %dma_wait3A_794 : memref<1x1x4096xf32, #tpu.memory_space<hbm>> -> memref<4096xf32, #tpu.memory_space<hbm>>
        %dma_wait3A_796 = arith.constant 12288 : i32
        %dma_wait3A_797 = tpu.memref_slice %arg9[%dma_wait3A_796] : memref<16384xf32, #tpu.memory_space<vmem>> -> memref<4096xf32, #tpu.memory_space<vmem>>
        tpu.wait_dma2 semaphore(%arg15 : memref<!tpu.dma_semaphore, #tpu.memory_space<semaphore_mem>>) src(%dma_wait3A_797 : memref<4096xf32, #tpu.memory_space<vmem>>) dst(%dma_wait3A_795 : memref<4096xf32, #tpu.memory_space<hbm>>)
      } else {
      }
      %parallel_loop3A = arith.constant 0 : i32
      %parallel_loop3A_655 = arith.constant 32 : i32
      %parallel_loop3A_656 = arith.constant 1 : i32
      scf.for %parallel_loop3A_758 = %parallel_loop3A to %parallel_loop3A_655 step %parallel_loop3A_656  : i32 {
        %parallel_loop3A_759 = arith.constant 16 : i32
        %parallel_loop3A_760 = arith.muli %parallel_loop3A_758, %parallel_loop3A_759 : i32
        %parallel_loop3A_761 = vector.broadcast %parallel_loop3A_760 : i32 to vector<16xi32>
        %parallel_loop3A_762 = arith.addi %iota3A, %parallel_loop3A_761 : vector<16xi32>
        %parallel_loop3A_763 = arith.constant 3 : i32
        %parallel_loop3A_764 = arith.shrsi %parallel_loop3A_758, %parallel_loop3A_763 : i32
        %parallel_loop3A_765 = arith.constant 1024 : i32
        %parallel_loop3A_766 = arith.muli %parallel_loop3A_764, %parallel_loop3A_765 : i32
        %parallel_loop3A_767 = arith.constant 7 : i32
        %parallel_loop3A_768 = arith.andi %parallel_loop3A_758, %parallel_loop3A_767 : i32
        %parallel_loop3A_769 = arith.constant 16 : i32
        %parallel_loop3A_770 = arith.muli %parallel_loop3A_768, %parallel_loop3A_769 : i32
        %parallel_loop3A_771 = arith.addi %parallel_loop3A_766, %parallel_loop3A_770 : i32
        %parallel_loop3A_772 = arith.constant 0 : i32
        %parallel_loop3A_773 = vector.broadcast %parallel_loop3A_772 : i32 to vector<16xi32>
        %parallel_loop3A_774 = arith.addi %xor3A_4, %parallel_loop3A_773 : vector<16xi32>
        %parallel_loop3A_775 = tpu.vector_load_idx %arg7[%parallel_loop3A_762, %parallel_loop3A_774] : memref<512x32xf32, #tpu.memory_space<vmem>>[vector<16xi32>, vector<16xi32>], vector<16xf32>,
        %parallel_loop3A_776 = arith.constant 0 : i32
        %parallel_loop3A_777 = arith.addi %parallel_loop3A_771, %parallel_loop3A_776 : i32
        %parallel_loop3A_778 = vector.broadcast %parallel_loop3A_777 : i32 to vector<16xi32>
        %parallel_loop3A_779 = arith.addi %add3A_67, %parallel_loop3A_778 : vector<16xi32>
        tpu.vector_store_idx %arg9[%parallel_loop3A_779], %parallel_loop3A_775 : memref<16384xf32, #tpu.memory_space<vmem>>[vector<16xi32>], vector<16xf32>,
        %parallel_loop3A_780 = arith.constant 0 : i32
        %parallel_loop3A_781 = vector.broadcast %parallel_loop3A_780 : i32 to vector<16xi32>
        %parallel_loop3A_782 = arith.addi %xor3A_7, %parallel_loop3A_781 : vector<16xi32>
        %parallel_loop3A_783 = tpu.vector_load_idx %arg7[%parallel_loop3A_762, %parallel_loop3A_782] : memref<512x32xf32, #tpu.memory_space<vmem>>[vector<16xi32>, vector<16xi32>], vector<16xf32>,
        %parallel_loop3A_784 = arith.constant 0 : i32
        %parallel_loop3A_785 = arith.addi %parallel_loop3A_771, %parallel_loop3A_784 : i32
        %parallel_loop3A_786 = vector.broadcast %parallel_loop3A_785 : i32 to vector<16xi32>
        %parallel_loop3A_787 = arith.addi %add3A_87, %parallel_loop3A_786 : vector<16xi32>
        tpu.vector_store_idx %arg9[%parallel_loop3A_787], %parallel_loop3A_783 : memref<16384xf32, #tpu.memory_space<vmem>>[vector<16xi32>], vector<16xf32>,
        %parallel_loop3A_788 = arith.constant 0 : i32
        %parallel_loop3A_789 = vector.broadcast %parallel_loop3A_788 : i32 to vector<16xi32>
        %parallel_loop3A_790 = arith.addi %xor3A_10, %parallel_loop3A_789 : vector<16xi32>
        %parallel_loop3A_791 = tpu.vector_load_idx %arg7[%parallel_loop3A_762, %parallel_loop3A_790] : memref<512x32xf32, #tpu.memory_space<vmem>>[vector<16xi32>, vector<16xi32>], vector<16xf32>,
        %parallel_loop3A_792 = arith.constant 0 : i32
        %parallel_loop3A_793 = arith.addi %parallel_loop3A_771, %parallel_loop3A_792 : i32
        %parallel_loop3A_794 = vector.broadcast %parallel_loop3A_793 : i32 to vector<16xi32>
        %parallel_loop3A_795 = arith.addi %add3A_107, %parallel_loop3A_794 : vector<16xi32>
        tpu.vector_store_idx %arg9[%parallel_loop3A_795], %parallel_loop3A_791 : memref<16384xf32, #tpu.memory_space<vmem>>[vector<16xi32>], vector<16xf32>,
        %parallel_loop3A_796 = arith.constant 0 : i32
        %parallel_loop3A_797 = vector.broadcast %parallel_loop3A_796 : i32 to vector<16xi32>
        %parallel_loop3A_798 = arith.addi %xor3A_13, %parallel_loop3A_797 : vector<16xi32>
        %parallel_loop3A_799 = tpu.vector_load_idx %arg7[%parallel_loop3A_762, %parallel_loop3A_798] : memref<512x32xf32, #tpu.memory_space<vmem>>[vector<16xi32>, vector<16xi32>], vector<16xf32>,
        %parallel_loop3A_800 = arith.constant 0 : i32
        %parallel_loop3A_801 = arith.addi %parallel_loop3A_771, %parallel_loop3A_800 : i32
        %parallel_loop3A_802 = vector.broadcast %parallel_loop3A_801 : i32 to vector<16xi32>
        %parallel_loop3A_803 = arith.addi %add3A_127, %parallel_loop3A_802 : vector<16xi32>
        tpu.vector_store_idx %arg9[%parallel_loop3A_803], %parallel_loop3A_799 : memref<16384xf32, #tpu.memory_space<vmem>>[vector<16xi32>], vector<16xf32>,
        %parallel_loop3A_804 = arith.constant 0 : i32
        %parallel_loop3A_805 = vector.broadcast %parallel_loop3A_804 : i32 to vector<16xi32>
        %parallel_loop3A_806 = arith.addi %xor3A_16, %parallel_loop3A_805 : vector<16xi32>
        %parallel_loop3A_807 = tpu.vector_load_idx %arg7[%parallel_loop3A_762, %parallel_loop3A_806] : memref<512x32xf32, #tpu.memory_space<vmem>>[vector<16xi32>, vector<16xi32>], vector<16xf32>,
        %parallel_loop3A_808 = arith.constant 0 : i32
        %parallel_loop3A_809 = arith.addi %parallel_loop3A_771, %parallel_loop3A_808 : i32
        %parallel_loop3A_810 = vector.broadcast %parallel_loop3A_809 : i32 to vector<16xi32>
        %parallel_loop3A_811 = arith.addi %add3A_147, %parallel_loop3A_810 : vector<16xi32>
        tpu.vector_store_idx %arg9[%parallel_loop3A_811], %parallel_loop3A_807 : memref<16384xf32, #tpu.memory_space<vmem>>[vector<16xi32>], vector<16xf32>,
        %parallel_loop3A_812 = arith.constant 0 : i32
        %parallel_loop3A_813 = vector.broadcast %parallel_loop3A_812 : i32 to vector<16xi32>
        %parallel_loop3A_814 = arith.addi %xor3A_19, %parallel_loop3A_813 : vector<16xi32>
        %parallel_loop3A_815 = tpu.vector_load_idx %arg7[%parallel_loop3A_762, %parallel_loop3A_814] : memref<512x32xf32, #tpu.memory_space<vmem>>[vector<16xi32>, vector<16xi32>], vector<16xf32>,
        %parallel_loop3A_816 = arith.constant 0 : i32
        %parallel_loop3A_817 = arith.addi %parallel_loop3A_771, %parallel_loop3A_816 : i32
        %parallel_loop3A_818 = vector.broadcast %parallel_loop3A_817 : i32 to vector<16xi32>
        %parallel_loop3A_819 = arith.addi %add3A_167, %parallel_loop3A_818 : vector<16xi32>
        tpu.vector_store_idx %arg9[%parallel_loop3A_819], %parallel_loop3A_815 : memref<16384xf32, #tpu.memory_space<vmem>>[vector<16xi32>], vector<16xf32>,
        %parallel_loop3A_820 = arith.constant 0 : i32
        %parallel_loop3A_821 = vector.broadcast %parallel_loop3A_820 : i32 to vector<16xi32>
        %parallel_loop3A_822 = arith.addi %xor3A_22, %parallel_loop3A_821 : vector<16xi32>
        %parallel_loop3A_823 = tpu.vector_load_idx %arg7[%parallel_loop3A_762, %parallel_loop3A_822] : memref<512x32xf32, #tpu.memory_space<vmem>>[vector<16xi32>, vector<16xi32>], vector<16xf32>,
        %parallel_loop3A_824 = arith.constant 0 : i32
        %parallel_loop3A_825 = arith.addi %parallel_loop3A_771, %parallel_loop3A_824 : i32
        %parallel_loop3A_826 = vector.broadcast %parallel_loop3A_825 : i32 to vector<16xi32>
        %parallel_loop3A_827 = arith.addi %add3A_187, %parallel_loop3A_826 : vector<16xi32>
        tpu.vector_store_idx %arg9[%parallel_loop3A_827], %parallel_loop3A_823 : memref<16384xf32, #tpu.memory_space<vmem>>[vector<16xi32>], vector<16xf32>,
        %parallel_loop3A_828 = arith.constant 0 : i32
        %parallel_loop3A_829 = vector.broadcast %parallel_loop3A_828 : i32 to vector<16xi32>
        %parallel_loop3A_830 = arith.addi %xor3A_25, %parallel_loop3A_829 : vector<16xi32>
        %parallel_loop3A_831 = tpu.vector_load_idx %arg7[%parallel_loop3A_762, %parallel_loop3A_830] : memref<512x32xf32, #tpu.memory_space<vmem>>[vector<16xi32>, vector<16xi32>], vector<16xf32>,
        %parallel_loop3A_832 = arith.constant 0 : i32
        %parallel_loop3A_833 = arith.addi %parallel_loop3A_771, %parallel_loop3A_832 : i32
        %parallel_loop3A_834 = vector.broadcast %parallel_loop3A_833 : i32 to vector<16xi32>
        %parallel_loop3A_835 = arith.addi %add3A_207, %parallel_loop3A_834 : vector<16xi32>
        tpu.vector_store_idx %arg9[%parallel_loop3A_835], %parallel_loop3A_831 : memref<16384xf32, #tpu.memory_space<vmem>>[vector<16xi32>], vector<16xf32>,
        %parallel_loop3A_836 = arith.constant 0 : i32
        %parallel_loop3A_837 = vector.broadcast %parallel_loop3A_836 : i32 to vector<16xi32>
        %parallel_loop3A_838 = arith.addi %xor3A_28, %parallel_loop3A_837 : vector<16xi32>
        %parallel_loop3A_839 = tpu.vector_load_idx %arg7[%parallel_loop3A_762, %parallel_loop3A_838] : memref<512x32xf32, #tpu.memory_space<vmem>>[vector<16xi32>, vector<16xi32>], vector<16xf32>,
        %parallel_loop3A_840 = arith.constant 0 : i32
        %parallel_loop3A_841 = arith.addi %parallel_loop3A_771, %parallel_loop3A_840 : i32
        %parallel_loop3A_842 = vector.broadcast %parallel_loop3A_841 : i32 to vector<16xi32>
        %parallel_loop3A_843 = arith.addi %add3A_227, %parallel_loop3A_842 : vector<16xi32>
        tpu.vector_store_idx %arg9[%parallel_loop3A_843], %parallel_loop3A_839 : memref<16384xf32, #tpu.memory_space<vmem>>[vector<16xi32>], vector<16xf32>,
        %parallel_loop3A_844 = arith.constant 0 : i32
        %parallel_loop3A_845 = vector.broadcast %parallel_loop3A_844 : i32 to vector<16xi32>
        %parallel_loop3A_846 = arith.addi %xor3A_31, %parallel_loop3A_845 : vector<16xi32>
        %parallel_loop3A_847 = tpu.vector_load_idx %arg7[%parallel_loop3A_762, %parallel_loop3A_846] : memref<512x32xf32, #tpu.memory_space<vmem>>[vector<16xi32>, vector<16xi32>], vector<16xf32>,
        %parallel_loop3A_848 = arith.constant 0 : i32
        %parallel_loop3A_849 = arith.addi %parallel_loop3A_771, %parallel_loop3A_848 : i32
        %parallel_loop3A_850 = vector.broadcast %parallel_loop3A_849 : i32 to vector<16xi32>
        %parallel_loop3A_851 = arith.addi %add3A_247, %parallel_loop3A_850 : vector<16xi32>
        tpu.vector_store_idx %arg9[%parallel_loop3A_851], %parallel_loop3A_847 : memref<16384xf32, #tpu.memory_space<vmem>>[vector<16xi32>], vector<16xf32>,
        %parallel_loop3A_852 = arith.constant 0 : i32
        %parallel_loop3A_853 = vector.broadcast %parallel_loop3A_852 : i32 to vector<16xi32>
        %parallel_loop3A_854 = arith.addi %xor3A_34, %parallel_loop3A_853 : vector<16xi32>
        %parallel_loop3A_855 = tpu.vector_load_idx %arg7[%parallel_loop3A_762, %parallel_loop3A_854] : memref<512x32xf32, #tpu.memory_space<vmem>>[vector<16xi32>, vector<16xi32>], vector<16xf32>,
        %parallel_loop3A_856 = arith.constant 0 : i32
        %parallel_loop3A_857 = arith.addi %parallel_loop3A_771, %parallel_loop3A_856 : i32
        %parallel_loop3A_858 = vector.broadcast %parallel_loop3A_857 : i32 to vector<16xi32>
        %parallel_loop3A_859 = arith.addi %add3A_267, %parallel_loop3A_858 : vector<16xi32>
        tpu.vector_store_idx %arg9[%parallel_loop3A_859], %parallel_loop3A_855 : memref<16384xf32, #tpu.memory_space<vmem>>[vector<16xi32>], vector<16xf32>,
        %parallel_loop3A_860 = arith.constant 0 : i32
        %parallel_loop3A_861 = vector.broadcast %parallel_loop3A_860 : i32 to vector<16xi32>
        %parallel_loop3A_862 = arith.addi %xor3A_37, %parallel_loop3A_861 : vector<16xi32>
        %parallel_loop3A_863 = tpu.vector_load_idx %arg7[%parallel_loop3A_762, %parallel_loop3A_862] : memref<512x32xf32, #tpu.memory_space<vmem>>[vector<16xi32>, vector<16xi32>], vector<16xf32>,
        %parallel_loop3A_864 = arith.constant 0 : i32
        %parallel_loop3A_865 = arith.addi %parallel_loop3A_771, %parallel_loop3A_864 : i32
        %parallel_loop3A_866 = vector.broadcast %parallel_loop3A_865 : i32 to vector<16xi32>
        %parallel_loop3A_867 = arith.addi %add3A_287, %parallel_loop3A_866 : vector<16xi32>
        tpu.vector_store_idx %arg9[%parallel_loop3A_867], %parallel_loop3A_863 : memref<16384xf32, #tpu.memory_space<vmem>>[vector<16xi32>], vector<16xf32>,
        %parallel_loop3A_868 = arith.constant 0 : i32
        %parallel_loop3A_869 = vector.broadcast %parallel_loop3A_868 : i32 to vector<16xi32>
        %parallel_loop3A_870 = arith.addi %xor3A_40, %parallel_loop3A_869 : vector<16xi32>
        %parallel_loop3A_871 = tpu.vector_load_idx %arg7[%parallel_loop3A_762, %parallel_loop3A_870] : memref<512x32xf32, #tpu.memory_space<vmem>>[vector<16xi32>, vector<16xi32>], vector<16xf32>,
        %parallel_loop3A_872 = arith.constant 0 : i32
        %parallel_loop3A_873 = arith.addi %parallel_loop3A_771, %parallel_loop3A_872 : i32
        %parallel_loop3A_874 = vector.broadcast %parallel_loop3A_873 : i32 to vector<16xi32>
        %parallel_loop3A_875 = arith.addi %add3A_307, %parallel_loop3A_874 : vector<16xi32>
        tpu.vector_store_idx %arg9[%parallel_loop3A_875], %parallel_loop3A_871 : memref<16384xf32, #tpu.memory_space<vmem>>[vector<16xi32>], vector<16xf32>,
        %parallel_loop3A_876 = arith.constant 0 : i32
        %parallel_loop3A_877 = vector.broadcast %parallel_loop3A_876 : i32 to vector<16xi32>
        %parallel_loop3A_878 = arith.addi %xor3A_43, %parallel_loop3A_877 : vector<16xi32>
        %parallel_loop3A_879 = tpu.vector_load_idx %arg7[%parallel_loop3A_762, %parallel_loop3A_878] : memref<512x32xf32, #tpu.memory_space<vmem>>[vector<16xi32>, vector<16xi32>], vector<16xf32>,
        %parallel_loop3A_880 = arith.constant 0 : i32
        %parallel_loop3A_881 = arith.addi %parallel_loop3A_771, %parallel_loop3A_880 : i32
        %parallel_loop3A_882 = vector.broadcast %parallel_loop3A_881 : i32 to vector<16xi32>
        %parallel_loop3A_883 = arith.addi %add3A_327, %parallel_loop3A_882 : vector<16xi32>
        tpu.vector_store_idx %arg9[%parallel_loop3A_883], %parallel_loop3A_879 : memref<16384xf32, #tpu.memory_space<vmem>>[vector<16xi32>], vector<16xf32>,
        %parallel_loop3A_884 = arith.constant 0 : i32
        %parallel_loop3A_885 = vector.broadcast %parallel_loop3A_884 : i32 to vector<16xi32>
        %parallel_loop3A_886 = arith.addi %xor3A_46, %parallel_loop3A_885 : vector<16xi32>
        %parallel_loop3A_887 = tpu.vector_load_idx %arg7[%parallel_loop3A_762, %parallel_loop3A_886] : memref<512x32xf32, #tpu.memory_space<vmem>>[vector<16xi32>, vector<16xi32>], vector<16xf32>,
        %parallel_loop3A_888 = arith.constant 0 : i32
        %parallel_loop3A_889 = arith.addi %parallel_loop3A_771, %parallel_loop3A_888 : i32
        %parallel_loop3A_890 = vector.broadcast %parallel_loop3A_889 : i32 to vector<16xi32>
        %parallel_loop3A_891 = arith.addi %add3A_347, %parallel_loop3A_890 : vector<16xi32>
        tpu.vector_store_idx %arg9[%parallel_loop3A_891], %parallel_loop3A_887 : memref<16384xf32, #tpu.memory_space<vmem>>[vector<16xi32>], vector<16xf32>,
        %parallel_loop3A_892 = arith.constant 0 : i32
        %parallel_loop3A_893 = vector.broadcast %parallel_loop3A_892 : i32 to vector<16xi32>
        %parallel_loop3A_894 = arith.addi %xor3A_49, %parallel_loop3A_893 : vector<16xi32>
        %parallel_loop3A_895 = tpu.vector_load_idx %arg7[%parallel_loop3A_762, %parallel_loop3A_894] : memref<512x32xf32, #tpu.memory_space<vmem>>[vector<16xi32>, vector<16xi32>], vector<16xf32>,
        %parallel_loop3A_896 = arith.constant 0 : i32
        %parallel_loop3A_897 = arith.addi %parallel_loop3A_771, %parallel_loop3A_896 : i32
        %parallel_loop3A_898 = vector.broadcast %parallel_loop3A_897 : i32 to vector<16xi32>
        %parallel_loop3A_899 = arith.addi %add3A_367, %parallel_loop3A_898 : vector<16xi32>
        tpu.vector_store_idx %arg9[%parallel_loop3A_899], %parallel_loop3A_895 : memref<16384xf32, #tpu.memory_space<vmem>>[vector<16xi32>], vector<16xf32>,
        %parallel_loop3A_900 = arith.constant 16 : i32
        %parallel_loop3A_901 = vector.broadcast %parallel_loop3A_900 : i32 to vector<16xi32>
        %parallel_loop3A_902 = arith.addi %xor3A_4, %parallel_loop3A_901 : vector<16xi32>
        %parallel_loop3A_903 = tpu.vector_load_idx %arg7[%parallel_loop3A_762, %parallel_loop3A_902] : memref<512x32xf32, #tpu.memory_space<vmem>>[vector<16xi32>, vector<16xi32>], vector<16xf32>,
        %parallel_loop3A_904 = arith.constant 8192 : i32
        %parallel_loop3A_905 = arith.addi %parallel_loop3A_771, %parallel_loop3A_904 : i32
        %parallel_loop3A_906 = vector.broadcast %parallel_loop3A_905 : i32 to vector<16xi32>
        %parallel_loop3A_907 = arith.addi %add3A_67, %parallel_loop3A_906 : vector<16xi32>
        tpu.vector_store_idx %arg9[%parallel_loop3A_907], %parallel_loop3A_903 : memref<16384xf32, #tpu.memory_space<vmem>>[vector<16xi32>], vector<16xf32>,
        %parallel_loop3A_908 = arith.constant 16 : i32
        %parallel_loop3A_909 = vector.broadcast %parallel_loop3A_908 : i32 to vector<16xi32>
        %parallel_loop3A_910 = arith.addi %xor3A_7, %parallel_loop3A_909 : vector<16xi32>
        %parallel_loop3A_911 = tpu.vector_load_idx %arg7[%parallel_loop3A_762, %parallel_loop3A_910] : memref<512x32xf32, #tpu.memory_space<vmem>>[vector<16xi32>, vector<16xi32>], vector<16xf32>,
        %parallel_loop3A_912 = arith.constant 8192 : i32
        %parallel_loop3A_913 = arith.addi %parallel_loop3A_771, %parallel_loop3A_912 : i32
        %parallel_loop3A_914 = vector.broadcast %parallel_loop3A_913 : i32 to vector<16xi32>
        %parallel_loop3A_915 = arith.addi %add3A_87, %parallel_loop3A_914 : vector<16xi32>
        tpu.vector_store_idx %arg9[%parallel_loop3A_915], %parallel_loop3A_911 : memref<16384xf32, #tpu.memory_space<vmem>>[vector<16xi32>], vector<16xf32>,
        %parallel_loop3A_916 = arith.constant 16 : i32
        %parallel_loop3A_917 = vector.broadcast %parallel_loop3A_916 : i32 to vector<16xi32>
        %parallel_loop3A_918 = arith.addi %xor3A_10, %parallel_loop3A_917 : vector<16xi32>
        %parallel_loop3A_919 = tpu.vector_load_idx %arg7[%parallel_loop3A_762, %parallel_loop3A_918] : memref<512x32xf32, #tpu.memory_space<vmem>>[vector<16xi32>, vector<16xi32>], vector<16xf32>,
        %parallel_loop3A_920 = arith.constant 8192 : i32
        %parallel_loop3A_921 = arith.addi %parallel_loop3A_771, %parallel_loop3A_920 : i32
        %parallel_loop3A_922 = vector.broadcast %parallel_loop3A_921 : i32 to vector<16xi32>
        %parallel_loop3A_923 = arith.addi %add3A_107, %parallel_loop3A_922 : vector<16xi32>
        tpu.vector_store_idx %arg9[%parallel_loop3A_923], %parallel_loop3A_919 : memref<16384xf32, #tpu.memory_space<vmem>>[vector<16xi32>], vector<16xf32>,
        %parallel_loop3A_924 = arith.constant 16 : i32
        %parallel_loop3A_925 = vector.broadcast %parallel_loop3A_924 : i32 to vector<16xi32>
        %parallel_loop3A_926 = arith.addi %xor3A_13, %parallel_loop3A_925 : vector<16xi32>
        %parallel_loop3A_927 = tpu.vector_load_idx %arg7[%parallel_loop3A_762, %parallel_loop3A_926] : memref<512x32xf32, #tpu.memory_space<vmem>>[vector<16xi32>, vector<16xi32>], vector<16xf32>,
        %parallel_loop3A_928 = arith.constant 8192 : i32
        %parallel_loop3A_929 = arith.addi %parallel_loop3A_771, %parallel_loop3A_928 : i32
        %parallel_loop3A_930 = vector.broadcast %parallel_loop3A_929 : i32 to vector<16xi32>
        %parallel_loop3A_931 = arith.addi %add3A_127, %parallel_loop3A_930 : vector<16xi32>
        tpu.vector_store_idx %arg9[%parallel_loop3A_931], %parallel_loop3A_927 : memref<16384xf32, #tpu.memory_space<vmem>>[vector<16xi32>], vector<16xf32>,
        %parallel_loop3A_932 = arith.constant 16 : i32
        %parallel_loop3A_933 = vector.broadcast %parallel_loop3A_932 : i32 to vector<16xi32>
        %parallel_loop3A_934 = arith.addi %xor3A_16, %parallel_loop3A_933 : vector<16xi32>
        %parallel_loop3A_935 = tpu.vector_load_idx %arg7[%parallel_loop3A_762, %parallel_loop3A_934] : memref<512x32xf32, #tpu.memory_space<vmem>>[vector<16xi32>, vector<16xi32>], vector<16xf32>,
        %parallel_loop3A_936 = arith.constant 8192 : i32
        %parallel_loop3A_937 = arith.addi %parallel_loop3A_771, %parallel_loop3A_936 : i32
        %parallel_loop3A_938 = vector.broadcast %parallel_loop3A_937 : i32 to vector<16xi32>
        %parallel_loop3A_939 = arith.addi %add3A_147, %parallel_loop3A_938 : vector<16xi32>
        tpu.vector_store_idx %arg9[%parallel_loop3A_939], %parallel_loop3A_935 : memref<16384xf32, #tpu.memory_space<vmem>>[vector<16xi32>], vector<16xf32>,
        %parallel_loop3A_940 = arith.constant 16 : i32
        %parallel_loop3A_941 = vector.broadcast %parallel_loop3A_940 : i32 to vector<16xi32>
        %parallel_loop3A_942 = arith.addi %xor3A_19, %parallel_loop3A_941 : vector<16xi32>
        %parallel_loop3A_943 = tpu.vector_load_idx %arg7[%parallel_loop3A_762, %parallel_loop3A_942] : memref<512x32xf32, #tpu.memory_space<vmem>>[vector<16xi32>, vector<16xi32>], vector<16xf32>,
        %parallel_loop3A_944 = arith.constant 8192 : i32
        %parallel_loop3A_945 = arith.addi %parallel_loop3A_771, %parallel_loop3A_944 : i32
        %parallel_loop3A_946 = vector.broadcast %parallel_loop3A_945 : i32 to vector<16xi32>
        %parallel_loop3A_947 = arith.addi %add3A_167, %parallel_loop3A_946 : vector<16xi32>
        tpu.vector_store_idx %arg9[%parallel_loop3A_947], %parallel_loop3A_943 : memref<16384xf32, #tpu.memory_space<vmem>>[vector<16xi32>], vector<16xf32>,
        %parallel_loop3A_948 = arith.constant 16 : i32
        %parallel_loop3A_949 = vector.broadcast %parallel_loop3A_948 : i32 to vector<16xi32>
        %parallel_loop3A_950 = arith.addi %xor3A_22, %parallel_loop3A_949 : vector<16xi32>
        %parallel_loop3A_951 = tpu.vector_load_idx %arg7[%parallel_loop3A_762, %parallel_loop3A_950] : memref<512x32xf32, #tpu.memory_space<vmem>>[vector<16xi32>, vector<16xi32>], vector<16xf32>,
        %parallel_loop3A_952 = arith.constant 8192 : i32
        %parallel_loop3A_953 = arith.addi %parallel_loop3A_771, %parallel_loop3A_952 : i32
        %parallel_loop3A_954 = vector.broadcast %parallel_loop3A_953 : i32 to vector<16xi32>
        %parallel_loop3A_955 = arith.addi %add3A_187, %parallel_loop3A_954 : vector<16xi32>
        tpu.vector_store_idx %arg9[%parallel_loop3A_955], %parallel_loop3A_951 : memref<16384xf32, #tpu.memory_space<vmem>>[vector<16xi32>], vector<16xf32>,
        %parallel_loop3A_956 = arith.constant 16 : i32
        %parallel_loop3A_957 = vector.broadcast %parallel_loop3A_956 : i32 to vector<16xi32>
        %parallel_loop3A_958 = arith.addi %xor3A_25, %parallel_loop3A_957 : vector<16xi32>
        %parallel_loop3A_959 = tpu.vector_load_idx %arg7[%parallel_loop3A_762, %parallel_loop3A_958] : memref<512x32xf32, #tpu.memory_space<vmem>>[vector<16xi32>, vector<16xi32>], vector<16xf32>,
        %parallel_loop3A_960 = arith.constant 8192 : i32
        %parallel_loop3A_961 = arith.addi %parallel_loop3A_771, %parallel_loop3A_960 : i32
        %parallel_loop3A_962 = vector.broadcast %parallel_loop3A_961 : i32 to vector<16xi32>
        %parallel_loop3A_963 = arith.addi %add3A_207, %parallel_loop3A_962 : vector<16xi32>
        tpu.vector_store_idx %arg9[%parallel_loop3A_963], %parallel_loop3A_959 : memref<16384xf32, #tpu.memory_space<vmem>>[vector<16xi32>], vector<16xf32>,
        %parallel_loop3A_964 = arith.constant 16 : i32
        %parallel_loop3A_965 = vector.broadcast %parallel_loop3A_964 : i32 to vector<16xi32>
        %parallel_loop3A_966 = arith.addi %xor3A_28, %parallel_loop3A_965 : vector<16xi32>
        %parallel_loop3A_967 = tpu.vector_load_idx %arg7[%parallel_loop3A_762, %parallel_loop3A_966] : memref<512x32xf32, #tpu.memory_space<vmem>>[vector<16xi32>, vector<16xi32>], vector<16xf32>,
        %parallel_loop3A_968 = arith.constant 8192 : i32
        %parallel_loop3A_969 = arith.addi %parallel_loop3A_771, %parallel_loop3A_968 : i32
        %parallel_loop3A_970 = vector.broadcast %parallel_loop3A_969 : i32 to vector<16xi32>
        %parallel_loop3A_971 = arith.addi %add3A_227, %parallel_loop3A_970 : vector<16xi32>
        tpu.vector_store_idx %arg9[%parallel_loop3A_971], %parallel_loop3A_967 : memref<16384xf32, #tpu.memory_space<vmem>>[vector<16xi32>], vector<16xf32>,
        %parallel_loop3A_972 = arith.constant 16 : i32
        %parallel_loop3A_973 = vector.broadcast %parallel_loop3A_972 : i32 to vector<16xi32>
        %parallel_loop3A_974 = arith.addi %xor3A_31, %parallel_loop3A_973 : vector<16xi32>
        %parallel_loop3A_975 = tpu.vector_load_idx %arg7[%parallel_loop3A_762, %parallel_loop3A_974] : memref<512x32xf32, #tpu.memory_space<vmem>>[vector<16xi32>, vector<16xi32>], vector<16xf32>,
        %parallel_loop3A_976 = arith.constant 8192 : i32
        %parallel_loop3A_977 = arith.addi %parallel_loop3A_771, %parallel_loop3A_976 : i32
        %parallel_loop3A_978 = vector.broadcast %parallel_loop3A_977 : i32 to vector<16xi32>
        %parallel_loop3A_979 = arith.addi %add3A_247, %parallel_loop3A_978 : vector<16xi32>
        tpu.vector_store_idx %arg9[%parallel_loop3A_979], %parallel_loop3A_975 : memref<16384xf32, #tpu.memory_space<vmem>>[vector<16xi32>], vector<16xf32>,
        %parallel_loop3A_980 = arith.constant 16 : i32
        %parallel_loop3A_981 = vector.broadcast %parallel_loop3A_980 : i32 to vector<16xi32>
        %parallel_loop3A_982 = arith.addi %xor3A_34, %parallel_loop3A_981 : vector<16xi32>
        %parallel_loop3A_983 = tpu.vector_load_idx %arg7[%parallel_loop3A_762, %parallel_loop3A_982] : memref<512x32xf32, #tpu.memory_space<vmem>>[vector<16xi32>, vector<16xi32>], vector<16xf32>,
        %parallel_loop3A_984 = arith.constant 8192 : i32
        %parallel_loop3A_985 = arith.addi %parallel_loop3A_771, %parallel_loop3A_984 : i32
        %parallel_loop3A_986 = vector.broadcast %parallel_loop3A_985 : i32 to vector<16xi32>
        %parallel_loop3A_987 = arith.addi %add3A_267, %parallel_loop3A_986 : vector<16xi32>
        tpu.vector_store_idx %arg9[%parallel_loop3A_987], %parallel_loop3A_983 : memref<16384xf32, #tpu.memory_space<vmem>>[vector<16xi32>], vector<16xf32>,
        %parallel_loop3A_988 = arith.constant 16 : i32
        %parallel_loop3A_989 = vector.broadcast %parallel_loop3A_988 : i32 to vector<16xi32>
        %parallel_loop3A_990 = arith.addi %xor3A_37, %parallel_loop3A_989 : vector<16xi32>
        %parallel_loop3A_991 = tpu.vector_load_idx %arg7[%parallel_loop3A_762, %parallel_loop3A_990] : memref<512x32xf32, #tpu.memory_space<vmem>>[vector<16xi32>, vector<16xi32>], vector<16xf32>,
        %parallel_loop3A_992 = arith.constant 8192 : i32
        %parallel_loop3A_993 = arith.addi %parallel_loop3A_771, %parallel_loop3A_992 : i32
        %parallel_loop3A_994 = vector.broadcast %parallel_loop3A_993 : i32 to vector<16xi32>
        %parallel_loop3A_995 = arith.addi %add3A_287, %parallel_loop3A_994 : vector<16xi32>
        tpu.vector_store_idx %arg9[%parallel_loop3A_995], %parallel_loop3A_991 : memref<16384xf32, #tpu.memory_space<vmem>>[vector<16xi32>], vector<16xf32>,
        %parallel_loop3A_996 = arith.constant 16 : i32
        %parallel_loop3A_997 = vector.broadcast %parallel_loop3A_996 : i32 to vector<16xi32>
        %parallel_loop3A_998 = arith.addi %xor3A_40, %parallel_loop3A_997 : vector<16xi32>
        %parallel_loop3A_999 = tpu.vector_load_idx %arg7[%parallel_loop3A_762, %parallel_loop3A_998] : memref<512x32xf32, #tpu.memory_space<vmem>>[vector<16xi32>, vector<16xi32>], vector<16xf32>,
        %parallel_loop3A_1000 = arith.constant 8192 : i32
        %parallel_loop3A_1001 = arith.addi %parallel_loop3A_771, %parallel_loop3A_1000 : i32
        %parallel_loop3A_1002 = vector.broadcast %parallel_loop3A_1001 : i32 to vector<16xi32>
        %parallel_loop3A_1003 = arith.addi %add3A_307, %parallel_loop3A_1002 : vector<16xi32>
        tpu.vector_store_idx %arg9[%parallel_loop3A_1003], %parallel_loop3A_999 : memref<16384xf32, #tpu.memory_space<vmem>>[vector<16xi32>], vector<16xf32>,
        %parallel_loop3A_1004 = arith.constant 16 : i32
        %parallel_loop3A_1005 = vector.broadcast %parallel_loop3A_1004 : i32 to vector<16xi32>
        %parallel_loop3A_1006 = arith.addi %xor3A_43, %parallel_loop3A_1005 : vector<16xi32>
        %parallel_loop3A_1007 = tpu.vector_load_idx %arg7[%parallel_loop3A_762, %parallel_loop3A_1006] : memref<512x32xf32, #tpu.memory_space<vmem>>[vector<16xi32>, vector<16xi32>], vector<16xf32>,
        %parallel_loop3A_1008 = arith.constant 8192 : i32
        %parallel_loop3A_1009 = arith.addi %parallel_loop3A_771, %parallel_loop3A_1008 : i32
        %parallel_loop3A_1010 = vector.broadcast %parallel_loop3A_1009 : i32 to vector<16xi32>
        %parallel_loop3A_1011 = arith.addi %add3A_327, %parallel_loop3A_1010 : vector<16xi32>
        tpu.vector_store_idx %arg9[%parallel_loop3A_1011], %parallel_loop3A_1007 : memref<16384xf32, #tpu.memory_space<vmem>>[vector<16xi32>], vector<16xf32>,
        %parallel_loop3A_1012 = arith.constant 16 : i32
        %parallel_loop3A_1013 = vector.broadcast %parallel_loop3A_1012 : i32 to vector<16xi32>
        %parallel_loop3A_1014 = arith.addi %xor3A_46, %parallel_loop3A_1013 : vector<16xi32>
        %parallel_loop3A_1015 = tpu.vector_load_idx %arg7[%parallel_loop3A_762, %parallel_loop3A_1014] : memref<512x32xf32, #tpu.memory_space<vmem>>[vector<16xi32>, vector<16xi32>], vector<16xf32>,
        %parallel_loop3A_1016 = arith.constant 8192 : i32
        %parallel_loop3A_1017 = arith.addi %parallel_loop3A_771, %parallel_loop3A_1016 : i32
        %parallel_loop3A_1018 = vector.broadcast %parallel_loop3A_1017 : i32 to vector<16xi32>
        %parallel_loop3A_1019 = arith.addi %add3A_347, %parallel_loop3A_1018 : vector<16xi32>
        tpu.vector_store_idx %arg9[%parallel_loop3A_1019], %parallel_loop3A_1015 : memref<16384xf32, #tpu.memory_space<vmem>>[vector<16xi32>], vector<16xf32>,
        %parallel_loop3A_1020 = arith.constant 16 : i32
        %parallel_loop3A_1021 = vector.broadcast %parallel_loop3A_1020 : i32 to vector<16xi32>
        %parallel_loop3A_1022 = arith.addi %xor3A_49, %parallel_loop3A_1021 : vector<16xi32>
        %parallel_loop3A_1023 = tpu.vector_load_idx %arg7[%parallel_loop3A_762, %parallel_loop3A_1022] : memref<512x32xf32, #tpu.memory_space<vmem>>[vector<16xi32>, vector<16xi32>], vector<16xf32>,
        %parallel_loop3A_1024 = arith.constant 8192 : i32
        %parallel_loop3A_1025 = arith.addi %parallel_loop3A_771, %parallel_loop3A_1024 : i32
        %parallel_loop3A_1026 = vector.broadcast %parallel_loop3A_1025 : i32 to vector<16xi32>
        %parallel_loop3A_1027 = arith.addi %add3A_367, %parallel_loop3A_1026 : vector<16xi32>
        tpu.vector_store_idx %arg9[%parallel_loop3A_1027], %parallel_loop3A_1023 : memref<16384xf32, #tpu.memory_space<vmem>>[vector<16xi32>], vector<16xf32>,
      } {sc.loop_unroll_factor = 2 : i64, sc.parallel_access}
      %dma_start3A_657 = arith.constant 0 : i32
      %dma_start3A_658 = arith.constant 0 : i32
      %dma_start3A_659 = tpu.memref_slice %arg9[%dma_start3A_658] : memref<16384xf32, #tpu.memory_space<vmem>> -> memref<4096xf32, #tpu.memory_space<vmem>>
      %dma_start3A_660 = tpu.memref_slice %arg4[%mul3A_636, %dma_start3A_657, %mul3A_2] : memref<200x4x131072xf32, #tpu.memory_space<hbm>> -> memref<1x1x4096xf32, #tpu.memory_space<hbm>>
      %dma_start3A_661 = tpu.memref_squeeze %dma_start3A_660 : memref<1x1x4096xf32, #tpu.memory_space<hbm>> -> memref<4096xf32, #tpu.memory_space<hbm>>
      %dma_start3A_662 = tpu.memref_slice %arg4[%mul3A_636, %dma_start3A_657, %mul3A_2] : memref<200x4x131072xf32, #tpu.memory_space<hbm>> -> memref<1x1x4096xf32, #tpu.memory_space<hbm>>
      %dma_start3A_663 = tpu.memref_squeeze %dma_start3A_662 : memref<1x1x4096xf32, #tpu.memory_space<hbm>> -> memref<4096xf32, #tpu.memory_space<hbm>>
      %dma_start3A_664 = arith.constant 0 : i32
      %dma_start3A_665 = tpu.memref_slice %arg9[%dma_start3A_664] : memref<16384xf32, #tpu.memory_space<vmem>> -> memref<4096xf32, #tpu.memory_space<vmem>>
      tpu.enqueue_dma source(%dma_start3A_665 : memref<4096xf32, #tpu.memory_space<vmem>>) target(%dma_start3A_663 : memref<4096xf32, #tpu.memory_space<hbm>>) target_semaphore(%arg15 : memref<!tpu.dma_semaphore, #tpu.memory_space<semaphore_mem>>)
      %dma_start3A_666 = arith.constant 1 : i32
      %dma_start3A_667 = arith.constant 4096 : i32
      %dma_start3A_668 = tpu.memref_slice %arg9[%dma_start3A_667] : memref<16384xf32, #tpu.memory_space<vmem>> -> memref<4096xf32, #tpu.memory_space<vmem>>
      %dma_start3A_669 = tpu.memref_slice %arg4[%mul3A_636, %dma_start3A_666, %mul3A_2] : memref<200x4x131072xf32, #tpu.memory_space<hbm>> -> memref<1x1x4096xf32, #tpu.memory_space<hbm>>
      %dma_start3A_670 = tpu.memref_squeeze %dma_start3A_669 : memref<1x1x4096xf32, #tpu.memory_space<hbm>> -> memref<4096xf32, #tpu.memory_space<hbm>>
      %dma_start3A_671 = tpu.memref_slice %arg4[%mul3A_636, %dma_start3A_666, %mul3A_2] : memref<200x4x131072xf32, #tpu.memory_space<hbm>> -> memref<1x1x4096xf32, #tpu.memory_space<hbm>>
      %dma_start3A_672 = tpu.memref_squeeze %dma_start3A_671 : memref<1x1x4096xf32, #tpu.memory_space<hbm>> -> memref<4096xf32, #tpu.memory_space<hbm>>
      %dma_start3A_673 = arith.constant 4096 : i32
      %dma_start3A_674 = tpu.memref_slice %arg9[%dma_start3A_673] : memref<16384xf32, #tpu.memory_space<vmem>> -> memref<4096xf32, #tpu.memory_space<vmem>>
      tpu.enqueue_dma source(%dma_start3A_674 : memref<4096xf32, #tpu.memory_space<vmem>>) target(%dma_start3A_672 : memref<4096xf32, #tpu.memory_space<hbm>>) target_semaphore(%arg15 : memref<!tpu.dma_semaphore, #tpu.memory_space<semaphore_mem>>)
      %dma_start3A_675 = arith.constant 2 : i32
      %dma_start3A_676 = arith.constant 8192 : i32
      %dma_start3A_677 = tpu.memref_slice %arg9[%dma_start3A_676] : memref<16384xf32, #tpu.memory_space<vmem>> -> memref<4096xf32, #tpu.memory_space<vmem>>
      %dma_start3A_678 = tpu.memref_slice %arg4[%mul3A_636, %dma_start3A_675, %mul3A_2] : memref<200x4x131072xf32, #tpu.memory_space<hbm>> -> memref<1x1x4096xf32, #tpu.memory_space<hbm>>
      %dma_start3A_679 = tpu.memref_squeeze %dma_start3A_678 : memref<1x1x4096xf32, #tpu.memory_space<hbm>> -> memref<4096xf32, #tpu.memory_space<hbm>>
      %dma_start3A_680 = tpu.memref_slice %arg4[%mul3A_636, %dma_start3A_675, %mul3A_2] : memref<200x4x131072xf32, #tpu.memory_space<hbm>> -> memref<1x1x4096xf32, #tpu.memory_space<hbm>>
      %dma_start3A_681 = tpu.memref_squeeze %dma_start3A_680 : memref<1x1x4096xf32, #tpu.memory_space<hbm>> -> memref<4096xf32, #tpu.memory_space<hbm>>
      %dma_start3A_682 = arith.constant 8192 : i32
      %dma_start3A_683 = tpu.memref_slice %arg9[%dma_start3A_682] : memref<16384xf32, #tpu.memory_space<vmem>> -> memref<4096xf32, #tpu.memory_space<vmem>>
      tpu.enqueue_dma source(%dma_start3A_683 : memref<4096xf32, #tpu.memory_space<vmem>>) target(%dma_start3A_681 : memref<4096xf32, #tpu.memory_space<hbm>>) target_semaphore(%arg15 : memref<!tpu.dma_semaphore, #tpu.memory_space<semaphore_mem>>)
      %dma_start3A_684 = arith.constant 3 : i32
      %dma_start3A_685 = arith.constant 12288 : i32
      %dma_start3A_686 = tpu.memref_slice %arg9[%dma_start3A_685] : memref<16384xf32, #tpu.memory_space<vmem>> -> memref<4096xf32, #tpu.memory_space<vmem>>
      %dma_start3A_687 = tpu.memref_slice %arg4[%mul3A_636, %dma_start3A_684, %mul3A_2] : memref<200x4x131072xf32, #tpu.memory_space<hbm>> -> memref<1x1x4096xf32, #tpu.memory_space<hbm>>
      %dma_start3A_688 = tpu.memref_squeeze %dma_start3A_687 : memref<1x1x4096xf32, #tpu.memory_space<hbm>> -> memref<4096xf32, #tpu.memory_space<hbm>>
      %dma_start3A_689 = tpu.memref_slice %arg4[%mul3A_636, %dma_start3A_684, %mul3A_2] : memref<200x4x131072xf32, #tpu.memory_space<hbm>> -> memref<1x1x4096xf32, #tpu.memory_space<hbm>>
      %dma_start3A_690 = tpu.memref_squeeze %dma_start3A_689 : memref<1x1x4096xf32, #tpu.memory_space<hbm>> -> memref<4096xf32, #tpu.memory_space<hbm>>
      %dma_start3A_691 = arith.constant 12288 : i32
      %dma_start3A_692 = tpu.memref_slice %arg9[%dma_start3A_691] : memref<16384xf32, #tpu.memory_space<vmem>> -> memref<4096xf32, #tpu.memory_space<vmem>>
      tpu.enqueue_dma source(%dma_start3A_692 : memref<4096xf32, #tpu.memory_space<vmem>>) target(%dma_start3A_690 : memref<4096xf32, #tpu.memory_space<hbm>>) target_semaphore(%arg15 : memref<!tpu.dma_semaphore, #tpu.memory_space<semaphore_mem>>)
      %mul3A_693 = arith.constant 2 : i32
      %mul3A_694 = arith.muli %mul3A_693, %scan3A_634 : i32
      %add3A_695 = arith.constant 1 : i32
      %add3A_696 = arith.addi %mul3A_694, %add3A_695 : i32
      %add3A_697 = arith.constant 1 : i32
      %add3A_698 = arith.addi %add3A_696, %add3A_697 : i32
      %lt3A_699 = arith.constant 200 : i32
      %lt3A_700 = arith.cmpi slt, %add3A_698, %lt3A_699 : i32
      %convert_element_type3A_701 = arith.extui %lt3A_700 : i1 to i32
      %cond3A_702 = arith.constant 0 : i32
      %cond3A_703 = arith.cmpi ne, %convert_element_type3A_701, %cond3A_702 : i32
      scf.if %cond3A_703 {
        %dma_wait3A_758 = arith.constant 0 : i32
        %dma_wait3A_759 = arith.constant 0 : i32
        %dma_wait3A_760 = arith.constant 0 : i32
        %dma_wait3A_761 = arith.constant 0 : i32
        %dma_wait3A_762 = tpu.memref_slice %arg5[%dma_wait3A_761] : memref<512xi32, #tpu.memory_space<vmem>> -> memref<128xi32, #tpu.memory_space<vmem>>
        %dma_wait3A_763 = arith.constant 0 : i32
        %dma_wait3A_764 = tpu.memref_slice %arg2[%dma_wait3A_758, %dma_wait3A_759, %dma_wait3A_760, %dma_wait3A_763] : memref<25x128x8x128xi32, #tpu.memory_space<hbm>> -> memref<1x1x1x128xi32, #tpu.memory_space<hbm>>
        %dma_wait3A_765 = tpu.memref_squeeze %dma_wait3A_764 : memref<1x1x1x128xi32, #tpu.memory_space<hbm>> -> memref<128xi32, #tpu.memory_space<hbm>>
        %dma_wait3A_766 = arith.constant 0 : i32
        %dma_wait3A_767 = tpu.memref_slice %arg5[%dma_wait3A_766] : memref<512xi32, #tpu.memory_space<vmem>> -> memref<128xi32, #tpu.memory_space<vmem>>
        %dma_wait3A_768 = arith.constant 0 : i32
        %dma_wait3A_769 = tpu.memref_slice %arg2[%dma_wait3A_758, %dma_wait3A_759, %dma_wait3A_760, %dma_wait3A_768] : memref<25x128x8x128xi32, #tpu.memory_space<hbm>> -> memref<1x1x1x128xi32, #tpu.memory_space<hbm>>
        %dma_wait3A_770 = tpu.memref_squeeze %dma_wait3A_769 : memref<1x1x1x128xi32, #tpu.memory_space<hbm>> -> memref<128xi32, #tpu.memory_space<hbm>>
        tpu.wait_dma2 semaphore(%arg11 : memref<!tpu.dma_semaphore, #tpu.memory_space<semaphore_mem>>) src(%dma_wait3A_770 : memref<128xi32, #tpu.memory_space<hbm>>) dst(%dma_wait3A_767 : memref<128xi32, #tpu.memory_space<vmem>>)
        %dma_wait3A_771 = arith.constant 0 : i32
        %dma_wait3A_772 = arith.constant 0 : i32
        %dma_wait3A_773 = arith.constant 0 : i32
        %dma_wait3A_774 = arith.constant 128 : i32
        %dma_wait3A_775 = tpu.memref_slice %arg5[%dma_wait3A_774] : memref<512xi32, #tpu.memory_space<vmem>> -> memref<128xi32, #tpu.memory_space<vmem>>
        %dma_wait3A_776 = arith.constant 0 : i32
        %dma_wait3A_777 = tpu.memref_slice %arg2[%dma_wait3A_771, %dma_wait3A_772, %dma_wait3A_773, %dma_wait3A_776] : memref<25x128x8x128xi32, #tpu.memory_space<hbm>> -> memref<1x1x1x128xi32, #tpu.memory_space<hbm>>
        %dma_wait3A_778 = tpu.memref_squeeze %dma_wait3A_777 : memref<1x1x1x128xi32, #tpu.memory_space<hbm>> -> memref<128xi32, #tpu.memory_space<hbm>>
        %dma_wait3A_779 = arith.constant 128 : i32
        %dma_wait3A_780 = tpu.memref_slice %arg5[%dma_wait3A_779] : memref<512xi32, #tpu.memory_space<vmem>> -> memref<128xi32, #tpu.memory_space<vmem>>
        %dma_wait3A_781 = arith.constant 0 : i32
        %dma_wait3A_782 = tpu.memref_slice %arg2[%dma_wait3A_771, %dma_wait3A_772, %dma_wait3A_773, %dma_wait3A_781] : memref<25x128x8x128xi32, #tpu.memory_space<hbm>> -> memref<1x1x1x128xi32, #tpu.memory_space<hbm>>
        %dma_wait3A_783 = tpu.memref_squeeze %dma_wait3A_782 : memref<1x1x1x128xi32, #tpu.memory_space<hbm>> -> memref<128xi32, #tpu.memory_space<hbm>>
        tpu.wait_dma2 semaphore(%arg11 : memref<!tpu.dma_semaphore, #tpu.memory_space<semaphore_mem>>) src(%dma_wait3A_783 : memref<128xi32, #tpu.memory_space<hbm>>) dst(%dma_wait3A_780 : memref<128xi32, #tpu.memory_space<vmem>>)
        %dma_wait3A_784 = arith.constant 0 : i32
        %dma_wait3A_785 = arith.constant 0 : i32
        %dma_wait3A_786 = arith.constant 0 : i32
        %dma_wait3A_787 = arith.constant 256 : i32
        %dma_wait3A_788 = tpu.memref_slice %arg5[%dma_wait3A_787] : memref<512xi32, #tpu.memory_space<vmem>> -> memref<128xi32, #tpu.memory_space<vmem>>
        %dma_wait3A_789 = arith.constant 0 : i32
        %dma_wait3A_790 = tpu.memref_slice %arg2[%dma_wait3A_784, %dma_wait3A_785, %dma_wait3A_786, %dma_wait3A_789] : memref<25x128x8x128xi32, #tpu.memory_space<hbm>> -> memref<1x1x1x128xi32, #tpu.memory_space<hbm>>
        %dma_wait3A_791 = tpu.memref_squeeze %dma_wait3A_790 : memref<1x1x1x128xi32, #tpu.memory_space<hbm>> -> memref<128xi32, #tpu.memory_space<hbm>>
        %dma_wait3A_792 = arith.constant 256 : i32
        %dma_wait3A_793 = tpu.memref_slice %arg5[%dma_wait3A_792] : memref<512xi32, #tpu.memory_space<vmem>> -> memref<128xi32, #tpu.memory_space<vmem>>
        %dma_wait3A_794 = arith.constant 0 : i32
        %dma_wait3A_795 = tpu.memref_slice %arg2[%dma_wait3A_784, %dma_wait3A_785, %dma_wait3A_786, %dma_wait3A_794] : memref<25x128x8x128xi32, #tpu.memory_space<hbm>> -> memref<1x1x1x128xi32, #tpu.memory_space<hbm>>
        %dma_wait3A_796 = tpu.memref_squeeze %dma_wait3A_795 : memref<1x1x1x128xi32, #tpu.memory_space<hbm>> -> memref<128xi32, #tpu.memory_space<hbm>>
        tpu.wait_dma2 semaphore(%arg11 : memref<!tpu.dma_semaphore, #tpu.memory_space<semaphore_mem>>) src(%dma_wait3A_796 : memref<128xi32, #tpu.memory_space<hbm>>) dst(%dma_wait3A_793 : memref<128xi32, #tpu.memory_space<vmem>>)
        %dma_wait3A_797 = arith.constant 0 : i32
        %dma_wait3A_798 = arith.constant 0 : i32
        %dma_wait3A_799 = arith.constant 0 : i32
        %dma_wait3A_800 = arith.constant 384 : i32
        %dma_wait3A_801 = tpu.memref_slice %arg5[%dma_wait3A_800] : memref<512xi32, #tpu.memory_space<vmem>> -> memref<128xi32, #tpu.memory_space<vmem>>
        %dma_wait3A_802 = arith.constant 0 : i32
        %dma_wait3A_803 = tpu.memref_slice %arg2[%dma_wait3A_797, %dma_wait3A_798, %dma_wait3A_799, %dma_wait3A_802] : memref<25x128x8x128xi32, #tpu.memory_space<hbm>> -> memref<1x1x1x128xi32, #tpu.memory_space<hbm>>
        %dma_wait3A_804 = tpu.memref_squeeze %dma_wait3A_803 : memref<1x1x1x128xi32, #tpu.memory_space<hbm>> -> memref<128xi32, #tpu.memory_space<hbm>>
        %dma_wait3A_805 = arith.constant 384 : i32
        %dma_wait3A_806 = tpu.memref_slice %arg5[%dma_wait3A_805] : memref<512xi32, #tpu.memory_space<vmem>> -> memref<128xi32, #tpu.memory_space<vmem>>
        %dma_wait3A_807 = arith.constant 0 : i32
        %dma_wait3A_808 = tpu.memref_slice %arg2[%dma_wait3A_797, %dma_wait3A_798, %dma_wait3A_799, %dma_wait3A_807] : memref<25x128x8x128xi32, #tpu.memory_space<hbm>> -> memref<1x1x1x128xi32, #tpu.memory_space<hbm>>
        %dma_wait3A_809 = tpu.memref_squeeze %dma_wait3A_808 : memref<1x1x1x128xi32, #tpu.memory_space<hbm>> -> memref<128xi32, #tpu.memory_space<hbm>>
        tpu.wait_dma2 semaphore(%arg11 : memref<!tpu.dma_semaphore, #tpu.memory_space<semaphore_mem>>) src(%dma_wait3A_809 : memref<128xi32, #tpu.memory_space<hbm>>) dst(%dma_wait3A_806 : memref<128xi32, #tpu.memory_space<vmem>>)
        %dma_start3A_810 = arith.constant 0 : i32
        %dma_start3A_811 = arith.constant 0 : i32
        %dma_start3A_812 = tpu.memref_slice %arg3[%dma_start3A_810, %dma_start3A_811] : memref<1000000x32xf32, #tpu.memory_space<hbm>> -> memref<1000000x32xf32, #tpu.memory_space<hbm>>
        tpu.enqueue_indirect_dma source(%dma_start3A_812 : memref<1000000x32xf32, #tpu.memory_space<hbm>>) target(%arg7 : memref<512x32xf32, #tpu.memory_space<vmem>>) offsets(%arg5 : memref<512xi32, #tpu.memory_space<vmem>>) semaphore(%arg13 : memref<!tpu.dma_semaphore, #tpu.memory_space<semaphore_mem>>)
      } else {
      }
      %dma_wait3A_704 = arith.constant 0 : i32
      %dma_wait3A_705 = arith.constant 0 : i32
      %dma_wait3A_706 = tpu.memref_slice %arg3[%dma_wait3A_704, %dma_wait3A_705] : memref<1000000x32xf32, #tpu.memory_space<hbm>> -> memref<1000000x32xf32, #tpu.memory_space<hbm>>
      tpu.wait_indirect_dma semaphore(%arg14 : memref<!tpu.dma_semaphore, #tpu.memory_space<semaphore_mem>>) src(%dma_wait3A_706 : memref<1000000x32xf32, #tpu.memory_space<hbm>>) dst(%arg8 : memref<512x32xf32, #tpu.memory_space<vmem>>)
      %add3A_707 = arith.constant 2 : i32
      %add3A_708 = arith.addi %add3A_696, %add3A_707 : i32
      %lt3A_709 = arith.constant 200 : i32
      %lt3A_710 = arith.cmpi slt, %add3A_708, %lt3A_709 : i32
      %convert_element_type3A_711 = arith.extui %lt3A_710 : i1 to i32
      %cond3A_712 = arith.constant 0 : i32
      %cond3A_713 = arith.cmpi ne, %convert_element_type3A_711, %cond3A_712 : i32
      scf.if %cond3A_713 {
        %add3A_758 = arith.constant 2 : i32
        %add3A_759 = arith.addi %add3A_696, %add3A_758 : i32
        %shift_right_arithmetic3A_760 = arith.constant 3 : i32
        %shift_right_arithmetic3A_761 = arith.shrsi %add3A_759, %shift_right_arithmetic3A_760 : i32
        %mul3A_762 = arith.constant 4 : i32
        %mul3A_763 = arith.muli %mul3A_762, %add3A : i32
        %add3A_764 = arith.constant 0 : i32
        %add3A_765 = arith.addi %mul3A_763, %add3A_764 : i32
        %and3A_766 = arith.constant 7 : i32
        %and3A_767 = arith.andi %add3A_759, %and3A_766 : i32
        %dma_start3A_768 = arith.constant 0 : i32
        %dma_start3A_769 = tpu.memref_slice %arg6[%dma_start3A_768] : memref<512xi32, #tpu.memory_space<vmem>> -> memref<128xi32, #tpu.memory_space<vmem>>
        %dma_start3A_770 = arith.constant 0 : i32
        %dma_start3A_771 = tpu.memref_slice %arg2[%shift_right_arithmetic3A_761, %add3A_765, %and3A_767, %dma_start3A_770] : memref<25x128x8x128xi32, #tpu.memory_space<hbm>> -> memref<1x1x1x128xi32, #tpu.memory_space<hbm>>
        %dma_start3A_772 = tpu.memref_squeeze %dma_start3A_771 : memref<1x1x1x128xi32, #tpu.memory_space<hbm>> -> memref<128xi32, #tpu.memory_space<hbm>>
        %dma_start3A_773 = arith.constant 0 : i32
        %dma_start3A_774 = tpu.memref_slice %arg6[%dma_start3A_773] : memref<512xi32, #tpu.memory_space<vmem>> -> memref<128xi32, #tpu.memory_space<vmem>>
        %dma_start3A_775 = arith.constant 0 : i32
        %dma_start3A_776 = tpu.memref_slice %arg2[%shift_right_arithmetic3A_761, %add3A_765, %and3A_767, %dma_start3A_775] : memref<25x128x8x128xi32, #tpu.memory_space<hbm>> -> memref<1x1x1x128xi32, #tpu.memory_space<hbm>>
        %dma_start3A_777 = tpu.memref_squeeze %dma_start3A_776 : memref<1x1x1x128xi32, #tpu.memory_space<hbm>> -> memref<128xi32, #tpu.memory_space<hbm>>
        tpu.enqueue_dma source(%dma_start3A_777 : memref<128xi32, #tpu.memory_space<hbm>>) target(%dma_start3A_774 : memref<128xi32, #tpu.memory_space<vmem>>) target_semaphore(%arg12 : memref<!tpu.dma_semaphore, #tpu.memory_space<semaphore_mem>>)
        %shift_right_arithmetic3A_778 = arith.constant 3 : i32
        %shift_right_arithmetic3A_779 = arith.shrsi %add3A_759, %shift_right_arithmetic3A_778 : i32
        %mul3A_780 = arith.constant 4 : i32
        %mul3A_781 = arith.muli %mul3A_780, %add3A : i32
        %add3A_782 = arith.constant 1 : i32
        %add3A_783 = arith.addi %mul3A_781, %add3A_782 : i32
        %and3A_784 = arith.constant 7 : i32
        %and3A_785 = arith.andi %add3A_759, %and3A_784 : i32
        %dma_start3A_786 = arith.constant 128 : i32
        %dma_start3A_787 = tpu.memref_slice %arg6[%dma_start3A_786] : memref<512xi32, #tpu.memory_space<vmem>> -> memref<128xi32, #tpu.memory_space<vmem>>
        %dma_start3A_788 = arith.constant 0 : i32
        %dma_start3A_789 = tpu.memref_slice %arg2[%shift_right_arithmetic3A_779, %add3A_783, %and3A_785, %dma_start3A_788] : memref<25x128x8x128xi32, #tpu.memory_space<hbm>> -> memref<1x1x1x128xi32, #tpu.memory_space<hbm>>
        %dma_start3A_790 = tpu.memref_squeeze %dma_start3A_789 : memref<1x1x1x128xi32, #tpu.memory_space<hbm>> -> memref<128xi32, #tpu.memory_space<hbm>>
        %dma_start3A_791 = arith.constant 128 : i32
        %dma_start3A_792 = tpu.memref_slice %arg6[%dma_start3A_791] : memref<512xi32, #tpu.memory_space<vmem>> -> memref<128xi32, #tpu.memory_space<vmem>>
        %dma_start3A_793 = arith.constant 0 : i32
        %dma_start3A_794 = tpu.memref_slice %arg2[%shift_right_arithmetic3A_779, %add3A_783, %and3A_785, %dma_start3A_793] : memref<25x128x8x128xi32, #tpu.memory_space<hbm>> -> memref<1x1x1x128xi32, #tpu.memory_space<hbm>>
        %dma_start3A_795 = tpu.memref_squeeze %dma_start3A_794 : memref<1x1x1x128xi32, #tpu.memory_space<hbm>> -> memref<128xi32, #tpu.memory_space<hbm>>
        tpu.enqueue_dma source(%dma_start3A_795 : memref<128xi32, #tpu.memory_space<hbm>>) target(%dma_start3A_792 : memref<128xi32, #tpu.memory_space<vmem>>) target_semaphore(%arg12 : memref<!tpu.dma_semaphore, #tpu.memory_space<semaphore_mem>>)
        %shift_right_arithmetic3A_796 = arith.constant 3 : i32
        %shift_right_arithmetic3A_797 = arith.shrsi %add3A_759, %shift_right_arithmetic3A_796 : i32
        %mul3A_798 = arith.constant 4 : i32
        %mul3A_799 = arith.muli %mul3A_798, %add3A : i32
        %add3A_800 = arith.constant 2 : i32
        %add3A_801 = arith.addi %mul3A_799, %add3A_800 : i32
        %and3A_802 = arith.constant 7 : i32
        %and3A_803 = arith.andi %add3A_759, %and3A_802 : i32
        %dma_start3A_804 = arith.constant 256 : i32
        %dma_start3A_805 = tpu.memref_slice %arg6[%dma_start3A_804] : memref<512xi32, #tpu.memory_space<vmem>> -> memref<128xi32, #tpu.memory_space<vmem>>
        %dma_start3A_806 = arith.constant 0 : i32
        %dma_start3A_807 = tpu.memref_slice %arg2[%shift_right_arithmetic3A_797, %add3A_801, %and3A_803, %dma_start3A_806] : memref<25x128x8x128xi32, #tpu.memory_space<hbm>> -> memref<1x1x1x128xi32, #tpu.memory_space<hbm>>
        %dma_start3A_808 = tpu.memref_squeeze %dma_start3A_807 : memref<1x1x1x128xi32, #tpu.memory_space<hbm>> -> memref<128xi32, #tpu.memory_space<hbm>>
        %dma_start3A_809 = arith.constant 256 : i32
        %dma_start3A_810 = tpu.memref_slice %arg6[%dma_start3A_809] : memref<512xi32, #tpu.memory_space<vmem>> -> memref<128xi32, #tpu.memory_space<vmem>>
        %dma_start3A_811 = arith.constant 0 : i32
        %dma_start3A_812 = tpu.memref_slice %arg2[%shift_right_arithmetic3A_797, %add3A_801, %and3A_803, %dma_start3A_811] : memref<25x128x8x128xi32, #tpu.memory_space<hbm>> -> memref<1x1x1x128xi32, #tpu.memory_space<hbm>>
        %dma_start3A_813 = tpu.memref_squeeze %dma_start3A_812 : memref<1x1x1x128xi32, #tpu.memory_space<hbm>> -> memref<128xi32, #tpu.memory_space<hbm>>
        tpu.enqueue_dma source(%dma_start3A_813 : memref<128xi32, #tpu.memory_space<hbm>>) target(%dma_start3A_810 : memref<128xi32, #tpu.memory_space<vmem>>) target_semaphore(%arg12 : memref<!tpu.dma_semaphore, #tpu.memory_space<semaphore_mem>>)
        %shift_right_arithmetic3A_814 = arith.constant 3 : i32
        %shift_right_arithmetic3A_815 = arith.shrsi %add3A_759, %shift_right_arithmetic3A_814 : i32
        %mul3A_816 = arith.constant 4 : i32
        %mul3A_817 = arith.muli %mul3A_816, %add3A : i32
        %add3A_818 = arith.constant 3 : i32
        %add3A_819 = arith.addi %mul3A_817, %add3A_818 : i32
        %and3A_820 = arith.constant 7 : i32
        %and3A_821 = arith.andi %add3A_759, %and3A_820 : i32
        %dma_start3A_822 = arith.constant 384 : i32
        %dma_start3A_823 = tpu.memref_slice %arg6[%dma_start3A_822] : memref<512xi32, #tpu.memory_space<vmem>> -> memref<128xi32, #tpu.memory_space<vmem>>
        %dma_start3A_824 = arith.constant 0 : i32
        %dma_start3A_825 = tpu.memref_slice %arg2[%shift_right_arithmetic3A_815, %add3A_819, %and3A_821, %dma_start3A_824] : memref<25x128x8x128xi32, #tpu.memory_space<hbm>> -> memref<1x1x1x128xi32, #tpu.memory_space<hbm>>
        %dma_start3A_826 = tpu.memref_squeeze %dma_start3A_825 : memref<1x1x1x128xi32, #tpu.memory_space<hbm>> -> memref<128xi32, #tpu.memory_space<hbm>>
        %dma_start3A_827 = arith.constant 384 : i32
        %dma_start3A_828 = tpu.memref_slice %arg6[%dma_start3A_827] : memref<512xi32, #tpu.memory_space<vmem>> -> memref<128xi32, #tpu.memory_space<vmem>>
        %dma_start3A_829 = arith.constant 0 : i32
        %dma_start3A_830 = tpu.memref_slice %arg2[%shift_right_arithmetic3A_815, %add3A_819, %and3A_821, %dma_start3A_829] : memref<25x128x8x128xi32, #tpu.memory_space<hbm>> -> memref<1x1x1x128xi32, #tpu.memory_space<hbm>>
        %dma_start3A_831 = tpu.memref_squeeze %dma_start3A_830 : memref<1x1x1x128xi32, #tpu.memory_space<hbm>> -> memref<128xi32, #tpu.memory_space<hbm>>
        tpu.enqueue_dma source(%dma_start3A_831 : memref<128xi32, #tpu.memory_space<hbm>>) target(%dma_start3A_828 : memref<128xi32, #tpu.memory_space<vmem>>) target_semaphore(%arg12 : memref<!tpu.dma_semaphore, #tpu.memory_space<semaphore_mem>>)
      } else {
      }
      %ge3A_714 = arith.constant 2 : i32
      %ge3A_715 = arith.cmpi sge, %add3A_696, %ge3A_714 : i32
      %convert_element_type3A_716 = arith.extui %ge3A_715 : i1 to i32
      %cond3A_717 = arith.constant 0 : i32
      %cond3A_718 = arith.cmpi ne, %convert_element_type3A_716, %cond3A_717 : i32
      scf.if %cond3A_718 {
        %dma_wait3A_758 = arith.constant 0 : i32
        %dma_wait3A_759 = arith.constant 0 : i32
        %dma_wait3A_760 = arith.constant 0 : i32
        %dma_wait3A_761 = tpu.memref_slice %arg10[%dma_wait3A_760] : memref<16384xf32, #tpu.memory_space<vmem>> -> memref<4096xf32, #tpu.memory_space<vmem>>
        %dma_wait3A_762 = tpu.memref_slice %arg4[%dma_wait3A_758, %dma_wait3A_759, %mul3A_2] : memref<200x4x131072xf32, #tpu.memory_space<hbm>> -> memref<1x1x4096xf32, #tpu.memory_space<hbm>>
        %dma_wait3A_763 = tpu.memref_squeeze %dma_wait3A_762 : memref<1x1x4096xf32, #tpu.memory_space<hbm>> -> memref<4096xf32, #tpu.memory_space<hbm>>
        %dma_wait3A_764 = tpu.memref_slice %arg4[%dma_wait3A_758, %dma_wait3A_759, %mul3A_2] : memref<200x4x131072xf32, #tpu.memory_space<hbm>> -> memref<1x1x4096xf32, #tpu.memory_space<hbm>>
        %dma_wait3A_765 = tpu.memref_squeeze %dma_wait3A_764 : memref<1x1x4096xf32, #tpu.memory_space<hbm>> -> memref<4096xf32, #tpu.memory_space<hbm>>
        %dma_wait3A_766 = arith.constant 0 : i32
        %dma_wait3A_767 = tpu.memref_slice %arg10[%dma_wait3A_766] : memref<16384xf32, #tpu.memory_space<vmem>> -> memref<4096xf32, #tpu.memory_space<vmem>>
        tpu.wait_dma2 semaphore(%arg16 : memref<!tpu.dma_semaphore, #tpu.memory_space<semaphore_mem>>) src(%dma_wait3A_767 : memref<4096xf32, #tpu.memory_space<vmem>>) dst(%dma_wait3A_765 : memref<4096xf32, #tpu.memory_space<hbm>>)
        %dma_wait3A_768 = arith.constant 0 : i32
        %dma_wait3A_769 = arith.constant 1 : i32
        %dma_wait3A_770 = arith.constant 4096 : i32
        %dma_wait3A_771 = tpu.memref_slice %arg10[%dma_wait3A_770] : memref<16384xf32, #tpu.memory_space<vmem>> -> memref<4096xf32, #tpu.memory_space<vmem>>
        %dma_wait3A_772 = tpu.memref_slice %arg4[%dma_wait3A_768, %dma_wait3A_769, %mul3A_2] : memref<200x4x131072xf32, #tpu.memory_space<hbm>> -> memref<1x1x4096xf32, #tpu.memory_space<hbm>>
        %dma_wait3A_773 = tpu.memref_squeeze %dma_wait3A_772 : memref<1x1x4096xf32, #tpu.memory_space<hbm>> -> memref<4096xf32, #tpu.memory_space<hbm>>
        %dma_wait3A_774 = tpu.memref_slice %arg4[%dma_wait3A_768, %dma_wait3A_769, %mul3A_2] : memref<200x4x131072xf32, #tpu.memory_space<hbm>> -> memref<1x1x4096xf32, #tpu.memory_space<hbm>>
        %dma_wait3A_775 = tpu.memref_squeeze %dma_wait3A_774 : memref<1x1x4096xf32, #tpu.memory_space<hbm>> -> memref<4096xf32, #tpu.memory_space<hbm>>
        %dma_wait3A_776 = arith.constant 4096 : i32
        %dma_wait3A_777 = tpu.memref_slice %arg10[%dma_wait3A_776] : memref<16384xf32, #tpu.memory_space<vmem>> -> memref<4096xf32, #tpu.memory_space<vmem>>
        tpu.wait_dma2 semaphore(%arg16 : memref<!tpu.dma_semaphore, #tpu.memory_space<semaphore_mem>>) src(%dma_wait3A_777 : memref<4096xf32, #tpu.memory_space<vmem>>) dst(%dma_wait3A_775 : memref<4096xf32, #tpu.memory_space<hbm>>)
        %dma_wait3A_778 = arith.constant 0 : i32
        %dma_wait3A_779 = arith.constant 2 : i32
        %dma_wait3A_780 = arith.constant 8192 : i32
        %dma_wait3A_781 = tpu.memref_slice %arg10[%dma_wait3A_780] : memref<16384xf32, #tpu.memory_space<vmem>> -> memref<4096xf32, #tpu.memory_space<vmem>>
        %dma_wait3A_782 = tpu.memref_slice %arg4[%dma_wait3A_778, %dma_wait3A_779, %mul3A_2] : memref<200x4x131072xf32, #tpu.memory_space<hbm>> -> memref<1x1x4096xf32, #tpu.memory_space<hbm>>
        %dma_wait3A_783 = tpu.memref_squeeze %dma_wait3A_782 : memref<1x1x4096xf32, #tpu.memory_space<hbm>> -> memref<4096xf32, #tpu.memory_space<hbm>>
        %dma_wait3A_784 = tpu.memref_slice %arg4[%dma_wait3A_778, %dma_wait3A_779, %mul3A_2] : memref<200x4x131072xf32, #tpu.memory_space<hbm>> -> memref<1x1x4096xf32, #tpu.memory_space<hbm>>
        %dma_wait3A_785 = tpu.memref_squeeze %dma_wait3A_784 : memref<1x1x4096xf32, #tpu.memory_space<hbm>> -> memref<4096xf32, #tpu.memory_space<hbm>>
        %dma_wait3A_786 = arith.constant 8192 : i32
        %dma_wait3A_787 = tpu.memref_slice %arg10[%dma_wait3A_786] : memref<16384xf32, #tpu.memory_space<vmem>> -> memref<4096xf32, #tpu.memory_space<vmem>>
        tpu.wait_dma2 semaphore(%arg16 : memref<!tpu.dma_semaphore, #tpu.memory_space<semaphore_mem>>) src(%dma_wait3A_787 : memref<4096xf32, #tpu.memory_space<vmem>>) dst(%dma_wait3A_785 : memref<4096xf32, #tpu.memory_space<hbm>>)
        %dma_wait3A_788 = arith.constant 0 : i32
        %dma_wait3A_789 = arith.constant 3 : i32
        %dma_wait3A_790 = arith.constant 12288 : i32
        %dma_wait3A_791 = tpu.memref_slice %arg10[%dma_wait3A_790] : memref<16384xf32, #tpu.memory_space<vmem>> -> memref<4096xf32, #tpu.memory_space<vmem>>
        %dma_wait3A_792 = tpu.memref_slice %arg4[%dma_wait3A_788, %dma_wait3A_789, %mul3A_2] : memref<200x4x131072xf32, #tpu.memory_space<hbm>> -> memref<1x1x4096xf32, #tpu.memory_space<hbm>>
        %dma_wait3A_793 = tpu.memref_squeeze %dma_wait3A_792 : memref<1x1x4096xf32, #tpu.memory_space<hbm>> -> memref<4096xf32, #tpu.memory_space<hbm>>
        %dma_wait3A_794 = tpu.memref_slice %arg4[%dma_wait3A_788, %dma_wait3A_789, %mul3A_2] : memref<200x4x131072xf32, #tpu.memory_space<hbm>> -> memref<1x1x4096xf32, #tpu.memory_space<hbm>>
        %dma_wait3A_795 = tpu.memref_squeeze %dma_wait3A_794 : memref<1x1x4096xf32, #tpu.memory_space<hbm>> -> memref<4096xf32, #tpu.memory_space<hbm>>
        %dma_wait3A_796 = arith.constant 12288 : i32
        %dma_wait3A_797 = tpu.memref_slice %arg10[%dma_wait3A_796] : memref<16384xf32, #tpu.memory_space<vmem>> -> memref<4096xf32, #tpu.memory_space<vmem>>
        tpu.wait_dma2 semaphore(%arg16 : memref<!tpu.dma_semaphore, #tpu.memory_space<semaphore_mem>>) src(%dma_wait3A_797 : memref<4096xf32, #tpu.memory_space<vmem>>) dst(%dma_wait3A_795 : memref<4096xf32, #tpu.memory_space<hbm>>)
      } else {
      }
      %parallel_loop3A_719 = arith.constant 0 : i32
      %parallel_loop3A_720 = arith.constant 32 : i32
      %parallel_loop3A_721 = arith.constant 1 : i32
      scf.for %parallel_loop3A_758 = %parallel_loop3A_719 to %parallel_loop3A_720 step %parallel_loop3A_721  : i32 {
        %parallel_loop3A_759 = arith.constant 16 : i32
        %parallel_loop3A_760 = arith.muli %parallel_loop3A_758, %parallel_loop3A_759 : i32
        %parallel_loop3A_761 = vector.broadcast %parallel_loop3A_760 : i32 to vector<16xi32>
        %parallel_loop3A_762 = arith.addi %iota3A, %parallel_loop3A_761 : vector<16xi32>
        %parallel_loop3A_763 = arith.constant 3 : i32
        %parallel_loop3A_764 = arith.shrsi %parallel_loop3A_758, %parallel_loop3A_763 : i32
        %parallel_loop3A_765 = arith.constant 1024 : i32
        %parallel_loop3A_766 = arith.muli %parallel_loop3A_764, %parallel_loop3A_765 : i32
        %parallel_loop3A_767 = arith.constant 7 : i32
        %parallel_loop3A_768 = arith.andi %parallel_loop3A_758, %parallel_loop3A_767 : i32
        %parallel_loop3A_769 = arith.constant 16 : i32
        %parallel_loop3A_770 = arith.muli %parallel_loop3A_768, %parallel_loop3A_769 : i32
        %parallel_loop3A_771 = arith.addi %parallel_loop3A_766, %parallel_loop3A_770 : i32
        %parallel_loop3A_772 = arith.constant 0 : i32
        %parallel_loop3A_773 = vector.broadcast %parallel_loop3A_772 : i32 to vector<16xi32>
        %parallel_loop3A_774 = arith.addi %xor3A_4, %parallel_loop3A_773 : vector<16xi32>
        %parallel_loop3A_775 = tpu.vector_load_idx %arg8[%parallel_loop3A_762, %parallel_loop3A_774] : memref<512x32xf32, #tpu.memory_space<vmem>>[vector<16xi32>, vector<16xi32>], vector<16xf32>,
        %parallel_loop3A_776 = arith.constant 0 : i32
        %parallel_loop3A_777 = arith.addi %parallel_loop3A_771, %parallel_loop3A_776 : i32
        %parallel_loop3A_778 = vector.broadcast %parallel_loop3A_777 : i32 to vector<16xi32>
        %parallel_loop3A_779 = arith.addi %add3A_67, %parallel_loop3A_778 : vector<16xi32>
        tpu.vector_store_idx %arg10[%parallel_loop3A_779], %parallel_loop3A_775 : memref<16384xf32, #tpu.memory_space<vmem>>[vector<16xi32>], vector<16xf32>,
        %parallel_loop3A_780 = arith.constant 0 : i32
        %parallel_loop3A_781 = vector.broadcast %parallel_loop3A_780 : i32 to vector<16xi32>
        %parallel_loop3A_782 = arith.addi %xor3A_7, %parallel_loop3A_781 : vector<16xi32>
        %parallel_loop3A_783 = tpu.vector_load_idx %arg8[%parallel_loop3A_762, %parallel_loop3A_782] : memref<512x32xf32, #tpu.memory_space<vmem>>[vector<16xi32>, vector<16xi32>], vector<16xf32>,
        %parallel_loop3A_784 = arith.constant 0 : i32
        %parallel_loop3A_785 = arith.addi %parallel_loop3A_771, %parallel_loop3A_784 : i32
        %parallel_loop3A_786 = vector.broadcast %parallel_loop3A_785 : i32 to vector<16xi32>
        %parallel_loop3A_787 = arith.addi %add3A_87, %parallel_loop3A_786 : vector<16xi32>
        tpu.vector_store_idx %arg10[%parallel_loop3A_787], %parallel_loop3A_783 : memref<16384xf32, #tpu.memory_space<vmem>>[vector<16xi32>], vector<16xf32>,
        %parallel_loop3A_788 = arith.constant 0 : i32
        %parallel_loop3A_789 = vector.broadcast %parallel_loop3A_788 : i32 to vector<16xi32>
        %parallel_loop3A_790 = arith.addi %xor3A_10, %parallel_loop3A_789 : vector<16xi32>
        %parallel_loop3A_791 = tpu.vector_load_idx %arg8[%parallel_loop3A_762, %parallel_loop3A_790] : memref<512x32xf32, #tpu.memory_space<vmem>>[vector<16xi32>, vector<16xi32>], vector<16xf32>,
        %parallel_loop3A_792 = arith.constant 0 : i32
        %parallel_loop3A_793 = arith.addi %parallel_loop3A_771, %parallel_loop3A_792 : i32
        %parallel_loop3A_794 = vector.broadcast %parallel_loop3A_793 : i32 to vector<16xi32>
        %parallel_loop3A_795 = arith.addi %add3A_107, %parallel_loop3A_794 : vector<16xi32>
        tpu.vector_store_idx %arg10[%parallel_loop3A_795], %parallel_loop3A_791 : memref<16384xf32, #tpu.memory_space<vmem>>[vector<16xi32>], vector<16xf32>,
        %parallel_loop3A_796 = arith.constant 0 : i32
        %parallel_loop3A_797 = vector.broadcast %parallel_loop3A_796 : i32 to vector<16xi32>
        %parallel_loop3A_798 = arith.addi %xor3A_13, %parallel_loop3A_797 : vector<16xi32>
        %parallel_loop3A_799 = tpu.vector_load_idx %arg8[%parallel_loop3A_762, %parallel_loop3A_798] : memref<512x32xf32, #tpu.memory_space<vmem>>[vector<16xi32>, vector<16xi32>], vector<16xf32>,
        %parallel_loop3A_800 = arith.constant 0 : i32
        %parallel_loop3A_801 = arith.addi %parallel_loop3A_771, %parallel_loop3A_800 : i32
        %parallel_loop3A_802 = vector.broadcast %parallel_loop3A_801 : i32 to vector<16xi32>
        %parallel_loop3A_803 = arith.addi %add3A_127, %parallel_loop3A_802 : vector<16xi32>
        tpu.vector_store_idx %arg10[%parallel_loop3A_803], %parallel_loop3A_799 : memref<16384xf32, #tpu.memory_space<vmem>>[vector<16xi32>], vector<16xf32>,
        %parallel_loop3A_804 = arith.constant 0 : i32
        %parallel_loop3A_805 = vector.broadcast %parallel_loop3A_804 : i32 to vector<16xi32>
        %parallel_loop3A_806 = arith.addi %xor3A_16, %parallel_loop3A_805 : vector<16xi32>
        %parallel_loop3A_807 = tpu.vector_load_idx %arg8[%parallel_loop3A_762, %parallel_loop3A_806] : memref<512x32xf32, #tpu.memory_space<vmem>>[vector<16xi32>, vector<16xi32>], vector<16xf32>,
        %parallel_loop3A_808 = arith.constant 0 : i32
        %parallel_loop3A_809 = arith.addi %parallel_loop3A_771, %parallel_loop3A_808 : i32
        %parallel_loop3A_810 = vector.broadcast %parallel_loop3A_809 : i32 to vector<16xi32>
        %parallel_loop3A_811 = arith.addi %add3A_147, %parallel_loop3A_810 : vector<16xi32>
        tpu.vector_store_idx %arg10[%parallel_loop3A_811], %parallel_loop3A_807 : memref<16384xf32, #tpu.memory_space<vmem>>[vector<16xi32>], vector<16xf32>,
        %parallel_loop3A_812 = arith.constant 0 : i32
        %parallel_loop3A_813 = vector.broadcast %parallel_loop3A_812 : i32 to vector<16xi32>
        %parallel_loop3A_814 = arith.addi %xor3A_19, %parallel_loop3A_813 : vector<16xi32>
        %parallel_loop3A_815 = tpu.vector_load_idx %arg8[%parallel_loop3A_762, %parallel_loop3A_814] : memref<512x32xf32, #tpu.memory_space<vmem>>[vector<16xi32>, vector<16xi32>], vector<16xf32>,
        %parallel_loop3A_816 = arith.constant 0 : i32
        %parallel_loop3A_817 = arith.addi %parallel_loop3A_771, %parallel_loop3A_816 : i32
        %parallel_loop3A_818 = vector.broadcast %parallel_loop3A_817 : i32 to vector<16xi32>
        %parallel_loop3A_819 = arith.addi %add3A_167, %parallel_loop3A_818 : vector<16xi32>
        tpu.vector_store_idx %arg10[%parallel_loop3A_819], %parallel_loop3A_815 : memref<16384xf32, #tpu.memory_space<vmem>>[vector<16xi32>], vector<16xf32>,
        %parallel_loop3A_820 = arith.constant 0 : i32
        %parallel_loop3A_821 = vector.broadcast %parallel_loop3A_820 : i32 to vector<16xi32>
        %parallel_loop3A_822 = arith.addi %xor3A_22, %parallel_loop3A_821 : vector<16xi32>
        %parallel_loop3A_823 = tpu.vector_load_idx %arg8[%parallel_loop3A_762, %parallel_loop3A_822] : memref<512x32xf32, #tpu.memory_space<vmem>>[vector<16xi32>, vector<16xi32>], vector<16xf32>,
        %parallel_loop3A_824 = arith.constant 0 : i32
        %parallel_loop3A_825 = arith.addi %parallel_loop3A_771, %parallel_loop3A_824 : i32
        %parallel_loop3A_826 = vector.broadcast %parallel_loop3A_825 : i32 to vector<16xi32>
        %parallel_loop3A_827 = arith.addi %add3A_187, %parallel_loop3A_826 : vector<16xi32>
        tpu.vector_store_idx %arg10[%parallel_loop3A_827], %parallel_loop3A_823 : memref<16384xf32, #tpu.memory_space<vmem>>[vector<16xi32>], vector<16xf32>,
        %parallel_loop3A_828 = arith.constant 0 : i32
        %parallel_loop3A_829 = vector.broadcast %parallel_loop3A_828 : i32 to vector<16xi32>
        %parallel_loop3A_830 = arith.addi %xor3A_25, %parallel_loop3A_829 : vector<16xi32>
        %parallel_loop3A_831 = tpu.vector_load_idx %arg8[%parallel_loop3A_762, %parallel_loop3A_830] : memref<512x32xf32, #tpu.memory_space<vmem>>[vector<16xi32>, vector<16xi32>], vector<16xf32>,
        %parallel_loop3A_832 = arith.constant 0 : i32
        %parallel_loop3A_833 = arith.addi %parallel_loop3A_771, %parallel_loop3A_832 : i32
        %parallel_loop3A_834 = vector.broadcast %parallel_loop3A_833 : i32 to vector<16xi32>
        %parallel_loop3A_835 = arith.addi %add3A_207, %parallel_loop3A_834 : vector<16xi32>
        tpu.vector_store_idx %arg10[%parallel_loop3A_835], %parallel_loop3A_831 : memref<16384xf32, #tpu.memory_space<vmem>>[vector<16xi32>], vector<16xf32>,
        %parallel_loop3A_836 = arith.constant 0 : i32
        %parallel_loop3A_837 = vector.broadcast %parallel_loop3A_836 : i32 to vector<16xi32>
        %parallel_loop3A_838 = arith.addi %xor3A_28, %parallel_loop3A_837 : vector<16xi32>
        %parallel_loop3A_839 = tpu.vector_load_idx %arg8[%parallel_loop3A_762, %parallel_loop3A_838] : memref<512x32xf32, #tpu.memory_space<vmem>>[vector<16xi32>, vector<16xi32>], vector<16xf32>,
        %parallel_loop3A_840 = arith.constant 0 : i32
        %parallel_loop3A_841 = arith.addi %parallel_loop3A_771, %parallel_loop3A_840 : i32
        %parallel_loop3A_842 = vector.broadcast %parallel_loop3A_841 : i32 to vector<16xi32>
        %parallel_loop3A_843 = arith.addi %add3A_227, %parallel_loop3A_842 : vector<16xi32>
        tpu.vector_store_idx %arg10[%parallel_loop3A_843], %parallel_loop3A_839 : memref<16384xf32, #tpu.memory_space<vmem>>[vector<16xi32>], vector<16xf32>,
        %parallel_loop3A_844 = arith.constant 0 : i32
        %parallel_loop3A_845 = vector.broadcast %parallel_loop3A_844 : i32 to vector<16xi32>
        %parallel_loop3A_846 = arith.addi %xor3A_31, %parallel_loop3A_845 : vector<16xi32>
        %parallel_loop3A_847 = tpu.vector_load_idx %arg8[%parallel_loop3A_762, %parallel_loop3A_846] : memref<512x32xf32, #tpu.memory_space<vmem>>[vector<16xi32>, vector<16xi32>], vector<16xf32>,
        %parallel_loop3A_848 = arith.constant 0 : i32
        %parallel_loop3A_849 = arith.addi %parallel_loop3A_771, %parallel_loop3A_848 : i32
        %parallel_loop3A_850 = vector.broadcast %parallel_loop3A_849 : i32 to vector<16xi32>
        %parallel_loop3A_851 = arith.addi %add3A_247, %parallel_loop3A_850 : vector<16xi32>
        tpu.vector_store_idx %arg10[%parallel_loop3A_851], %parallel_loop3A_847 : memref<16384xf32, #tpu.memory_space<vmem>>[vector<16xi32>], vector<16xf32>,
        %parallel_loop3A_852 = arith.constant 0 : i32
        %parallel_loop3A_853 = vector.broadcast %parallel_loop3A_852 : i32 to vector<16xi32>
        %parallel_loop3A_854 = arith.addi %xor3A_34, %parallel_loop3A_853 : vector<16xi32>
        %parallel_loop3A_855 = tpu.vector_load_idx %arg8[%parallel_loop3A_762, %parallel_loop3A_854] : memref<512x32xf32, #tpu.memory_space<vmem>>[vector<16xi32>, vector<16xi32>], vector<16xf32>,
        %parallel_loop3A_856 = arith.constant 0 : i32
        %parallel_loop3A_857 = arith.addi %parallel_loop3A_771, %parallel_loop3A_856 : i32
        %parallel_loop3A_858 = vector.broadcast %parallel_loop3A_857 : i32 to vector<16xi32>
        %parallel_loop3A_859 = arith.addi %add3A_267, %parallel_loop3A_858 : vector<16xi32>
        tpu.vector_store_idx %arg10[%parallel_loop3A_859], %parallel_loop3A_855 : memref<16384xf32, #tpu.memory_space<vmem>>[vector<16xi32>], vector<16xf32>,
        %parallel_loop3A_860 = arith.constant 0 : i32
        %parallel_loop3A_861 = vector.broadcast %parallel_loop3A_860 : i32 to vector<16xi32>
        %parallel_loop3A_862 = arith.addi %xor3A_37, %parallel_loop3A_861 : vector<16xi32>
        %parallel_loop3A_863 = tpu.vector_load_idx %arg8[%parallel_loop3A_762, %parallel_loop3A_862] : memref<512x32xf32, #tpu.memory_space<vmem>>[vector<16xi32>, vector<16xi32>], vector<16xf32>,
        %parallel_loop3A_864 = arith.constant 0 : i32
        %parallel_loop3A_865 = arith.addi %parallel_loop3A_771, %parallel_loop3A_864 : i32
        %parallel_loop3A_866 = vector.broadcast %parallel_loop3A_865 : i32 to vector<16xi32>
        %parallel_loop3A_867 = arith.addi %add3A_287, %parallel_loop3A_866 : vector<16xi32>
        tpu.vector_store_idx %arg10[%parallel_loop3A_867], %parallel_loop3A_863 : memref<16384xf32, #tpu.memory_space<vmem>>[vector<16xi32>], vector<16xf32>,
        %parallel_loop3A_868 = arith.constant 0 : i32
        %parallel_loop3A_869 = vector.broadcast %parallel_loop3A_868 : i32 to vector<16xi32>
        %parallel_loop3A_870 = arith.addi %xor3A_40, %parallel_loop3A_869 : vector<16xi32>
        %parallel_loop3A_871 = tpu.vector_load_idx %arg8[%parallel_loop3A_762, %parallel_loop3A_870] : memref<512x32xf32, #tpu.memory_space<vmem>>[vector<16xi32>, vector<16xi32>], vector<16xf32>,
        %parallel_loop3A_872 = arith.constant 0 : i32
        %parallel_loop3A_873 = arith.addi %parallel_loop3A_771, %parallel_loop3A_872 : i32
        %parallel_loop3A_874 = vector.broadcast %parallel_loop3A_873 : i32 to vector<16xi32>
        %parallel_loop3A_875 = arith.addi %add3A_307, %parallel_loop3A_874 : vector<16xi32>
        tpu.vector_store_idx %arg10[%parallel_loop3A_875], %parallel_loop3A_871 : memref<16384xf32, #tpu.memory_space<vmem>>[vector<16xi32>], vector<16xf32>,
        %parallel_loop3A_876 = arith.constant 0 : i32
        %parallel_loop3A_877 = vector.broadcast %parallel_loop3A_876 : i32 to vector<16xi32>
        %parallel_loop3A_878 = arith.addi %xor3A_43, %parallel_loop3A_877 : vector<16xi32>
        %parallel_loop3A_879 = tpu.vector_load_idx %arg8[%parallel_loop3A_762, %parallel_loop3A_878] : memref<512x32xf32, #tpu.memory_space<vmem>>[vector<16xi32>, vector<16xi32>], vector<16xf32>,
        %parallel_loop3A_880 = arith.constant 0 : i32
        %parallel_loop3A_881 = arith.addi %parallel_loop3A_771, %parallel_loop3A_880 : i32
        %parallel_loop3A_882 = vector.broadcast %parallel_loop3A_881 : i32 to vector<16xi32>
        %parallel_loop3A_883 = arith.addi %add3A_327, %parallel_loop3A_882 : vector<16xi32>
        tpu.vector_store_idx %arg10[%parallel_loop3A_883], %parallel_loop3A_879 : memref<16384xf32, #tpu.memory_space<vmem>>[vector<16xi32>], vector<16xf32>,
        %parallel_loop3A_884 = arith.constant 0 : i32
        %parallel_loop3A_885 = vector.broadcast %parallel_loop3A_884 : i32 to vector<16xi32>
        %parallel_loop3A_886 = arith.addi %xor3A_46, %parallel_loop3A_885 : vector<16xi32>
        %parallel_loop3A_887 = tpu.vector_load_idx %arg8[%parallel_loop3A_762, %parallel_loop3A_886] : memref<512x32xf32, #tpu.memory_space<vmem>>[vector<16xi32>, vector<16xi32>], vector<16xf32>,
        %parallel_loop3A_888 = arith.constant 0 : i32
        %parallel_loop3A_889 = arith.addi %parallel_loop3A_771, %parallel_loop3A_888 : i32
        %parallel_loop3A_890 = vector.broadcast %parallel_loop3A_889 : i32 to vector<16xi32>
        %parallel_loop3A_891 = arith.addi %add3A_347, %parallel_loop3A_890 : vector<16xi32>
        tpu.vector_store_idx %arg10[%parallel_loop3A_891], %parallel_loop3A_887 : memref<16384xf32, #tpu.memory_space<vmem>>[vector<16xi32>], vector<16xf32>,
        %parallel_loop3A_892 = arith.constant 0 : i32
        %parallel_loop3A_893 = vector.broadcast %parallel_loop3A_892 : i32 to vector<16xi32>
        %parallel_loop3A_894 = arith.addi %xor3A_49, %parallel_loop3A_893 : vector<16xi32>
        %parallel_loop3A_895 = tpu.vector_load_idx %arg8[%parallel_loop3A_762, %parallel_loop3A_894] : memref<512x32xf32, #tpu.memory_space<vmem>>[vector<16xi32>, vector<16xi32>], vector<16xf32>,
        %parallel_loop3A_896 = arith.constant 0 : i32
        %parallel_loop3A_897 = arith.addi %parallel_loop3A_771, %parallel_loop3A_896 : i32
        %parallel_loop3A_898 = vector.broadcast %parallel_loop3A_897 : i32 to vector<16xi32>
        %parallel_loop3A_899 = arith.addi %add3A_367, %parallel_loop3A_898 : vector<16xi32>
        tpu.vector_store_idx %arg10[%parallel_loop3A_899], %parallel_loop3A_895 : memref<16384xf32, #tpu.memory_space<vmem>>[vector<16xi32>], vector<16xf32>,
        %parallel_loop3A_900 = arith.constant 16 : i32
        %parallel_loop3A_901 = vector.broadcast %parallel_loop3A_900 : i32 to vector<16xi32>
        %parallel_loop3A_902 = arith.addi %xor3A_4, %parallel_loop3A_901 : vector<16xi32>
        %parallel_loop3A_903 = tpu.vector_load_idx %arg8[%parallel_loop3A_762, %parallel_loop3A_902] : memref<512x32xf32, #tpu.memory_space<vmem>>[vector<16xi32>, vector<16xi32>], vector<16xf32>,
        %parallel_loop3A_904 = arith.constant 8192 : i32
        %parallel_loop3A_905 = arith.addi %parallel_loop3A_771, %parallel_loop3A_904 : i32
        %parallel_loop3A_906 = vector.broadcast %parallel_loop3A_905 : i32 to vector<16xi32>
        %parallel_loop3A_907 = arith.addi %add3A_67, %parallel_loop3A_906 : vector<16xi32>
        tpu.vector_store_idx %arg10[%parallel_loop3A_907], %parallel_loop3A_903 : memref<16384xf32, #tpu.memory_space<vmem>>[vector<16xi32>], vector<16xf32>,
        %parallel_loop3A_908 = arith.constant 16 : i32
        %parallel_loop3A_909 = vector.broadcast %parallel_loop3A_908 : i32 to vector<16xi32>
        %parallel_loop3A_910 = arith.addi %xor3A_7, %parallel_loop3A_909 : vector<16xi32>
        %parallel_loop3A_911 = tpu.vector_load_idx %arg8[%parallel_loop3A_762, %parallel_loop3A_910] : memref<512x32xf32, #tpu.memory_space<vmem>>[vector<16xi32>, vector<16xi32>], vector<16xf32>,
        %parallel_loop3A_912 = arith.constant 8192 : i32
        %parallel_loop3A_913 = arith.addi %parallel_loop3A_771, %parallel_loop3A_912 : i32
        %parallel_loop3A_914 = vector.broadcast %parallel_loop3A_913 : i32 to vector<16xi32>
        %parallel_loop3A_915 = arith.addi %add3A_87, %parallel_loop3A_914 : vector<16xi32>
        tpu.vector_store_idx %arg10[%parallel_loop3A_915], %parallel_loop3A_911 : memref<16384xf32, #tpu.memory_space<vmem>>[vector<16xi32>], vector<16xf32>,
        %parallel_loop3A_916 = arith.constant 16 : i32
        %parallel_loop3A_917 = vector.broadcast %parallel_loop3A_916 : i32 to vector<16xi32>
        %parallel_loop3A_918 = arith.addi %xor3A_10, %parallel_loop3A_917 : vector<16xi32>
        %parallel_loop3A_919 = tpu.vector_load_idx %arg8[%parallel_loop3A_762, %parallel_loop3A_918] : memref<512x32xf32, #tpu.memory_space<vmem>>[vector<16xi32>, vector<16xi32>], vector<16xf32>,
        %parallel_loop3A_920 = arith.constant 8192 : i32
        %parallel_loop3A_921 = arith.addi %parallel_loop3A_771, %parallel_loop3A_920 : i32
        %parallel_loop3A_922 = vector.broadcast %parallel_loop3A_921 : i32 to vector<16xi32>
        %parallel_loop3A_923 = arith.addi %add3A_107, %parallel_loop3A_922 : vector<16xi32>
        tpu.vector_store_idx %arg10[%parallel_loop3A_923], %parallel_loop3A_919 : memref<16384xf32, #tpu.memory_space<vmem>>[vector<16xi32>], vector<16xf32>,
        %parallel_loop3A_924 = arith.constant 16 : i32
        %parallel_loop3A_925 = vector.broadcast %parallel_loop3A_924 : i32 to vector<16xi32>
        %parallel_loop3A_926 = arith.addi %xor3A_13, %parallel_loop3A_925 : vector<16xi32>
        %parallel_loop3A_927 = tpu.vector_load_idx %arg8[%parallel_loop3A_762, %parallel_loop3A_926] : memref<512x32xf32, #tpu.memory_space<vmem>>[vector<16xi32>, vector<16xi32>], vector<16xf32>,
        %parallel_loop3A_928 = arith.constant 8192 : i32
        %parallel_loop3A_929 = arith.addi %parallel_loop3A_771, %parallel_loop3A_928 : i32
        %parallel_loop3A_930 = vector.broadcast %parallel_loop3A_929 : i32 to vector<16xi32>
        %parallel_loop3A_931 = arith.addi %add3A_127, %parallel_loop3A_930 : vector<16xi32>
        tpu.vector_store_idx %arg10[%parallel_loop3A_931], %parallel_loop3A_927 : memref<16384xf32, #tpu.memory_space<vmem>>[vector<16xi32>], vector<16xf32>,
        %parallel_loop3A_932 = arith.constant 16 : i32
        %parallel_loop3A_933 = vector.broadcast %parallel_loop3A_932 : i32 to vector<16xi32>
        %parallel_loop3A_934 = arith.addi %xor3A_16, %parallel_loop3A_933 : vector<16xi32>
        %parallel_loop3A_935 = tpu.vector_load_idx %arg8[%parallel_loop3A_762, %parallel_loop3A_934] : memref<512x32xf32, #tpu.memory_space<vmem>>[vector<16xi32>, vector<16xi32>], vector<16xf32>,
        %parallel_loop3A_936 = arith.constant 8192 : i32
        %parallel_loop3A_937 = arith.addi %parallel_loop3A_771, %parallel_loop3A_936 : i32
        %parallel_loop3A_938 = vector.broadcast %parallel_loop3A_937 : i32 to vector<16xi32>
        %parallel_loop3A_939 = arith.addi %add3A_147, %parallel_loop3A_938 : vector<16xi32>
        tpu.vector_store_idx %arg10[%parallel_loop3A_939], %parallel_loop3A_935 : memref<16384xf32, #tpu.memory_space<vmem>>[vector<16xi32>], vector<16xf32>,
        %parallel_loop3A_940 = arith.constant 16 : i32
        %parallel_loop3A_941 = vector.broadcast %parallel_loop3A_940 : i32 to vector<16xi32>
        %parallel_loop3A_942 = arith.addi %xor3A_19, %parallel_loop3A_941 : vector<16xi32>
        %parallel_loop3A_943 = tpu.vector_load_idx %arg8[%parallel_loop3A_762, %parallel_loop3A_942] : memref<512x32xf32, #tpu.memory_space<vmem>>[vector<16xi32>, vector<16xi32>], vector<16xf32>,
        %parallel_loop3A_944 = arith.constant 8192 : i32
        %parallel_loop3A_945 = arith.addi %parallel_loop3A_771, %parallel_loop3A_944 : i32
        %parallel_loop3A_946 = vector.broadcast %parallel_loop3A_945 : i32 to vector<16xi32>
        %parallel_loop3A_947 = arith.addi %add3A_167, %parallel_loop3A_946 : vector<16xi32>
        tpu.vector_store_idx %arg10[%parallel_loop3A_947], %parallel_loop3A_943 : memref<16384xf32, #tpu.memory_space<vmem>>[vector<16xi32>], vector<16xf32>,
        %parallel_loop3A_948 = arith.constant 16 : i32
        %parallel_loop3A_949 = vector.broadcast %parallel_loop3A_948 : i32 to vector<16xi32>
        %parallel_loop3A_950 = arith.addi %xor3A_22, %parallel_loop3A_949 : vector<16xi32>
        %parallel_loop3A_951 = tpu.vector_load_idx %arg8[%parallel_loop3A_762, %parallel_loop3A_950] : memref<512x32xf32, #tpu.memory_space<vmem>>[vector<16xi32>, vector<16xi32>], vector<16xf32>,
        %parallel_loop3A_952 = arith.constant 8192 : i32
        %parallel_loop3A_953 = arith.addi %parallel_loop3A_771, %parallel_loop3A_952 : i32
        %parallel_loop3A_954 = vector.broadcast %parallel_loop3A_953 : i32 to vector<16xi32>
        %parallel_loop3A_955 = arith.addi %add3A_187, %parallel_loop3A_954 : vector<16xi32>
        tpu.vector_store_idx %arg10[%parallel_loop3A_955], %parallel_loop3A_951 : memref<16384xf32, #tpu.memory_space<vmem>>[vector<16xi32>], vector<16xf32>,
        %parallel_loop3A_956 = arith.constant 16 : i32
        %parallel_loop3A_957 = vector.broadcast %parallel_loop3A_956 : i32 to vector<16xi32>
        %parallel_loop3A_958 = arith.addi %xor3A_25, %parallel_loop3A_957 : vector<16xi32>
        %parallel_loop3A_959 = tpu.vector_load_idx %arg8[%parallel_loop3A_762, %parallel_loop3A_958] : memref<512x32xf32, #tpu.memory_space<vmem>>[vector<16xi32>, vector<16xi32>], vector<16xf32>,
        %parallel_loop3A_960 = arith.constant 8192 : i32
        %parallel_loop3A_961 = arith.addi %parallel_loop3A_771, %parallel_loop3A_960 : i32
        %parallel_loop3A_962 = vector.broadcast %parallel_loop3A_961 : i32 to vector<16xi32>
        %parallel_loop3A_963 = arith.addi %add3A_207, %parallel_loop3A_962 : vector<16xi32>
        tpu.vector_store_idx %arg10[%parallel_loop3A_963], %parallel_loop3A_959 : memref<16384xf32, #tpu.memory_space<vmem>>[vector<16xi32>], vector<16xf32>,
        %parallel_loop3A_964 = arith.constant 16 : i32
        %parallel_loop3A_965 = vector.broadcast %parallel_loop3A_964 : i32 to vector<16xi32>
        %parallel_loop3A_966 = arith.addi %xor3A_28, %parallel_loop3A_965 : vector<16xi32>
        %parallel_loop3A_967 = tpu.vector_load_idx %arg8[%parallel_loop3A_762, %parallel_loop3A_966] : memref<512x32xf32, #tpu.memory_space<vmem>>[vector<16xi32>, vector<16xi32>], vector<16xf32>,
        %parallel_loop3A_968 = arith.constant 8192 : i32
        %parallel_loop3A_969 = arith.addi %parallel_loop3A_771, %parallel_loop3A_968 : i32
        %parallel_loop3A_970 = vector.broadcast %parallel_loop3A_969 : i32 to vector<16xi32>
        %parallel_loop3A_971 = arith.addi %add3A_227, %parallel_loop3A_970 : vector<16xi32>
        tpu.vector_store_idx %arg10[%parallel_loop3A_971], %parallel_loop3A_967 : memref<16384xf32, #tpu.memory_space<vmem>>[vector<16xi32>], vector<16xf32>,
        %parallel_loop3A_972 = arith.constant 16 : i32
        %parallel_loop3A_973 = vector.broadcast %parallel_loop3A_972 : i32 to vector<16xi32>
        %parallel_loop3A_974 = arith.addi %xor3A_31, %parallel_loop3A_973 : vector<16xi32>
        %parallel_loop3A_975 = tpu.vector_load_idx %arg8[%parallel_loop3A_762, %parallel_loop3A_974] : memref<512x32xf32, #tpu.memory_space<vmem>>[vector<16xi32>, vector<16xi32>], vector<16xf32>,
        %parallel_loop3A_976 = arith.constant 8192 : i32
        %parallel_loop3A_977 = arith.addi %parallel_loop3A_771, %parallel_loop3A_976 : i32
        %parallel_loop3A_978 = vector.broadcast %parallel_loop3A_977 : i32 to vector<16xi32>
        %parallel_loop3A_979 = arith.addi %add3A_247, %parallel_loop3A_978 : vector<16xi32>
        tpu.vector_store_idx %arg10[%parallel_loop3A_979], %parallel_loop3A_975 : memref<16384xf32, #tpu.memory_space<vmem>>[vector<16xi32>], vector<16xf32>,
        %parallel_loop3A_980 = arith.constant 16 : i32
        %parallel_loop3A_981 = vector.broadcast %parallel_loop3A_980 : i32 to vector<16xi32>
        %parallel_loop3A_982 = arith.addi %xor3A_34, %parallel_loop3A_981 : vector<16xi32>
        %parallel_loop3A_983 = tpu.vector_load_idx %arg8[%parallel_loop3A_762, %parallel_loop3A_982] : memref<512x32xf32, #tpu.memory_space<vmem>>[vector<16xi32>, vector<16xi32>], vector<16xf32>,
        %parallel_loop3A_984 = arith.constant 8192 : i32
        %parallel_loop3A_985 = arith.addi %parallel_loop3A_771, %parallel_loop3A_984 : i32
        %parallel_loop3A_986 = vector.broadcast %parallel_loop3A_985 : i32 to vector<16xi32>
        %parallel_loop3A_987 = arith.addi %add3A_267, %parallel_loop3A_986 : vector<16xi32>
        tpu.vector_store_idx %arg10[%parallel_loop3A_987], %parallel_loop3A_983 : memref<16384xf32, #tpu.memory_space<vmem>>[vector<16xi32>], vector<16xf32>,
        %parallel_loop3A_988 = arith.constant 16 : i32
        %parallel_loop3A_989 = vector.broadcast %parallel_loop3A_988 : i32 to vector<16xi32>
        %parallel_loop3A_990 = arith.addi %xor3A_37, %parallel_loop3A_989 : vector<16xi32>
        %parallel_loop3A_991 = tpu.vector_load_idx %arg8[%parallel_loop3A_762, %parallel_loop3A_990] : memref<512x32xf32, #tpu.memory_space<vmem>>[vector<16xi32>, vector<16xi32>], vector<16xf32>,
        %parallel_loop3A_992 = arith.constant 8192 : i32
        %parallel_loop3A_993 = arith.addi %parallel_loop3A_771, %parallel_loop3A_992 : i32
        %parallel_loop3A_994 = vector.broadcast %parallel_loop3A_993 : i32 to vector<16xi32>
        %parallel_loop3A_995 = arith.addi %add3A_287, %parallel_loop3A_994 : vector<16xi32>
        tpu.vector_store_idx %arg10[%parallel_loop3A_995], %parallel_loop3A_991 : memref<16384xf32, #tpu.memory_space<vmem>>[vector<16xi32>], vector<16xf32>,
        %parallel_loop3A_996 = arith.constant 16 : i32
        %parallel_loop3A_997 = vector.broadcast %parallel_loop3A_996 : i32 to vector<16xi32>
        %parallel_loop3A_998 = arith.addi %xor3A_40, %parallel_loop3A_997 : vector<16xi32>
        %parallel_loop3A_999 = tpu.vector_load_idx %arg8[%parallel_loop3A_762, %parallel_loop3A_998] : memref<512x32xf32, #tpu.memory_space<vmem>>[vector<16xi32>, vector<16xi32>], vector<16xf32>,
        %parallel_loop3A_1000 = arith.constant 8192 : i32
        %parallel_loop3A_1001 = arith.addi %parallel_loop3A_771, %parallel_loop3A_1000 : i32
        %parallel_loop3A_1002 = vector.broadcast %parallel_loop3A_1001 : i32 to vector<16xi32>
        %parallel_loop3A_1003 = arith.addi %add3A_307, %parallel_loop3A_1002 : vector<16xi32>
        tpu.vector_store_idx %arg10[%parallel_loop3A_1003], %parallel_loop3A_999 : memref<16384xf32, #tpu.memory_space<vmem>>[vector<16xi32>], vector<16xf32>,
        %parallel_loop3A_1004 = arith.constant 16 : i32
        %parallel_loop3A_1005 = vector.broadcast %parallel_loop3A_1004 : i32 to vector<16xi32>
        %parallel_loop3A_1006 = arith.addi %xor3A_43, %parallel_loop3A_1005 : vector<16xi32>
        %parallel_loop3A_1007 = tpu.vector_load_idx %arg8[%parallel_loop3A_762, %parallel_loop3A_1006] : memref<512x32xf32, #tpu.memory_space<vmem>>[vector<16xi32>, vector<16xi32>], vector<16xf32>,
        %parallel_loop3A_1008 = arith.constant 8192 : i32
        %parallel_loop3A_1009 = arith.addi %parallel_loop3A_771, %parallel_loop3A_1008 : i32
        %parallel_loop3A_1010 = vector.broadcast %parallel_loop3A_1009 : i32 to vector<16xi32>
        %parallel_loop3A_1011 = arith.addi %add3A_327, %parallel_loop3A_1010 : vector<16xi32>
        tpu.vector_store_idx %arg10[%parallel_loop3A_1011], %parallel_loop3A_1007 : memref<16384xf32, #tpu.memory_space<vmem>>[vector<16xi32>], vector<16xf32>,
        %parallel_loop3A_1012 = arith.constant 16 : i32
        %parallel_loop3A_1013 = vector.broadcast %parallel_loop3A_1012 : i32 to vector<16xi32>
        %parallel_loop3A_1014 = arith.addi %xor3A_46, %parallel_loop3A_1013 : vector<16xi32>
        %parallel_loop3A_1015 = tpu.vector_load_idx %arg8[%parallel_loop3A_762, %parallel_loop3A_1014] : memref<512x32xf32, #tpu.memory_space<vmem>>[vector<16xi32>, vector<16xi32>], vector<16xf32>,
        %parallel_loop3A_1016 = arith.constant 8192 : i32
        %parallel_loop3A_1017 = arith.addi %parallel_loop3A_771, %parallel_loop3A_1016 : i32
        %parallel_loop3A_1018 = vector.broadcast %parallel_loop3A_1017 : i32 to vector<16xi32>
        %parallel_loop3A_1019 = arith.addi %add3A_347, %parallel_loop3A_1018 : vector<16xi32>
        tpu.vector_store_idx %arg10[%parallel_loop3A_1019], %parallel_loop3A_1015 : memref<16384xf32, #tpu.memory_space<vmem>>[vector<16xi32>], vector<16xf32>,
        %parallel_loop3A_1020 = arith.constant 16 : i32
        %parallel_loop3A_1021 = vector.broadcast %parallel_loop3A_1020 : i32 to vector<16xi32>
        %parallel_loop3A_1022 = arith.addi %xor3A_49, %parallel_loop3A_1021 : vector<16xi32>
        %parallel_loop3A_1023 = tpu.vector_load_idx %arg8[%parallel_loop3A_762, %parallel_loop3A_1022] : memref<512x32xf32, #tpu.memory_space<vmem>>[vector<16xi32>, vector<16xi32>], vector<16xf32>,
        %parallel_loop3A_1024 = arith.constant 8192 : i32
        %parallel_loop3A_1025 = arith.addi %parallel_loop3A_771, %parallel_loop3A_1024 : i32
        %parallel_loop3A_1026 = vector.broadcast %parallel_loop3A_1025 : i32 to vector<16xi32>
        %parallel_loop3A_1027 = arith.addi %add3A_367, %parallel_loop3A_1026 : vector<16xi32>
        tpu.vector_store_idx %arg10[%parallel_loop3A_1027], %parallel_loop3A_1023 : memref<16384xf32, #tpu.memory_space<vmem>>[vector<16xi32>], vector<16xf32>,
      } {sc.loop_unroll_factor = 2 : i64, sc.parallel_access}
      %dma_start3A_722 = arith.constant 0 : i32
      %dma_start3A_723 = arith.constant 0 : i32
      %dma_start3A_724 = tpu.memref_slice %arg10[%dma_start3A_723] : memref<16384xf32, #tpu.memory_space<vmem>> -> memref<4096xf32, #tpu.memory_space<vmem>>
      %dma_start3A_725 = tpu.memref_slice %arg4[%add3A_696, %dma_start3A_722, %mul3A_2] : memref<200x4x131072xf32, #tpu.memory_space<hbm>> -> memref<1x1x4096xf32, #tpu.memory_space<hbm>>
      %dma_start3A_726 = tpu.memref_squeeze %dma_start3A_725 : memref<1x1x4096xf32, #tpu.memory_space<hbm>> -> memref<4096xf32, #tpu.memory_space<hbm>>
      %dma_start3A_727 = tpu.memref_slice %arg4[%add3A_696, %dma_start3A_722, %mul3A_2] : memref<200x4x131072xf32, #tpu.memory_space<hbm>> -> memref<1x1x4096xf32, #tpu.memory_space<hbm>>
      %dma_start3A_728 = tpu.memref_squeeze %dma_start3A_727 : memref<1x1x4096xf32, #tpu.memory_space<hbm>> -> memref<4096xf32, #tpu.memory_space<hbm>>
      %dma_start3A_729 = arith.constant 0 : i32
      %dma_start3A_730 = tpu.memref_slice %arg10[%dma_start3A_729] : memref<16384xf32, #tpu.memory_space<vmem>> -> memref<4096xf32, #tpu.memory_space<vmem>>
      tpu.enqueue_dma source(%dma_start3A_730 : memref<4096xf32, #tpu.memory_space<vmem>>) target(%dma_start3A_728 : memref<4096xf32, #tpu.memory_space<hbm>>) target_semaphore(%arg16 : memref<!tpu.dma_semaphore, #tpu.memory_space<semaphore_mem>>)
      %dma_start3A_731 = arith.constant 1 : i32
      %dma_start3A_732 = arith.constant 4096 : i32
      %dma_start3A_733 = tpu.memref_slice %arg10[%dma_start3A_732] : memref<16384xf32, #tpu.memory_space<vmem>> -> memref<4096xf32, #tpu.memory_space<vmem>>
      %dma_start3A_734 = tpu.memref_slice %arg4[%add3A_696, %dma_start3A_731, %mul3A_2] : memref<200x4x131072xf32, #tpu.memory_space<hbm>> -> memref<1x1x4096xf32, #tpu.memory_space<hbm>>
      %dma_start3A_735 = tpu.memref_squeeze %dma_start3A_734 : memref<1x1x4096xf32, #tpu.memory_space<hbm>> -> memref<4096xf32, #tpu.memory_space<hbm>>
      %dma_start3A_736 = tpu.memref_slice %arg4[%add3A_696, %dma_start3A_731, %mul3A_2] : memref<200x4x131072xf32, #tpu.memory_space<hbm>> -> memref<1x1x4096xf32, #tpu.memory_space<hbm>>
      %dma_start3A_737 = tpu.memref_squeeze %dma_start3A_736 : memref<1x1x4096xf32, #tpu.memory_space<hbm>> -> memref<4096xf32, #tpu.memory_space<hbm>>
      %dma_start3A_738 = arith.constant 4096 : i32
      %dma_start3A_739 = tpu.memref_slice %arg10[%dma_start3A_738] : memref<16384xf32, #tpu.memory_space<vmem>> -> memref<4096xf32, #tpu.memory_space<vmem>>
      tpu.enqueue_dma source(%dma_start3A_739 : memref<4096xf32, #tpu.memory_space<vmem>>) target(%dma_start3A_737 : memref<4096xf32, #tpu.memory_space<hbm>>) target_semaphore(%arg16 : memref<!tpu.dma_semaphore, #tpu.memory_space<semaphore_mem>>)
      %dma_start3A_740 = arith.constant 2 : i32
      %dma_start3A_741 = arith.constant 8192 : i32
      %dma_start3A_742 = tpu.memref_slice %arg10[%dma_start3A_741] : memref<16384xf32, #tpu.memory_space<vmem>> -> memref<4096xf32, #tpu.memory_space<vmem>>
      %dma_start3A_743 = tpu.memref_slice %arg4[%add3A_696, %dma_start3A_740, %mul3A_2] : memref<200x4x131072xf32, #tpu.memory_space<hbm>> -> memref<1x1x4096xf32, #tpu.memory_space<hbm>>
      %dma_start3A_744 = tpu.memref_squeeze %dma_start3A_743 : memref<1x1x4096xf32, #tpu.memory_space<hbm>> -> memref<4096xf32, #tpu.memory_space<hbm>>
      %dma_start3A_745 = tpu.memref_slice %arg4[%add3A_696, %dma_start3A_740, %mul3A_2] : memref<200x4x131072xf32, #tpu.memory_space<hbm>> -> memref<1x1x4096xf32, #tpu.memory_space<hbm>>
      %dma_start3A_746 = tpu.memref_squeeze %dma_start3A_745 : memref<1x1x4096xf32, #tpu.memory_space<hbm>> -> memref<4096xf32, #tpu.memory_space<hbm>>
      %dma_start3A_747 = arith.constant 8192 : i32
      %dma_start3A_748 = tpu.memref_slice %arg10[%dma_start3A_747] : memref<16384xf32, #tpu.memory_space<vmem>> -> memref<4096xf32, #tpu.memory_space<vmem>>
      tpu.enqueue_dma source(%dma_start3A_748 : memref<4096xf32, #tpu.memory_space<vmem>>) target(%dma_start3A_746 : memref<4096xf32, #tpu.memory_space<hbm>>) target_semaphore(%arg16 : memref<!tpu.dma_semaphore, #tpu.memory_space<semaphore_mem>>)
      %dma_start3A_749 = arith.constant 3 : i32
      %dma_start3A_750 = arith.constant 12288 : i32
      %dma_start3A_751 = tpu.memref_slice %arg10[%dma_start3A_750] : memref<16384xf32, #tpu.memory_space<vmem>> -> memref<4096xf32, #tpu.memory_space<vmem>>
      %dma_start3A_752 = tpu.memref_slice %arg4[%add3A_696, %dma_start3A_749, %mul3A_2] : memref<200x4x131072xf32, #tpu.memory_space<hbm>> -> memref<1x1x4096xf32, #tpu.memory_space<hbm>>
      %dma_start3A_753 = tpu.memref_squeeze %dma_start3A_752 : memref<1x1x4096xf32, #tpu.memory_space<hbm>> -> memref<4096xf32, #tpu.memory_space<hbm>>
      %dma_start3A_754 = tpu.memref_slice %arg4[%add3A_696, %dma_start3A_749, %mul3A_2] : memref<200x4x131072xf32, #tpu.memory_space<hbm>> -> memref<1x1x4096xf32, #tpu.memory_space<hbm>>
      %dma_start3A_755 = tpu.memref_squeeze %dma_start3A_754 : memref<1x1x4096xf32, #tpu.memory_space<hbm>> -> memref<4096xf32, #tpu.memory_space<hbm>>
      %dma_start3A_756 = arith.constant 12288 : i32
      %dma_start3A_757 = tpu.memref_slice %arg10[%dma_start3A_756] : memref<16384xf32, #tpu.memory_space<vmem>> -> memref<4096xf32, #tpu.memory_space<vmem>>
      tpu.enqueue_dma source(%dma_start3A_757 : memref<4096xf32, #tpu.memory_space<vmem>>) target(%dma_start3A_755 : memref<4096xf32, #tpu.memory_space<hbm>>) target_semaphore(%arg16 : memref<!tpu.dma_semaphore, #tpu.memory_space<semaphore_mem>>)
    }
    %scan3A_553 = arith.constant 100 : i32
    %dma_wait3A_554 = arith.constant 0 : i32
    %dma_wait3A_555 = arith.constant 0 : i32
    %dma_wait3A_556 = arith.constant 0 : i32
    %dma_wait3A_557 = tpu.memref_slice %arg9[%dma_wait3A_556] : memref<16384xf32, #tpu.memory_space<vmem>> -> memref<4096xf32, #tpu.memory_space<vmem>>
    %dma_wait3A_558 = tpu.memref_slice %arg4[%dma_wait3A_554, %dma_wait3A_555, %mul3A_2] : memref<200x4x131072xf32, #tpu.memory_space<hbm>> -> memref<1x1x4096xf32, #tpu.memory_space<hbm>>
    %dma_wait3A_559 = tpu.memref_squeeze %dma_wait3A_558 : memref<1x1x4096xf32, #tpu.memory_space<hbm>> -> memref<4096xf32, #tpu.memory_space<hbm>>
    %dma_wait3A_560 = tpu.memref_slice %arg4[%dma_wait3A_554, %dma_wait3A_555, %mul3A_2] : memref<200x4x131072xf32, #tpu.memory_space<hbm>> -> memref<1x1x4096xf32, #tpu.memory_space<hbm>>
    %dma_wait3A_561 = tpu.memref_squeeze %dma_wait3A_560 : memref<1x1x4096xf32, #tpu.memory_space<hbm>> -> memref<4096xf32, #tpu.memory_space<hbm>>
    %dma_wait3A_562 = arith.constant 0 : i32
    %dma_wait3A_563 = tpu.memref_slice %arg9[%dma_wait3A_562] : memref<16384xf32, #tpu.memory_space<vmem>> -> memref<4096xf32, #tpu.memory_space<vmem>>
    tpu.wait_dma2 semaphore(%arg15 : memref<!tpu.dma_semaphore, #tpu.memory_space<semaphore_mem>>) src(%dma_wait3A_563 : memref<4096xf32, #tpu.memory_space<vmem>>) dst(%dma_wait3A_561 : memref<4096xf32, #tpu.memory_space<hbm>>)
    %dma_wait3A_564 = arith.constant 0 : i32
    %dma_wait3A_565 = arith.constant 1 : i32
    %dma_wait3A_566 = arith.constant 4096 : i32
    %dma_wait3A_567 = tpu.memref_slice %arg9[%dma_wait3A_566] : memref<16384xf32, #tpu.memory_space<vmem>> -> memref<4096xf32, #tpu.memory_space<vmem>>
    %dma_wait3A_568 = tpu.memref_slice %arg4[%dma_wait3A_564, %dma_wait3A_565, %mul3A_2] : memref<200x4x131072xf32, #tpu.memory_space<hbm>> -> memref<1x1x4096xf32, #tpu.memory_space<hbm>>
    %dma_wait3A_569 = tpu.memref_squeeze %dma_wait3A_568 : memref<1x1x4096xf32, #tpu.memory_space<hbm>> -> memref<4096xf32, #tpu.memory_space<hbm>>
    %dma_wait3A_570 = tpu.memref_slice %arg4[%dma_wait3A_564, %dma_wait3A_565, %mul3A_2] : memref<200x4x131072xf32, #tpu.memory_space<hbm>> -> memref<1x1x4096xf32, #tpu.memory_space<hbm>>
    %dma_wait3A_571 = tpu.memref_squeeze %dma_wait3A_570 : memref<1x1x4096xf32, #tpu.memory_space<hbm>> -> memref<4096xf32, #tpu.memory_space<hbm>>
    %dma_wait3A_572 = arith.constant 4096 : i32
    %dma_wait3A_573 = tpu.memref_slice %arg9[%dma_wait3A_572] : memref<16384xf32, #tpu.memory_space<vmem>> -> memref<4096xf32, #tpu.memory_space<vmem>>
    tpu.wait_dma2 semaphore(%arg15 : memref<!tpu.dma_semaphore, #tpu.memory_space<semaphore_mem>>) src(%dma_wait3A_573 : memref<4096xf32, #tpu.memory_space<vmem>>) dst(%dma_wait3A_571 : memref<4096xf32, #tpu.memory_space<hbm>>)
    %dma_wait3A_574 = arith.constant 0 : i32
    %dma_wait3A_575 = arith.constant 2 : i32
    %dma_wait3A_576 = arith.constant 8192 : i32
    %dma_wait3A_577 = tpu.memref_slice %arg9[%dma_wait3A_576] : memref<16384xf32, #tpu.memory_space<vmem>> -> memref<4096xf32, #tpu.memory_space<vmem>>
    %dma_wait3A_578 = tpu.memref_slice %arg4[%dma_wait3A_574, %dma_wait3A_575, %mul3A_2] : memref<200x4x131072xf32, #tpu.memory_space<hbm>> -> memref<1x1x4096xf32, #tpu.memory_space<hbm>>
    %dma_wait3A_579 = tpu.memref_squeeze %dma_wait3A_578 : memref<1x1x4096xf32, #tpu.memory_space<hbm>> -> memref<4096xf32, #tpu.memory_space<hbm>>
    %dma_wait3A_580 = tpu.memref_slice %arg4[%dma_wait3A_574, %dma_wait3A_575, %mul3A_2] : memref<200x4x131072xf32, #tpu.memory_space<hbm>> -> memref<1x1x4096xf32, #tpu.memory_space<hbm>>
    %dma_wait3A_581 = tpu.memref_squeeze %dma_wait3A_580 : memref<1x1x4096xf32, #tpu.memory_space<hbm>> -> memref<4096xf32, #tpu.memory_space<hbm>>
    %dma_wait3A_582 = arith.constant 8192 : i32
    %dma_wait3A_583 = tpu.memref_slice %arg9[%dma_wait3A_582] : memref<16384xf32, #tpu.memory_space<vmem>> -> memref<4096xf32, #tpu.memory_space<vmem>>
    tpu.wait_dma2 semaphore(%arg15 : memref<!tpu.dma_semaphore, #tpu.memory_space<semaphore_mem>>) src(%dma_wait3A_583 : memref<4096xf32, #tpu.memory_space<vmem>>) dst(%dma_wait3A_581 : memref<4096xf32, #tpu.memory_space<hbm>>)
    %dma_wait3A_584 = arith.constant 0 : i32
    %dma_wait3A_585 = arith.constant 3 : i32
    %dma_wait3A_586 = arith.constant 12288 : i32
    %dma_wait3A_587 = tpu.memref_slice %arg9[%dma_wait3A_586] : memref<16384xf32, #tpu.memory_space<vmem>> -> memref<4096xf32, #tpu.memory_space<vmem>>
    %dma_wait3A_588 = tpu.memref_slice %arg4[%dma_wait3A_584, %dma_wait3A_585, %mul3A_2] : memref<200x4x131072xf32, #tpu.memory_space<hbm>> -> memref<1x1x4096xf32, #tpu.memory_space<hbm>>
    %dma_wait3A_589 = tpu.memref_squeeze %dma_wait3A_588 : memref<1x1x4096xf32, #tpu.memory_space<hbm>> -> memref<4096xf32, #tpu.memory_space<hbm>>
    %dma_wait3A_590 = tpu.memref_slice %arg4[%dma_wait3A_584, %dma_wait3A_585, %mul3A_2] : memref<200x4x131072xf32, #tpu.memory_space<hbm>> -> memref<1x1x4096xf32, #tpu.memory_space<hbm>>
    %dma_wait3A_591 = tpu.memref_squeeze %dma_wait3A_590 : memref<1x1x4096xf32, #tpu.memory_space<hbm>> -> memref<4096xf32, #tpu.memory_space<hbm>>
    %dma_wait3A_592 = arith.constant 12288 : i32
    %dma_wait3A_593 = tpu.memref_slice %arg9[%dma_wait3A_592] : memref<16384xf32, #tpu.memory_space<vmem>> -> memref<4096xf32, #tpu.memory_space<vmem>>
    tpu.wait_dma2 semaphore(%arg15 : memref<!tpu.dma_semaphore, #tpu.memory_space<semaphore_mem>>) src(%dma_wait3A_593 : memref<4096xf32, #tpu.memory_space<vmem>>) dst(%dma_wait3A_591 : memref<4096xf32, #tpu.memory_space<hbm>>)
    %dma_wait3A_594 = arith.constant 0 : i32
    %dma_wait3A_595 = arith.constant 0 : i32
    %dma_wait3A_596 = arith.constant 0 : i32
    %dma_wait3A_597 = tpu.memref_slice %arg10[%dma_wait3A_596] : memref<16384xf32, #tpu.memory_space<vmem>> -> memref<4096xf32, #tpu.memory_space<vmem>>
    %dma_wait3A_598 = tpu.memref_slice %arg4[%dma_wait3A_594, %dma_wait3A_595, %mul3A_2] : memref<200x4x131072xf32, #tpu.memory_space<hbm>> -> memref<1x1x4096xf32, #tpu.memory_space<hbm>>
    %dma_wait3A_599 = tpu.memref_squeeze %dma_wait3A_598 : memref<1x1x4096xf32, #tpu.memory_space<hbm>> -> memref<4096xf32, #tpu.memory_space<hbm>>
    %dma_wait3A_600 = tpu.memref_slice %arg4[%dma_wait3A_594, %dma_wait3A_595, %mul3A_2] : memref<200x4x131072xf32, #tpu.memory_space<hbm>> -> memref<1x1x4096xf32, #tpu.memory_space<hbm>>
    %dma_wait3A_601 = tpu.memref_squeeze %dma_wait3A_600 : memref<1x1x4096xf32, #tpu.memory_space<hbm>> -> memref<4096xf32, #tpu.memory_space<hbm>>
    %dma_wait3A_602 = arith.constant 0 : i32
    %dma_wait3A_603 = tpu.memref_slice %arg10[%dma_wait3A_602] : memref<16384xf32, #tpu.memory_space<vmem>> -> memref<4096xf32, #tpu.memory_space<vmem>>
    tpu.wait_dma2 semaphore(%arg16 : memref<!tpu.dma_semaphore, #tpu.memory_space<semaphore_mem>>) src(%dma_wait3A_603 : memref<4096xf32, #tpu.memory_space<vmem>>) dst(%dma_wait3A_601 : memref<4096xf32, #tpu.memory_space<hbm>>)
    %dma_wait3A_604 = arith.constant 0 : i32
    %dma_wait3A_605 = arith.constant 1 : i32
    %dma_wait3A_606 = arith.constant 4096 : i32
    %dma_wait3A_607 = tpu.memref_slice %arg10[%dma_wait3A_606] : memref<16384xf32, #tpu.memory_space<vmem>> -> memref<4096xf32, #tpu.memory_space<vmem>>
    %dma_wait3A_608 = tpu.memref_slice %arg4[%dma_wait3A_604, %dma_wait3A_605, %mul3A_2] : memref<200x4x131072xf32, #tpu.memory_space<hbm>> -> memref<1x1x4096xf32, #tpu.memory_space<hbm>>
    %dma_wait3A_609 = tpu.memref_squeeze %dma_wait3A_608 : memref<1x1x4096xf32, #tpu.memory_space<hbm>> -> memref<4096xf32, #tpu.memory_space<hbm>>
    %dma_wait3A_610 = tpu.memref_slice %arg4[%dma_wait3A_604, %dma_wait3A_605, %mul3A_2] : memref<200x4x131072xf32, #tpu.memory_space<hbm>> -> memref<1x1x4096xf32, #tpu.memory_space<hbm>>
    %dma_wait3A_611 = tpu.memref_squeeze %dma_wait3A_610 : memref<1x1x4096xf32, #tpu.memory_space<hbm>> -> memref<4096xf32, #tpu.memory_space<hbm>>
    %dma_wait3A_612 = arith.constant 4096 : i32
    %dma_wait3A_613 = tpu.memref_slice %arg10[%dma_wait3A_612] : memref<16384xf32, #tpu.memory_space<vmem>> -> memref<4096xf32, #tpu.memory_space<vmem>>
    tpu.wait_dma2 semaphore(%arg16 : memref<!tpu.dma_semaphore, #tpu.memory_space<semaphore_mem>>) src(%dma_wait3A_613 : memref<4096xf32, #tpu.memory_space<vmem>>) dst(%dma_wait3A_611 : memref<4096xf32, #tpu.memory_space<hbm>>)
    %dma_wait3A_614 = arith.constant 0 : i32
    %dma_wait3A_615 = arith.constant 2 : i32
    %dma_wait3A_616 = arith.constant 8192 : i32
    %dma_wait3A_617 = tpu.memref_slice %arg10[%dma_wait3A_616] : memref<16384xf32, #tpu.memory_space<vmem>> -> memref<4096xf32, #tpu.memory_space<vmem>>
    %dma_wait3A_618 = tpu.memref_slice %arg4[%dma_wait3A_614, %dma_wait3A_615, %mul3A_2] : memref<200x4x131072xf32, #tpu.memory_space<hbm>> -> memref<1x1x4096xf32, #tpu.memory_space<hbm>>
    %dma_wait3A_619 = tpu.memref_squeeze %dma_wait3A_618 : memref<1x1x4096xf32, #tpu.memory_space<hbm>> -> memref<4096xf32, #tpu.memory_space<hbm>>
    %dma_wait3A_620 = tpu.memref_slice %arg4[%dma_wait3A_614, %dma_wait3A_615, %mul3A_2] : memref<200x4x131072xf32, #tpu.memory_space<hbm>> -> memref<1x1x4096xf32, #tpu.memory_space<hbm>>
    %dma_wait3A_621 = tpu.memref_squeeze %dma_wait3A_620 : memref<1x1x4096xf32, #tpu.memory_space<hbm>> -> memref<4096xf32, #tpu.memory_space<hbm>>
    %dma_wait3A_622 = arith.constant 8192 : i32
    %dma_wait3A_623 = tpu.memref_slice %arg10[%dma_wait3A_622] : memref<16384xf32, #tpu.memory_space<vmem>> -> memref<4096xf32, #tpu.memory_space<vmem>>
    tpu.wait_dma2 semaphore(%arg16 : memref<!tpu.dma_semaphore, #tpu.memory_space<semaphore_mem>>) src(%dma_wait3A_623 : memref<4096xf32, #tpu.memory_space<vmem>>) dst(%dma_wait3A_621 : memref<4096xf32, #tpu.memory_space<hbm>>)
    %dma_wait3A_624 = arith.constant 0 : i32
    %dma_wait3A_625 = arith.constant 3 : i32
    %dma_wait3A_626 = arith.constant 12288 : i32
    %dma_wait3A_627 = tpu.memref_slice %arg10[%dma_wait3A_626] : memref<16384xf32, #tpu.memory_space<vmem>> -> memref<4096xf32, #tpu.memory_space<vmem>>
    %dma_wait3A_628 = tpu.memref_slice %arg4[%dma_wait3A_624, %dma_wait3A_625, %mul3A_2] : memref<200x4x131072xf32, #tpu.memory_space<hbm>> -> memref<1x1x4096xf32, #tpu.memory_space<hbm>>
    %dma_wait3A_629 = tpu.memref_squeeze %dma_wait3A_628 : memref<1x1x4096xf32, #tpu.memory_space<hbm>> -> memref<4096xf32, #tpu.memory_space<hbm>>
    %dma_wait3A_630 = tpu.memref_slice %arg4[%dma_wait3A_624, %dma_wait3A_625, %mul3A_2] : memref<200x4x131072xf32, #tpu.memory_space<hbm>> -> memref<1x1x4096xf32, #tpu.memory_space<hbm>>
    %dma_wait3A_631 = tpu.memref_squeeze %dma_wait3A_630 : memref<1x1x4096xf32, #tpu.memory_space<hbm>> -> memref<4096xf32, #tpu.memory_space<hbm>>
    %dma_wait3A_632 = arith.constant 12288 : i32
    %dma_wait3A_633 = tpu.memref_slice %arg10[%dma_wait3A_632] : memref<16384xf32, #tpu.memory_space<vmem>> -> memref<4096xf32, #tpu.memory_space<vmem>>
    tpu.wait_dma2 semaphore(%arg16 : memref<!tpu.dma_semaphore, #tpu.memory_space<semaphore_mem>>) src(%dma_wait3A_633 : memref<4096xf32, #tpu.memory_space<vmem>>) dst(%dma_wait3A_631 : memref<4096xf32, #tpu.memory_space<hbm>>)
    return
  }
}

</mosaic_0001>

<sc_bundles>
// kernel: kernel.3.cloned.1.call-start
scs
__scs_entry_jumppad:
0x0: {  	(pc) =	sbr.rel $0x88, $3  }
0x1: {  	(tag) =	ssettag $0x0;
	lr =	simm.s32 $0x1  }
0x2: {  	[smem:$0x3F9E] =	sst lr;
	_ =	strace $0xD0000000  }
0x3: {  	_ = 	snop  }
0x4: {  	_ = 	snop  }
0x5: {  	_ = 	snop  }
0x6: {  	_ = 	snop  }
0x7: {  	_ = 	snop  }
__scs_overlays_trampoline_lowered:
0x8: {  	[smem:$0x3FAD] =	sst s0  }
0x9: {  	[smem:$0x3FAE] =	sst s1  }
0xa: {  	[smem:$0x3FAF] =	sst s2  }
0xb: {  	[smem:$0x3FB0] =	sst s3  }
0xc: {  	[smem:$0x3FB1] =	sst s4  }
0xd: {  	[smem:$0x3FB2] =	sst s5  }
0xe: {  	[smem:$0x3FB3] =	sst s6  }
0xf: {  	[smem:$0x3FB4] =	sst s7  }
0x10: {  	[smem:$0x3FB5] =	sst s8  }
0x11: {  	[smem:$0x3FB6] =	sst s9;
	s0 =	simm.s32 @!p0 $0x0  }
0x12: {  	s1 =	sld [smem:$0x3F9C];
	s0 =	simm.s32 @p0 $0x1  }
0x13: {  	[smem:$0x3FB7] =	sst s0;
	s0 =	simm.s32 @!p1 $0x0  }
0x14: {  	s2 =	sld [smem:$0x3F9B];
	s0 =	simm.s32 @p1 $0x1  }
0x15: {  	[smem:$0x3FB8] =	sst s0;
	s0 =	simm.s32 @!p2 $0x0  }
0x16: {  	s3 =	sld [smem:$0x3FDB];
	s0 =	simm.s32 @p2 $0x1  }
0x17: {  	s4 =	simm.s32 $0x1BF5;
	[smem:$0x3FBA] =	sst s0  }
0x18: {  	s0 =	sld [smem:$0x3F9D];
	_ =	swait.ge [sflag:s4], $0x0  }
0x19: {  	s7 =	sld [smem:$0x3F9E]  }
0x1a: {  	s8 =	sadd.s32 $0xFFFFE003, lr  }
0x1b: {  	s9 =	sadd.s32 $0xFFFFFEF7, lr;
	s5 =	simm.s32 $0xFFFFFFFF;
	p2 =	slt.u32 s8, $0xFFFFF086  }
0x1c: {  	p1 =	slt.u32 s9, $0xF7A;
	s5 =	simm.s32 @!p2 $0x0  }
0x1d: {  	s5 =	simm.s32 @p1 $0x1;
	p0 =	seq.s32 s7, s2  }
0x1e: {  	s7 =	smul.u32 @!p0 $0xF7A, s2;
	p2 =	seq.s32 @!p0 s5, $0x0  }
0x1f: {  	s9 =	smul.u32 $0xF7A, s1;
	s8 =	simm.s32 @!p0 $0x1BF5;
	p2 =	por !p2, p0  }
0x20: {  	[sflag:s8] =	ssyncset.s32 @!p0 $0xFFFFF086;
	s6 =	sadd.s32 @!p0 s3, s7;
	s7 =	simm.s32 @!p0 $0x108  }
0x21: {  	s3 =	sadd.s32 s3, s9;
	s6 =	sadd.s32 @!p0 $0x88, s6;
	s7 =	simm.s32 @p2 $0x1082  }
0x22: {  	[simem:s7], [sflag:s8] =	dma.local @!p0 [hbm:s6], $0xF7A  }
0x23: {  	s9 =	sor.u32 $0xD0000000, s2;
	s6 =	simm.s32 $0x108;
	_ =	swait.ge @!p0 [sflag:s8], $0x0  }
0x24: {  	s3 =	sadd.s32 $0x88, s3;
	s6 =	simm.s32 @!p1 $0x1082;
	[sflag:s4] =	ssyncset.s32 $0xFFFFF086  }
0x25: {  	[simem:s6], [sflag:s4] =	dma.local [hbm:s3], $0xF7A  }
0x26: {  	[smem:$0x3F9E] =	sst s1;
	(tag) =	ssettag s2;
	_ =	strace s9  }
0x27: {  	s1 =	sld [smem:$0x3FAE]  }
0x28: {  	s2 =	sld [smem:$0x3FAF]  }
0x29: {  	s4 =	sld [smem:$0x3FB1]  }
0x2a: {  	p0 =	seq.s32 s5, $0x0;
	s5 =	sld [smem:$0x3FB2]  }
0x2b: {  	s6 =	sld [smem:$0x3FB3]  }
0x2c: {  	s7 =	sld [smem:$0x3FB4]  }
0x2d: {  	s3 =	simm.s32 $0x108;
	s8 =	sld [smem:$0x3FB5]  }
0x2e: {  	s3 =	simm.s32 @!p0 $0x1082;
	s9 =	sld [smem:$0x3FB6]  }
0x2f: {  	lr =	sadd.s32 s0, s3;
	s0 =	sld [smem:$0x3FAD]  }
0x30: {  	s3 =	sld [smem:$0x3FB0]  }
0x31: {  	[smem:$0x3FB9] =	sst s10  }
0x32: {  	s10 =	sld [smem:$0x3FB7];
	_ =	sdelay $0x3  }
0x33: {  	p0 =	seq.s32 s10, $0x1;
	s10 =	sld [smem:$0x3FB9];
	_ =	sdelay $0x3  }
0x34: {  	[smem:$0x3FB9] =	sst s10  }
0x35: {  	s10 =	sld [smem:$0x3FB8];
	_ =	sdelay $0x3  }
0x36: {  	p1 =	seq.s32 s10, $0x1;
	s10 =	sld [smem:$0x3FB9];
	_ =	sdelay $0x3  }
0x37: {  	[smem:$0x3FB9] =	sst s10  }
0x38: {  	s10 =	sld [smem:$0x3FBA]  }
0x39: {  	_ = 	snop;
	(pc) =	sbr.ind lr, $3  }
0x3a: {  	_ = 	snop  }
0x3b: {  	_ = 	snop  }
0x3c: {  	p2 =	seq.s32 s10, $0x1;
	s10 =	sld [smem:$0x3FB9]  }
0x3d: {  	_ =	shalt  }
0x3e: {  	_ =	shalt  }
0x3f: {  	_ =	shalt  }
0x40: {  	_ =	shalt  }
0x41: {  	_ =	shalt  }
0x42: {  	_ =	shalt  }
0x43: {  	_ =	shalt  }
0x44: {  	_ =	shalt  }
0x45: {  	_ =	shalt  }
0x46: {  	_ =	shalt  }
0x47: {  	_ =	shalt  }
0x48: {  	_ =	shalt  }
0x49: {  	_ =	shalt  }
0x4a: {  	_ =	shalt  }
0x4b: {  	_ =	shalt  }
0x4c: {  	_ =	shalt  }
0x4d: {  	_ =	shalt  }
0x4e: {  	_ =	shalt  }
0x4f: {  	_ =	shalt  }
0x50: {  	_ =	shalt  }
0x51: {  	_ =	shalt  }
0x52: {  	_ =	shalt  }
0x53: {  	_ =	shalt  }
0x54: {  	_ =	shalt  }
0x55: {  	_ =	shalt  }
0x56: {  	_ =	shalt  }
0x57: {  	_ =	shalt  }
0x58: {  	_ =	shalt  }
0x59: {  	_ =	shalt  }
0x5a: {  	_ =	shalt  }
0x5b: {  	_ =	shalt  }
0x5c: {  	_ =	shalt  }
0x5d: {  	_ =	shalt  }
0x5e: {  	_ =	shalt  }
0x5f: {  	_ =	shalt  }
0x60: {  	_ =	shalt  }
0x61: {  	_ =	shalt  }
0x62: {  	_ =	shalt  }
0x63: {  	_ =	shalt  }
0x64: {  	_ =	shalt  }
0x65: {  	_ =	shalt  }
0x66: {  	_ =	shalt  }
0x67: {  	_ =	shalt  }
0x68: {  	_ =	shalt  }
0x69: {  	_ =	shalt  }
0x6a: {  	_ =	shalt  }
0x6b: {  	_ =	shalt  }
0x6c: {  	_ =	shalt  }
0x6d: {  	_ =	shalt  }
0x6e: {  	_ =	shalt  }
0x6f: {  	_ =	shalt  }
0x70: {  	_ =	shalt  }
0x71: {  	_ =	shalt  }
0x72: {  	_ =	shalt  }
0x73: {  	_ =	shalt  }
0x74: {  	_ =	shalt  }
0x75: {  	_ =	shalt  }
0x76: {  	_ =	shalt  }
0x77: {  	_ =	shalt  }
0x78: {  	_ =	shalt  }
0x79: {  	_ =	shalt  }
0x7a: {  	_ =	shalt  }
0x7b: {  	_ =	shalt  }
0x7c: {  	_ =	shalt  }
0x7d: {  	_ =	shalt  }
0x7e: {  	_ =	shalt  }
0x7f: {  	_ =	shalt  }
0x80: {  	_ =	shalt  }
0x81: {  	_ =	shalt  }
0x82: {  	_ =	shalt  }
0x83: {  	_ =	shalt  }
0x84: {  	_ =	shalt  }
0x85: {  	_ =	shalt  }
0x86: {  	_ =	shalt  }
0x87: {  	_ =	shalt  }
.Lfunc_end0:
.L_simem_size_0:
called_computation_lowered:
.L_overlay_start_0:
0x88: {  	s2 =	sld [smem:$0x3FD9]  }
0x89: {  	s3 =	sld [smem:$0x3FFE];
	_ =	sdelay $0x1  }
0x8a: {  	s1 =	srdreg.scid  }
0x8b: {  	s0 =	sand.u32 $0x1, s1  }
0x8c: {  	s14 =	sshll.u32 s0, $0xA;
	s2 =	sadd.s32 s3, s2  }
0x8d: {  	s2 =	sadd.s32 s2, s14  }
0x8e: {  	[smem:$0x3FC5] =	sst s2  }
0x8f: {  	_ = 	snop  }
0x90: {  	s2 =	sld [smem:$0x3FD0];
	_ =	sdelay $0x2  }
0x91: {  	s4 =	simm.s32 $0xA;
	s5 =	simm.s32 $0x10;
	s15 =	sld [smem:$0x3FC9]  }
0x92: {  	[smem:s5], [sflag:s4] =	dma.local [hbm:s2], $0x1  }
0x93: {  	_ =	swait.eq [sflag:s4], $0x1  }
0x94: {  	[sflag:s4] =	ssyncset.done $0x0  }
0x95: {  	[sflag:s4] =	ssyncadd.s32 $0xFFFFFFFF  }
0x96: {  	s16 =	sld [smem:$0x10];
	(tm) =	ssettm $0x1  }
0x97: {  	s17 =	sld [smem:$0x3FFB];
	_ =	sdelay $0x3  }
0x98: {  	_ =	strace s17  }
0x99: {  	s4 =	sld [smem:$0x3FFC];
	_ =	sdelay $0x3  }
0x9a: {  	_ =	strace s4  }
0x9b: {  	s4 =	sld [smem:$0x3FFD];
	_ =	sdelay $0x3  }
0x9c: {  	_ =	strace s4  }
0x9d: {  	_ =	strace $0x8FFFFFFF  }
0x9e: {  	s18 =	sld [smem:$0x3FDB];
	_ =	sdelay $0x1  }
0x9f: {  	s19 =	simm.s32 $_scs_section_size  }
0xa0: {  	s6 =	simm.s32 $_size__tile_overlayer_lowered;
	s7 =	simm.s32 $_tile_overlayer_lowered  }
0xa1: {  	s22 =	simm.s32 $0x1BFF;
	s21 =	sshll.u32 s7, $0x1;
	s4 =	sadd.s32 s19, s18  }
0xa2: {  	s8 =	simm.s32 $0x0;
	s20 =	sshll.u32 s6, $0x1;
	s6 =	sadd.s32 s21, s4  }
0xa3: {  	[timem:s8], [sflag:s22] =	dma.local [hbm:s6], s20  }
0xa4: {  	_ =	swait.ge [sflag:s22], s20  }
0xa5: {  	s5 =	ssub.s32 $0x0, s20;
	[sflag:s22] =	ssyncset.done $0x0  }
0xa6: {  	[sflag:s22] =	ssyncadd.s32 s5;
	_ =	sdelay $0x1  }
0xa7: {  	s23 =	simm.s32 $0x1B8B  }
0xa8: {  	_ =	swait.ge [sflag:s23], $0x1  }
0xa9: {  	[sflag:s23] =	ssyncset.done $0x0  }
0xaa: {  	s25 =	simm.s32 $0x1B8E;
	s24 =	sld [smem:$0x3FFE];
	[sflag:s23] =	ssyncadd.s32 $0xFFFFFFFF  }
0xab: {  	s26 =	simm.s32 $execute0_lowered;
	[smem:$0x3FD2] =	sst s25  }
0xac: {  	s6 =	sshll.u32 s26, $0x1;
	_ =	strace $0x80000046;
	[dreg:$0x1] =	wrdreg $0xFFFFFFFF  }
0xad: {  	s28 =	simm.s32 $_size_execute0_lowered;
	s4 =	sadd.s32 s4, s6;
	[dreg:$0x0] =	wrdreg $0x0  }
0xae: {  	s6 =	sshll.u32 s28, $0x1;
	[dreg:$0x2] =	wrdreg s4  }
0xaf: {  	[dreg:$0x3] =	wrdreg s6  }
0xb0: {  	[dreg:$0x4] =	wrdreg $0xC0  }
0xb1: {  	_ =	task [dreg:s8], $0x5FFFF  }
0xb2: {  	[dreg:$0x1] =	wrdreg $0xFFFFFFFF  }
0xb3: {  	[dreg:$0x0] =	wrdreg $0x60  }
0xb4: {  	[dreg:$0x2] =	wrdreg s15  }
0xb5: {  	[dreg:$0x3] =	wrdreg s24  }
0xb6: {  	[dreg:$0x4] =	wrdreg s16  }
0xb7: {  	[dreg:$0x5] =	wrdreg $0x9  }
0xb8: {  	_ =	task.clear_ibuf [dreg:s8], $0x6FFFF;
	_ =	strace $0x90000046  }
0xb9: {  	s29 =	simm.s32 $0x9;
	_ =	strace $0x80000048  }
0xba: {  	_ =	swait.ge [sflag:s29], $0x1  }
0xbb: {  	[sflag:s29] =	ssyncadd.s32 $0xFFFFFFFF  }
0xbc: {  	_ =	strace $0x90000048  }
0xbd: {  	_ =	sfence  }
0xbe: {  	s30 =	sld [smem:$0x0];
	_ =	sdelay $0x2  }
0xbf: {  	s31 =	sshll.u32 s1, $0xD;
	s1 =	sshrl.u32 s1, $0x2  }
0xc0: {  	s3 =	sand.u32 $0x4000, s31;
	s1 =	sadd.s32 s1, s30  }
0xc1: {  	s0 =	sor.u32 s3, s0;
	s1 =	sshll.u32 s1, $0x11  }
0xc2: {  	s0 =	sor.u32 s1, s0  }
0xc3: {  	s0 =	sadd.s32 $0x8F2B, s0  }
0xc4: {  	[sflag:s0] =	ssyncadd.remote.s32 $0x1  }
0xc5: {  	_ =	sfence.sel $0xFFFF  }
0xc6: {  	[dreg:$0x0] =	wrdreg $0xFFFFFFFF;
	(pc) =	sbr.abs _section_cstart, $3  }
0xc7: {  	[dreg:$0x1] =	wrdreg $0xFFFFFFFF  }
0xc8: {  	_ =	task.clear_ibuf [dreg:s8], $0x2FFFF;
	_ =	strace $0x9FFFFFFF  }
0xc9: {  	(tm) =	ssettm $0x7FFFFFFF  }
tec
execute0_lowered:
.L_overlay_start_1:
0x0: {  	(tag) =	ssettag $0x1  }
0x1: {  	v0 =	vimm.s32 $0x138F;
	vm14 =	vcmask $0x300;
	vm13 =	vcmask $0x704  }
0x2: {  	vm12 =	vcmask $0xB08;
	vm11 =	vcmask $0xF0C;
	vm10 =	vcmask $0x1310  }
0x3: {  	vm9 =	vcmask $0x1714;
	vm8 =	vcmask $0x1B18;
	vm7 =	vcmask $0x1F1C  }
0x4: {  	vm6 =	vcmask $0x2320;
	vm5 =	vcmask $0x2724;
	v12 =	vlaneseq.u32  }
0x5: {  	vm4 =	vcmask $0x2B28;
	vm3 =	vcmask $0x2F2C;
	v1 =	vimm.s32 $0x130F  }
0x6: {  	vm2 =	vcmask $0x3330;
	vm0 =	vcmask $0x3734;
	v3 =	vimm.s32 $0x67452301  }
0x7: {  	v5 =	vimm.s32 $0x128F;
	vm1 =	vcmask $0x3B38;
	v0 =	vsel vm14, $0x0, v0  }
0x8: {  	v7 =	vimm.s32 $0xCDEF89AB;
	v8 =	vimm.s32 $0x45670123;
	v0 =	vsel vm13, $0x81, v0  }
0x9: {  	v10 =	vimm.s32 $0x32107654;
	v16 =	vimm.s32 $0x100F;
	v0 =	vsel vm12, $0x102, v0  }
0xa: {  	v20 =	vimm.s32 $0x1234567;
	v23 =	vimm.s32 $0xFEDCBA98;
	v0 =	vsel vm11, $0x183, v0  }
0xb: {  	v1 =	vsel vm14, $0x80, v1;
	v2 =	vmul.u32 $0x20, v12;
	v0 =	vsel vm10, $0x204, v0  }
0xc: {  	v3 =	vunpack.c.l.s4.s8 v3;
	v7 =	vunpack.c.l.s4.s8 v7;
	v0 =	vsel vm9, $0x285, v0  }
0xd: {  	v8 =	vunpack.c.l.s4.s8 v8;
	v10 =	vunpack.c.l.s4.s8 v10;
	v0 =	vsel vm8, $0x306, v0  }
0xe: {  	v16 =	vsel vm14, $0x380, v16;
	v20 =	vunpack.c.l.s4.s8 v20;
	v0 =	vsel vm7, $0x387, v0  }
0xf: {  	v23 =	vunpack.c.l.s4.s8 v23;
	v1 =	vsel vm13, $0x1, v1;
	v0 =	vsel vm6, $0x1008, v0  }
0x10: {  	v16 =	vsel vm13, $0x301, v16;
	[tilespmem:$0x1FD20] =	vst v2;
	v2 =	vimm.s32 $0xEFCDAB89;
	v0 =	vsel vm5, $0x1089, v0  }
0x11: {  	v1 =	vsel vm12, $0x182, v1;
	v13 =	vunpack.c.0.s8.s32 v10;
	v0 =	vsel vm4, $0x110A, v0  }
0x12: {  	v2 =	vunpack.c.l.s4.s8 v2;
	v1 =	vsel vm11, $0x103, v1;
	v0 =	vsel vm3, $0x118B, v0  }
0x13: {  	v16 =	vsel vm12, $0x282, v16;
	v1 =	vsel vm10, $0x284, v1;
	v0 =	vsel vm2, $0x120C, v0  }
0x14: {  	v4 =	vsel vm0, $0x128D, v0;
	v0 =	vunpack.c.0.s8.s32 v2;
	v2 =	vsel vm9, $0x205, v1  }
0x15: {  	v1 =	vunpack.c.0.s8.s32 v3;
	v3 =	vsel vm14, $0x100, v5;
	v2 =	vsel vm8, $0x386, v2  }
0x16: {  	v20 =	vunpack.c.0.s8.s32 v20;
	v3 =	vsel vm13, $0x181, v3;
	v2 =	vsel vm7, $0x307, v2  }
0x17: {  	v5 =	vcombine.low v1, v0;
	v3 =	vsel vm12, $0x2, v3;
	v6 =	vsel vm6, $0x1088, v2  }
0x18: {  	v52 =	vsel vm1, $0x130E, v4;
	v3 =	vsel vm11, $0x83, v3;
	v4 =	vsel vm5, $0x1009, v6  }
0x19: {  	v2 =	vand.u32 $0xF, v5;
	v3 =	vsel vm10, $0x304, v3;
	v5 =	vimm.s32 $0xDCFE98BA  }
0x1a: {  	v6 =	vimm.s32 $0x54761032;
	v3 =	vsel vm9, $0x385, v3;
	v5 =	vunpack.c.l.s4.s8 v5  }
0x1b: {  	v4 =	vsel vm4, $0x118A, v4;
	v6 =	vunpack.c.l.s4.s8 v6;
	v3 =	vsel vm8, $0x206, v3  }
0x1c: {  	v3 =	vsel vm7, $0x287, v3;
	v15 =	vunpack.c.0.s8.s32 v5;
	v5 =	vimm.s32 $0x120F  }
0x1d: {  	v11 =	vunpack.c.0.s8.s32 v6;
	v3 =	vsel vm6, $0x1108, v3;
	v5 =	vsel vm14, $0x180, v5  }
0x1e: {  	v4 =	vsel vm3, $0x110B, v4;
	v3 =	vsel vm5, $0x1189, v3;
	v5 =	vsel vm13, $0x101, v5  }
0x1f: {  	v6 =	vcombine.low v11, v15;
	v3 =	vsel vm4, $0x100A, v3;
	v5 =	vsel vm12, $0x82, v5  }
0x20: {  	v4 =	vsel vm2, $0x128C, v4;
	v3 =	vsel vm3, $0x108B, v3;
	v5 =	vsel vm11, $0x3, v5  }
0x21: {  	[tilespmem:$0x1FD30] =	vst v2;
	v2 =	vand.u32 $0xF, v6;
	v6 =	vsel vm2, $0x130C, v3;
	v9 =	vsel vm10, $0x384, v5  }
0x22: {  	v5 =	vunpack.c.0.s8.s32 v7;
	v3 =	vunpack.c.0.s8.s32 v8;
	v8 =	vimm.s32 $0x118F  }
0x23: {  	v4 =	vsel vm0, $0x120D, v4;
	v7 =	vsel vm9, $0x305, v9;
	v8 =	vsel vm14, $0x200, v8  }
0x24: {  	v7 =	vsel vm8, $0x286, v7;
	v9 =	vcombine.low v3, v5;
	v8 =	vsel vm13, $0x281, v8  }
0x25: {  	v26 =	vsel vm1, $0x138E, v4;
	v7 =	vsel vm7, $0x207, v7;
	v8 =	vsel vm12, $0x302, v8  }
0x26: {  	[tilespmem:$0x1FD40] =	vst v2;
	v7 =	vsel vm6, $0x1188, v7;
	v2 =	vand.u32 $0xF, v9;
	v9 =	vimm.s32 $0xBA98FEDC  }
0x27: {  	v8 =	vsel vm11, $0x383, v8;
	v7 =	vsel vm5, $0x1109, v7;
	v9 =	vunpack.c.l.s4.s8 v9  }
0x28: {  	v4 =	vimm.s32 $0x108F;
	v8 =	vsel vm10, $0x4, v8;
	v7 =	vsel vm4, $0x108A, v7  }
0x29: {  	v8 =	vsel vm9, $0x85, v8;
	v7 =	vsel vm3, $0x100B, v7;
	v17 =	vunpack.c.0.s8.s32 v9  }
0x2a: {  	v8 =	vsel vm8, $0x106, v8;
	v9 =	vimm.s32 $0x110F;
	v7 =	vsel vm2, $0x138C, v7  }
0x2b: {  	v8 =	vsel vm7, $0x187, v8;
	v9 =	vsel vm14, $0x280, v9;
	v7 =	vsel vm0, $0x130D, v7  }
0x2c: {  	v8 =	vsel vm6, $0x1208, v8;
	v10 =	vcombine.low v13, v17;
	v9 =	vsel vm13, $0x201, v9  }
0x2d: {  	[tilespmem:$0x1FD50] =	vst v2;
	v2 =	vsel vm5, $0x1289, v8;
	v24 =	vsel vm1, $0x128E, v7;
	v9 =	vsel vm12, $0x382, v9  }
0x2e: {  	v7 =	vsel vm4, $0x130A, v2;
	v2 =	vand.u32 $0xF, v10;
	v9 =	vsel vm11, $0x303, v9  }
0x2f: {  	v10 =	vimm.s32 $0xAB89EFCD;
	v7 =	vsel vm3, $0x138B, v7;
	v9 =	vsel vm10, $0x84, v9  }
0x30: {  	[tilespmem:$0x1FD60] =	vst v2;
	v10 =	vunpack.c.l.s4.s8 v10;
	v2 =	vimm.s32 $0x23016745;
	v9 =	vsel vm9, $0x5, v9  }
0x31: {  	v7 =	vsel vm2, $0x100C, v7;
	v2 =	vunpack.c.l.s4.s8 v2;
	v9 =	vsel vm8, $0x186, v9  }
0x32: {  	v19 =	vunpack.c.0.s8.s32 v10;
	v10 =	vsel vm14, $0x300, v4;
	v9 =	vsel vm7, $0x107, v9  }
0x33: {  	v21 =	vunpack.c.0.s8.s32 v2;
	v10 =	vsel vm13, $0x381, v10;
	v9 =	vsel vm6, $0x1288, v9  }
0x34: {  	v7 =	vsel vm0, $0x108D, v7;
	v10 =	vsel vm12, $0x202, v10;
	v9 =	vsel vm5, $0x1209, v9  }
0x35: {  	v2 =	vcombine.low v21, v19;
	v4 =	vsel vm11, $0x283, v10;
	v9 =	vsel vm4, $0x138A, v9  }
0x36: {  	v10 =	vsel vm1, $0x110E, v7;
	v7 =	vsel vm3, $0x130B, v9;
	v9 =	vsel vm10, $0x104, v4  }
0x37: {  	v23 =	vunpack.c.0.s8.s32 v23;
	v7 =	vsel vm2, $0x108C, v7;
	v9 =	vsel vm9, $0x185, v9  }
0x38: {  	v39 =	vand.u32 $0xF, v2;
	v7 =	vsel vm0, $0x100D, v7;
	v9 =	vsel vm8, $0x6, v9  }
0x39: {  	v2 =	vimm.s32 $0x98BADCFE;
	v4 =	vsel vm1, $0x118E, v7;
	v9 =	vsel vm7, $0x87, v9  }
0x3a: {  	v7 =	vunpack.c.l.s4.s8 v2;
	v2 =	vimm.s32 $0x10325476;
	v9 =	vsel vm6, $0x1308, v9  }
0x3b: {  	v16 =	vsel vm11, $0x203, v16;
	v2 =	vunpack.c.l.s4.s8 v2;
	v18 =	vsel vm5, $0x1389, v9  }
0x3c: {  	v16 =	vsel vm10, $0x184, v16;
	v9 =	vunpack.c.0.s8.s32 v7;
	v18 =	vsel vm4, $0x120A, v18  }
0x3d: {  	v7 =	vunpack.c.0.s8.s32 v2;
	v2 =	vsel vm3, $0x128B, v18;
	v18 =	vimm.s32 $0x89ABCDEF  }
0x3e: {  	v23 =	vand.u32 $0xF, v23;
	v15 =	vand.u32 $0xF, v15;
	v18 =	vunpack.c.l.s4.s8 v18  }
0x3f: {  	v16 =	vsel vm9, $0x105, v16;
	v57 =	vcombine.low v15, v11;
	v11 =	vimm.s32 $0x18F  }
0x40: {  	v16 =	vsel vm8, $0x86, v16;
	v11 =	vsel vm14, $0x1200, v11;
	v18 =	vunpack.c.0.s8.s32 v18  }
0x41: {  	v16 =	vsel vm7, $0x7, v16;
	v0 =	vand.u32 $0xF, v0;
	v11 =	vsel vm13, $0x1281, v11  }
0x42: {  	v11 =	vsel vm12, $0x1302, v11;
	v18 =	vcombine.low v20, v18;
	v20 =	vimm.s32 $0x38F  }
0x43: {  	v6 =	vsel vm0, $0x138D, v6;
	v11 =	vsel vm11, $0x1383, v11;
	v20 =	vsel vm14, $0x1000, v20  }
0x44: {  	v14 =	vand.u32 $0xF, v18;
	v18 =	vsel vm13, $0x1081, v20;
	v20 =	vimm.s32 $0x30F  }
0x45: {  	v34 =	vsel vm1, $0x120E, v6;
	v11 =	vsel vm10, $0x1004, v11;
	v20 =	vsel vm14, $0x1080, v20  }
0x46: {  	v11 =	vsel vm9, $0x1085, v11;
	v22 =	vcombine.low v7, v9;
	v20 =	vsel vm13, $0x1001, v20  }
0x47: {  	v5 =	vand.u32 $0xF, v5;
	v11 =	vsel vm8, $0x1106, v11;
	v20 =	vsel vm12, $0x1182, v20  }
0x48: {  	v2 =	vsel vm2, $0x110C, v2;
	v6 =	vand.u32 $0xF, v22;
	v20 =	vsel vm11, $0x1103, v20  }
0x49: {  	v2 =	vsel vm0, $0x118D, v2;
	[tilespmem:$0x1FD70] =	vst v6;
	v6 =	vsel vm6, $0x1388, v16;
	v20 =	vsel vm10, $0x1284, v20  }
0x4a: {  	v62 =	vsel vm1, $0x100E, v2;
	v2 =	vsel vm5, $0x1309, v6;
	v20 =	vsel vm9, $0x1205, v20  }
0x4b: {  	v22 =	vimm.s32 $0x76543210;
	v2 =	vsel vm4, $0x128A, v2;
	v20 =	vsel vm8, $0x1386, v20  }
0x4c: {  	v22 =	vunpack.c.l.s4.s8 v22;
	v2 =	vsel vm3, $0x120B, v2;
	v20 =	vsel vm7, $0x1307, v20  }
0x4d: {  	v11 =	vsel vm7, $0x1187, v11;
	v2 =	vsel vm2, $0x118C, v2;
	v20 =	vsel vm6, $0x88, v20  }
0x4e: {  	v22 =	vunpack.c.0.s8.s32 v22;
	v2 =	vsel vm0, $0x110D, v2;
	v20 =	vsel vm5, $0x9, v20  }
0x4f: {  	v18 =	vsel vm12, $0x1102, v18;
	v41 =	vsel vm1, $0x108E, v2;
	v20 =	vsel vm4, $0x18A, v20  }
0x50: {  	v2 =	vcombine.low v23, v22;
	v22 =	vimm.s32 $0x28F;
	v20 =	vsel vm3, $0x10B, v20  }
0x51: {  	v18 =	vsel vm11, $0x1183, v18;
	v22 =	vsel vm14, $0x1100, v22;
	v20 =	vsel vm2, $0x28C, v20  }
0x52: {  	[tilespmem:$0x1FD80] =	vst v2;
	v2 =	vcombine.low v0, v1;
	v1 =	vsel vm13, $0x1181, v22;
	v0 =	vsel vm0, $0x20D, v20  }
0x53: {  	v63 =	vsel vm1, $0x38E, v0;
	v0 =	vsel vm12, $0x1002, v1;
	v1 =	vimm.s32 $0x20F  }
0x54: {  	v18 =	vsel vm10, $0x1204, v18;
	v0 =	vsel vm11, $0x1083, v0;
	v1 =	vsel vm14, $0x1180, v1  }
0x55: {  	v18 =	vsel vm9, $0x1285, v18;
	v0 =	vsel vm10, $0x1304, v0;
	v1 =	vsel vm13, $0x1101, v1  }
0x56: {  	v18 =	vsel vm8, $0x1306, v18;
	v0 =	vsel vm9, $0x1385, v0;
	v1 =	vsel vm12, $0x1082, v1  }
0x57: {  	v18 =	vsel vm7, $0x1387, v18;
	v0 =	vsel vm8, $0x1206, v0;
	v1 =	vsel vm11, $0x1003, v1  }
0x58: {  	v18 =	vsel vm6, $0x8, v18;
	v0 =	vsel vm7, $0x1287, v0;
	v1 =	vsel vm10, $0x1384, v1  }
0x59: {  	v18 =	vsel vm5, $0x89, v18;
	v0 =	vsel vm6, $0x108, v0;
	v1 =	vsel vm9, $0x1305, v1  }
0x5a: {  	v18 =	vsel vm4, $0x10A, v18;
	v0 =	vsel vm5, $0x189, v0;
	v1 =	vsel vm8, $0x1286, v1  }
0x5b: {  	v18 =	vsel vm3, $0x18B, v18;
	v0 =	vsel vm4, $0xA, v0;
	v1 =	vsel vm7, $0x1207, v1  }
0x5c: {  	v18 =	vsel vm2, $0x20C, v18;
	v0 =	vsel vm3, $0x8B, v0;
	v1 =	vsel vm6, $0x188, v1  }
0x5d: {  	v18 =	vsel vm0, $0x28D, v18;
	v0 =	vsel vm2, $0x30C, v0;
	v1 =	vsel vm5, $0x109, v1  }
0x5e: {  	v29 =	vsel vm1, $0x30E, v18;
	v0 =	vsel vm0, $0x38D, v0;
	v1 =	vsel vm4, $0x8A, v1  }
0x5f: {  	v18 =	vsel vm1, $0x20E, v0;
	v0 =	vsel vm3, $0xB, v1;
	v1 =	vsel vm6, $0x208, v11  }
0x60: {  	v3 =	vcombine.low v5, v3;
	v0 =	vsel vm2, $0x38C, v0;
	v1 =	vsel vm5, $0x289, v1  }
0x61: {  	v5 =	vimm.s32 $0x16171415;
	v0 =	vsel vm0, $0x30D, v0;
	v1 =	vsel vm4, $0x30A, v1  }
0x62: {  	v33 =	vsel vm1, $0x28E, v0;
	v0 =	vsel vm3, $0x38B, v1;
	v1 =	vimm.s32 $0x10F  }
0x63: {  	v5 =	vunpack.c.0.s8.s32 v5;
	v0 =	vsel vm2, $0xC, v0;
	v1 =	vsel vm14, $0x1280, v1  }
0x64: {  	[tilespmem:$0x1FD90] =	vst v3;
	v3 =	vand.u32 $0xF, v17;
	v0 =	vsel vm0, $0x8D, v0;
	v1 =	vsel vm13, $0x1201, v1  }
0x65: {  	v25 =	vcombine.low v3, v13;
	v28 =	vsel vm1, $0x10E, v0;
	v0 =	vsel vm12, $0x1382, v1  }
0x66: {  	s0 =	rddreg [dreg:$0x0];
	v3 =	vand.u32 $0xF, v19;
	v1 =	vimm.s32 $0x8F;
	v0 =	vsel vm11, $0x1303, v0  }
0x67: {  	s1 =	rddreg [dreg:$0x1];
	s4 =	simm.s32 $0x0;
	v27 =	vcombine.low v3, v21;
	v1 =	vsel vm14, $0x1300, v1;
	v0 =	vsel vm10, $0x1084, v0  }
0x68: {  	[smem:$0x7FF] =	sst s4;
	v3 =	vimm.s32 $0xF;
	v1 =	vsel vm13, $0x1381, v1;
	v0 =	vsel vm9, $0x1005, v0  }
0x69: {  	s7 =	rddreg [dreg:$0x2];
	v3 =	vsel vm14, $0x1380, v3;
	_ =	strace $0x80000047;
	[tilespmem:$0x1FDF0] =	vst v5;
	v1 =	vsel vm12, $0x1202, v1;
	v0 =	vsel vm8, $0x1186, v0  }
0x6a: {  	v3 =	vsel vm13, $0x1301, v3;
	[tilespmem:$0x1FF10] =	vst v39;
	v1 =	vsel vm11, $0x1283, v1;
	v0 =	vsel vm7, $0x1107, v0  }
0x6b: {  	v3 =	vsel vm12, $0x1282, v3;
	[tilespmem:$0x1FF20] =	vst v52;
	v1 =	vsel vm10, $0x1104, v1;
	v0 =	vsel vm6, $0x288, v0  }
0x6c: {  	v3 =	vsel vm11, $0x1203, v3;
	[tilespmem:$0x1FF30] =	vst v26;
	v1 =	vsel vm9, $0x1185, v1;
	v0 =	vsel vm5, $0x209, v0  }
0x6d: {  	v3 =	vsel vm10, $0x1184, v3;
	[tilespmem:$0x1FF40] =	vst v34;
	v1 =	vsel vm8, $0x1006, v1;
	v0 =	vsel vm4, $0x38A, v0  }
0x6e: {  	v3 =	vsel vm9, $0x1105, v3;
	[tilespmem:$0x1FF50] =	vst v14;
	v1 =	vsel vm7, $0x1087, v1;
	v0 =	vsel vm3, $0x30B, v0  }
0x6f: {  	v3 =	vsel vm8, $0x1086, v3;
	[tilespmem:$0x1FF70] =	vst v57;
	v1 =	vsel vm6, $0x308, v1;
	v0 =	vsel vm2, $0x8C, v0  }
0x70: {  	v3 =	vsel vm7, $0x1007, v3;
	[tilespmem:$0x1FF90] =	vst v25;
	v1 =	vsel vm5, $0x389, v1;
	v0 =	vsel vm0, $0xD, v0  }
0x71: {  	v23 =	vor.u32 $0x10, v12;
	[tilespmem:$0x1FFE0] =	vst v27;
	v1 =	vsel vm4, $0x20A, v1;
	v37 =	vsel vm1, $0x18E, v0  }
0x72: {  	[tilespmem:$0x1FFF0] =	vst v23;
	v0 =	vsel vm3, $0x28B, v1;
	v1 =	vsel vm6, $0x388, v3;
	v3 =	vand.u32 $0xF, v9  }
0x73: {  	[tilespmem:$0x1FF60] =	vst v2;
	v0 =	vsel vm2, $0x10C, v0;
	v56 =	vcombine.low v3, v7;
	v7 =	vmul.u32 $0xFFFFFFFF, v12  }
0x74: {  	[tilespmem:$0x1FF80] =	vst v33;
	v1 =	vsel vm5, $0x309, v1;
	v3 =	vimm.s32 $0x12131011;
	v0 =	vsel vm0, $0x18D, v0  }
0x75: {  	v1 =	vsel vm4, $0x28A, v1;
	v3 =	vunpack.c.0.s8.s32 v3;
	v30 =	vsel vm1, $0xE, v0;
	[tilespmem:$0x1FDA0] =	vst v7  }
0x76: {  	v0 =	vsel vm3, $0x20B, v1;
	v1 =	vimm.s32 $0x1A1B1819;
	v7 =	vadd.s32 $0xF, v7;
	[tilespmem:$0x1FFA0] =	vst v56  }
0x77: {  	s2 =	srdreg.scid;
	s3 =	stileid.u32;
	v9 =	vunpack.c.0.s8.s32 v1;
	v1 =	vimm.s32 $0x1E1F1C1D;
	[tilespmem:$0x1FDB0] =	vst v7  }
0x78: {  	s2 =	sand.u32 $0x1, s2;
	s3 =	sshll.u32 s3, $0x1;
	v0 =	vsel vm2, $0x18C, v0;
	[tilespmem:$0x1FDE0] =	vst v3;
	v1 =	vunpack.c.0.s8.s32 v1  }
0x79: {  	s5 =	ssub.s32 $0x2, s2;
	s2 =	sor.u32 s2, s3;
	v0 =	vsel vm0, $0x10D, v0;
	[tilespmem:$0x1FDC0] =	vst v9  }
0x7a: {  	s1 =	sadd.s32 $0xF42A00, s1;
	s6 =	sshll.u32 s2, $0xC;
	vm0 =	vcmask $0x1F10;
	v55 =	vsel vm1, $0x8E, v0;
	[tilespmem:$0x1FDD0] =	vst v1  }
0x7b: {  	s3 =	sshll.u32 s2, $0x9;
	s2 =	sor.u32 $0x400, s6;
	[dreg:$0x4] =	wrdreg s1;
	v0 =	vsel vm0, v1, v9;
	v1 =	vsel vm0, v5, v3;
	v3 =	vimm.s32 $0x18191A1B;
	[tilespmem:$0x1FFD0] =	vst v55  }
0x7c: {  	s8 =	sadd.s32 s0, s3;
	s14 =	sor.u32 $0x800, s6;
	[dreg:$0x6] =	wrdreg s2;
	[tilespmem:$0x1FE00] =	vst v0;
	v3 =	vunpack.c.0.s8.s32 v3  }
0x7d: {  	s15 =	sor.u32 $0xC00, s6;
	s3 =	sshrl.u32 s14, $0x3;
	[dreg:$0x7] =	wrdreg s14;
	[tilespmem:$0x1FE10] =	vst v1;
	v38 =	vcombine.low v1, v0;
	v0 =	vimm.s32 $0x19181B1A  }
0x7e: {  	s16 =	sadd.s32 s0, s3;
	[dreg:$0x8] =	wrdreg s15;
	v1 =	vimm.s32 $0x11101312;
	v5 =	vunpack.c.0.s8.s32 v0;
	[tilespmem:$0x1FE80] =	vst v3  }
0x7f: {  	s18 =	sadd.s32 $0x10, s8;
	[dreg:$0xa] =	wrdreg s16;
	v0 =	vimm.s32 $0x1D1C1F1E;
	v1 =	vunpack.c.0.s8.s32 v1;
	[tilespmem:$0x1FFB0] =	vst v38  }
0x80: {  	s19 =	sadd.s32 $0x90, s8;
	[dreg:$0xc] =	wrdreg s18;
	v7 =	vunpack.c.0.s8.s32 v0;
	v0 =	vimm.s32 $0x15141716;
	[tilespmem:$0x1FE20] =	vst v5  }
0x81: {  	s20 =	sadd.s32 $0x110, s8;
	[dreg:$0xd] =	wrdreg s19;
	v9 =	vunpack.c.0.s8.s32 v0;
	[tilespmem:$0x1FE40] =	vst v1  }
0x82: {  	[dreg:$0xe] =	wrdreg s20;
	[tilespmem:$0x1FE30] =	vst v7  }
0x83: {  	s28 =	simm.s32 $0x400;
	s21 =	sadd.s32 $0x190, s8;
	[dreg:$0x5] =	wrdreg s8;
	v0 =	vimm.s32 $0x1C1D1E1F;
	v5 =	vsel vm0, v7, v5;
	[tilespmem:$0x1FE50] =	vst v9  }
0x84: {  	s29 =	simm.s32 $0x2;
	s22 =	sadd.s32 $0x4000, s7;
	[dreg:$0xf] =	wrdreg s21;
	v7 =	vunpack.c.0.s8.s32 v0;
	v0 =	vimm.s32 $0x10111213;
	v9 =	vsel vm0, v9, v1;
	[tilespmem:$0x1FE60] =	vst v5  }
0x85: {  	s11 =	simm.s32 $0x4400;
	s23 =	sadd.s32 $0x8000, s7;
	[dreg:$0x10] =	wrdreg s22;
	v0 =	vunpack.c.0.s8.s32 v0;
	[tilespmem:$0x1FE70] =	vst v9  }
0x86: {  	s24 =	sadd.s32 $0xC000, s7;
	s25 =	sadd.s32 $0x10000, s7;
	[dreg:$0x11] =	wrdreg s23;
	v1 =	vimm.s32 $0x14151617;
	[tilespmem:$0x1FE90] =	vst v7  }
0x87: {  	s26 =	sadd.s32 $0x14000, s7;
	s30 =	sadd.s32 $0x18000, s7;
	[dreg:$0x12] =	wrdreg s24;
	v3 =	vsel vm0, v7, v3;
	v1 =	vunpack.c.0.s8.s32 v1;
	[tilespmem:$0x1FEB0] =	vst v0;
	v0 =	vimm.s32 $0x1B1A1918  }
0x88: {  	s31 =	sadd.s32 $0x1C000, s7;
	s7 =	simm.s32 $0xC400;
	[dreg:$0x13] =	wrdreg s25;
	[tilespmem:$0x1FEA0] =	vst v3;
	v3 =	vimm.s32 $0x1F1E1D1C;
	v0 =	vunpack.c.0.s8.s32 v0  }
0x89: {  	s13 =	sshrl.u32 s5, $0x1;
	s3 =	simm.s32 $0x0;
	[dreg:$0x14] =	wrdreg s26;
	v48 =	vcombine.low v9, v5;
	v5 =	vimm.s32 $0x17161514;
	[tilespmem:$0x1FEC0] =	vst v1;
	v1 =	vunpack.c.0.s8.s32 v3  }
0x8a: {  	s1 =	ssub.s32 s5, s13;
	s2 =	sshrl.u32 s2, $0x3;
	[dreg:$0x15] =	wrdreg s30;
	[tilespmem:$0x1FEE0] =	vst v0;
	v0 =	vunpack.c.0.s8.s32 v5  }
0x8b: {  	s5 =	sshrl.u32 s15, $0x3;
	[dreg:$0x16] =	wrdreg s31;
	s2 =	sadd.s32 s0, s2;
	[tilespmem:$0x1FED0] =	vst v1;
	v1 =	vimm.s32 $0x13121110  }
0x8c: {  	s26 =	simm.s32 $0x1;
	s17 =	sadd.s32 s0, s5;
	[dreg:$0x9] =	wrdreg s2;
	[tilespmem:$0x1FEF0] =	vst v0;
	v0 =	vunpack.c.0.s8.s32 v1  }
0x8d: {  	s13 =	simm.s32 $0x8400;
	s1 =	smax.u32 s1, $0x1;
	[dreg:$0xb] =	wrdreg s17;
	[tilespmem:$0x1FFC0] =	vst v48  }
0x8e: {  	v16 =	vmov v4;
	v4 =	vmov v26;
	s25 =	simm.s32 $0x6;
	[dreg:$0x17] =	wrdreg s1;
	s2 =	simm.s32 $0x5;
	[tilespmem:$0x1FF00] =	vst v0  }
.LBB2_1:
0x8f: {  	[dreg:$0x18] =	wrdreg s3  }
0x90: {  	s1 =	rddreg [dreg:$0x5]  }
0x91: {  	[tilespmem:s4], [sflag:$0x1] =	stream.linear.gather [hbm4b:s1+s4], $0x80, $0x38;
	[tilespmem:$0x10400] =	vst v63  }
0x92: {  	s12 =	rddreg [dreg:$0x9];
	s14 =	simm.s32 $0x80  }
0x93: {  	[tilespmem:s14], [sflag:$0x1] =	stream.linear.gather [hbm4b:s12+s4], $0x80, $0x38;
	[tilespmem:$0x10400] =	vst v63  }
0x94: {  	s15 =	rddreg [dreg:$0xa];
	s16 =	simm.s32 $0x100  }
0x95: {  	[tilespmem:s16], [sflag:$0x1] =	stream.linear.gather [hbm4b:s15+s4], $0x80, $0x38;
	[tilespmem:$0x10400] =	vst v63  }
0x96: {  	s17 =	rddreg [dreg:$0xb];
	s18 =	simm.s32 $0x180  }
0x97: {  	[tilespmem:s18], [sflag:$0x1] =	stream.linear.gather [hbm4b:s17+s4], $0x80, $0x38;
	[tilespmem:$0x10400] =	vst v63  }
0x98: {  	s19 =	rddreg [dreg:$0xc];
	s20 =	simm.s32 $0x200  }
0x99: {  	[tilespmem:s20], [sflag:$0x2] =	stream.linear.gather [hbm4b:s19+s4], $0x80, $0x38;
	[tilespmem:$0x10400] =	vst v63  }
0x9a: {  	s21 =	rddreg [dreg:$0xd];
	s5 =	simm.s32 $0x280  }
0x9b: {  	[tilespmem:s5], [sflag:$0x2] =	stream.linear.gather [hbm4b:s21+s4], $0x80, $0x38;
	[tilespmem:$0x10400] =	vst v63  }
0x9c: {  	s22 =	rddreg [dreg:$0xe];
	s23 =	simm.s32 $0x300  }
0x9d: {  	[tilespmem:s23], [sflag:$0x2] =	stream.linear.gather [hbm4b:s22+s4], $0x80, $0x38;
	[tilespmem:$0x10400] =	vst v63  }
0x9e: {  	s24 =	rddreg [dreg:$0xf];
	s30 =	simm.s32 $0x380  }
0x9f: {  	[tilespmem:s30], [sflag:$0x2] =	stream.linear.gather [hbm4b:s24+s4], $0x80, $0x38;
	[tilespmem:$0x10400] =	vst v63  }
0xa0: {  	_ =	swait.ge [sflag:s26], $0x80  }
0xa1: {  	[sflag:s26] =	ssyncset.done $0x0  }
0xa2: {  	[sflag:s26] =	ssyncadd.s32 $0xFFFFFF80  }
0xa3: {  	_ =	swait.ge [sflag:s26], $0x80  }
0xa4: {  	[sflag:s26] =	ssyncset.done $0x0  }
0xa5: {  	[sflag:s26] =	ssyncadd.s32 $0xFFFFFF80  }
0xa6: {  	_ =	swait.ge [sflag:s26], $0x80  }
0xa7: {  	[sflag:s26] =	ssyncset.done $0x0  }
0xa8: {  	[sflag:s26] =	ssyncadd.s32 $0xFFFFFF80  }
0xa9: {  	_ =	swait.ge [sflag:s26], $0x80  }
0xaa: {  	s14 =	simm.s32 $0x0;
	[sflag:s26] =	ssyncset.done $0x0  }
0xab: {  	s17 =	simm.s32 $0x200;
	s31 =	rddreg [dreg:$0x4];
	[sflag:s26] =	ssyncadd.s32 $0xFFFFFF80  }
0xac: {  	[tilespmem:s28], [sflag:$0x3] =	stream.indirect.gather [hbm4b:s31+s20], $0x20, s4, s20, $0xb8;
	[tilespmem:$0x10400] =	vst v63  }
.LBB2_2:
0xad: {  	_ =	swait.ge [sflag:s29], $0x80  }
0xae: {  	[sflag:s29] =	ssyncset.done $0x0  }
0xaf: {  	[sflag:s29] =	ssyncadd.s32 $0xFFFFFF80  }
0xb0: {  	_ =	swait.ge [sflag:s29], $0x80  }
0xb1: {  	[sflag:s29] =	ssyncset.done $0x0  }
0xb2: {  	[sflag:s29] =	ssyncadd.s32 $0xFFFFFF80  }
0xb3: {  	_ =	swait.ge [sflag:s29], $0x80  }
0xb4: {  	[sflag:s29] =	ssyncset.done $0x0  }
0xb5: {  	[sflag:s29] =	ssyncadd.s32 $0xFFFFFF80  }
0xb6: {  	_ =	swait.ge [sflag:s29], $0x80  }
0xb7: {  	s15 =	sshll.u32 s14, $0x1;
	[sflag:s29] =	ssyncset.done $0x0  }
0xb8: {  	p0 =	seq.s32 s14, $0x63;
	s1 =	rddreg [dreg:$0x4];
	[sflag:s29] =	ssyncadd.s32 $0xFFFFFF80  }
0xb9: {  	[tilespmem:s11], [sflag:$0x4] =	stream.indirect.gather [hbm4b:s1+s17], $0x20, s17, s17, $0xb8;
	[tilespmem:$0x10400] =	vst v63  }
0xba: {  	s1 =	sadd.s32 @!p0 $0x2, s15  }
0xbb: {  	s3 =	sshll.u32 @!p0 s1, $0xE;
	s1 =	sshll.u32 @!p0 s1, $0x7  }
0xbc: {  	s3 =	sand.u32 @!p0 $0x7E0000, s3;
	s1 =	sand.u32 @!p0 $0x300, s1  }
0xbd: {  	s5 =	simm.s32 $0x3;
	s1 =	sor.u32 @!p0 s3, s1  }
0xbe: {  	_ =	swait.ge [sflag:s5], $0x4000;
	s3 =	sor.u32 @!p0 s6, s1  }
0xbf: {  	[sflag:s5] =	ssyncset.done $0x0;
	s3 =	sshrl.u32 @!p0 s3, $0x3  }
0xc0: {  	[sflag:s5] =	ssyncadd.s32 $0xFFFFC000;
	s5 =	simm.s32 @!p0 $0x0;
	s3 =	sadd.s32 @!p0 s0, s3  }
0xc1: {  	[tilespmem:s5], [sflag:$0x1] =	stream.linear.gather @!p0 [hbm4b:s3+s5], $0x80, $0x38;
	[tilespmem:$0x10400] =	vst v63  }
0xc2: {  	s3 =	rddreg [dreg:$0x6]  }
0xc3: {  	s3 =	sor.u32 @!p0 s3, s1  }
0xc4: {  	s3 =	sshrl.u32 @!p0 s3, $0x3  }
0xc5: {  	s8 =	simm.s32 @!p0 $0x80;
	s3 =	sadd.s32 @!p0 s0, s3  }
0xc6: {  	[tilespmem:s8], [sflag:$0x1] =	stream.linear.gather @!p0 [hbm4b:s3+s5], $0x80, $0x38;
	[tilespmem:$0x10400] =	vst v63  }
0xc7: {  	s3 =	rddreg [dreg:$0x7]  }
0xc8: {  	s3 =	sor.u32 @!p0 s3, s1  }
0xc9: {  	p1 =	seq.s32 @!p0 s14, $0x0;
	s3 =	sshrl.u32 @!p0 s3, $0x3  }
0xca: {  	p1 =	por p0, !p1;
	s8 =	simm.s32 @!p0 $0x100;
	s3 =	sadd.s32 @!p0 s0, s3  }
0xcb: {  	[tilespmem:s8], [sflag:$0x1] =	stream.linear.gather @!p0 [hbm4b:s3+s5], $0x80, $0x38;
	[tilespmem:$0x10400] =	vst v63  }
.Ltmp0:
0xcc: {  	s3 =	rddreg [dreg:$0x8];
	(pc) =	sbr.rel @!p1 .LBB2_3-.Ltmp0, $4  }
0xcd: {  	s1 =	sor.u32 @!p0 s3, s1  }
0xce: {  	s1 =	sshrl.u32 @!p0 s1, $0x3  }
0xcf: {  	s3 =	simm.s32 @!p0 $0x180;
	s1 =	sadd.s32 @!p0 s0, s1  }
0xd0: {  	[tilespmem:s3], [sflag:$0x1] =	stream.linear.gather @!p0 [hbm4b:s1+s5], $0x80, $0x38;
	[tilespmem:$0x10400] =	vst v63  }
0xd1: {  	_ =	swait.ge [sflag:s2], $0x1000  }
0xd2: {  	[sflag:s2] =	ssyncset.done $0x0  }
0xd3: {  	[sflag:s2] =	ssyncadd.s32 $0xFFFFF000  }
0xd4: {  	_ =	swait.ge [sflag:s2], $0x1000  }
0xd5: {  	[sflag:s2] =	ssyncset.done $0x0  }
0xd6: {  	[sflag:s2] =	ssyncadd.s32 $0xFFFFF000  }
0xd7: {  	_ =	swait.ge [sflag:s2], $0x1000  }
.Ltmp1:
0xd8: {  	[sflag:s2] =	ssyncset.done $0x0;
	(pc) =	sbr.rel .LBB2_5-.Ltmp1, $4  }
0xd9: {  	[sflag:s2] =	ssyncadd.s32 $0xFFFFF000  }
0xda: {  	_ =	swait.ge [sflag:s2], $0x1000  }
0xdb: {  	[sflag:s2] =	ssyncset.done $0x0  }
0xdc: {  	p0 =	por $0x0, $0x0;
	[sflag:s2] =	ssyncadd.s32 $0xFFFFF000  }
.LBB2_3:
0xdd: {  	p0 =	por @!p0 $0x1, $0x1  }
.LBB2_5:
0xde: {  	v58 =	vld [tilespmem:$0x1FD20];
	_ =	sdelay $0x1  }
0xdf: {  	s1 =	simm.s32 $0x0  }
0xe0: {  	v0 =	vmov s1  }
0xe1: {  	v0 =	vshll.u32 v0, $0x5  }
0xe2: {  	v49 =	vor.u32 v58, v0;
	v0 =	vlaneseq.u32  }
0xe3: {  	v0 =	vor.u32 v0, v49;
	_ =	sdelay $0x1  }
0xe4: {  	s3 =	simm.s32 $0x0  }
0xe5: {  	s1 =	sand.u32 $0x60, s1;
	s8 =	sand.u32 $0xC00, s3  }
0xe6: {  	s5 =	simm.s32 $0x10;
	v19 =	vld [tilespmem:$0x1FD30];
	s3 =	sor.u32 s1, s8  }
0xe7: {  	v1 =	vmov s5;
	v3 =	vor.u32 s3, v52;
	v0 =	vld.idx.msk [tilespmem:v0+s28+$0x0], $0xffff  }
0xe8: {  	v1 =	vshll.u32 v1, $0x5  }
0xe9: {  	v5 =	vlaneseq.u32;
	v53 =	vor.u32 v58, v1  }
0xea: {  	v5 =	vor.u32 v5, v53  }
0xeb: {  	v1 =	vor.u32 v19, v49  }
0xec: {  	[tilespmem:v3+s13+$0x0] =	vst.idx.msk $0xffff, v0  }
0xed: {  	s22 =	sand.u32 $0x70, s5;
	v60 =	vld [tilespmem:$0x1FD40]  }
0xee: {  	s1 =	sor.u32 s8, s22  }
0xef: {  	v3 =	vld.idx.msk [tilespmem:v5+s28+$0x0], $0xffff;
	v5 =	vor.u32 s1, v52  }
0xf0: {  	v9 =	vor.u32 v19, v53;
	v0 =	vld.idx.msk [tilespmem:v1+s28+$0x0], $0xffff;
	v1 =	vor.u32 s3, v4;
	_ =	sdelay $0x1  }
0xf1: {  	v7 =	vor.u32 v60, v49;
	_ =	sdelay $0x1  }
0xf2: {  	[tilespmem:v5+s13+$0x0] =	vst.idx.msk $0xffff, v3  }
0xf3: {  	[tilespmem:v1+s13+$0x0] =	vst.idx.msk $0xffff, v0;
	v3 =	vld.idx.msk [tilespmem:v9+s28+$0x0], $0xffff  }
0xf4: {  	v5 =	vor.u32 s1, v4;
	v12 =	vld [tilespmem:$0x1FD50]  }
0xf5: {  	v1 =	vor.u32 s3, v34;
	v0 =	vld.idx.msk [tilespmem:v7+s28+$0x0], $0xffff;
	_ =	sdelay $0x3  }
0xf6: {  	v9 =	vor.u32 v60, v53;
	[tilespmem:v5+s13+$0x0] =	vst.idx.msk $0xffff, v3  }
0xf7: {  	v7 =	vor.u32 v12, v49;
	[tilespmem:v1+s13+$0x0] =	vst.idx.msk $0xffff, v0  }
0xf8: {  	v54 =	vld [tilespmem:$0x1FD60];
	_ =	sdelay $0x2  }
0xf9: {  	v5 =	vor.u32 s1, v34;
	v3 =	vld.idx.msk [tilespmem:v9+s28+$0x0], $0xffff  }
0xfa: {  	v9 =	vor.u32 v12, v53;
	v1 =	vor.u32 s3, v24;
	v0 =	vld.idx.msk [tilespmem:v7+s28+$0x0], $0xffff  }
0xfb: {  	v7 =	vor.u32 v54, v49;
	_ =	sdelay $0x2  }
0xfc: {  	[tilespmem:v5+s13+$0x0] =	vst.idx.msk $0xffff, v3  }
0xfd: {  	v5 =	vor.u32 s1, v24;
	v3 =	vld.idx.msk [tilespmem:v9+s28+$0x0], $0xffff;
	[tilespmem:v1+s13+$0x0] =	vst.idx.msk $0xffff, v0  }
0xfe: {  	v1 =	vor.u32 s3, v10;
	v0 =	vld.idx.msk [tilespmem:v7+s28+$0x0], $0xffff;
	_ =	sdelay $0x3  }
0xff: {  	v9 =	vor.u32 v54, v53;
	[tilespmem:v5+s13+$0x0] =	vst.idx.msk $0xffff, v3  }
0x100: {  	v7 =	vor.u32 v39, v49;
	[tilespmem:v1+s13+$0x0] =	vst.idx.msk $0xffff, v0  }
0x101: {  	v46 =	vld [tilespmem:$0x1FD70];
	_ =	sdelay $0x2  }
0x102: {  	v5 =	vor.u32 s1, v10;
	v3 =	vld.idx.msk [tilespmem:v9+s28+$0x0], $0xffff  }
0x103: {  	v9 =	vor.u32 v39, v53;
	v1 =	vor.u32 s3, v16;
	v0 =	vld.idx.msk [tilespmem:v7+s28+$0x0], $0xffff  }
0x104: {  	v7 =	vor.u32 v46, v49;
	_ =	sdelay $0x2  }
0x105: {  	[tilespmem:v5+s13+$0x0] =	vst.idx.msk $0xffff, v3  }
0x106: {  	v5 =	vor.u32 s1, v16;
	v3 =	vld.idx.msk [tilespmem:v9+s28+$0x0], $0xffff;
	[tilespmem:v1+s13+$0x0] =	vst.idx.msk $0xffff, v0  }
0x107: {  	v1 =	vor.u32 s3, v62;
	v0 =	vld.idx.msk [tilespmem:v7+s28+$0x0], $0xffff;
	_ =	sdelay $0x3  }
0x108: {  	[tilespmem:v5+s13+$0x0] =	vst.idx.msk $0xffff, v3  }
0x109: {  	v7 =	vor.u32 v14, v49;
	[tilespmem:v1+s13+$0x0] =	vst.idx.msk $0xffff, v0  }
0x10a: {  	v9 =	vor.u32 v46, v53;
	v20 =	vld [tilespmem:$0x1FD80];
	_ =	sdelay $0x3  }
0x10b: {  	v1 =	vor.u32 s3, v41;
	v0 =	vld.idx.msk [tilespmem:v7+s28+$0x0], $0xffff  }
0x10c: {  	v5 =	vor.u32 s1, v62;
	v3 =	vld.idx.msk [tilespmem:v9+s28+$0x0], $0xffff;
	v7 =	vor.u32 v20, v49  }
0x10d: {  	v9 =	vor.u32 v14, v53;
	_ =	sdelay $0x2  }
0x10e: {  	s23 =	simm.s32 $0x30;
	[tilespmem:v1+s13+$0x0] =	vst.idx.msk $0xffff, v0  }
0x10f: {  	v11 =	vor.u32 s3, v29;
	[tilespmem:v5+s13+$0x0] =	vst.idx.msk $0xffff, v3;
	v3 =	vmov s23;
	v1 =	vld.idx.msk [tilespmem:v7+s28+$0x0], $0xffff  }
0x110: {  	v5 =	vld.idx.msk [tilespmem:v9+s28+$0x0], $0xffff;
	v3 =	vshll.u32 v3, $0x5;
	v0 =	vor.u32 s1, v41;
	v7 =	vor.u32 v2, v49  }
0x111: {  	v15 =	vmovc v2;
	v42 =	vor.u32 v58, v3;
	v13 =	vor.u32 v20, v53;
	v2 =	vlaneseq.u32  }
0x112: {  	v3 =	vor.u32 v2, v42;
	_ =	sdelay $0x1  }
0x113: {  	s9 =	simm.s32 $0x100;
	[tilespmem:v11+s13+$0x0] =	vst.idx.msk $0xffff, v1  }
0x114: {  	s24 =	simm.s32 $0x20;
	s9 =	sand.u32 $0xC00, s9;
	s5 =	sand.u32 $0x70, s23;
	[tilespmem:v0+s13+$0x0] =	vst.idx.msk $0xffff, v5;
	v1 =	vor.u32 s3, v63;
	v0 =	vld.idx.msk [tilespmem:v7+s28+$0x0], $0xffff  }
0x115: {  	s30 =	sor.u32 s9, s5;
	v9 =	vmov s24;
	v5 =	vld.idx.msk [tilespmem:v13+s28+$0x0], $0xffff;
	v7 =	vor.u32 s1, v29  }
0x116: {  	v6 =	vmovc v15;
	v9 =	vshll.u32 v9, $0x5;
	v13 =	vor.u32 v15, v53;
	v15 =	vor.u32 s30, v52;
	v3 =	vld.idx.msk [tilespmem:v3+s28+$0x0], $0xffff  }
0x117: {  	v43 =	vor.u32 v58, v9  }
0x118: {  	v9 =	vor.u32 v2, v43  }
0x119: {  	[tilespmem:v1+s13+$0x0] =	vst.idx.msk $0xffff, v0  }
0x11a: {  	[tilespmem:v7+s13+$0x0] =	vst.idx.msk $0xffff, v5  }
0x11b: {  	s10 =	sand.u32 $0x60, s24;
	v11 =	vor.u32 v57, v49;
	[tilespmem:v15+s13+$0x0] =	vst.idx.msk $0xffff, v3  }
0x11c: {  	s16 =	sor.u32 s10, s9;
	v22 =	vld [tilespmem:$0x1FD90]  }
0x11d: {  	v17 =	vor.u32 s16, v52;
	v2 =	vmov v19;
	v19 =	vor.u32 v19, v42;
	v9 =	vld.idx.msk [tilespmem:v9+s28+$0x0], $0xffff;
	_ =	sdelay $0x1  }
0x11e: {  	v21 =	vor.u32 v2, v43  }
0x11f: {  	v1 =	vor.u32 s3, v18;
	v0 =	vld.idx.msk [tilespmem:v11+s28+$0x0], $0xffff  }
0x120: {  	v7 =	vor.u32 s1, v63;
	v5 =	vld.idx.msk [tilespmem:v13+s28+$0x0], $0xffff;
	v3 =	vor.u32 v22, v49  }
0x121: {  	v11 =	vor.u32 v57, v53;
	v13 =	vld.idx.msk [tilespmem:v19+s28+$0x0], $0xffff;
	[tilespmem:v17+s13+$0x0] =	vst.idx.msk $0xffff, v9;
	v9 =	vor.u32 s30, v4  }
0x122: {  	v19 =	vor.u32 v60, v42  }
0x123: {  	v17 =	vor.u32 s16, v4;
	v15 =	vld.idx.msk [tilespmem:v21+s28+$0x0], $0xffff  }
0x124: {  	v21 =	vor.u32 v60, v43;
	[tilespmem:v1+s13+$0x0] =	vst.idx.msk $0xffff, v0  }
0x125: {  	[tilespmem:v7+s13+$0x0] =	vst.idx.msk $0xffff, v5;
	v1 =	vor.u32 s3, v33;
	v0 =	vld.idx.msk [tilespmem:v3+s28+$0x0], $0xffff  }
0x126: {  	v8 =	vmov v34;
	v5 =	vor.u32 s1, v18;
	[tilespmem:v9+s13+$0x0] =	vst.idx.msk $0xffff, v13;
	v7 =	vor.u32 v25, v49;
	v3 =	vld.idx.msk [tilespmem:v11+s28+$0x0], $0xffff  }
0x127: {  	v9 =	vor.u32 v22, v53;
	v13 =	vor.u32 s30, v8;
	v11 =	vld.idx.msk [tilespmem:v19+s28+$0x0], $0xffff  }
0x128: {  	[tilespmem:v17+s13+$0x0] =	vst.idx.msk $0xffff, v15;
	v19 =	vor.u32 v12, v42  }
0x129: {  	v17 =	vor.u32 s16, v8;
	v15 =	vld.idx.msk [tilespmem:v21+s28+$0x0], $0xffff  }
0x12a: {  	[tilespmem:v1+s13+$0x0] =	vst.idx.msk $0xffff, v0  }
0x12b: {  	v21 =	vor.u32 v12, v43;
	[tilespmem:v5+s13+$0x0] =	vst.idx.msk $0xffff, v3;
	v1 =	vor.u32 s3, v28;
	v0 =	vld.idx.msk [tilespmem:v7+s28+$0x0], $0xffff  }
0x12c: {  	v5 =	vor.u32 s1, v33;
	[tilespmem:v13+s13+$0x0] =	vst.idx.msk $0xffff, v11;
	v3 =	vld.idx.msk [tilespmem:v9+s28+$0x0], $0xffff;
	v7 =	vor.u32 v27, v49  }
0x12d: {  	v13 =	vor.u32 s30, v24;
	v9 =	vor.u32 v25, v53;
	v11 =	vld.idx.msk [tilespmem:v19+s28+$0x0], $0xffff  }
0x12e: {  	[tilespmem:v17+s13+$0x0] =	vst.idx.msk $0xffff, v15;
	v17 =	vor.u32 v54, v42;
	_ =	sdelay $0x1  }
0x12f: {  	v15 =	vld.idx.msk [tilespmem:v21+s28+$0x0], $0xffff;
	v19 =	vor.u32 s16, v24;
	[tilespmem:v1+s13+$0x0] =	vst.idx.msk $0xffff, v0  }
0x130: {  	[tilespmem:v5+s13+$0x0] =	vst.idx.msk $0xffff, v3;
	v1 =	vor.u32 s3, v37;
	v0 =	vld.idx.msk [tilespmem:v7+s28+$0x0], $0xffff  }
0x131: {  	v47 =	vmov v10;
	v5 =	vor.u32 s1, v28;
	[tilespmem:v13+s13+$0x0] =	vst.idx.msk $0xffff, v11;
	v3 =	vld.idx.msk [tilespmem:v9+s28+$0x0], $0xffff  }
0x132: {  	v13 =	vor.u32 s30, v47;
	v11 =	vld.idx.msk [tilespmem:v17+s28+$0x0], $0xffff;
	_ =	sdelay $0x1  }
0x133: {  	[tilespmem:v19+s13+$0x0] =	vst.idx.msk $0xffff, v15  }
0x134: {  	[tilespmem:v1+s13+$0x0] =	vst.idx.msk $0xffff, v0  }
0x135: {  	v21 =	vor.u32 v54, v43;
	[tilespmem:v5+s13+$0x0] =	vst.idx.msk $0xffff, v3  }
0x136: {  	v7 =	vor.u32 v56, v49;
	[tilespmem:v13+s13+$0x0] =	vst.idx.msk $0xffff, v11  }
0x137: {  	v61 =	vmov v2;
	v9 =	vor.u32 v27, v53;
	v2 =	vld [tilespmem:$0x1FDB0];
	_ =	sdelay $0x1  }
0x138: {  	v17 =	vor.u32 v39, v42  }
0x139: {  	v19 =	vor.u32 s16, v47;
	v15 =	vld.idx.msk [tilespmem:v21+s28+$0x0], $0xffff  }
0x13a: {  	v21 =	vor.u32 v39, v43;
	v1 =	vor.u32 s3, v30;
	v0 =	vld.idx.msk [tilespmem:v7+s28+$0x0], $0xffff  }
0x13b: {  	v5 =	vor.u32 s1, v37;
	v3 =	vld.idx.msk [tilespmem:v9+s28+$0x0], $0xffff;
	v7 =	vor.u32 v2, v49  }
0x13c: {  	v9 =	vor.u32 v56, v53  }
0x13d: {  	v13 =	vor.u32 s30, v16;
	v11 =	vld.idx.msk [tilespmem:v17+s28+$0x0], $0xffff  }
0x13e: {  	[tilespmem:v19+s13+$0x0] =	vst.idx.msk $0xffff, v15;
	v17 =	vor.u32 v46, v42  }
0x13f: {  	v19 =	vor.u32 s16, v16;
	v15 =	vld.idx.msk [tilespmem:v21+s28+$0x0], $0xffff;
	[tilespmem:v1+s13+$0x0] =	vst.idx.msk $0xffff, v0  }
0x140: {  	v21 =	vor.u32 v46, v43;
	[tilespmem:v5+s13+$0x0] =	vst.idx.msk $0xffff, v3;
	v1 =	vor.u32 s3, v55;
	v0 =	vld.idx.msk [tilespmem:v7+s28+$0x0], $0xffff  }
0x141: {  	v5 =	vor.u32 s1, v30;
	v3 =	vld.idx.msk [tilespmem:v9+s28+$0x0], $0xffff;
	v7 =	vor.u32 v23, v49  }
0x142: {  	[tilespmem:v13+s13+$0x0] =	vst.idx.msk $0xffff, v11;
	v9 =	vor.u32 v2, v53  }
0x143: {  	v13 =	vor.u32 s30, v62;
	v11 =	vld.idx.msk [tilespmem:v17+s28+$0x0], $0xffff  }
0x144: {  	[tilespmem:v19+s13+$0x0] =	vst.idx.msk $0xffff, v15;
	v17 =	vor.u32 v14, v42  }
0x145: {  	s18 =	sor.u32 $0x2000, s3;
	v19 =	vor.u32 s16, v62;
	v15 =	vld.idx.msk [tilespmem:v21+s28+$0x0], $0xffff;
	[tilespmem:v1+s13+$0x0] =	vst.idx.msk $0xffff, v0  }
0x146: {  	v21 =	vor.u32 v14, v43;
	[tilespmem:v5+s13+$0x0] =	vst.idx.msk $0xffff, v3;
	v1 =	vor.u32 s18, v52;
	v0 =	vld.idx.msk [tilespmem:v7+s28+$0x0], $0xffff  }
0x147: {  	v5 =	vor.u32 s1, v55;
	v3 =	vld.idx.msk [tilespmem:v9+s28+$0x0], $0xffff;
	v7 =	vor.u32 v38, v49  }
0x148: {  	[tilespmem:v13+s13+$0x0] =	vst.idx.msk $0xffff, v11  }
0x149: {  	v11 =	vor.u32 s30, v41;
	v9 =	vld.idx.msk [tilespmem:v17+s28+$0x0], $0xffff  }
0x14a: {  	[tilespmem:v19+s13+$0x0] =	vst.idx.msk $0xffff, v15  }
0x14b: {  	v13 =	vld.idx.msk [tilespmem:v21+s28+$0x0], $0xffff;
	[tilespmem:v1+s13+$0x0] =	vst.idx.msk $0xffff, v0  }
0x14c: {  	[tilespmem:v5+s13+$0x0] =	vst.idx.msk $0xffff, v3;
	v5 =	vld.idx.msk [tilespmem:v7+s28+$0x0], $0xffff  }
0x14d: {  	v15 =	vor.u32 v20, v42;
	v17 =	vor.u32 s16, v41;
	v35 =	vld [tilespmem:$0x1FED0]  }
0x14e: {  	v36 =	vld [tilespmem:$0x1FEE0];
	[tilespmem:v11+s13+$0x0] =	vst.idx.msk $0xffff, v9  }
0x14f: {  	v9 =	vor.u32 s18, v4;
	v31 =	vld [tilespmem:$0x1FEF0]  }
0x150: {  	v40 =	vld [tilespmem:$0x1FF00]  }
0x151: {  	v19 =	vor.u32 v20, v43  }
0x152: {  	v21 =	vor.u32 v23, v53;
	v15 =	vld.idx.msk [tilespmem:v15+s28+$0x0], $0xffff;
	[tilespmem:v17+s13+$0x0] =	vst.idx.msk $0xffff, v13  }
0x153: {  	s19 =	sor.u32 $0x2000, s1;
	v50 =	vld [tilespmem:$0x1FEB0]  }
0x154: {  	v23 =	vor.u32 v48, v49;
	v3 =	vor.u32 s19, v52;
	v0 =	vor.u32 v6, v42;
	v51 =	vld [tilespmem:$0x1FEC0];
	[tilespmem:v9+s13+$0x0] =	vst.idx.msk $0xffff, v5  }
0x155: {  	s10 =	simm.s32 $0x50;
	v13 =	vor.u32 s30, v29;
	v7 =	vsel vm0, v35, v36;
	v11 =	vsel vm0, v31, v40;
	v32 =	vld [tilespmem:$0x1FEA0]  }
0x156: {  	v1 =	vor.u32 s16, v29;
	v17 =	vmov s10;
	v2 =	vcombine.low v7, v11;
	v7 =	vld.idx.msk [tilespmem:v19+s28+$0x0], $0xffff  }
0x157: {  	s12 =	simm.s32 $0x40;
	v9 =	vor.u32 s18, v8;
	v11 =	vshll.u32 v17, $0x5;
	v17 =	vld.idx.msk [tilespmem:v21+s28+$0x0], $0xffff;
	v19 =	vor.u32 v6, v43  }
0x158: {  	v10 =	vmovc v24;
	v24 =	vmovc v6;
	v21 =	vmov s12;
	v6 =	vlaneseq.u32;
	v44 =	vor.u32 v58, v11  }
0x159: {  	v20 =	vmovc v27;
	v27 =	vsel vm0, v51, v50;
	v11 =	vshll.u32 v21, $0x5;
	v21 =	vor.u32 v6, v44  }
0x15a: {  	v5 =	vld.idx.msk [tilespmem:v23+s28+$0x0], $0xffff;
	[tilespmem:v13+s13+$0x0] =	vst.idx.msk $0xffff, v15;
	v45 =	vor.u32 v58, v11;
	v59 =	vcombine.low v27, v32  }
0x15b: {  	v13 =	vor.u32 v6, v45;
	[tilespmem:v1+s13+$0x0] =	vst.idx.msk $0xffff, v7;
	v1 =	vld.idx.msk [tilespmem:v0+s28+$0x0], $0xffff;
	v7 =	vor.u32 s30, v63  }
0x15c: {  	s20 =	simm.s32 $0x200;
	[tilespmem:v3+s13+$0x0] =	vst.idx.msk $0xffff, v17;
	v15 =	vor.u32 v59, v49  }
0x15d: {  	s5 =	sand.u32 $0xC00, s20;
	s1 =	sand.u32 $0x70, s10;
	v17 =	vor.u32 s16, v63;
	v0 =	vor.u32 v2, v53;
	v3 =	vld.idx.msk [tilespmem:v19+s28+$0x0], $0xffff;
	v19 =	vor.u32 v57, v42;
	[tilespmem:$0x1FD00] =	vst v2  }
0x15e: {  	v26 =	vor.u32 v38, v53;
	s1 =	sor.u32 s5, s1;
	v38 =	vmov v29;
	v23 =	vor.u32 v57, v43;
	v21 =	vld.idx.msk [tilespmem:v21+s28+$0x0], $0xffff;
	[tilespmem:$0x1FBF0] =	vst v0  }
0x15f: {  	s3 =	sand.u32 $0x60, s12;
	v29 =	vor.u32 s1, v52;
	v35 =	vsel vm0, v36, v35;
	v31 =	vsel vm0, v40, v31;
	[tilespmem:v9+s13+$0x0] =	vst.idx.msk $0xffff, v5  }
0x160: {  	s3 =	sor.u32 s3, s5;
	v11 =	vor.u32 v2, v49;
	v2 =	vor.u32 v24, v44;
	v9 =	vld.idx.msk [tilespmem:v13+s28+$0x0], $0xffff;
	[tilespmem:v7+s13+$0x0] =	vst.idx.msk $0xffff, v1  }
0x161: {  	v0 =	vcombine.low v31, v35;
	v13 =	vor.u32 s3, v52;
	v1 =	vld.idx.msk [tilespmem:v15+s28+$0x0], $0xffff;
	[tilespmem:$0x1FBD0] =	vst v2  }
0x162: {  	[tilespmem:v17+s13+$0x0] =	vst.idx.msk $0xffff, v3;
	v7 =	vld.idx.msk [tilespmem:v19+s28+$0x0], $0xffff  }
0x163: {  	v17 =	vld.idx.msk [tilespmem:v23+s28+$0x0], $0xffff;
	[tilespmem:$0x1FBE0] =	vst v0  }
0x164: {  	[tilespmem:v29+s13+$0x0] =	vst.idx.msk $0xffff, v21  }
0x165: {  	v15 =	vor.u32 s18, v10;
	v3 =	vld [tilespmem:$0x1FDE0]  }
0x166: {  	v56 =	vor.u32 v61, v44;
	v5 =	vmov v39;
	v19 =	vor.u32 s30, v18;
	v39 =	vld [tilespmem:$0x1FDF0];
	[tilespmem:v13+s13+$0x0] =	vst.idx.msk $0xffff, v9  }
0x167: {  	v34 =	vor.u32 v61, v45;
	v21 =	vor.u32 s16, v18;
	v9 =	vld [tilespmem:$0x1FDC0]  }
0x168: {  	v40 =	vld [tilespmem:$0x1FDD0];
	_ =	sdelay $0x1  }
0x169: {  	v23 =	vor.u32 v0, v49;
	[tilespmem:v15+s13+$0x0] =	vst.idx.msk $0xffff, v1  }
0x16a: {  	v61 =	vcombine.low v32, v27;
	v27 =	vor.u32 v22, v42;
	v29 =	vld.idx.msk [tilespmem:v56+s28+$0x0], $0xffff;
	[tilespmem:v19+s13+$0x0] =	vst.idx.msk $0xffff, v7  }
0x16b: {  	v36 =	vor.u32 v22, v43;
	v13 =	vor.u32 s1, v4;
	v34 =	vld.idx.msk [tilespmem:v34+s28+$0x0], $0xffff;
	[tilespmem:v21+s13+$0x0] =	vst.idx.msk $0xffff, v17  }
0x16c: {  	v22 =	vsel vm0, v3, v39;
	v39 =	vmovc v18;
	v18 =	vmovc v38;
	v38 =	vor.u32 s3, v4;
	v7 =	vld [tilespmem:$0x1FF80];
	v9 =	vsel vm0, v9, v40  }
0x16d: {  	v24 =	vmov v0;
	v1 =	vor.u32 v60, v45;
	v0 =	vcombine.low v22, v9  }
0x16e: {  	v19 =	vld.idx.msk [tilespmem:v23+s28+$0x0], $0xffff  }
0x16f: {  	v17 =	vld.idx.msk [tilespmem:v27+s28+$0x0], $0xffff;
	[tilespmem:$0x1FC10] =	vst v0  }
0x170: {  	v40 =	vor.u32 v25, v43;
	[tilespmem:v13+s13+$0x0] =	vst.idx.msk $0xffff, v29;
	v29 =	vor.u32 v25, v42;
	v25 =	vld.idx.msk [tilespmem:v26+s28+$0x0], $0xffff  }
0x171: {  	v2 =	vmovc v52;
	v52 =	vmov v46;
	v46 =	vor.u32 v60, v44;
	v21 =	vor.u32 s30, v7;
	v7 =	vld [tilespmem:$0x1FF80];
	[tilespmem:v38+s13+$0x0] =	vst.idx.msk $0xffff, v34  }
0x172: {  	v12 =	vmov v16;
	v16 =	vmov v41;
	v23 =	vor.u32 s18, v47;
	v41 =	vld.idx.msk [tilespmem:v1+s28+$0x0], $0xffff  }
0x173: {  	v1 =	vld [tilespmem:$0x1FE40]  }
0x174: {  	v26 =	vld [tilespmem:$0x1FE50]  }
0x175: {  	v36 =	vld.idx.msk [tilespmem:v36+s28+$0x0], $0xffff  }
0x176: {  	v33 =	vld.idx.msk [tilespmem:v46+s28+$0x0], $0xffff  }
0x177: {  	v6 =	vmov v8;
	v60 =	vld [tilespmem:$0x1FD50];
	[tilespmem:v23+s13+$0x0] =	vst.idx.msk $0xffff, v19  }
0x178: {  	v27 =	vor.u32 v0, v49;
	v38 =	vor.u32 s1, v6;
	v23 =	vld [tilespmem:$0x1FE30]  }
0x179: {  	v3 =	vmov v48;
	v13 =	vor.u32 s16, v7;
	v48 =	vsel vm0, v1, v26;
	v1 =	vld [tilespmem:$0x1FE20];
	_ =	sdelay $0x1  }
0x17a: {  	v8 =	vmov v10;
	v10 =	vmov v47;
	v46 =	vor.u32 s3, v6  }
0x17b: {  	v56 =	vmovc v63;
	v63 =	vmov v14;
	v14 =	vmov v62;
	v47 =	vor.u32 v60, v44;
	[tilespmem:v21+s13+$0x0] =	vst.idx.msk $0xffff, v17  }
0x17c: {  	v62 =	vmov v20;
	v17 =	vld.idx.msk [tilespmem:v27+s28+$0x0], $0xffff;
	v21 =	vor.u32 s18, v12;
	[tilespmem:v38+s13+$0x0] =	vst.idx.msk $0xffff, v33;
	v38 =	vor.u32 v20, v42  }
0x17d: {  	v26 =	vor.u32 v61, v53;
	[tilespmem:v13+s13+$0x0] =	vst.idx.msk $0xffff, v36;
	v13 =	vld.idx.msk [tilespmem:v29+s28+$0x0], $0xffff;
	v23 =	vsel vm0, v1, v23  }
0x17e: {  	v27 =	vor.u32 s30, v28;
	v29 =	vld.idx.msk [tilespmem:v40+s28+$0x0], $0xffff;
	[tilespmem:$0x1FC40] =	vst v26;
	v40 =	vor.u32 v20, v43;
	v20 =	vcombine.low v35, v31  }
0x17f: {  	v32 =	vcombine.low v48, v23;
	[tilespmem:v46+s13+$0x0] =	vst.idx.msk $0xffff, v41  }
0x180: {  	v36 =	vor.u32 s16, v28;
	v33 =	vld.idx.msk [tilespmem:v47+s28+$0x0], $0xffff;
	[tilespmem:$0x1FC60] =	vst v20  }
0x181: {  	[tilespmem:$0x1FC20] =	vst v32  }
0x182: {  	[tilespmem:v21+s13+$0x0] =	vst.idx.msk $0xffff, v17  }
0x183: {  	v19 =	vor.u32 v60, v45;
	[tilespmem:v27+s13+$0x0] =	vst.idx.msk $0xffff, v13  }
0x184: {  	v13 =	vld [tilespmem:$0x1FE80]  }
0x185: {  	v26 =	vld [tilespmem:$0x1FE90];
	[tilespmem:v36+s13+$0x0] =	vst.idx.msk $0xffff, v29  }
0x186: {  	v35 =	vld [tilespmem:$0x1FFA0]  }
0x187: {  	v41 =	vor.u32 s1, v8;
	v31 =	vor.u32 v32, v49  }
0x188: {  	v46 =	vor.u32 v54, v44;
	v19 =	vld.idx.msk [tilespmem:v19+s28+$0x0], $0xffff;
	v21 =	vor.u32 s3, v8  }
0x189: {  	v17 =	vsel vm0, v50, v51;
	v27 =	vor.u32 s19, v4;
	v51 =	vor.u32 v54, v45  }
0x18a: {  	v29 =	vld.idx.msk [tilespmem:v38+s28+$0x0], $0xffff;
	v36 =	vor.u32 s30, v37;
	v38 =	vor.u32 v3, v53;
	v13 =	vsel vm0, v13, v26  }
0x18b: {  	v34 =	vcombine.low v17, v13;
	v13 =	vld.idx.msk [tilespmem:v40+s28+$0x0], $0xffff;
	v17 =	vor.u32 s16, v37;
	v54 =	vor.u32 v35, v42  }
0x18c: {  	[tilespmem:v41+s13+$0x0] =	vst.idx.msk $0xffff, v33;
	v41 =	vor.u32 s18, v14;
	v31 =	vld.idx.msk [tilespmem:v31+s28+$0x0], $0xffff;
	v33 =	vor.u32 v35, v43  }
0x18d: {  	v46 =	vld.idx.msk [tilespmem:v46+s28+$0x0], $0xffff;
	[tilespmem:v21+s13+$0x0] =	vst.idx.msk $0xffff, v19;
	v19 =	vor.u32 s1, v10;
	v21 =	vor.u32 v34, v49  }
0x18e: {  	[tilespmem:v27+s13+$0x0] =	vst.idx.msk $0xffff, v25;
	v47 =	vld.idx.msk [tilespmem:v51+s28+$0x0], $0xffff  }
0x18f: {  	v25 =	vor.u32 s3, v10;
	[tilespmem:v36+s13+$0x0] =	vst.idx.msk $0xffff, v29;
	v29 =	vld.idx.msk [tilespmem:v38+s28+$0x0], $0xffff  }
0x190: {  	v50 =	vor.u32 v5, v44;
	[tilespmem:v17+s13+$0x0] =	vst.idx.msk $0xffff, v13;
	v17 =	vld.idx.msk [tilespmem:v54+s28+$0x0], $0xffff;
	v54 =	vor.u32 s19, v6  }
0x191: {  	v26 =	vcombine.low v23, v48;
	[tilespmem:v41+s13+$0x0] =	vst.idx.msk $0xffff, v31;
	v31 =	vor.u32 s16, v30;
	v23 =	vld.idx.msk [tilespmem:v33+s28+$0x0], $0xffff  }
0x192: {  	[tilespmem:v19+s13+$0x0] =	vst.idx.msk $0xffff, v46;
	v33 =	vor.u32 s18, v16;
	v19 =	vld.idx.msk [tilespmem:v21+s28+$0x0], $0xffff;
	_ =	sdelay $0x1  }
0x193: {  	v51 =	vor.u32 v0, v53;
	v0 =	vld [tilespmem:$0x1FDB0];
	[tilespmem:v25+s13+$0x0] =	vst.idx.msk $0xffff, v47  }
0x194: {  	v40 =	vld.idx.msk [tilespmem:v50+s28+$0x0], $0xffff;
	v25 =	vor.u32 s1, v12;
	[tilespmem:v54+s13+$0x0] =	vst.idx.msk $0xffff, v29  }
0x195: {  	[tilespmem:v31+s13+$0x0] =	vst.idx.msk $0xffff, v23  }
0x196: {  	v36 =	vor.u32 v5, v45;
	[tilespmem:v33+s13+$0x0] =	vst.idx.msk $0xffff, v19  }
0x197: {  	v33 =	vld [tilespmem:$0x1FF80]  }
0x198: {  	v15 =	vor.u32 v59, v53;
	v19 =	vld [tilespmem:$0x1FE00]  }
0x199: {  	v21 =	vor.u32 v0, v43;
	v23 =	vld [tilespmem:$0x1FE10];
	[tilespmem:v25+s13+$0x0] =	vst.idx.msk $0xffff, v40  }
0x19a: {  	v46 =	vor.u32 v52, v44;
	v29 =	vor.u32 v52, v45;
	v52 =	vor.u32 v0, v42;
	v0 =	vld [tilespmem:$0x1FFF0]  }
0x19b: {  	v47 =	vor.u32 s3, v12;
	v36 =	vld.idx.msk [tilespmem:v36+s28+$0x0], $0xffff  }
0x19c: {  	v48 =	vor.u32 s30, v30  }
0x19d: {  	v54 =	vor.u32 s19, v8;
	v15 =	vld.idx.msk [tilespmem:v15+s28+$0x0], $0xffff  }
0x19e: {  	v21 =	vld.idx.msk [tilespmem:v21+s28+$0x0], $0xffff;
	v38 =	vcombine.low v19, v23;
	v19 =	vor.u32 s16, v55  }
0x19f: {  	v11 =	vld.idx.msk [tilespmem:v11+s28+$0x0], $0xffff;
	v25 =	vor.u32 s18, v18;
	v23 =	vor.u32 v0, v43  }
0x1a0: {  	[tilespmem:v47+s13+$0x0] =	vst.idx.msk $0xffff, v36  }
0x1a1: {  	[tilespmem:v48+s13+$0x0] =	vst.idx.msk $0xffff, v17  }
0x1a2: {  	[tilespmem:v54+s13+$0x0] =	vst.idx.msk $0xffff, v15  }
0x1a3: {  	v31 =	vld.idx.msk [tilespmem:v46+s28+$0x0], $0xffff;
	v36 =	vor.u32 s1, v14;
	[tilespmem:v19+s13+$0x0] =	vst.idx.msk $0xffff, v21  }
0x1a4: {  	[tilespmem:v25+s13+$0x0] =	vst.idx.msk $0xffff, v11;
	v21 =	vld.idx.msk [tilespmem:v23+s28+$0x0], $0xffff  }
0x1a5: {  	v27 =	vor.u32 v24, v53;
	v11 =	vld [tilespmem:$0x1FE60]  }
0x1a6: {  	v23 =	vld [tilespmem:$0x1FE70]  }
0x1a7: {  	v17 =	vld.idx.msk [tilespmem:v29+s28+$0x0], $0xffff;
	v29 =	vor.u32 v63, v44  }
0x1a8: {  	v46 =	vor.u32 s3, v14;
	v47 =	vld.idx.msk [tilespmem:v52+s28+$0x0], $0xffff;
	v40 =	vor.u32 v38, v49;
	[tilespmem:v36+s13+$0x0] =	vst.idx.msk $0xffff, v31  }
0x1a9: {  	v48 =	vor.u32 s30, v55;
	v15 =	vor.u32 v63, v45;
	v52 =	vor.u32 v0, v42;
	v0 =	vld [tilespmem:$0x1FFB0]  }
0x1aa: {  	v27 =	vld.idx.msk [tilespmem:v27+s28+$0x0], $0xffff;
	s16 =	sor.u32 $0x2000, s16;
	v19 =	vor.u32 s19, v10  }
0x1ab: {  	v50 =	vor.u32 v32, v53;
	v32 =	vcombine.low v11, v23;
	v11 =	vor.u32 s16, v2  }
0x1ac: {  	v29 =	vld.idx.msk [tilespmem:v29+s28+$0x0], $0xffff  }
0x1ad: {  	v31 =	vor.u32 s18, v56;
	[tilespmem:v46+s13+$0x0] =	vst.idx.msk $0xffff, v17;
	v23 =	vld.idx.msk [tilespmem:v40+s28+$0x0], $0xffff  }
0x1ae: {  	v17 =	vor.u32 s1, v16;
	[tilespmem:v48+s13+$0x0] =	vst.idx.msk $0xffff, v47;
	v15 =	vld.idx.msk [tilespmem:v15+s28+$0x0], $0xffff;
	v25 =	vor.u32 v0, v43  }
0x1af: {  	s31 =	sor.u32 $0x2000, s30;
	v5 =	vcombine.low v9, v22;
	v63 =	vld [tilespmem:$0x1FD80];
	[tilespmem:v19+s13+$0x0] =	vst.idx.msk $0xffff, v27;
	v36 =	vor.u32 v32, v49  }
0x1b0: {  	v54 =	vor.u32 s31, v2;
	v47 =	vld.idx.msk [tilespmem:v52+s28+$0x0], $0xffff;
	[tilespmem:v11+s13+$0x0] =	vst.idx.msk $0xffff, v21  }
0x1b1: {  	v51 =	vld.idx.msk [tilespmem:v51+s28+$0x0], $0xffff;
	v27 =	vor.u32 v0, v42;
	[tilespmem:$0x1FC70] =	vst v5  }
0x1b2: {  	[tilespmem:v31+s13+$0x0] =	vst.idx.msk $0xffff, v23  }
0x1b3: {  	v1 =	vor.u32 v26, v53;
	v21 =	vld.idx.msk [tilespmem:v25+s28+$0x0], $0xffff;
	[tilespmem:v17+s13+$0x0] =	vst.idx.msk $0xffff, v29  }
0x1b4: {  	v17 =	vld.idx.msk [tilespmem:v36+s28+$0x0], $0xffff;
	[tilespmem:$0x1FCB0] =	vst v1  }
0x1b5: {  	v46 =	vor.u32 s3, v16;
	v40 =	vor.u32 v63, v44;
	[tilespmem:v54+s13+$0x0] =	vst.idx.msk $0xffff, v47  }
0x1b6: {  	v19 =	vor.u32 v63, v45;
	v1 =	vld.idx.msk [tilespmem:v27+s28+$0x0], $0xffff  }
0x1b7: {  	v11 =	vor.u32 s19, v12  }
0x1b8: {  	v23 =	vor.u32 s16, v4  }
0x1b9: {  	v25 =	vor.u32 s18, v39  }
0x1ba: {  	v31 =	vld.idx.msk [tilespmem:v40+s28+$0x0], $0xffff;
	[tilespmem:v46+s13+$0x0] =	vst.idx.msk $0xffff, v15;
	v15 =	vor.u32 s1, v18  }
0x1bb: {  	v52 =	vor.u32 s3, v18;
	v19 =	vld.idx.msk [tilespmem:v19+s28+$0x0], $0xffff;
	[tilespmem:$0x1FC50] =	vst v1  }
0x1bc: {  	[tilespmem:v11+s13+$0x0] =	vst.idx.msk $0xffff, v51  }
0x1bd: {  	s21 =	simm.s32 $0x70;
	s23 =	simm.s32 $0x60;
	v24 =	vmov v39;
	v39 =	vld [tilespmem:$0x1FF60];
	[tilespmem:v23+s13+$0x0] =	vst.idx.msk $0xffff, v21  }
0x1be: {  	v9 =	vmov s21;
	v27 =	vmov s23;
	[tilespmem:v25+s13+$0x0] =	vst.idx.msk $0xffff, v17  }
0x1bf: {  	v48 =	vor.u32 s19, v14;
	v54 =	vshll.u32 v9, $0x5;
	v21 =	vld.idx.msk [tilespmem:v50+s28+$0x0], $0xffff;
	v23 =	vshll.u32 v27, $0x5;
	[tilespmem:v15+s13+$0x0] =	vst.idx.msk $0xffff, v31  }
0x1c0: {  	v46 =	vor.u32 v58, v54;
	v1 =	vlaneseq.u32;
	[tilespmem:v52+s13+$0x0] =	vst.idx.msk $0xffff, v19;
	v47 =	vor.u32 v58, v23  }
0x1c1: {  	v29 =	vor.u32 v3, v43;
	v27 =	vor.u32 v1, v46;
	v15 =	vor.u32 v1, v47;
	v1 =	vld [tilespmem:$0x1FBD0]  }
0x1c2: {  	v7 =	vor.u32 v61, v49;
	_ =	sdelay $0x1  }
0x1c3: {  	v40 =	vor.u32 v5, v49;
	v5 =	vld [tilespmem:$0x1FDA0];
	[tilespmem:v48+s13+$0x0] =	vst.idx.msk $0xffff, v21  }
0x1c4: {  	v13 =	vor.u32 v20, v49;
	v11 =	vor.u32 v39, v45;
	v20 =	vld [tilespmem:$0x1FD00]  }
0x1c5: {  	v29 =	vld.idx.msk [tilespmem:v29+s28+$0x0], $0xffff  }
0x1c6: {  	v41 =	vor.u32 v34, v53;
	v7 =	vld.idx.msk [tilespmem:v7+s28+$0x0], $0xffff  }
0x1c7: {  	v17 =	vor.u32 s16, v6;
	v21 =	vld.idx.msk [tilespmem:v27+s28+$0x0], $0xffff  }
0x1c8: {  	v19 =	vld.idx.msk [tilespmem:v1+s28+$0x0], $0xffff  }
0x1c9: {  	s22 =	simm.s32 $0x300;
	v54 =	vor.u32 s18, v33;
	v11 =	vld.idx.msk [tilespmem:v11+s28+$0x0], $0xffff;
	v1 =	vor.u32 v20, v43  }
0x1ca: {  	s24 =	sand.u32 $0xC00, s22;
	s5 =	sand.u32 $0x70, s21;
	v23 =	vor.u32 s1, v56;
	[tilespmem:$0x1FC90] =	vst v1;
	v1 =	vld [tilespmem:$0x1FF90]  }
0x1cb: {  	s20 =	sor.u32 s24, s5;
	v51 =	vor.u32 s3, v56;
	v41 =	vld.idx.msk [tilespmem:v41+s28+$0x0], $0xffff  }
0x1cc: {  	v22 =	vmov v26;
	v26 =	vmov v55;
	s30 =	sand.u32 $0x60, s23;
	v55 =	vor.u32 s20, v2;
	[tilespmem:v17+s13+$0x0] =	vst.idx.msk $0xffff, v29;
	v15 =	vld.idx.msk [tilespmem:v15+s28+$0x0], $0xffff  }
0x1cd: {  	s21 =	sor.u32 s30, s24;
	v3 =	vmovc v62;
	v52 =	vor.u32 v57, v44;
	v27 =	vor.u32 v57, v45;
	v17 =	vor.u32 s19, v16;
	v62 =	vld [tilespmem:$0x1FD30]  }
0x1ce: {  	v57 =	vor.u32 s21, v2;
	v31 =	vadd.s32 $0x1F, v5;
	v5 =	vmovc v35;
	v35 =	vmov v0;
	v0 =	vld [tilespmem:$0x1FD90];
	[tilespmem:v54+s13+$0x0] =	vst.idx.msk $0xffff, v7  }
0x1cf: {  	[tilespmem:v23+s13+$0x0] =	vst.idx.msk $0xffff, v19  }
0x1d0: {  	[tilespmem:v51+s13+$0x0] =	vst.idx.msk $0xffff, v11  }
0x1d1: {  	v25 =	vor.u32 v59, v43;
	v48 =	vor.u32 v20, v42;
	v20 =	vmov v56;
	v56 =	vld [tilespmem:$0x1FBE0];
	[tilespmem:v55+s13+$0x0] =	vst.idx.msk $0xffff, v21  }
0x1d2: {  	[tilespmem:v17+s13+$0x0] =	vst.idx.msk $0xffff, v41  }
0x1d3: {  	v11 =	vld.idx.msk [tilespmem:v52+s28+$0x0], $0xffff;
	[tilespmem:v57+s13+$0x0] =	vst.idx.msk $0xffff, v15;
	v29 =	vor.u32 v62, v46  }
0x1d4: {  	v23 =	vor.u32 v62, v47;
	v52 =	vor.u32 v0, v44;
	v62 =	vor.u32 v0, v45;
	v0 =	vld [tilespmem:$0x1FBF0];
	_ =	sdelay $0x1  }
0x1d5: {  	v19 =	vld.idx.msk [tilespmem:v25+s28+$0x0], $0xffff;
	v25 =	vor.u32 s16, v8  }
0x1d6: {  	v13 =	vld.idx.msk [tilespmem:v13+s28+$0x0], $0xffff  }
0x1d7: {  	v7 =	vld.idx.msk [tilespmem:v27+s28+$0x0], $0xffff;
	v27 =	vor.u32 s1, v24  }
0x1d8: {  	v21 =	vor.u32 s3, v24;
	v57 =	vld [tilespmem:$0x1FD40];
	v51 =	vor.u32 v56, v43  }
0x1d9: {  	v29 =	vld.idx.msk [tilespmem:v29+s28+$0x0], $0xffff  }
0x1da: {  	[tilespmem:v25+s13+$0x0] =	vst.idx.msk $0xffff, v19;
	v23 =	vld.idx.msk [tilespmem:v23+s28+$0x0], $0xffff  }
0x1db: {  	v54 =	vor.u32 s18, v28;
	v0 =	vld.idx.msk [tilespmem:v0+s28+$0x0], $0xffff;
	[tilespmem:$0x1FC00] =	vst v59  }
0x1dc: {  	v15 =	vor.u32 s20, v4;
	[tilespmem:v27+s13+$0x0] =	vst.idx.msk $0xffff, v11  }
0x1dd: {  	v11 =	vld.idx.msk [tilespmem:v51+s28+$0x0], $0xffff;
	[tilespmem:v21+s13+$0x0] =	vst.idx.msk $0xffff, v7  }
0x1de: {  	v17 =	vor.u32 s19, v18;
	v41 =	vor.u32 v57, v46;
	v51 =	vld.idx.msk [tilespmem:v62+s28+$0x0], $0xffff  }
0x1df: {  	v50 =	vor.u32 v38, v53;
	v25 =	vor.u32 s21, v4;
	v62 =	vld [tilespmem:$0x1FC10]  }
0x1e0: {  	v27 =	vor.u32 v57, v47;
	v7 =	vld.idx.msk [tilespmem:v52+s28+$0x0], $0xffff;
	v52 =	vor.u32 s1, v33;
	[tilespmem:v54+s13+$0x0] =	vst.idx.msk $0xffff, v13  }
0x1e1: {  	[tilespmem:v15+s13+$0x0] =	vst.idx.msk $0xffff, v29;
	v13 =	vor.u32 s3, v33;
	v15 =	vor.u32 v1, v44  }
0x1e2: {  	v19 =	vor.u32 v59, v42;
	v59 =	vor.u32 v1, v45;
	v21 =	vor.u32 s16, v10;
	v29 =	vld.idx.msk [tilespmem:v40+s28+$0x0], $0xffff  }
0x1e3: {  	v40 =	vor.u32 s18, v37;
	v41 =	vld.idx.msk [tilespmem:v41+s28+$0x0], $0xffff;
	[tilespmem:v17+s13+$0x0] =	vst.idx.msk $0xffff, v0  }
0x1e4: {  	[tilespmem:v25+s13+$0x0] =	vst.idx.msk $0xffff, v23;
	v17 =	vor.u32 s20, v6;
	v23 =	vld.idx.msk [tilespmem:v50+s28+$0x0], $0xffff;
	v57 =	vor.u32 v62, v43  }
0x1e5: {  	v25 =	vor.u32 s19, v20;
	v0 =	vor.u32 v22, v49;
	v27 =	vld.idx.msk [tilespmem:v27+s28+$0x0], $0xffff;
	[tilespmem:v52+s13+$0x0] =	vst.idx.msk $0xffff, v7  }
0x1e6: {  	v50 =	vor.u32 v60, v46;
	[tilespmem:v13+s13+$0x0] =	vst.idx.msk $0xffff, v51;
	v13 =	vld.idx.msk [tilespmem:v15+s28+$0x0], $0xffff  }
0x1e7: {  	v36 =	vor.u32 v32, v53;
	[tilespmem:v21+s13+$0x0] =	vst.idx.msk $0xffff, v11;
	v11 =	vor.u32 s21, v6;
	v52 =	vld.idx.msk [tilespmem:v59+s28+$0x0], $0xffff  }
0x1e8: {  	v54 =	vor.u32 s1, v28;
	v58 =	vld [tilespmem:$0x1FC20];
	[tilespmem:v40+s13+$0x0] =	vst.idx.msk $0xffff, v29  }
0x1e9: {  	v21 =	vor.u32 v60, v47;
	v15 =	vor.u32 s16, v12;
	[tilespmem:v17+s13+$0x0] =	vst.idx.msk $0xffff, v41;
	v7 =	vld.idx.msk [tilespmem:v57+s28+$0x0], $0xffff  }
0x1ea: {  	v17 =	vor.u32 s3, v28;
	v0 =	vld.idx.msk [tilespmem:v0+s28+$0x0], $0xffff;
	[tilespmem:v25+s13+$0x0] =	vst.idx.msk $0xffff, v23  }
0x1eb: {  	v40 =	vor.u32 s18, v30;
	v41 =	vld.idx.msk [tilespmem:v50+s28+$0x0], $0xffff;
	[tilespmem:$0x1FC30] =	vst v61  }
0x1ec: {  	v29 =	vor.u32 v3, v44;
	[tilespmem:v11+s13+$0x0] =	vst.idx.msk $0xffff, v27;
	v11 =	vor.u32 s20, v8;
	v23 =	vld.idx.msk [tilespmem:v36+s28+$0x0], $0xffff  }
0x1ed: {  	v60 =	vor.u32 v3, v45;
	v25 =	vor.u32 s19, v24;
	v59 =	vld [tilespmem:$0x1FD60];
	[tilespmem:v54+s13+$0x0] =	vst.idx.msk $0xffff, v13  }
0x1ee: {  	v57 =	vor.u32 v58, v43;
	v21 =	vld.idx.msk [tilespmem:v21+s28+$0x0], $0xffff;
	[tilespmem:v15+s13+$0x0] =	vst.idx.msk $0xffff, v7;
	v15 =	vor.u32 s21, v8  }
0x1ef: {  	v9 =	vor.u32 v31, v49;
	[tilespmem:v17+s13+$0x0] =	vst.idx.msk $0xffff, v52  }
0x1f0: {  	v49 =	vor.u32 v61, v43;
	v51 =	vor.u32 v61, v42;
	v61 =	vld [tilespmem:$0x1FFC0];
	[tilespmem:v40+s13+$0x0] =	vst.idx.msk $0xffff, v0  }
0x1f1: {  	v17 =	vld.idx.msk [tilespmem:v29+s28+$0x0], $0xffff;
	[tilespmem:v11+s13+$0x0] =	vst.idx.msk $0xffff, v41  }
0x1f2: {  	v29 =	vld.idx.msk [tilespmem:v60+s28+$0x0], $0xffff;
	[tilespmem:v25+s13+$0x0] =	vst.idx.msk $0xffff, v23  }
0x1f3: {  	v36 =	vor.u32 s31, v4;
	v13 =	vld.idx.msk [tilespmem:v57+s28+$0x0], $0xffff;
	v27 =	vor.u32 v59, v46;
	[tilespmem:v15+s13+$0x0] =	vst.idx.msk $0xffff, v21  }
0x1f4: {  	v40 =	vor.u32 v5, v44;
	v41 =	vor.u32 v5, v45;
	v54 =	vor.u32 v59, v47;
	v5 =	vld [tilespmem:$0x1FC50]  }
0x1f5: {  	v1 =	vld [tilespmem:$0x1FC40]  }
0x1f6: {  	v50 =	vor.u32 s1, v37;
	v52 =	vor.u32 v61, v42;
	v3 =	vld [tilespmem:$0x1FF10]  }
0x1f7: {  	v11 =	vor.u32 s3, v37;
	v0 =	vld.idx.msk [tilespmem:v9+s28+$0x0], $0xffff  }
0x1f8: {  	v27 =	vld.idx.msk [tilespmem:v27+s28+$0x0], $0xffff  }
0x1f9: {  	v7 =	vor.u32 v56, v42;
	v56 =	vor.u32 s16, v14;
	v25 =	vld.idx.msk [tilespmem:v54+s28+$0x0], $0xffff;
	[tilespmem:v36+s13+$0x0] =	vst.idx.msk $0xffff, v5  }
0x1fa: {  	v15 =	vor.u32 s20, v10;
	v60 =	vld [tilespmem:$0x1FC60]  }
0x1fb: {  	v57 =	vor.u32 v3, v46;
	[tilespmem:v50+s13+$0x0] =	vst.idx.msk $0xffff, v17;
	v17 =	vld.idx.msk [tilespmem:v52+s28+$0x0], $0xffff  }
0x1fc: {  	v50 =	vor.u32 v3, v47;
	[tilespmem:v11+s13+$0x0] =	vst.idx.msk $0xffff, v29;
	v3 =	vor.u32 v62, v42;
	v11 =	vld.idx.msk [tilespmem:v40+s28+$0x0], $0xffff  }
0x1fd: {  	v1 =	vld.idx.msk [tilespmem:v1+s28+$0x0], $0xffff;
	[tilespmem:$0x1FCC0] =	vst v3  }
0x1fe: {  	v21 =	vor.u32 v34, v43;
	[tilespmem:v56+s13+$0x0] =	vst.idx.msk $0xffff, v13  }
0x1ff: {  	v36 =	vor.u32 s21, v10;
	[tilespmem:v15+s13+$0x0] =	vst.idx.msk $0xffff, v27  }
0x200: {  	v23 =	vor.u32 s19, v33;
	v3 =	vld [tilespmem:$0x1FDB0]  }
0x201: {  	v29 =	vor.u32 s31, v6  }
0x202: {  	v41 =	vld.idx.msk [tilespmem:v41+s28+$0x0], $0xffff  }
0x203: {  	v52 =	vor.u32 s1, v30;
	v21 =	vld.idx.msk [tilespmem:v21+s28+$0x0], $0xffff  }
0x204: {  	v13 =	vor.u32 s3, v30;
	v27 =	vld.idx.msk [tilespmem:v57+s28+$0x0], $0xffff;
	[tilespmem:v36+s13+$0x0] =	vst.idx.msk $0xffff, v25;
	v9 =	vor.u32 v60, v53  }
0x205: {  	v36 =	vld.idx.msk [tilespmem:v50+s28+$0x0], $0xffff;
	[tilespmem:v23+s13+$0x0] =	vst.idx.msk $0xffff, v1;
	v15 =	vor.u32 v3, v44  }
0x206: {  	v57 =	vor.u32 s16, v16;
	v1 =	vld [tilespmem:$0x1FD70];
	[tilespmem:v29+s13+$0x0] =	vst.idx.msk $0xffff, v17  }
0x207: {  	v23 =	vor.u32 s20, v12;
	v62 =	vld [tilespmem:$0x1FC70]  }
0x208: {  	[tilespmem:v52+s13+$0x0] =	vst.idx.msk $0xffff, v11;
	v11 =	vld.idx.msk [tilespmem:v19+s28+$0x0], $0xffff  }
0x209: {  	[tilespmem:v13+s13+$0x0] =	vst.idx.msk $0xffff, v41;
	v9 =	vld.idx.msk [tilespmem:v9+s28+$0x0], $0xffff  }
0x20a: {  	v13 =	vld.idx.msk [tilespmem:v15+s28+$0x0], $0xffff;
	[tilespmem:$0x1FC80] =	vst v34  }
0x20b: {  	v40 =	vor.u32 v3, v45;
	[tilespmem:v57+s13+$0x0] =	vst.idx.msk $0xffff, v21  }
0x20c: {  	v29 =	vor.u32 s21, v12;
	v50 =	vor.u32 v1, v46;
	[tilespmem:v23+s13+$0x0] =	vst.idx.msk $0xffff, v27  }
0x20d: {  	v25 =	vor.u32 s19, v28;
	v52 =	vor.u32 v1, v47;
	v3 =	vld [tilespmem:$0x1FFF0]  }
0x20e: {  	v5 =	vld [tilespmem:$0x1FC90]  }
0x20f: {  	v19 =	vor.u32 s31, v8;
	v17 =	vor.u32 v62, v53  }
0x210: {  	v41 =	vor.u32 s1, v26;
	v15 =	vld.idx.msk [tilespmem:v40+s28+$0x0], $0xffff  }
0x211: {  	v21 =	vor.u32 s3, v26;
	[tilespmem:v29+s13+$0x0] =	vst.idx.msk $0xffff, v36;
	v27 =	vld.idx.msk [tilespmem:v50+s28+$0x0], $0xffff  }
0x212: {  	[tilespmem:v25+s13+$0x0] =	vst.idx.msk $0xffff, v9;
	v36 =	vld.idx.msk [tilespmem:v52+s28+$0x0], $0xffff;
	v23 =	vor.u32 v3, v44  }
0x213: {  	v9 =	vor.u32 s20, v14;
	v52 =	vld [tilespmem:$0x1FF50]  }
0x214: {  	v29 =	vor.u32 s19, v37;
	[tilespmem:v19+s13+$0x0] =	vst.idx.msk $0xffff, v11;
	v17 =	vld.idx.msk [tilespmem:v17+s28+$0x0], $0xffff  }
0x215: {  	v19 =	vor.u32 s21, v14;
	[tilespmem:v41+s13+$0x0] =	vst.idx.msk $0xffff, v13;
	v7 =	vld.idx.msk [tilespmem:v7+s28+$0x0], $0xffff  }
0x216: {  	v56 =	vor.u32 s16, v18;
	[tilespmem:v21+s13+$0x0] =	vst.idx.msk $0xffff, v15;
	v5 =	vld.idx.msk [tilespmem:v5+s28+$0x0], $0xffff  }
0x217: {  	s1 =	sor.u32 $0x2000, s1;
	v21 =	vor.u32 s31, v10;
	v15 =	vld.idx.msk [tilespmem:v23+s28+$0x0], $0xffff;
	[tilespmem:$0x1FCA0] =	vst v22  }
0x218: {  	v41 =	vor.u32 s1, v2;
	[tilespmem:v9+s13+$0x0] =	vst.idx.msk $0xffff, v27  }
0x219: {  	[tilespmem:v29+s13+$0x0] =	vst.idx.msk $0xffff, v17  }
0x21a: {  	[tilespmem:v19+s13+$0x0] =	vst.idx.msk $0xffff, v36  }
0x21b: {  	v40 =	vor.u32 v3, v45;
	[tilespmem:v56+s13+$0x0] =	vst.idx.msk $0xffff, v5  }
0x21c: {  	v57 =	vor.u32 v52, v46;
	v3 =	vld [tilespmem:$0x1FCB0];
	[tilespmem:v21+s13+$0x0] =	vst.idx.msk $0xffff, v7  }
0x21d: {  	v13 =	vor.u32 v52, v47;
	[tilespmem:v41+s13+$0x0] =	vst.idx.msk $0xffff, v15  }
0x21e: {  	v25 =	vor.u32 v38, v43;
	v7 =	vld [tilespmem:$0x1FCC0]  }
0x21f: {  	s3 =	sor.u32 $0x2000, s3;
	v27 =	vor.u32 v35, v44  }
0x220: {  	v23 =	vld.idx.msk [tilespmem:v40+s28+$0x0], $0xffff;
	v5 =	vor.u32 s3, v2  }
0x221: {  	v40 =	vld.idx.msk [tilespmem:v57+s28+$0x0], $0xffff  }
0x222: {  	v57 =	vor.u32 v35, v45;
	v35 =	vld.idx.msk [tilespmem:v13+s28+$0x0], $0xffff  }
0x223: {  	v11 =	vor.u32 v58, v42;
	v58 =	vor.u32 s16, v20;
	v25 =	vld.idx.msk [tilespmem:v25+s28+$0x0], $0xffff  }
0x224: {  	v13 =	vld.idx.msk [tilespmem:v27+s28+$0x0], $0xffff  }
0x225: {  	v1 =	vor.u32 v34, v42;
	v17 =	vor.u32 s20, v16;
	[tilespmem:v5+s13+$0x0] =	vst.idx.msk $0xffff, v23;
	v5 =	vor.u32 s31, v12;
	v34 =	vld.idx.msk [tilespmem:v3+s28+$0x0], $0xffff  }
0x226: {  	v50 =	vor.u32 s19, v30;
	v52 =	vor.u32 v22, v42;
	v36 =	vor.u32 v32, v43;
	v22 =	vld.idx.msk [tilespmem:v7+s28+$0x0], $0xffff;
	[tilespmem:$0x1FD10] =	vst v5  }
0x227: {  	v21 =	vor.u32 v31, v53;
	v53 =	vor.u32 s21, v16;
	v3 =	vor.u32 v63, v46;
	[tilespmem:$0x1FCD0] =	vst v38  }
0x228: {  	[tilespmem:v58+s13+$0x0] =	vst.idx.msk $0xffff, v25  }
0x229: {  	v29 =	vld.idx.msk [tilespmem:v57+s28+$0x0], $0xffff;
	[tilespmem:$0x1FCE0] =	vst v32  }
0x22a: {  	[tilespmem:v17+s13+$0x0] =	vst.idx.msk $0xffff, v40  }
0x22b: {  	v23 =	vld.idx.msk [tilespmem:v36+s28+$0x0], $0xffff;
	[tilespmem:v50+s13+$0x0] =	vst.idx.msk $0xffff, v34  }
0x22c: {  	[tilespmem:v53+s13+$0x0] =	vst.idx.msk $0xffff, v35;
	v41 =	vld.idx.msk [tilespmem:v3+s28+$0x0], $0xffff  }
0x22d: {  	v57 =	vor.u32 v31, v43;
	[tilespmem:$0x1FCF0] =	vst v31;
	v31 =	vld [tilespmem:$0x1FD10];
	_ =	sdelay $0x2  }
0x22e: {  	v63 =	vor.u32 v63, v47  }
0x22f: {  	v17 =	vld [tilespmem:$0x1FD00]  }
0x230: {  	v55 =	vor.u32 v39, v46;
	v54 =	vor.u32 v60, v43;
	v9 =	vor.u32 s21, v18  }
0x231: {  	v19 =	vor.u32 s18, v26;
	v56 =	vor.u32 v62, v43;
	v15 =	vor.u32 s19, v26  }
0x232: {  	v27 =	vor.u32 s31, v14;
	v7 =	vor.u32 v38, v42;
	v5 =	vor.u32 v32, v42;
	v21 =	vld.idx.msk [tilespmem:v21+s28+$0x0], $0xffff  }
0x233: {  	s24 =	simm.s32 $0x90;
	v25 =	vor.u32 s16, v24;
	v36 =	vor.u32 s3, v4;
	v40 =	vor.u32 v61, v45;
	v58 =	vld.idx.msk [tilespmem:v63+s28+$0x0], $0xffff;
	[tilespmem:v31+s13+$0x0] =	vst.idx.msk $0xffff, v22  }
0x234: {  	s23 =	simm.s32 $0x6;
	s18 =	sor.u32 $0x2000, s20;
	s19 =	sor.u32 $0x2000, s21;
	v38 =	vmovc v59;
	v50 =	vor.u32 s20, v18;
	v53 =	vmovc v60;
	v3 =	vor.u32 v17, v45;
	v17 =	vor.u32 v17, v44;
	v35 =	vld [tilespmem:$0x1FD40]  }
.LBB2_6:
0x235: {  	_ =	sdelay $0x1  }
0x236: {  	[tilespmem:v19+s13+$0x0] =	vst.idx.msk $0xffff, v0;
	v31 =	vld [tilespmem:$0x1FD20]  }
0x237: {  	v22 =	vld [tilespmem:$0x1FF70];
	[tilespmem:v36+s13+$0x0] =	vst.idx.msk $0xffff, v29  }
0x238: {  	v60 =	vor.u32 v39, v47;
	v29 =	vld.idx.msk [tilespmem:v40+s28+$0x0], $0xffff;
	[tilespmem:v25+s13+$0x0] =	vst.idx.msk $0xffff, v23  }
0x239: {  	s5 =	sadd.s32 $0xFFFFFFF0, s24;
	v11 =	vld.idx.msk [tilespmem:v11+s28+$0x0], $0xffff;
	[tilespmem:v50+s13+$0x0] =	vst.idx.msk $0xffff, v41  }
0x23a: {  	v59 =	vmov s24;
	v0 =	vmov s5;
	v25 =	vld.idx.msk [tilespmem:v49+s28+$0x0], $0xffff;
	[tilespmem:v9+s13+$0x0] =	vst.idx.msk $0xffff, v58  }
0x23b: {  	v19 =	vshll.u32 v59, $0x5;
	v36 =	vor.u32 s3, v6;
	v0 =	vshll.u32 v0, $0x5;
	v9 =	vld [tilespmem:$0x1FC00];
	[tilespmem:v15+s13+$0x0] =	vst.idx.msk $0xffff, v21  }
0x23c: {  	v19 =	vor.u32 v31, v19;
	v0 =	vor.u32 v31, v0;
	v31 =	vlaneseq.u32;
	v21 =	vld.idx.msk [tilespmem:v55+s28+$0x0], $0xffff  }
0x23d: {  	v32 =	vor.u32 s16, v33;
	v58 =	vld.idx.msk [tilespmem:v60+s28+$0x0], $0xffff;
	v61 =	vor.u32 v22, v46;
	v23 =	vor.u32 v31, v19  }
0x23e: {  	[tilespmem:v27+s13+$0x0] =	vst.idx.msk $0xffff, v11;
	v27 =	vor.u32 v22, v47;
	v22 =	vld [tilespmem:$0x1FD90];
	v40 =	vor.u32 v31, v0  }
0x23f: {  	v59 =	vor.u32 s20, v20;
	v1 =	vld.idx.msk [tilespmem:v1+s28+$0x0], $0xffff  }
0x240: {  	v31 =	vld [tilespmem:$0x1FD30];
	v60 =	vor.u32 v9, v45  }
0x241: {  	s22 =	sadd.s32 $0x100, s22;
	v41 =	vor.u32 s21, v20;
	[tilespmem:v36+s13+$0x0] =	vst.idx.msk $0xffff, v29;
	v15 =	vor.u32 v9, v44;
	v9 =	vld [tilespmem:$0x1FC30]  }
0x242: {  	s9 =	sand.u32 $0x70, s24;
	s8 =	sand.u32 $0xC00, s22;
	[tilespmem:v32+s13+$0x0] =	vst.idx.msk $0xffff, v25;
	v23 =	vld.idx.msk [tilespmem:v23+s28+$0x0], $0xffff  }
0x243: {  	s5 =	sand.u32 $0x60, s5;
	s30 =	sor.u32 s8, s9;
	v36 =	vld.idx.msk [tilespmem:v40+s28+$0x0], $0xffff  }
0x244: {  	s10 =	sor.u32 s5, s8;
	v29 =	vor.u32 s30, v2;
	[tilespmem:v59+s13+$0x0] =	vst.idx.msk $0xffff, v21;
	v21 =	vld [tilespmem:$0x1FBE0]  }
0x245: {  	v33 =	vor.u32 s10, v2;
	v34 =	vor.u32 v39, v19;
	v59 =	vld.idx.msk [tilespmem:v60+s28+$0x0], $0xffff  }
0x246: {  	v55 =	vmov v34;
	v34 =	vor.u32 v31, v19;
	[tilespmem:v41+s13+$0x0] =	vst.idx.msk $0xffff, v58;
	v41 =	vld.idx.msk [tilespmem:v61+s28+$0x0], $0xffff  }
0x247: {  	v25 =	vor.u32 s31, v16;
	v62 =	vor.u32 v31, v0;
	v27 =	vld.idx.msk [tilespmem:v27+s28+$0x0], $0xffff  }
0x248: {  	v31 =	vor.u32 v22, v47;
	v58 =	vor.u32 s3, v8;
	v54 =	vld.idx.msk [tilespmem:v54+s28+$0x0], $0xffff  }
0x249: {  	v60 =	vor.u32 s20, v24;
	v61 =	vor.u32 v21, v45;
	[tilespmem:v29+s13+$0x0] =	vst.idx.msk $0xffff, v23;
	v29 =	vor.u32 v22, v46;
	v22 =	vld [tilespmem:$0x1FCA0]  }
0x24a: {  	v23 =	vor.u32 s21, v24;
	[tilespmem:v33+s13+$0x0] =	vst.idx.msk $0xffff, v36;
	v33 =	vld [tilespmem:$0x1FC10]  }
0x24b: {  	v50 =	vld.idx.msk [tilespmem:v34+s28+$0x0], $0xffff  }
0x24c: {  	[tilespmem:v25+s13+$0x0] =	vst.idx.msk $0xffff, v1;
	v1 =	vor.u32 s30, v4;
	v40 =	vld.idx.msk [tilespmem:v62+s28+$0x0], $0xffff  }
0x24d: {  	v63 =	vor.u32 s16, v28;
	v25 =	vld.idx.msk [tilespmem:v48+s28+$0x0], $0xffff;
	[tilespmem:v58+s13+$0x0] =	vst.idx.msk $0xffff, v59  }
0x24e: {  	[tilespmem:v60+s13+$0x0] =	vst.idx.msk $0xffff, v41;
	v41 =	vld.idx.msk [tilespmem:v61+s28+$0x0], $0xffff  }
0x24f: {  	[tilespmem:v23+s13+$0x0] =	vst.idx.msk $0xffff, v27;
	v23 =	vld.idx.msk [tilespmem:v29+s28+$0x0], $0xffff  }
0x250: {  	v31 =	vld.idx.msk [tilespmem:v31+s28+$0x0], $0xffff  }
0x251: {  	[tilespmem:v1+s13+$0x0] =	vst.idx.msk $0xffff, v50;
	v1 =	vld [tilespmem:$0x1FF80]  }
0x252: {  	v32 =	vor.u32 v35, v19;
	v36 =	vor.u32 s31, v18;
	[tilespmem:v63+s13+$0x0] =	vst.idx.msk $0xffff, v54;
	v63 =	vld [tilespmem:$0x1FF90]  }
0x253: {  	v62 =	vor.u32 s10, v4  }
0x254: {  	v48 =	vmov v17;
	v17 =	vor.u32 v35, v0;
	v61 =	vld [tilespmem:$0x1FF80]  }
0x255: {  	v34 =	vld [tilespmem:$0x1FD50];
	v27 =	vor.u32 s3, v10;
	v29 =	vor.u32 v22, v43;
	v43 =	vmov v45  }
0x256: {  	v49 =	vor.u32 v9, v45;
	v45 =	vmovc v47;
	v59 =	vor.u32 v33, v43;
	v54 =	vld.idx.msk [tilespmem:v56+s28+$0x0], $0xffff;
	v1 =	vor.u32 s21, v1  }
0x257: {  	v32 =	vld.idx.msk [tilespmem:v32+s28+$0x0], $0xffff;
	[tilespmem:v36+s13+$0x0] =	vst.idx.msk $0xffff, v25;
	v60 =	vor.u32 v63, v45  }
0x258: {  	[tilespmem:v62+s13+$0x0] =	vst.idx.msk $0xffff, v40;
	v7 =	vld.idx.msk [tilespmem:v7+s28+$0x0], $0xffff  }
0x259: {  	v40 =	vld.idx.msk [tilespmem:v17+s28+$0x0], $0xffff;
	v58 =	vor.u32 s20, v61  }
0x25a: {  	v25 =	vor.u32 s30, v6;
	v17 =	vor.u32 v33, v44;
	v33 =	vld [tilespmem:$0x1FC20];
	[tilespmem:v27+s13+$0x0] =	vst.idx.msk $0xffff, v41;
	v50 =	vor.u32 v63, v46  }
0x25b: {  	v47 =	vmov v0;
	v62 =	vor.u32 v34, v19;
	v0 =	vld.idx.msk [tilespmem:v59+s28+$0x0], $0xffff;
	[tilespmem:v1+s13+$0x0] =	vst.idx.msk $0xffff, v31  }
0x25c: {  	v56 =	vor.u32 s16, v37;
	v31 =	vld.idx.msk [tilespmem:v60+s28+$0x0], $0xffff  }
0x25d: {  	v36 =	vor.u32 s31, v20;
	v60 =	vld [tilespmem:$0x1FFE0]  }
0x25e: {  	[tilespmem:v58+s13+$0x0] =	vst.idx.msk $0xffff, v23  }
0x25f: {  	v61 =	vor.u32 s10, v6;
	v1 =	vld.idx.msk [tilespmem:v50+s28+$0x0], $0xffff;
	[tilespmem:v25+s13+$0x0] =	vst.idx.msk $0xffff, v32  }
0x260: {  	v27 =	vor.u32 s3, v12;
	v23 =	vor.u32 v34, v47;
	v58 =	vld.idx.msk [tilespmem:v62+s28+$0x0], $0xffff  }
0x261: {  	v41 =	vor.u32 s20, v28;
	v50 =	vor.u32 v33, v43;
	[tilespmem:v56+s13+$0x0] =	vst.idx.msk $0xffff, v54;
	v62 =	vld [tilespmem:$0x1FFA0]  }
0x262: {  	v25 =	vor.u32 s21, v28;
	[tilespmem:v36+s13+$0x0] =	vst.idx.msk $0xffff, v7;
	v29 =	vld.idx.msk [tilespmem:v29+s28+$0x0], $0xffff;
	v63 =	vor.u32 v60, v46  }
0x263: {  	v5 =	vld.idx.msk [tilespmem:v5+s28+$0x0], $0xffff  }
0x264: {  	[tilespmem:v61+s13+$0x0] =	vst.idx.msk $0xffff, v40;
	v61 =	vld [tilespmem:$0x1FC80];
	v60 =	vor.u32 v60, v45  }
0x265: {  	v23 =	vld.idx.msk [tilespmem:v23+s28+$0x0], $0xffff;
	[tilespmem:v27+s13+$0x0] =	vst.idx.msk $0xffff, v0  }
0x266: {  	v56 =	vor.u32 s16, v30;
	[tilespmem:v41+s13+$0x0] =	vst.idx.msk $0xffff, v1;
	v41 =	vld.idx.msk [tilespmem:v50+s28+$0x0], $0xffff  }
0x267: {  	v7 =	vor.u32 s30, v8;
	[tilespmem:v25+s13+$0x0] =	vst.idx.msk $0xffff, v31;
	v25 =	vld.idx.msk [tilespmem:v63+s28+$0x0], $0xffff  }
0x268: {  	v36 =	vor.u32 s31, v24;
	v40 =	vor.u32 v38, v19;
	v63 =	vld [tilespmem:$0x1FFC0]  }
0x269: {  	v27 =	vor.u32 s10, v8;
	v31 =	vld.idx.msk [tilespmem:v60+s28+$0x0], $0xffff  }
0x26a: {  	v1 =	vor.u32 s1, v4;
	v50 =	vor.u32 v38, v47;
	v60 =	vld [tilespmem:$0x1FF80]  }
0x26b: {  	v32 =	vor.u32 s20, v37;
	[tilespmem:v56+s13+$0x0] =	vst.idx.msk $0xffff, v29;
	v29 =	vor.u32 v62, v46;
	v56 =	vor.u32 v62, v45;
	v62 =	vld [tilespmem:$0x1FF10]  }
0x26c: {  	[tilespmem:v7+s13+$0x0] =	vst.idx.msk $0xffff, v58;
	v7 =	vor.u32 s21, v37;
	v0 =	vld.idx.msk [tilespmem:v57+s28+$0x0], $0xffff  }
0x26d: {  	v40 =	vld.idx.msk [tilespmem:v40+s28+$0x0], $0xffff;
	[tilespmem:v36+s13+$0x0] =	vst.idx.msk $0xffff, v5;
	v59 =	vor.u32 v63, v44  }
0x26e: {  	v11 =	vor.u32 v9, v44;
	[tilespmem:v27+s13+$0x0] =	vst.idx.msk $0xffff, v23;
	v27 =	vld.idx.msk [tilespmem:v51+s28+$0x0], $0xffff  }
0x26f: {  	v57 =	vor.u32 s3, v14;
	v23 =	vor.u32 v61, v43;
	v50 =	vld.idx.msk [tilespmem:v50+s28+$0x0], $0xffff;
	[tilespmem:v1+s13+$0x0] =	vst.idx.msk $0xffff, v13  }
0x270: {  	v51 =	vmovc v11;
	v11 =	vor.u32 v33, v44;
	v33 =	vld [tilespmem:$0x1FC70];
	v36 =	vor.u32 s31, v60;
	v60 =	vor.u32 s10, v10;
	[tilespmem:v32+s13+$0x0] =	vst.idx.msk $0xffff, v25  }
0x271: {  	v1 =	vor.u32 v61, v44;
	v61 =	vor.u32 v62, v47;
	[tilespmem:v7+s13+$0x0] =	vst.idx.msk $0xffff, v31;
	v7 =	vld.idx.msk [tilespmem:v29+s28+$0x0], $0xffff  }
0x272: {  	v5 =	vor.u32 s30, v10;
	v25 =	vld.idx.msk [tilespmem:v59+s28+$0x0], $0xffff  }
0x273: {  	v58 =	vor.u32 v62, v19;
	v59 =	vld [tilespmem:$0x1FDB0]  }
0x274: {  	v13 =	vor.u32 v53, v42;
	v31 =	vld.idx.msk [tilespmem:v56+s28+$0x0], $0xffff;
	[tilespmem:v57+s13+$0x0] =	vst.idx.msk $0xffff, v41  }
0x275: {  	v29 =	vor.u32 s1, v6;
	v23 =	vld.idx.msk [tilespmem:v23+s28+$0x0], $0xffff;
	[tilespmem:v60+s13+$0x0] =	vst.idx.msk $0xffff, v50  }
0x276: {  	v62 =	vor.u32 s20, v30;
	v32 =	vld.idx.msk [tilespmem:v61+s28+$0x0], $0xffff  }
0x277: {  	[tilespmem:v5+s13+$0x0] =	vst.idx.msk $0xffff, v40;
	v61 =	vld [tilespmem:$0x1FD70]  }
0x278: {  	v5 =	vor.u32 s21, v30;
	v41 =	vld.idx.msk [tilespmem:v58+s28+$0x0], $0xffff;
	[tilespmem:v36+s13+$0x0] =	vst.idx.msk $0xffff, v27;
	v40 =	vor.u32 v59, v46  }
0x279: {  	v58 =	vor.u32 s3, v16;
	v13 =	vld.idx.msk [tilespmem:v13+s28+$0x0], $0xffff;
	v57 =	vor.u32 v59, v45  }
0x27a: {  	v27 =	vor.u32 s30, v12;
	[tilespmem:v29+s13+$0x0] =	vst.idx.msk $0xffff, v25;
	v29 =	vor.u32 v22, v44;
	v22 =	vld [tilespmem:$0x1FFF0]  }
0x27b: {  	[tilespmem:v62+s13+$0x0] =	vst.idx.msk $0xffff, v7  }
0x27c: {  	v36 =	vor.u32 s31, v28;
	v59 =	vor.u32 v61, v19;
	v7 =	vld.idx.msk [tilespmem:v15+s28+$0x0], $0xffff  }
0x27d: {  	v50 =	vor.u32 v33, v42;
	v25 =	vor.u32 s10, v12;
	[tilespmem:v5+s13+$0x0] =	vst.idx.msk $0xffff, v31;
	v5 =	vld.idx.msk [tilespmem:v40+s28+$0x0], $0xffff  }
0x27e: {  	v60 =	vor.u32 v61, v47;
	v31 =	vld.idx.msk [tilespmem:v57+s28+$0x0], $0xffff;
	[tilespmem:v58+s13+$0x0] =	vst.idx.msk $0xffff, v23  }
0x27f: {  	[tilespmem:v27+s13+$0x0] =	vst.idx.msk $0xffff, v41;
	v27 =	vor.u32 v22, v46;
	v57 =	vor.u32 v22, v45;
	v22 =	vld [tilespmem:$0x1FCD0]  }
0x280: {  	v3 =	vld.idx.msk [tilespmem:v3+s28+$0x0], $0xffff  }
0x281: {  	v41 =	vld.idx.msk [tilespmem:v59+s28+$0x0], $0xffff;
	[tilespmem:v36+s13+$0x0] =	vst.idx.msk $0xffff, v13  }
0x282: {  	v15 =	vor.u32 s1, v8;
	[tilespmem:v25+s13+$0x0] =	vst.idx.msk $0xffff, v32;
	v36 =	vld.idx.msk [tilespmem:v50+s28+$0x0], $0xffff  }
0x283: {  	v40 =	vor.u32 s20, v26;
	v50 =	vld.idx.msk [tilespmem:v60+s28+$0x0], $0xffff  }
0x284: {  	v21 =	vor.u32 v21, v44;
	v60 =	vld [tilespmem:$0x1FF50]  }
0x285: {  	v23 =	vor.u32 s21, v26;
	_ =	sdelay $0x1  }
0x286: {  	v62 =	vor.u32 s3, v18;
	s20 =	smov.u32 s30;
	[tilespmem:v15+s13+$0x0] =	vst.idx.msk $0xffff, v7  }
0x287: {  	v34 =	vld [tilespmem:$0x1FC60];
	v25 =	vor.u32 s20, v14;
	v32 =	vor.u32 v22, v43;
	[tilespmem:v40+s13+$0x0] =	vst.idx.msk $0xffff, v5  }
0x288: {  	v5 =	vld.idx.msk [tilespmem:v21+s28+$0x0], $0xffff;
	v61 =	vor.u32 v60, v19  }
0x289: {  	s21 =	smov.u32 s10;
	v13 =	vor.u32 s31, v37;
	[tilespmem:v23+s13+$0x0] =	vst.idx.msk $0xffff, v31;
	v23 =	vld.idx.msk [tilespmem:v27+s28+$0x0], $0xffff  }
0x28a: {  	v15 =	vor.u32 s21, v14;
	v31 =	vld.idx.msk [tilespmem:v57+s28+$0x0], $0xffff  }
0x28b: {  	[tilespmem:v62+s13+$0x0] =	vst.idx.msk $0xffff, v3;
	v62 =	vld [tilespmem:$0x1FFB0]  }
0x28c: {  	[tilespmem:v25+s13+$0x0] =	vst.idx.msk $0xffff, v41;
	v25 =	vld.idx.msk [tilespmem:v32+s28+$0x0], $0xffff  }
0x28d: {  	v27 =	vor.u32 s1, v10;
	v32 =	vld.idx.msk [tilespmem:v61+s28+$0x0], $0xffff  }
0x28e: {  	v57 =	vor.u32 s18, v2;
	v40 =	vor.u32 v60, v47;
	[tilespmem:v13+s13+$0x0] =	vst.idx.msk $0xffff, v36;
	v13 =	vld [tilespmem:$0x1FCE0]  }
0x28f: {  	[tilespmem:v15+s13+$0x0] =	vst.idx.msk $0xffff, v50;
	v15 =	vld [tilespmem:$0x1FD80];
	_ =	sdelay $0x1  }
0x290: {  	v7 =	vor.u32 v22, v44;
	v22 =	vld [tilespmem:$0x1FCF0];
	v3 =	vor.u32 s19, v2  }
0x291: {  	v58 =	vor.u32 s3, v20;
	v41 =	vor.u32 v62, v45;
	v60 =	vld.idx.msk [tilespmem:v52+s28+$0x0], $0xffff;
	[tilespmem:v27+s13+$0x0] =	vst.idx.msk $0xffff, v5  }
0x292: {  	v61 =	vld.idx.msk [tilespmem:v40+s28+$0x0], $0xffff;
	v27 =	vor.u32 s21, v16;
	[tilespmem:v57+s13+$0x0] =	vst.idx.msk $0xffff, v23;
	v50 =	vor.u32 v13, v43  }
0x293: {  	v54 =	vor.u32 v34, v43;
	v53 =	vmov v34;
	v34 =	vld.idx.msk [tilespmem:v17+s28+$0x0], $0xffff;
	v17 =	vor.u32 v15, v47  }
0x294: {  	v56 =	vor.u32 v33, v43  }
0x295: {  	v21 =	vor.u32 v22, v42;
	v42 =	vmovc v44;
	v44 =	vmov v46;
	v46 =	vmov v19;
	[tilespmem:v3+s13+$0x0] =	vst.idx.msk $0xffff, v31  }
0x296: {  	v19 =	vor.u32 v62, v44;
	v36 =	vor.u32 s20, v16;
	v52 =	vmov v29;
	v29 =	vld.idx.msk [tilespmem:v41+s28+$0x0], $0xffff;
	[tilespmem:v58+s13+$0x0] =	vst.idx.msk $0xffff, v25  }
0x297: {  	v59 =	vor.u32 s31, v30;
	v33 =	vor.u32 v15, v46;
	v23 =	vld.idx.msk [tilespmem:v50+s28+$0x0], $0xffff;
	[tilespmem:v27+s13+$0x0] =	vst.idx.msk $0xffff, v61  }
0x298: {  	s23 =	sadd.s32 $0x2, s23;
	v58 =	vld.idx.msk [tilespmem:v17+s28+$0x0], $0xffff  }
0x299: {  	p1 =	slt.u32 s23, $0x1E;
	v31 =	vor.u32 s1, v12;
	v17 =	vld [tilespmem:$0x1FD00]  }
.Ltmp2:
0x29a: {  	v9 =	vor.u32 s10, v18;
	(pc) =	sbr.rel @p1 .LBB2_6-.Ltmp2, $4  }
0x29b: {  	v40 =	vor.u32 v63, v45;
	v5 =	vor.u32 v13, v42;
	v13 =	vld.idx.msk [tilespmem:v19+s28+$0x0], $0xffff;
	[tilespmem:v36+s13+$0x0] =	vst.idx.msk $0xffff, v32  }
0x29c: {  	s24 =	sadd.s32 $0x20, s24;
	v57 =	vor.u32 v22, v43;
	v15 =	vor.u32 s31, v26;
	v19 =	vor.u32 s16, v26;
	s16 =	smov.u32 s3;
	s3 =	smov.u32 s19;
	v41 =	vld.idx.msk [tilespmem:v33+s28+$0x0], $0xffff;
	[tilespmem:v59+s13+$0x0] =	vst.idx.msk $0xffff, v60  }
0x29d: {  	s9 =	sor.u32 $0x2000, s30;
	s8 =	sor.u32 $0x2000, s10;
	s31 =	smov.u32 s1;
	v36 =	vor.u32 s3, v4;
	v25 =	vor.u32 s16, v24;
	v21 =	vld.idx.msk [tilespmem:v21+s28+$0x0], $0xffff;
	v50 =	vor.u32 s20, v18  }
0x29e: {  	s1 =	smov.u32 s18;
	s18 =	smov.u32 s9;
	s19 =	smov.u32 s8;
	v33 =	vld [tilespmem:$0x1FF80];
	[tilespmem:v31+s13+$0x0] =	vst.idx.msk $0xffff, v34;
	v27 =	vor.u32 s31, v14;
	v3 =	vor.u32 v17, v45;
	v17 =	vor.u32 v17, v44  }
0x29f: {  	_ =	sdelay $0x3  }
0x2a0: {  	v31 =	vor.u32 v39, v47;
	[tilespmem:v9+s13+$0x0] =	vst.idx.msk $0xffff, v58  }
0x2a1: {  	[tilespmem:v50+s13+$0x0] =	vst.idx.msk $0xffff, v41  }
0x2a2: {  	v22 =	vld [tilespmem:$0x1FF70];
	_ =	sdelay $0x1  }
0x2a3: {  	v60 =	vmov v38;
	v38 =	vor.u32 s20, v20;
	v32 =	vld.idx.msk [tilespmem:v55+s28+$0x0], $0xffff  }
0x2a4: {  	v9 =	vld.idx.msk [tilespmem:v31+s28+$0x0], $0xffff;
	v31 =	vor.u32 s21, v20;
	_ =	sdelay $0x1  }
0x2a5: {  	v58 =	vor.u32 v22, v47  }
0x2a6: {  	v59 =	vor.u32 v22, v46  }
0x2a7: {  	[tilespmem:v38+s13+$0x0] =	vst.idx.msk $0xffff, v32  }
0x2a8: {  	[tilespmem:v31+s13+$0x0] =	vst.idx.msk $0xffff, v9  }
0x2a9: {  	v38 =	vld [tilespmem:$0x1FD90]  }
0x2aa: {  	v31 =	vor.u32 s21, v24;
	v9 =	vld.idx.msk [tilespmem:v58+s28+$0x0], $0xffff  }
0x2ab: {  	v61 =	vor.u32 s20, v24;
	v32 =	vld.idx.msk [tilespmem:v59+s28+$0x0], $0xffff;
	_ =	sdelay $0x2  }
0x2ac: {  	v62 =	vor.u32 v38, v47  }
0x2ad: {  	v63 =	vor.u32 v38, v46;
	[tilespmem:v31+s13+$0x0] =	vst.idx.msk $0xffff, v9  }
0x2ae: {  	[tilespmem:v61+s13+$0x0] =	vst.idx.msk $0xffff, v32  }
0x2af: {  	v22 =	vld [tilespmem:$0x1FF90];
	_ =	sdelay $0x1  }
0x2b0: {  	v31 =	vor.u32 s21, v33;
	v9 =	vld.idx.msk [tilespmem:v62+s28+$0x0], $0xffff  }
0x2b1: {  	v34 =	vor.u32 s20, v33;
	v32 =	vld.idx.msk [tilespmem:v63+s28+$0x0], $0xffff;
	_ =	sdelay $0x1  }
0x2b2: {  	v39 =	vor.u32 v22, v47  }
0x2b3: {  	v58 =	vor.u32 v22, v46  }
0x2b4: {  	[tilespmem:v31+s13+$0x0] =	vst.idx.msk $0xffff, v9  }
0x2b5: {  	[tilespmem:v34+s13+$0x0] =	vst.idx.msk $0xffff, v32  }
0x2b6: {  	v61 =	vld [tilespmem:$0x1FFE0]  }
0x2b7: {  	v31 =	vor.u32 s21, v28;
	v9 =	vld.idx.msk [tilespmem:v39+s28+$0x0], $0xffff  }
0x2b8: {  	v59 =	vor.u32 s20, v28;
	v32 =	vld.idx.msk [tilespmem:v58+s28+$0x0], $0xffff;
	_ =	sdelay $0x2  }
0x2b9: {  	v34 =	vor.u32 v61, v47  }
0x2ba: {  	v39 =	vor.u32 v61, v46;
	[tilespmem:v31+s13+$0x0] =	vst.idx.msk $0xffff, v9  }
0x2bb: {  	[tilespmem:v59+s13+$0x0] =	vst.idx.msk $0xffff, v32  }
0x2bc: {  	v22 =	vld [tilespmem:$0x1FFA0];
	_ =	sdelay $0x1  }
0x2bd: {  	v31 =	vor.u32 s21, v37;
	v9 =	vld.idx.msk [tilespmem:v34+s28+$0x0], $0xffff  }
0x2be: {  	v58 =	vor.u32 s20, v37;
	v32 =	vld.idx.msk [tilespmem:v39+s28+$0x0], $0xffff;
	_ =	sdelay $0x1  }
0x2bf: {  	v59 =	vor.u32 v22, v47  }
0x2c0: {  	v62 =	vor.u32 v22, v46  }
0x2c1: {  	[tilespmem:v31+s13+$0x0] =	vst.idx.msk $0xffff, v9  }
0x2c2: {  	[tilespmem:v58+s13+$0x0] =	vst.idx.msk $0xffff, v32  }
0x2c3: {  	v22 =	vld [tilespmem:$0x1FDB0]  }
0x2c4: {  	v31 =	vor.u32 s21, v30;
	v9 =	vld.idx.msk [tilespmem:v59+s28+$0x0], $0xffff  }
0x2c5: {  	v63 =	vor.u32 s20, v30;
	v32 =	vld.idx.msk [tilespmem:v62+s28+$0x0], $0xffff;
	_ =	sdelay $0x2  }
0x2c6: {  	v34 =	vor.u32 v22, v47  }
0x2c7: {  	v39 =	vor.u32 v22, v46;
	[tilespmem:v31+s13+$0x0] =	vst.idx.msk $0xffff, v9  }
0x2c8: {  	[tilespmem:v63+s13+$0x0] =	vst.idx.msk $0xffff, v32  }
0x2c9: {  	v62 =	vld [tilespmem:$0x1FFF0];
	_ =	sdelay $0x1  }
0x2ca: {  	v31 =	vor.u32 s21, v26;
	v9 =	vld.idx.msk [tilespmem:v34+s28+$0x0], $0xffff  }
0x2cb: {  	v58 =	vor.u32 s20, v26;
	v32 =	vld.idx.msk [tilespmem:v39+s28+$0x0], $0xffff;
	_ =	sdelay $0x1  }
0x2cc: {  	v59 =	vor.u32 v62, v47;
	_ =	sdelay $0x1  }
0x2cd: {  	[tilespmem:v31+s13+$0x0] =	vst.idx.msk $0xffff, v9  }
0x2ce: {  	v63 =	vor.u32 v62, v46;
	[tilespmem:v58+s13+$0x0] =	vst.idx.msk $0xffff, v32  }
0x2cf: {  	v34 =	vor.u32 s18, v2;
	v31 =	vor.u32 s19, v2;
	v2 =	vld [tilespmem:$0x1FFB0]  }
0x2d0: {  	v9 =	vld.idx.msk [tilespmem:v59+s28+$0x0], $0xffff;
	_ =	sdelay $0x2  }
0x2d1: {  	v32 =	vld.idx.msk [tilespmem:v63+s28+$0x0], $0xffff;
	_ =	sdelay $0x1  }
0x2d2: {  	v58 =	vor.u32 s1, v4;
	v63 =	vor.u32 v2, v46;
	[tilespmem:v31+s13+$0x0] =	vst.idx.msk $0xffff, v9  }
0x2d3: {  	v39 =	vor.u32 v2, v47;
	v2 =	vld [tilespmem:$0x1FFC0];
	_ =	sdelay $0x1  }
0x2d4: {  	[tilespmem:v34+s13+$0x0] =	vst.idx.msk $0xffff, v32  }
0x2d5: {  	[tilespmem:v36+s13+$0x0] =	vst.idx.msk $0xffff, v29  }
0x2d6: {  	[tilespmem:v58+s13+$0x0] =	vst.idx.msk $0xffff, v13;
	v41 =	vld.idx.msk [tilespmem:v63+s28+$0x0], $0xffff  }
0x2d7: {  	v32 =	vor.u32 s19, v4;
	v63 =	vor.u32 s18, v4;
	v4 =	vld [tilespmem:$0x1FC00];
	v9 =	vor.u32 v2, v44;
	_ =	sdelay $0x1  }
0x2d8: {  	v31 =	vld.idx.msk [tilespmem:v39+s28+$0x0], $0xffff  }
0x2d9: {  	v34 =	vor.u32 v2, v47  }
0x2da: {  	v36 =	vor.u32 s3, v6;
	v29 =	vld.idx.msk [tilespmem:v40+s28+$0x0], $0xffff;
	v59 =	vor.u32 v2, v46  }
0x2db: {  	v40 =	vor.u32 s1, v6;
	v13 =	vor.u32 v4, v45;
	v9 =	vld.idx.msk [tilespmem:v9+s28+$0x0], $0xffff;
	_ =	sdelay $0x1  }
0x2dc: {  	[tilespmem:v32+s13+$0x0] =	vst.idx.msk $0xffff, v31;
	v31 =	vor.u32 v4, v44  }
0x2dd: {  	[tilespmem:v63+s13+$0x0] =	vst.idx.msk $0xffff, v41;
	v32 =	vld.idx.msk [tilespmem:v34+s28+$0x0], $0xffff  }
0x2de: {  	[tilespmem:v36+s13+$0x0] =	vst.idx.msk $0xffff, v29;
	v34 =	vor.u32 s19, v6;
	v55 =	vld.idx.msk [tilespmem:v59+s28+$0x0], $0xffff  }
0x2df: {  	v58 =	vor.u32 s18, v6;
	v13 =	vld.idx.msk [tilespmem:v13+s28+$0x0], $0xffff;
	[tilespmem:v40+s13+$0x0] =	vst.idx.msk $0xffff, v9  }
0x2e0: {  	v29 =	vor.u32 s3, v8;
	v6 =	vld [tilespmem:$0x1FBE0]  }
0x2e1: {  	v36 =	vor.u32 s1, v8;
	v41 =	vor.u32 v4, v47;
	v31 =	vld.idx.msk [tilespmem:v31+s28+$0x0], $0xffff;
	_ =	sdelay $0x1  }
0x2e2: {  	[tilespmem:v34+s13+$0x0] =	vst.idx.msk $0xffff, v32  }
0x2e3: {  	[tilespmem:v58+s13+$0x0] =	vst.idx.msk $0xffff, v55  }
0x2e4: {  	v63 =	vor.u32 v4, v46;
	[tilespmem:v29+s13+$0x0] =	vst.idx.msk $0xffff, v13  }
0x2e5: {  	v40 =	vld.idx.msk [tilespmem:v41+s28+$0x0], $0xffff;
	v9 =	vor.u32 v6, v45;
	[tilespmem:v36+s13+$0x0] =	vst.idx.msk $0xffff, v31  }
0x2e6: {  	v2 =	vmovc v33;
	v33 =	vmovc v8;
	v58 =	vor.u32 s18, v8;
	v41 =	vor.u32 s19, v8;
	v32 =	vor.u32 v6, v44;
	v8 =	vld [tilespmem:$0x1FC10];
	_ =	sdelay $0x2  }
0x2e7: {  	v55 =	vld.idx.msk [tilespmem:v63+s28+$0x0], $0xffff;
	v50 =	vor.u32 v6, v47  }
0x2e8: {  	v13 =	vor.u32 s3, v10;
	v63 =	vor.u32 v6, v46;
	v9 =	vld.idx.msk [tilespmem:v9+s28+$0x0], $0xffff  }
0x2e9: {  	v31 =	vld.idx.msk [tilespmem:v32+s28+$0x0], $0xffff;
	v32 =	vor.u32 s1, v10;
	v29 =	vor.u32 v8, v45;
	_ =	sdelay $0x1  }
0x2ea: {  	[tilespmem:v41+s13+$0x0] =	vst.idx.msk $0xffff, v40;
	v34 =	vor.u32 v8, v44  }
0x2eb: {  	[tilespmem:v58+s13+$0x0] =	vst.idx.msk $0xffff, v55;
	v40 =	vld.idx.msk [tilespmem:v50+s28+$0x0], $0xffff  }
0x2ec: {  	v41 =	vor.u32 s19, v10;
	v55 =	vld.idx.msk [tilespmem:v63+s28+$0x0], $0xffff;
	[tilespmem:v13+s13+$0x0] =	vst.idx.msk $0xffff, v9  }
0x2ed: {  	v58 =	vor.u32 s18, v10;
	[tilespmem:v32+s13+$0x0] =	vst.idx.msk $0xffff, v31;
	v9 =	vld.idx.msk [tilespmem:v29+s28+$0x0], $0xffff  }
0x2ee: {  	v39 =	vmov v10;
	v13 =	vor.u32 s3, v12;
	v10 =	vld [tilespmem:$0x1FC20]  }
0x2ef: {  	v50 =	vor.u32 v8, v47;
	v32 =	vor.u32 s1, v12;
	v31 =	vld.idx.msk [tilespmem:v34+s28+$0x0], $0xffff;
	_ =	sdelay $0x1  }
0x2f0: {  	v63 =	vor.u32 v8, v46;
	[tilespmem:v41+s13+$0x0] =	vst.idx.msk $0xffff, v40  }
0x2f1: {  	[tilespmem:v58+s13+$0x0] =	vst.idx.msk $0xffff, v55  }
0x2f2: {  	[tilespmem:v13+s13+$0x0] =	vst.idx.msk $0xffff, v9  }
0x2f3: {  	v40 =	vld.idx.msk [tilespmem:v50+s28+$0x0], $0xffff;
	v29 =	vor.u32 v10, v45;
	[tilespmem:v32+s13+$0x0] =	vst.idx.msk $0xffff, v31  }
0x2f4: {  	v41 =	vor.u32 s19, v12;
	v36 =	vor.u32 v10, v44;
	v34 =	vld [tilespmem:$0x1FC80]  }
0x2f5: {  	v55 =	vld.idx.msk [tilespmem:v63+s28+$0x0], $0xffff;
	v63 =	vor.u32 s18, v12;
	v50 =	vor.u32 v10, v47  }
0x2f6: {  	v59 =	vor.u32 v10, v46  }
0x2f7: {  	v9 =	vld.idx.msk [tilespmem:v11+s28+$0x0], $0xffff  }
0x2f8: {  	v13 =	vor.u32 s3, v14;
	v11 =	vld.idx.msk [tilespmem:v29+s28+$0x0], $0xffff  }
0x2f9: {  	v31 =	vor.u32 s1, v14;
	[tilespmem:v41+s13+$0x0] =	vst.idx.msk $0xffff, v40;
	v32 =	vld.idx.msk [tilespmem:v36+s28+$0x0], $0xffff;
	v29 =	vor.u32 v34, v45  }
0x2fa: {  	v41 =	vor.u32 s19, v14;
	[tilespmem:v63+s13+$0x0] =	vst.idx.msk $0xffff, v55;
	v40 =	vld.idx.msk [tilespmem:v50+s28+$0x0], $0xffff;
	v36 =	vor.u32 v34, v44  }
0x2fb: {  	v63 =	vor.u32 s18, v14;
	v58 =	vld.idx.msk [tilespmem:v59+s28+$0x0], $0xffff;
	v50 =	vor.u32 v34, v47  }
0x2fc: {  	[tilespmem:v27+s13+$0x0] =	vst.idx.msk $0xffff, v9  }
0x2fd: {  	v1 =	vld.idx.msk [tilespmem:v1+s28+$0x0], $0xffff;
	[tilespmem:v13+s13+$0x0] =	vst.idx.msk $0xffff, v11;
	v11 =	vor.u32 s31, v16  }
0x2fe: {  	v27 =	vor.u32 s3, v16;
	[tilespmem:v31+s13+$0x0] =	vst.idx.msk $0xffff, v32;
	v13 =	vld.idx.msk [tilespmem:v29+s28+$0x0], $0xffff  }
0x2ff: {  	[tilespmem:v41+s13+$0x0] =	vst.idx.msk $0xffff, v40;
	v31 =	vor.u32 s1, v16;
	v29 =	vld.idx.msk [tilespmem:v36+s28+$0x0], $0xffff  }
0x300: {  	v59 =	vor.u32 s19, v16;
	v9 =	vor.u32 v34, v46;
	[tilespmem:v63+s13+$0x0] =	vst.idx.msk $0xffff, v58;
	v50 =	vld.idx.msk [tilespmem:v50+s28+$0x0], $0xffff  }
0x301: {  	v22 =	vld [tilespmem:$0x1FD00]  }
0x302: {  	[tilespmem:v11+s13+$0x0] =	vst.idx.msk $0xffff, v1  }
0x303: {  	[tilespmem:v27+s13+$0x0] =	vst.idx.msk $0xffff, v13  }
0x304: {  	[tilespmem:v31+s13+$0x0] =	vst.idx.msk $0xffff, v29  }
0x305: {  	v9 =	vld.idx.msk [tilespmem:v9+s28+$0x0], $0xffff;
	[tilespmem:v59+s13+$0x0] =	vst.idx.msk $0xffff, v50  }
0x306: {  	v34 =	vor.u32 s18, v16;
	v63 =	vor.u32 v22, v47;
	v1 =	vor.u32 v22, v46;
	v22 =	vld [tilespmem:$0x1FCD0];
	_ =	sdelay $0x1  }
0x307: {  	v11 =	vld.idx.msk [tilespmem:v48+s28+$0x0], $0xffff;
	v13 =	vor.u32 s31, v18  }
0x308: {  	v27 =	vor.u32 s3, v18;
	v3 =	vld.idx.msk [tilespmem:v3+s28+$0x0], $0xffff  }
0x309: {  	v31 =	vor.u32 s1, v18;
	v17 =	vld.idx.msk [tilespmem:v17+s28+$0x0], $0xffff  }
0x30a: {  	v41 =	vor.u32 s19, v18;
	[tilespmem:v34+s13+$0x0] =	vst.idx.msk $0xffff, v9;
	v32 =	vld.idx.msk [tilespmem:v63+s28+$0x0], $0xffff;
	v29 =	vor.u32 v22, v45  }
0x30b: {  	[tilespmem:v19+s13+$0x0] =	vst.idx.msk $0xffff, v0  }
0x30c: {  	[tilespmem:v13+s13+$0x0] =	vst.idx.msk $0xffff, v11;
	v9 =	vor.u32 v22, v44  }
0x30d: {  	v19 =	vor.u32 s18, v18;
	v1 =	vld.idx.msk [tilespmem:v1+s28+$0x0], $0xffff;
	v0 =	vor.u32 v22, v47;
	[tilespmem:v27+s13+$0x0] =	vst.idx.msk $0xffff, v3  }
0x30e: {  	v3 =	vld.idx.msk [tilespmem:v7+s28+$0x0], $0xffff;
	[tilespmem:v31+s13+$0x0] =	vst.idx.msk $0xffff, v17  }
0x30f: {  	v7 =	vor.u32 s31, v20;
	[tilespmem:v41+s13+$0x0] =	vst.idx.msk $0xffff, v32;
	v13 =	vld.idx.msk [tilespmem:v29+s28+$0x0], $0xffff  }
0x310: {  	v17 =	vor.u32 s3, v20;
	v31 =	vld [tilespmem:$0x1FCE0]  }
0x311: {  	v9 =	vld.idx.msk [tilespmem:v9+s28+$0x0], $0xffff;
	v29 =	vor.u32 s1, v20  }
0x312: {  	v11 =	vor.u32 v22, v46;
	[tilespmem:v19+s13+$0x0] =	vst.idx.msk $0xffff, v1;
	v0 =	vld.idx.msk [tilespmem:v0+s28+$0x0], $0xffff;
	v19 =	vor.u32 s19, v20  }
0x313: {  	[tilespmem:v25+s13+$0x0] =	vst.idx.msk $0xffff, v23  }
0x314: {  	[tilespmem:v7+s13+$0x0] =	vst.idx.msk $0xffff, v3  }
0x315: {  	[tilespmem:v17+s13+$0x0] =	vst.idx.msk $0xffff, v13  }
0x316: {  	v27 =	vor.u32 v31, v45;
	[tilespmem:v29+s13+$0x0] =	vst.idx.msk $0xffff, v9  }
0x317: {  	v11 =	vld.idx.msk [tilespmem:v11+s28+$0x0], $0xffff;
	v1 =	vor.u32 v31, v44;
	[tilespmem:v19+s13+$0x0] =	vst.idx.msk $0xffff, v0  }
0x318: {  	v48 =	vor.u32 s18, v20;
	v22 =	vmov v20;
	v23 =	vor.u32 v31, v47;
	v20 =	vld [tilespmem:$0x1FC30];
	_ =	sdelay $0x1  }
0x319: {  	v7 =	vor.u32 s31, v24;
	v5 =	vld.idx.msk [tilespmem:v5+s28+$0x0], $0xffff  }
0x31a: {  	v3 =	vor.u32 v31, v46;
	v13 =	vor.u32 s3, v24;
	v9 =	vld.idx.msk [tilespmem:v27+s28+$0x0], $0xffff  }
0x31b: {  	v17 =	vor.u32 s1, v24;
	v1 =	vld.idx.msk [tilespmem:v1+s28+$0x0], $0xffff  }
0x31c: {  	[tilespmem:v48+s13+$0x0] =	vst.idx.msk $0xffff, v11;
	v19 =	vld.idx.msk [tilespmem:v23+s28+$0x0], $0xffff;
	v23 =	vor.u32 s19, v24;
	v0 =	vor.u32 v20, v45  }
0x31d: {  	[tilespmem:v15+s13+$0x0] =	vst.idx.msk $0xffff, v21  }
0x31e: {  	v50 =	vld.idx.msk [tilespmem:v49+s28+$0x0], $0xffff;
	[tilespmem:v7+s13+$0x0] =	vst.idx.msk $0xffff, v5;
	v11 =	vor.u32 v20, v44  }
0x31f: {  	v21 =	vor.u32 s18, v24;
	v3 =	vld.idx.msk [tilespmem:v3+s28+$0x0], $0xffff;
	[tilespmem:v13+s13+$0x0] =	vst.idx.msk $0xffff, v9  }
0x320: {  	v5 =	vor.u32 s16, v2;
	v9 =	vld.idx.msk [tilespmem:v51+s28+$0x0], $0xffff;
	[tilespmem:v17+s13+$0x0] =	vst.idx.msk $0xffff, v1  }
0x321: {  	v13 =	vor.u32 s31, v2;
	[tilespmem:v23+s13+$0x0] =	vst.idx.msk $0xffff, v19;
	v0 =	vld.idx.msk [tilespmem:v0+s28+$0x0], $0xffff  }
0x322: {  	v15 =	vor.u32 v20, v47;
	v7 =	vor.u32 v20, v46;
	v17 =	vor.u32 s3, v2;
	v20 =	vld [tilespmem:$0x1FC60]  }
0x323: {  	v23 =	vor.u32 s1, v2;
	v11 =	vld.idx.msk [tilespmem:v11+s28+$0x0], $0xffff  }
0x324: {  	[tilespmem:v21+s13+$0x0] =	vst.idx.msk $0xffff, v3  }
0x325: {  	[tilespmem:v5+s13+$0x0] =	vst.idx.msk $0xffff, v50  }
0x326: {  	v1 =	vor.u32 v53, v42;
	[tilespmem:v13+s13+$0x0] =	vst.idx.msk $0xffff, v9  }
0x327: {  	v15 =	vld.idx.msk [tilespmem:v15+s28+$0x0], $0xffff;
	v19 =	vor.u32 v20, v45;
	[tilespmem:v17+s13+$0x0] =	vst.idx.msk $0xffff, v0  }
0x328: {  	v21 =	vor.u32 s19, v2;
	v7 =	vld.idx.msk [tilespmem:v7+s28+$0x0], $0xffff;
	[tilespmem:v23+s13+$0x0] =	vst.idx.msk $0xffff, v11  }
0x329: {  	v55 =	vor.u32 s18, v2;
	v3 =	vor.u32 v20, v44;
	v2 =	vld [tilespmem:$0x1FC70]  }
0x32a: {  	v27 =	vld.idx.msk [tilespmem:v54+s28+$0x0], $0xffff;
	v9 =	vor.u32 s16, v28;
	v5 =	vor.u32 v20, v47  }
0x32b: {  	v13 =	vor.u32 v20, v46;
	v0 =	vld.idx.msk [tilespmem:v1+s28+$0x0], $0xffff;
	v1 =	vor.u32 s31, v28  }
0x32c: {  	v17 =	vld.idx.msk [tilespmem:v19+s28+$0x0], $0xffff;
	v19 =	vor.u32 s3, v28  }
0x32d: {  	[tilespmem:v21+s13+$0x0] =	vst.idx.msk $0xffff, v15  }
0x32e: {  	[tilespmem:v55+s13+$0x0] =	vst.idx.msk $0xffff, v7;
	v3 =	vld.idx.msk [tilespmem:v3+s28+$0x0], $0xffff;
	v11 =	vor.u32 v2, v42  }
0x32f: {  	v21 =	vor.u32 s1, v28;
	[tilespmem:v9+s13+$0x0] =	vst.idx.msk $0xffff, v27;
	v5 =	vld.idx.msk [tilespmem:v5+s28+$0x0], $0xffff;
	v15 =	vor.u32 v2, v45  }
0x330: {  	v23 =	vor.u32 s19, v28;
	v13 =	vld.idx.msk [tilespmem:v13+s28+$0x0], $0xffff;
	[tilespmem:v1+s13+$0x0] =	vst.idx.msk $0xffff, v0;
	v7 =	vor.u32 v2, v44  }
0x331: {  	v58 =	vor.u32 s18, v28;
	v27 =	vld.idx.msk [tilespmem:v56+s28+$0x0], $0xffff;
	[tilespmem:v19+s13+$0x0] =	vst.idx.msk $0xffff, v17  }
0x332: {  	v0 =	vor.u32 s16, v37;
	v9 =	vor.u32 v2, v47;
	v1 =	vor.u32 v2, v46;
	v2 =	vld [tilespmem:$0x1FCA0]  }
0x333: {  	v19 =	vor.u32 s31, v37;
	v11 =	vld.idx.msk [tilespmem:v11+s28+$0x0], $0xffff  }
0x334: {  	[tilespmem:v21+s13+$0x0] =	vst.idx.msk $0xffff, v3;
	v3 =	vld.idx.msk [tilespmem:v15+s28+$0x0], $0xffff;
	v15 =	vor.u32 s3, v37  }
0x335: {  	[tilespmem:v23+s13+$0x0] =	vst.idx.msk $0xffff, v5;
	v21 =	vor.u32 s1, v37;
	v7 =	vld.idx.msk [tilespmem:v7+s28+$0x0], $0xffff  }
0x336: {  	[tilespmem:v58+s13+$0x0] =	vst.idx.msk $0xffff, v13  }
0x337: {  	[tilespmem:v0+s13+$0x0] =	vst.idx.msk $0xffff, v27  }
0x338: {  	[tilespmem:v19+s13+$0x0] =	vst.idx.msk $0xffff, v11  }
0x339: {  	v17 =	vor.u32 v2, v43;
	[tilespmem:v15+s13+$0x0] =	vst.idx.msk $0xffff, v3  }
0x33a: {  	[tilespmem:v21+s13+$0x0] =	vst.idx.msk $0xffff, v7  }
0x33b: {  	v5 =	vor.u32 v2, v45;
	v41 =	vld [tilespmem:$0x1FCF0]  }
0x33c: {  	v23 =	vor.u32 s19, v37;
	v9 =	vld.idx.msk [tilespmem:v9+s28+$0x0], $0xffff;
	v13 =	vor.u32 v2, v44  }
0x33d: {  	v59 =	vor.u32 s18, v37;
	v1 =	vld.idx.msk [tilespmem:v1+s28+$0x0], $0xffff;
	v0 =	vor.u32 v2, v47  }
0x33e: {  	v11 =	vor.u32 s16, v30;
	v19 =	vor.u32 v2, v46;
	v17 =	vld.idx.msk [tilespmem:v17+s28+$0x0], $0xffff  }
0x33f: {  	v3 =	vor.u32 s31, v30;
	v15 =	vld.idx.msk [tilespmem:v52+s28+$0x0], $0xffff  }
0x340: {  	v21 =	vor.u32 s3, v30;
	v5 =	vld.idx.msk [tilespmem:v5+s28+$0x0], $0xffff;
	v7 =	vor.u32 v41, v42  }
0x341: {  	[tilespmem:v23+s13+$0x0] =	vst.idx.msk $0xffff, v9;
	v23 =	vor.u32 s1, v30;
	v13 =	vld.idx.msk [tilespmem:v13+s28+$0x0], $0xffff;
	v9 =	vor.u32 v41, v45  }
0x342: {  	v63 =	vor.u32 s19, v30;
	[tilespmem:v59+s13+$0x0] =	vst.idx.msk $0xffff, v1;
	v0 =	vld.idx.msk [tilespmem:v0+s28+$0x0], $0xffff;
	v1 =	vor.u32 v41, v44  }
0x343: {  	v19 =	vld.idx.msk [tilespmem:v19+s28+$0x0], $0xffff;
	[tilespmem:v11+s13+$0x0] =	vst.idx.msk $0xffff, v17;
	v11 =	vor.u32 v41, v47;
	v17 =	vor.u32 s18, v30  }
0x344: {  	[tilespmem:v3+s13+$0x0] =	vst.idx.msk $0xffff, v15;
	v15 =	vor.u32 s16, v26;
	v27 =	vor.u32 v41, v46;
	v3 =	vld.idx.msk [tilespmem:v57+s28+$0x0], $0xffff  }
0x345: {  	[tilespmem:v21+s13+$0x0] =	vst.idx.msk $0xffff, v5;
	v5 =	vor.u32 s31, v26;
	v7 =	vld.idx.msk [tilespmem:v7+s28+$0x0], $0xffff  }
0x346: {  	[tilespmem:v23+s13+$0x0] =	vst.idx.msk $0xffff, v13;
	v13 =	vor.u32 s3, v26;
	v9 =	vld.idx.msk [tilespmem:v9+s28+$0x0], $0xffff  }
0x347: {  	[tilespmem:v63+s13+$0x0] =	vst.idx.msk $0xffff, v0;
	v0 =	vor.u32 s1, v26;
	v1 =	vld.idx.msk [tilespmem:v1+s28+$0x0], $0xffff  }
0x348: {  	[tilespmem:v17+s13+$0x0] =	vst.idx.msk $0xffff, v19;
	v11 =	vld.idx.msk [tilespmem:v11+s28+$0x0], $0xffff;
	v17 =	vor.u32 s19, v26  }
0x349: {  	[tilespmem:v15+s13+$0x0] =	vst.idx.msk $0xffff, v3;
	v3 =	vor.u32 s18, v26;
	v15 =	vld.idx.msk [tilespmem:v27+s28+$0x0], $0xffff  }
0x34a: {  	[tilespmem:v5+s13+$0x0] =	vst.idx.msk $0xffff, v7  }
0x34b: {  	s19 =	sshll.u32 s14, $0x14;
	[tilespmem:v13+s13+$0x0] =	vst.idx.msk $0xffff, v9  }
0x34c: {  	s1 =	sor.u32 s6, s19;
	[tilespmem:v0+s13+$0x0] =	vst.idx.msk $0xffff, v1  }
0x34d: {  	s20 =	rddreg [dreg:$0x2];
	s16 =	sshrl.u32 s1, $0x3;
	[tilespmem:v17+s13+$0x0] =	vst.idx.msk $0xffff, v11  }
0x34e: {  	s1 =	sadd.s32 s20, s16;
	[tilespmem:v3+s13+$0x0] =	vst.idx.msk $0xffff, v15  }
0x34f: {  	[hbm4b:s1+s4] =	stream.linear.scatter [tilespmem:s13], [sflag:$0x5], $0x1000, $0x38;
	[tilespmem:$0x10400] =	vst v63  }
0x350: {  	s21 =	rddreg [dreg:$0x10]  }
0x351: {  	s22 =	simm.s32 $0x9400;
	p1 =	sne.s32 s14, $0x63;
	s1 =	sadd.s32 s16, s21  }
0x352: {  	[hbm4b:s1+s4] =	stream.linear.scatter [tilespmem:s22], [sflag:$0x5], $0x1000, $0x38;
	[tilespmem:$0x10400] =	vst v63  }
.Ltmp3:
0x353: {  	s23 =	rddreg [dreg:$0x11];
	(pc) =	sbr.rel @p1 .LBB2_9-.Ltmp3, $4  }
0x354: {  	s24 =	simm.s32 $0xA400;
	s30 =	rddreg [dreg:$0x12];
	s1 =	sadd.s32 s16, s23  }
0x355: {  	v32 =	vmov v62;
	v29 =	vmov v18;
	[hbm4b:s1+s4] =	stream.linear.scatter [tilespmem:s24], [sflag:$0x5], $0x1000, $0x38;
	[tilespmem:$0x10400] =	vst v63  }
0x356: {  	v18 =	vmovc v61;
	v51 =	vmovc v28;
	v2 =	vmov v4;
	v4 =	vmov v6;
	s31 =	simm.s32 $0xB400;
	v23 =	vmov v26;
	s1 =	sadd.s32 s16, s30  }
0x357: {  	v13 =	vmovc v14;
	v14 =	vmovc v24;
	v11 =	vmov v12;
	v15 =	vmov v16;
	v16 =	vmov v30;
	[hbm4b:s1+s4] =	stream.linear.scatter [tilespmem:s31], [sflag:$0x5], $0x1000, $0x38;
	[tilespmem:$0x10400] =	vst v63  }
.Ltmp4:
0x358: {  	s1 =	simm.s32 $0x4;
	(pc) =	sbr.rel .LBB2_10-.Ltmp4, $4  }
0x359: {  	_ =	swait.ge [sflag:s1], $0x4000  }
0x35a: {  	v46 =	vld [tilespmem:$0x1FF10]  }
0x35b: {  	[sflag:s1] =	ssyncset.done $0x0;
	v17 =	vld [tilespmem:$0x1FD70]  }
0x35c: {  	v6 =	vld [tilespmem:$0x1FD80];
	[sflag:s1] =	ssyncadd.s32 $0xFFFFC000  }
.LBB2_9:
0x35d: {  	_ =	swait.ge [sflag:s26], $0x80  }
0x35e: {  	[sflag:s26] =	ssyncset.done $0x0  }
0x35f: {  	[sflag:s26] =	ssyncadd.s32 $0xFFFFFF80  }
0x360: {  	_ =	swait.ge [sflag:s26], $0x80  }
0x361: {  	[sflag:s26] =	ssyncset.done $0x0  }
0x362: {  	[sflag:s26] =	ssyncadd.s32 $0xFFFFFF80  }
0x363: {  	_ =	swait.ge [sflag:s26], $0x80  }
0x364: {  	[sflag:s26] =	ssyncset.done $0x0  }
0x365: {  	[sflag:s26] =	ssyncadd.s32 $0xFFFFFF80  }
0x366: {  	_ =	swait.ge [sflag:s26], $0x80  }
0x367: {  	s5 =	simm.s32 $0x200;
	[sflag:s26] =	ssyncset.done $0x0  }
0x368: {  	s20 =	sadd.s32 $0x3, s15;
	s1 =	rddreg [dreg:$0x4];
	[sflag:s26] =	ssyncadd.s32 $0xFFFFFF80  }
0x369: {  	[tilespmem:s28], [sflag:$0x3] =	stream.indirect.gather [hbm4b:s1+s5], $0x20, s4, s5, $0xb8;
	[tilespmem:$0x10400] =	vst v63  }
0x36a: {  	s3 =	sshll.u32 s20, $0xE;
	s1 =	sshll.u32 s20, $0x7  }
0x36b: {  	s3 =	sand.u32 $0x7E0000, s3;
	s1 =	sand.u32 $0x380, s1  }
0x36c: {  	s8 =	simm.s32 $0x4;
	s1 =	sor.u32 s3, s1  }
0x36d: {  	_ =	swait.ge [sflag:s8], $0x4000;
	s3 =	sor.u32 s6, s1  }
0x36e: {  	[sflag:s8] =	ssyncset.done $0x0;
	s3 =	sshrl.u32 s3, $0x3  }
0x36f: {  	s21 =	rddreg [dreg:$0x6];
	[sflag:s8] =	ssyncadd.s32 $0xFFFFC000;
	s3 =	sadd.s32 s0, s3  }
0x370: {  	[tilespmem:s5], [sflag:$0x2] =	stream.linear.gather [hbm4b:s3+s4], $0x80, $0x38;
	[tilespmem:$0x10400] =	vst v63  }
0x371: {  	s3 =	sor.u32 s21, s1  }
0x372: {  	s3 =	sshrl.u32 s3, $0x3  }
0x373: {  	s22 =	simm.s32 $0x280;
	s23 =	rddreg [dreg:$0x7];
	s3 =	sadd.s32 s0, s3  }
0x374: {  	[tilespmem:s22], [sflag:$0x2] =	stream.linear.gather [hbm4b:s3+s4], $0x80, $0x38;
	[tilespmem:$0x10400] =	vst v63  }
0x375: {  	s30 =	rddreg [dreg:$0x8];
	s3 =	sor.u32 s23, s1  }
.Ltmp5:
0x376: {  	s1 =	sor.u32 s30, s1;
	s3 =	sshrl.u32 s3, $0x3;
	(pc) =	sbr.rel @p0 .LBB2_11-.Ltmp5, $4  }
0x377: {  	s24 =	simm.s32 $0x300;
	s1 =	sshrl.u32 s1, $0x3;
	s3 =	sadd.s32 s0, s3  }
0x378: {  	v46 =	vld [tilespmem:$0x1FF10];
	[tilespmem:s24], [sflag:$0x2] =	stream.linear.gather [hbm4b:s3+s4], $0x80, $0x38  }
0x379: {  	s17 =	simm.s32 $0x200;
	s31 =	simm.s32 $0x380;
	v17 =	vld [tilespmem:$0x1FD70];
	s1 =	sadd.s32 s0, s1  }
0x37a: {  	v6 =	vld [tilespmem:$0x1FD80];
	[tilespmem:s31], [sflag:$0x2] =	stream.linear.gather [hbm4b:s1+s4], $0x80, $0x38  }
.LBB2_10:
0x37b: {  	_ =	swait.ge [sflag:s25], $0x1000  }
0x37c: {  	[sflag:s25] =	ssyncset.done $0x0  }
0x37d: {  	[sflag:s25] =	ssyncadd.s32 $0xFFFFF000  }
0x37e: {  	_ =	swait.ge [sflag:s25], $0x1000  }
0x37f: {  	[sflag:s25] =	ssyncset.done $0x0  }
0x380: {  	[sflag:s25] =	ssyncadd.s32 $0xFFFFF000  }
0x381: {  	_ =	swait.ge [sflag:s25], $0x1000  }
0x382: {  	[sflag:s25] =	ssyncset.done $0x0  }
0x383: {  	[sflag:s25] =	ssyncadd.s32 $0xFFFFF000  }
0x384: {  	_ =	swait.ge [sflag:s25], $0x1000  }
0x385: {  	[sflag:s25] =	ssyncset.done $0x0  }
0x386: {  	[sflag:s25] =	ssyncadd.s32 $0xFFFFF000  }
.LBB2_11:
0x387: {  	v47 =	vld [tilespmem:$0x1FD20];
	_ =	sdelay $0x1  }
0x388: {  	s1 =	simm.s32 $0x10  }
0x389: {  	v0 =	vmov s1  }
0x38a: {  	v0 =	vshll.u32 v0, $0x5  }
0x38b: {  	v53 =	vlaneseq.u32;
	v48 =	vor.u32 v47, v0  }
0x38c: {  	v63 =	vld [tilespmem:$0x1FF20];
	v0 =	vor.u32 v53, v48;
	_ =	sdelay $0x1  }
0x38d: {  	s3 =	simm.s32 $0x0  }
0x38e: {  	s3 =	sand.u32 $0xC00, s3;
	s1 =	sand.u32 $0x70, s1  }
0x38f: {  	s1 =	sor.u32 s3, s1  }
0x390: {  	v1 =	vor.u32 s1, v63;
	v0 =	vld.idx.msk [tilespmem:v0+s11+$0x0], $0xffff  }
0x391: {  	v57 =	vld [tilespmem:$0x1FD30];
	_ =	sdelay $0x3  }
0x392: {  	[tilespmem:v1+s7+$0x0] =	vst.idx.msk $0xffff, v0  }
0x393: {  	v3 =	vor.u32 v57, v48;
	v26 =	vld [tilespmem:$0x1FF30];
	_ =	sdelay $0x4  }
0x394: {  	v0 =	vld.idx.msk [tilespmem:v3+s11+$0x0], $0xffff;
	v1 =	vor.u32 s1, v26;
	_ =	sdelay $0x4  }
0x395: {  	[tilespmem:v1+s7+$0x0] =	vst.idx.msk $0xffff, v0  }
0x396: {  	v5 =	vor.u32 v35, v48;
	v34 =	vld [tilespmem:$0x1FF40]  }
0x397: {  	s5 =	simm.s32 $0x0;
	v54 =	vld [tilespmem:$0x1FD50]  }
0x398: {  	v3 =	vmov s5  }
0x399: {  	v3 =	vshll.u32 v3, $0x5  }
0x39a: {  	v49 =	vor.u32 v47, v3  }
0x39b: {  	v3 =	vor.u32 v53, v49;
	v0 =	vld.idx.msk [tilespmem:v5+s11+$0x0], $0xffff;
	v1 =	vor.u32 s1, v34  }
0x39c: {  	v5 =	vor.u32 v54, v48;
	_ =	sdelay $0x1  }
0x39d: {  	s5 =	sand.u32 $0x60, s5  }
0x39e: {  	s9 =	sor.u32 s5, s3  }
0x39f: {  	v7 =	vor.u32 s9, v63;
	v3 =	vld.idx.msk [tilespmem:v3+s11+$0x0], $0xffff;
	[tilespmem:v1+s7+$0x0] =	vst.idx.msk $0xffff, v0  }
0x3a0: {  	v9 =	vor.u32 v57, v49;
	v1 =	vor.u32 s1, v33;
	v0 =	vld.idx.msk [tilespmem:v5+s11+$0x0], $0xffff  }
0x3a1: {  	v5 =	vor.u32 v60, v48;
	_ =	sdelay $0x2  }
0x3a2: {  	[tilespmem:v7+s7+$0x0] =	vst.idx.msk $0xffff, v3  }
0x3a3: {  	v3 =	vor.u32 s9, v26;
	v7 =	vld.idx.msk [tilespmem:v9+s11+$0x0], $0xffff;
	[tilespmem:v1+s7+$0x0] =	vst.idx.msk $0xffff, v0  }
0x3a4: {  	v9 =	vor.u32 v35, v49;
	v1 =	vor.u32 s1, v39;
	v0 =	vld.idx.msk [tilespmem:v5+s11+$0x0], $0xffff  }
0x3a5: {  	v5 =	vor.u32 v46, v48;
	_ =	sdelay $0x2  }
0x3a6: {  	[tilespmem:v3+s7+$0x0] =	vst.idx.msk $0xffff, v7  }
0x3a7: {  	v7 =	vor.u32 s9, v34;
	v3 =	vld.idx.msk [tilespmem:v9+s11+$0x0], $0xffff;
	[tilespmem:v1+s7+$0x0] =	vst.idx.msk $0xffff, v0  }
0x3a8: {  	v1 =	vor.u32 s1, v11;
	v0 =	vld.idx.msk [tilespmem:v5+s11+$0x0], $0xffff;
	_ =	sdelay $0x3  }
0x3a9: {  	v9 =	vor.u32 v54, v49;
	[tilespmem:v7+s7+$0x0] =	vst.idx.msk $0xffff, v3  }
0x3aa: {  	v5 =	vor.u32 v17, v48;
	[tilespmem:v1+s7+$0x0] =	vst.idx.msk $0xffff, v0  }
0x3ab: {  	v56 =	vld [tilespmem:$0x1FF50];
	_ =	sdelay $0x2  }
0x3ac: {  	v55 =	vmov v60;
	v7 =	vor.u32 s9, v33;
	v3 =	vld.idx.msk [tilespmem:v9+s11+$0x0], $0xffff  }
0x3ad: {  	v9 =	vor.u32 v55, v49;
	v1 =	vor.u32 s1, v13;
	v0 =	vld.idx.msk [tilespmem:v5+s11+$0x0], $0xffff  }
0x3ae: {  	v5 =	vor.u32 v56, v48;
	_ =	sdelay $0x2  }
0x3af: {  	[tilespmem:v7+s7+$0x0] =	vst.idx.msk $0xffff, v3  }
0x3b0: {  	v7 =	vor.u32 s9, v39;
	v3 =	vld.idx.msk [tilespmem:v9+s11+$0x0], $0xffff;
	[tilespmem:v1+s7+$0x0] =	vst.idx.msk $0xffff, v0  }
0x3b1: {  	v9 =	vor.u32 v46, v49;
	v1 =	vor.u32 s1, v15;
	v0 =	vld.idx.msk [tilespmem:v5+s11+$0x0], $0xffff  }
0x3b2: {  	v5 =	vor.u32 v6, v48;
	_ =	sdelay $0x2  }
0x3b3: {  	[tilespmem:v7+s7+$0x0] =	vst.idx.msk $0xffff, v3  }
0x3b4: {  	v3 =	vld.idx.msk [tilespmem:v9+s11+$0x0], $0xffff;
	[tilespmem:v1+s7+$0x0] =	vst.idx.msk $0xffff, v0  }
0x3b5: {  	v7 =	vor.u32 s9, v11;
	v1 =	vld.idx.msk [tilespmem:v5+s11+$0x0], $0xffff  }
0x3b6: {  	v10 =	vmov v39;
	s15 =	simm.s32 $0x30;
	v9 =	vor.u32 v17, v49;
	v5 =	vor.u32 s1, v29;
	v39 =	vld [tilespmem:$0x1FF60]  }
0x3b7: {  	v60 =	vmov v11;
	v11 =	vmov s15  }
0x3b8: {  	v0 =	vshll.u32 v11, $0x5  }
0x3b9: {  	v42 =	vor.u32 v47, v0  }
0x3ba: {  	[tilespmem:v7+s7+$0x0] =	vst.idx.msk $0xffff, v3;
	v3 =	vor.u32 v53, v42  }
0x3bb: {  	v7 =	vld.idx.msk [tilespmem:v9+s11+$0x0], $0xffff;
	v0 =	vor.u32 v39, v48;
	[tilespmem:v5+s7+$0x0] =	vst.idx.msk $0xffff, v1  }
0x3bc: {  	s18 =	simm.s32 $0x100;
	v9 =	vor.u32 s9, v13;
	v59 =	vld [tilespmem:$0x1FF70]  }
0x3bd: {  	s10 =	simm.s32 $0x20;
	s5 =	sand.u32 $0xC00, s18;
	s3 =	sand.u32 $0x70, s15;
	v11 =	vor.u32 v56, v49  }
0x3be: {  	s8 =	sor.u32 s5, s3;
	v1 =	vmov s10  }
0x3bf: {  	v62 =	vmov v13;
	v13 =	vor.u32 s8, v63;
	v1 =	vshll.u32 v1, $0x5;
	v3 =	vld.idx.msk [tilespmem:v3+s11+$0x0], $0xffff  }
0x3c0: {  	v5 =	vor.u32 s1, v22;
	v43 =	vor.u32 v47, v1;
	v1 =	vor.u32 v57, v42;
	v0 =	vld.idx.msk [tilespmem:v0+s11+$0x0], $0xffff  }
0x3c1: {  	v40 =	vmov v35;
	v35 =	vmov v15;
	[tilespmem:v9+s7+$0x0] =	vst.idx.msk $0xffff, v7;
	v15 =	vor.u32 v59, v48  }
0x3c2: {  	v9 =	vor.u32 s9, v35;
	v7 =	vld.idx.msk [tilespmem:v11+s11+$0x0], $0xffff;
	v11 =	vor.u32 v53, v43;
	_ =	sdelay $0x1  }
0x3c3: {  	[tilespmem:v13+s7+$0x0] =	vst.idx.msk $0xffff, v3  }
0x3c4: {  	s19 =	sand.u32 $0x60, s10;
	v1 =	vld.idx.msk [tilespmem:v1+s11+$0x0], $0xffff;
	[tilespmem:v5+s7+$0x0] =	vst.idx.msk $0xffff, v0;
	v5 =	vor.u32 s8, v26  }
0x3c5: {  	v30 =	vmov v17;
	s18 =	sor.u32 s19, s5;
	v17 =	vor.u32 v6, v49;
	v3 =	vor.u32 s1, v14;
	v0 =	vld.idx.msk [tilespmem:v15+s11+$0x0], $0xffff  }
0x3c6: {  	[tilespmem:v9+s7+$0x0] =	vst.idx.msk $0xffff, v7;
	v7 =	vor.u32 s18, v63;
	v9 =	vld.idx.msk [tilespmem:v11+s11+$0x0], $0xffff;
	_ =	sdelay $0x1  }
0x3c7: {  	v11 =	vor.u32 v40, v42  }
0x3c8: {  	v13 =	vor.u32 v38, v48;
	[tilespmem:v5+s7+$0x0] =	vst.idx.msk $0xffff, v1  }
0x3c9: {  	v19 =	vor.u32 v57, v43;
	v17 =	vld.idx.msk [tilespmem:v17+s11+$0x0], $0xffff;
	[tilespmem:v3+s7+$0x0] =	vst.idx.msk $0xffff, v0  }
0x3ca: {  	v24 =	vmov v33;
	v15 =	vor.u32 s9, v29;
	v33 =	vld [tilespmem:$0x1FF80];
	[tilespmem:v7+s7+$0x0] =	vst.idx.msk $0xffff, v9  }
0x3cb: {  	v36 =	vld [tilespmem:$0x1FF90]  }
0x3cc: {  	v3 =	vld.idx.msk [tilespmem:v11+s11+$0x0], $0xffff  }
0x3cd: {  	v21 =	vor.u32 v39, v49;
	v5 =	vor.u32 s8, v34;
	v0 =	vld.idx.msk [tilespmem:v13+s11+$0x0], $0xffff  }
0x3ce: {  	v9 =	vor.u32 s18, v26;
	v13 =	vor.u32 v54, v42;
	v11 =	vld.idx.msk [tilespmem:v19+s11+$0x0], $0xffff  }
0x3cf: {  	[tilespmem:v15+s7+$0x0] =	vst.idx.msk $0xffff, v17;
	v15 =	vor.u32 v40, v43;
	v1 =	vor.u32 s1, v33  }
0x3d0: {  	v7 =	vor.u32 v36, v48;
	_ =	sdelay $0x1  }
0x3d1: {  	v19 =	vor.u32 s9, v22;
	v17 =	vld.idx.msk [tilespmem:v21+s11+$0x0], $0xffff;
	[tilespmem:v5+s7+$0x0] =	vst.idx.msk $0xffff, v3  }
0x3d2: {  	v21 =	vor.u32 v59, v49;
	v5 =	vor.u32 s8, v24;
	v3 =	vld.idx.msk [tilespmem:v13+s11+$0x0], $0xffff;
	[tilespmem:v9+s7+$0x0] =	vst.idx.msk $0xffff, v11  }
0x3d3: {  	v13 =	vor.u32 v55, v42;
	v11 =	vor.u32 s18, v34;
	v9 =	vld.idx.msk [tilespmem:v15+s11+$0x0], $0xffff;
	[tilespmem:v1+s7+$0x0] =	vst.idx.msk $0xffff, v0  }
0x3d4: {  	v15 =	vor.u32 v54, v43;
	v1 =	vor.u32 s1, v51;
	v0 =	vld.idx.msk [tilespmem:v7+s11+$0x0], $0xffff  }
0x3d5: {  	v7 =	vor.u32 v18, v48  }
0x3d6: {  	[tilespmem:v19+s7+$0x0] =	vst.idx.msk $0xffff, v17  }
0x3d7: {  	v17 =	vld.idx.msk [tilespmem:v21+s11+$0x0], $0xffff;
	[tilespmem:v5+s7+$0x0] =	vst.idx.msk $0xffff, v3  }
0x3d8: {  	v19 =	vor.u32 s9, v14;
	v3 =	vld.idx.msk [tilespmem:v13+s11+$0x0], $0xffff;
	[tilespmem:v11+s7+$0x0] =	vst.idx.msk $0xffff, v9  }
0x3d9: {  	v5 =	vor.u32 s8, v10;
	v9 =	vld.idx.msk [tilespmem:v15+s11+$0x0], $0xffff;
	[tilespmem:v1+s7+$0x0] =	vst.idx.msk $0xffff, v0  }
0x3da: {  	v11 =	vor.u32 s18, v24;
	v0 =	vld.idx.msk [tilespmem:v7+s11+$0x0], $0xffff  }
0x3db: {  	v1 =	vor.u32 s1, v37;
	v58 =	vld [tilespmem:$0x1FFA0];
	_ =	sdelay $0x1  }
0x3dc: {  	v21 =	vor.u32 v38, v49;
	[tilespmem:v19+s7+$0x0] =	vst.idx.msk $0xffff, v17  }
0x3dd: {  	v13 =	vor.u32 v46, v42;
	[tilespmem:v5+s7+$0x0] =	vst.idx.msk $0xffff, v3  }
0x3de: {  	v15 =	vor.u32 v55, v43;
	[tilespmem:v11+s7+$0x0] =	vst.idx.msk $0xffff, v9  }
0x3df: {  	v7 =	vor.u32 v58, v48;
	[tilespmem:v1+s7+$0x0] =	vst.idx.msk $0xffff, v0  }
0x3e0: {  	v8 =	vmov v6;
	v6 =	vld [tilespmem:$0x1FDB0]  }
0x3e1: {  	v19 =	vor.u32 s9, v33;
	v17 =	vld.idx.msk [tilespmem:v21+s11+$0x0], $0xffff  }
0x3e2: {  	v5 =	vor.u32 s8, v60;
	v21 =	vor.u32 v36, v49;
	v3 =	vld.idx.msk [tilespmem:v13+s11+$0x0], $0xffff  }
0x3e3: {  	v11 =	vor.u32 s18, v10;
	v13 =	vor.u32 v30, v42;
	v9 =	vld.idx.msk [tilespmem:v15+s11+$0x0], $0xffff  }
0x3e4: {  	v15 =	vor.u32 v46, v43;
	v1 =	vor.u32 s1, v16;
	v0 =	vld.idx.msk [tilespmem:v7+s11+$0x0], $0xffff  }
0x3e5: {  	v7 =	vor.u32 v6, v48  }
0x3e6: {  	[tilespmem:v19+s7+$0x0] =	vst.idx.msk $0xffff, v17  }
0x3e7: {  	[tilespmem:v5+s7+$0x0] =	vst.idx.msk $0xffff, v3;
	v17 =	vld.idx.msk [tilespmem:v21+s11+$0x0], $0xffff  }
0x3e8: {  	v19 =	vor.u32 s9, v51;
	[tilespmem:v11+s7+$0x0] =	vst.idx.msk $0xffff, v9;
	v5 =	vld.idx.msk [tilespmem:v13+s11+$0x0], $0xffff  }
0x3e9: {  	v3 =	vor.u32 s18, v60;
	v21 =	vor.u32 v18, v49;
	v11 =	vld.idx.msk [tilespmem:v15+s11+$0x0], $0xffff;
	[tilespmem:v1+s7+$0x0] =	vst.idx.msk $0xffff, v0  }
0x3ea: {  	v13 =	vor.u32 v30, v43;
	v1 =	vor.u32 s1, v23;
	v0 =	vld.idx.msk [tilespmem:v7+s11+$0x0], $0xffff  }
0x3eb: {  	v9 =	vor.u32 v32, v48;
	v7 =	vor.u32 s8, v62  }
0x3ec: {  	v15 =	vor.u32 v56, v42  }
0x3ed: {  	[tilespmem:v19+s7+$0x0] =	vst.idx.msk $0xffff, v17  }
0x3ee: {  	v19 =	vld.idx.msk [tilespmem:v21+s11+$0x0], $0xffff;
	[tilespmem:v3+s7+$0x0] =	vst.idx.msk $0xffff, v11  }
0x3ef: {  	s21 =	sor.u32 $0x2000, s1;
	v21 =	vor.u32 s9, v37;
	v13 =	vld.idx.msk [tilespmem:v13+s11+$0x0], $0xffff;
	[tilespmem:v1+s7+$0x0] =	vst.idx.msk $0xffff, v0  }
0x3f0: {  	[tilespmem:v7+s7+$0x0] =	vst.idx.msk $0xffff, v5;
	v5 =	vor.u32 s21, v63;
	v1 =	vld.idx.msk [tilespmem:v9+s11+$0x0], $0xffff  }
0x3f1: {  	s20 =	simm.s32 $0x40;
	v7 =	vor.u32 s8, v35;
	v3 =	vld.idx.msk [tilespmem:v15+s11+$0x0], $0xffff  }
0x3f2: {  	s22 =	simm.s32 $0x50;
	v17 =	vmov s20;
	v50 =	vld [tilespmem:$0x1FFB0];
	v15 =	vor.u32 s18, v62  }
0x3f3: {  	v20 =	vmov v23;
	v17 =	vshll.u32 v17, $0x5;
	v23 =	vmov s22  }
0x3f4: {  	v44 =	vor.u32 v47, v17;
	v17 =	vor.u32 v58, v49;
	v23 =	vshll.u32 v23, $0x5;
	[tilespmem:v21+s7+$0x0] =	vst.idx.msk $0xffff, v19  }
0x3f5: {  	v45 =	vor.u32 v47, v23;
	v23 =	vor.u32 v53, v44;
	[tilespmem:v5+s7+$0x0] =	vst.idx.msk $0xffff, v1  }
0x3f6: {  	v0 =	vor.u32 v53, v45;
	[tilespmem:v7+s7+$0x0] =	vst.idx.msk $0xffff, v3  }
0x3f7: {  	s23 =	simm.s32 $0x200;
	v9 =	vor.u32 v50, v48;
	[tilespmem:v15+s7+$0x0] =	vst.idx.msk $0xffff, v13  }
0x3f8: {  	s24 =	sand.u32 $0xC00, s23;
	s3 =	sand.u32 $0x60, s20;
	v11 =	vor.u32 v8, v42;
	v41 =	vld [tilespmem:$0x1FFC0]  }
0x3f9: {  	s5 =	sand.u32 $0x70, s22;
	s1 =	sor.u32 s3, s24;
	v19 =	vor.u32 v56, v43;
	v21 =	vor.u32 s9, v16;
	v17 =	vld.idx.msk [tilespmem:v17+s11+$0x0], $0xffff  }
0x3fa: {  	v27 =	vor.u32 v6, v49;
	s3 =	sor.u32 s24, s5;
	v61 =	vor.u32 s1, v63;
	v23 =	vld.idx.msk [tilespmem:v23+s11+$0x0], $0xffff  }
0x3fb: {  	v12 =	vmovc v16;
	v31 =	vor.u32 v57, v44;
	v16 =	vmovc v6;
	v6 =	vmov v29;
	v29 =	vor.u32 s3, v63;
	v0 =	vld.idx.msk [tilespmem:v0+s11+$0x0], $0xffff  }
0x3fc: {  	v1 =	vor.u32 v57, v45;
	v5 =	vor.u32 s21, v26;
	v3 =	vld.idx.msk [tilespmem:v9+s11+$0x0], $0xffff  }
0x3fd: {  	v7 =	vld.idx.msk [tilespmem:v11+s11+$0x0], $0xffff;
	v9 =	vor.u32 s8, v6;
	v11 =	vor.u32 v41, v48  }
0x3fe: {  	v15 =	vor.u32 s18, v35;
	v13 =	vld.idx.msk [tilespmem:v19+s11+$0x0], $0xffff;
	v19 =	vor.u32 v39, v42;
	[tilespmem:v21+s7+$0x0] =	vst.idx.msk $0xffff, v17  }
0x3ff: {  	v17 =	vor.u32 v8, v43;
	[tilespmem:v61+s7+$0x0] =	vst.idx.msk $0xffff, v23;
	v23 =	vor.u32 s9, v20;
	v21 =	vld.idx.msk [tilespmem:v27+s11+$0x0], $0xffff  }
0x400: {  	v61 =	vld.idx.msk [tilespmem:v31+s11+$0x0], $0xffff;
	v27 =	vor.u32 v32, v49;
	[tilespmem:v29+s7+$0x0] =	vst.idx.msk $0xffff, v0;
	v0 =	vor.u32 s1, v26  }
0x401: {  	v31 =	vor.u32 v40, v44;
	v29 =	vor.u32 s3, v26;
	v1 =	vld.idx.msk [tilespmem:v1+s11+$0x0], $0xffff;
	[tilespmem:v5+s7+$0x0] =	vst.idx.msk $0xffff, v3  }
0x402: {  	[tilespmem:v9+s7+$0x0] =	vst.idx.msk $0xffff, v7;
	v3 =	vor.u32 v40, v45;
	v7 =	vor.u32 s21, v34;
	v5 =	vld.idx.msk [tilespmem:v11+s11+$0x0], $0xffff  }
0x403: {  	[tilespmem:v15+s7+$0x0] =	vst.idx.msk $0xffff, v13;
	v13 =	vor.u32 v2, v48;
	v9 =	vld.idx.msk [tilespmem:v19+s11+$0x0], $0xffff;
	v11 =	vor.u32 s8, v22  }
0x404: {  	s24 =	sor.u32 $0x2000, s9;
	v15 =	vor.u32 s18, v6;
	v17 =	vld.idx.msk [tilespmem:v17+s11+$0x0], $0xffff;
	[tilespmem:v23+s7+$0x0] =	vst.idx.msk $0xffff, v21;
	v19 =	vor.u32 v59, v42  }
0x405: {  	v23 =	vor.u32 s24, v63;
	v21 =	vld.idx.msk [tilespmem:v27+s11+$0x0], $0xffff;
	[tilespmem:v0+s7+$0x0] =	vst.idx.msk $0xffff, v61;
	v0 =	vor.u32 v39, v43  }
0x406: {  	v25 =	vor.u32 s1, v34;
	v27 =	vor.u32 v50, v49;
	[tilespmem:v29+s7+$0x0] =	vst.idx.msk $0xffff, v1;
	v1 =	vld.idx.msk [tilespmem:v31+s11+$0x0], $0xffff  }
0x407: {  	v29 =	vor.u32 s3, v34;
	v31 =	vor.u32 v54, v44;
	v3 =	vld.idx.msk [tilespmem:v3+s11+$0x0], $0xffff;
	[tilespmem:v7+s7+$0x0] =	vst.idx.msk $0xffff, v5  }
0x408: {  	[tilespmem:v11+s7+$0x0] =	vst.idx.msk $0xffff, v9;
	v5 =	vor.u32 v54, v45;
	v9 =	vor.u32 s21, v24;
	v7 =	vld.idx.msk [tilespmem:v13+s11+$0x0], $0xffff  }
0x409: {  	[tilespmem:v15+s7+$0x0] =	vst.idx.msk $0xffff, v17;
	v15 =	vor.u32 v4, v48;
	v11 =	vld.idx.msk [tilespmem:v19+s11+$0x0], $0xffff;
	v13 =	vor.u32 s8, v14  }
0x40a: {  	v17 =	vor.u32 v38, v42;
	[tilespmem:v23+s7+$0x0] =	vst.idx.msk $0xffff, v21;
	v0 =	vld.idx.msk [tilespmem:v0+s11+$0x0], $0xffff;
	v19 =	vor.u32 s18, v22  }
0x40b: {  	[tilespmem:v25+s7+$0x0] =	vst.idx.msk $0xffff, v1;
	v1 =	vld.idx.msk [tilespmem:v27+s11+$0x0], $0xffff  }
0x40c: {  	v21 =	vor.u32 v59, v43;
	v23 =	vor.u32 s24, v26;
	[tilespmem:v29+s7+$0x0] =	vst.idx.msk $0xffff, v3;
	v3 =	vld.idx.msk [tilespmem:v31+s11+$0x0], $0xffff  }
0x40d: {  	v25 =	vor.u32 s1, v24;
	v5 =	vld.idx.msk [tilespmem:v5+s11+$0x0], $0xffff;
	[tilespmem:v9+s7+$0x0] =	vst.idx.msk $0xffff, v7  }
0x40e: {  	v31 =	vor.u32 s3, v24;
	[tilespmem:v13+s7+$0x0] =	vst.idx.msk $0xffff, v11;
	v7 =	vld.idx.msk [tilespmem:v15+s11+$0x0], $0xffff  }
0x40f: {  	v11 =	vor.u32 s21, v10;
	[tilespmem:v19+s7+$0x0] =	vst.idx.msk $0xffff, v0;
	v13 =	vld.idx.msk [tilespmem:v17+s11+$0x0], $0xffff  }
0x410: {  	v27 =	vor.u32 v41, v49;
	v15 =	vor.u32 s8, v33;
	v52 =	vld [tilespmem:$0x1FC10]  }
0x411: {  	v29 =	vor.u32 v55, v44;
	v19 =	vld.idx.msk [tilespmem:v21+s11+$0x0], $0xffff;
	[tilespmem:v23+s7+$0x0] =	vst.idx.msk $0xffff, v1;
	v1 =	vor.u32 s18, v14  }
0x412: {  	[tilespmem:v25+s7+$0x0] =	vst.idx.msk $0xffff, v3  }
0x413: {  	v9 =	vor.u32 v55, v45;
	[tilespmem:v31+s7+$0x0] =	vst.idx.msk $0xffff, v5  }
0x414: {  	v17 =	vor.u32 v36, v42;
	[tilespmem:v11+s7+$0x0] =	vst.idx.msk $0xffff, v7  }
0x415: {  	v21 =	vor.u32 v38, v43;
	v23 =	vor.u32 s24, v34;
	v3 =	vld.idx.msk [tilespmem:v27+s11+$0x0], $0xffff;
	[tilespmem:v15+s7+$0x0] =	vst.idx.msk $0xffff, v13  }
0x416: {  	v25 =	vld.idx.msk [tilespmem:v29+s11+$0x0], $0xffff;
	v0 =	vor.u32 v52, v48;
	[tilespmem:v1+s7+$0x0] =	vst.idx.msk $0xffff, v19  }
0x417: {  	v28 =	vmov v2;
	v27 =	vor.u32 v2, v49;
	v5 =	vor.u32 s1, v10;
	v2 =	vld [tilespmem:$0x1FC20]  }
0x418: {  	v29 =	vor.u32 v46, v44;
	v9 =	vld.idx.msk [tilespmem:v9+s11+$0x0], $0xffff;
	v7 =	vor.u32 s3, v10  }
0x419: {  	v11 =	vor.u32 v46, v45;
	v15 =	vld.idx.msk [tilespmem:v17+s11+$0x0], $0xffff;
	v17 =	vor.u32 s8, v51  }
0x41a: {  	v19 =	vld.idx.msk [tilespmem:v21+s11+$0x0], $0xffff;
	v21 =	vor.u32 v18, v42;
	[tilespmem:v23+s7+$0x0] =	vst.idx.msk $0xffff, v3;
	v3 =	vor.u32 s18, v33  }
0x41b: {  	v13 =	vor.u32 s21, v60;
	v23 =	vor.u32 v36, v43;
	v0 =	vld.idx.msk [tilespmem:v0+s11+$0x0], $0xffff  }
0x41c: {  	[tilespmem:v5+s7+$0x0] =	vst.idx.msk $0xffff, v25;
	v5 =	vld.idx.msk [tilespmem:v27+s11+$0x0], $0xffff;
	v1 =	vor.u32 v2, v48  }
0x41d: {  	v25 =	vor.u32 s24, v24;
	v27 =	vld.idx.msk [tilespmem:v29+s11+$0x0], $0xffff;
	[tilespmem:v7+s7+$0x0] =	vst.idx.msk $0xffff, v9  }
0x41e: {  	v29 =	vor.u32 s1, v60;
	v11 =	vld.idx.msk [tilespmem:v11+s11+$0x0], $0xffff;
	[tilespmem:v17+s7+$0x0] =	vst.idx.msk $0xffff, v15  }
0x41f: {  	v17 =	vor.u32 s8, v37;
	[tilespmem:v3+s7+$0x0] =	vst.idx.msk $0xffff, v19;
	v3 =	vld.idx.msk [tilespmem:v21+s11+$0x0], $0xffff  }
0x420: {  	v21 =	vld.idx.msk [tilespmem:v23+s11+$0x0], $0xffff;
	[tilespmem:v13+s7+$0x0] =	vst.idx.msk $0xffff, v0;
	v0 =	vor.u32 s3, v60  }
0x421: {  	v15 =	vor.u32 s21, v62;
	v1 =	vld.idx.msk [tilespmem:v1+s11+$0x0], $0xffff  }
0x422: {  	v61 =	vld [tilespmem:$0x1FC80];
	[tilespmem:v25+s7+$0x0] =	vst.idx.msk $0xffff, v5;
	v5 =	vor.u32 s18, v51  }
0x423: {  	[tilespmem:v29+s7+$0x0] =	vst.idx.msk $0xffff, v27  }
0x424: {  	v7 =	vor.u32 v4, v49;
	[tilespmem:v17+s7+$0x0] =	vst.idx.msk $0xffff, v3  }
0x425: {  	v9 =	vor.u32 v30, v44;
	[tilespmem:v0+s7+$0x0] =	vst.idx.msk $0xffff, v11  }
0x426: {  	v13 =	vor.u32 v30, v45;
	[tilespmem:v15+s7+$0x0] =	vst.idx.msk $0xffff, v1  }
0x427: {  	v19 =	vor.u32 v61, v48;
	[tilespmem:v5+s7+$0x0] =	vst.idx.msk $0xffff, v21  }
0x428: {  	v38 =	vmov v30;
	v23 =	vor.u32 v58, v42;
	v30 =	vmov v58;
	v58 =	vld [tilespmem:$0x1FD00]  }
0x429: {  	v25 =	vor.u32 v18, v43;
	v27 =	vor.u32 s24, v10;
	v7 =	vld.idx.msk [tilespmem:v7+s11+$0x0], $0xffff  }
0x42a: {  	v29 =	vor.u32 s1, v62;
	v9 =	vld.idx.msk [tilespmem:v9+s11+$0x0], $0xffff;
	v0 =	vor.u32 v52, v49  }
0x42b: {  	v11 =	vor.u32 v56, v44;
	v13 =	vld.idx.msk [tilespmem:v13+s11+$0x0], $0xffff;
	v1 =	vor.u32 s3, v62  }
0x42c: {  	v17 =	vor.u32 s21, v35;
	v15 =	vor.u32 v56, v45;
	v3 =	vld.idx.msk [tilespmem:v19+s11+$0x0], $0xffff  }
0x42d: {  	v5 =	vld.idx.msk [tilespmem:v23+s11+$0x0], $0xffff;
	v19 =	vor.u32 s8, v12;
	v21 =	vor.u32 v58, v48  }
0x42e: {  	v23 =	vld.idx.msk [tilespmem:v25+s11+$0x0], $0xffff;
	[tilespmem:v27+s7+$0x0] =	vst.idx.msk $0xffff, v7  }
0x42f: {  	v7 =	vor.u32 v16, v42;
	[tilespmem:v29+s7+$0x0] =	vst.idx.msk $0xffff, v9;
	v9 =	vor.u32 s24, v60;
	v0 =	vld.idx.msk [tilespmem:v0+s11+$0x0], $0xffff  }
0x430: {  	v25 =	vor.u32 s1, v35;
	v11 =	vld.idx.msk [tilespmem:v11+s11+$0x0], $0xffff;
	[tilespmem:v1+s7+$0x0] =	vst.idx.msk $0xffff, v13;
	v1 =	vor.u32 v2, v49  }
0x431: {  	s9 =	simm.s32 $0x70;
	v31 =	vor.u32 s18, v37;
	v15 =	vld.idx.msk [tilespmem:v15+s11+$0x0], $0xffff;
	[tilespmem:v17+s7+$0x0] =	vst.idx.msk $0xffff, v3  }
0x432: {  	v27 =	vor.u32 v8, v45;
	v3 =	vor.u32 s3, v35;
	[tilespmem:v19+s7+$0x0] =	vst.idx.msk $0xffff, v5;
	v19 =	vmov s9;
	v5 =	vld.idx.msk [tilespmem:v21+s11+$0x0], $0xffff  }
0x433: {  	v13 =	vor.u32 v8, v44;
	v17 =	vor.u32 s21, v6;
	v55 =	vld [tilespmem:$0x1FCD0];
	v19 =	vshll.u32 v19, $0x5  }
0x434: {  	v29 =	vor.u32 s8, v20;
	v2 =	vmov v46;
	v7 =	vld.idx.msk [tilespmem:v7+s11+$0x0], $0xffff;
	[tilespmem:v9+s7+$0x0] =	vst.idx.msk $0xffff, v0;
	v46 =	vor.u32 v47, v19  }
0x435: {  	v0 =	vor.u32 s24, v62;
	[tilespmem:v25+s7+$0x0] =	vst.idx.msk $0xffff, v11;
	v1 =	vld.idx.msk [tilespmem:v1+s11+$0x0], $0xffff;
	v11 =	vor.u32 v53, v46  }
0x436: {  	[tilespmem:v31+s7+$0x0] =	vst.idx.msk $0xffff, v23  }
0x437: {  	v19 =	vor.u32 v61, v49;
	[tilespmem:v3+s7+$0x0] =	vst.idx.msk $0xffff, v15  }
0x438: {  	s12 =	simm.s32 $0x60;
	v25 =	vor.u32 s1, v6;
	v13 =	vld.idx.msk [tilespmem:v13+s11+$0x0], $0xffff;
	v21 =	vor.u32 v55, v48;
	[tilespmem:v17+s7+$0x0] =	vst.idx.msk $0xffff, v5  }
0x439: {  	s19 =	simm.s32 $0x300;
	v40 =	vmov v32;
	v32 =	vor.u32 v32, v42;
	v9 =	vmov s12;
	v3 =	vld.idx.msk [tilespmem:v27+s11+$0x0], $0xffff;
	[tilespmem:v29+s7+$0x0] =	vst.idx.msk $0xffff, v7  }
0x43a: {  	s20 =	sand.u32 $0xC00, s19;
	s5 =	sand.u32 $0x70, s9;
	v9 =	vshll.u32 v9, $0x5;
	[tilespmem:v0+s7+$0x0] =	vst.idx.msk $0xffff, v1;
	v11 =	vld.idx.msk [tilespmem:v11+s11+$0x0], $0xffff  }
0x43b: {  	s22 =	sor.u32 s20, s5;
	v18 =	vmovc v8;
	v47 =	vor.u32 v47, v9;
	v9 =	vor.u32 v30, v43;
	v15 =	vor.u32 s3, v6;
	v8 =	vld [tilespmem:$0x1FCE0]  }
0x43c: {  	v5 =	vor.u32 v53, v47;
	v1 =	vor.u32 s22, v63;
	v19 =	vld.idx.msk [tilespmem:v19+s11+$0x0], $0xffff  }
0x43d: {  	s15 =	sor.u32 $0x2000, s8;
	v17 =	vor.u32 v39, v45;
	[tilespmem:v25+s7+$0x0] =	vst.idx.msk $0xffff, v13;
	v25 =	vor.u32 s24, v35;
	v7 =	vld.idx.msk [tilespmem:v21+s11+$0x0], $0xffff  }
0x43e: {  	v27 =	vor.u32 s15, v63;
	v13 =	vor.u32 v57, v46;
	v21 =	vld.idx.msk [tilespmem:v32+s11+$0x0], $0xffff  }
0x43f: {  	s23 =	sand.u32 $0x60, s12;
	v23 =	vor.u32 s21, v22;
	v29 =	vor.u32 v50, v42  }
0x440: {  	s23 =	sor.u32 s23, s20;
	v9 =	vld.idx.msk [tilespmem:v9+s11+$0x0], $0xffff;
	[tilespmem:v15+s7+$0x0] =	vst.idx.msk $0xffff, v3;
	v3 =	vor.u32 s18, v12  }
0x441: {  	v5 =	vld.idx.msk [tilespmem:v5+s11+$0x0], $0xffff;
	v15 =	vor.u32 s23, v63;
	v0 =	vor.u32 v8, v48;
	[tilespmem:v1+s7+$0x0] =	vst.idx.msk $0xffff, v11  }
0x442: {  	v17 =	vld.idx.msk [tilespmem:v17+s11+$0x0], $0xffff;
	[tilespmem:v25+s7+$0x0] =	vst.idx.msk $0xffff, v19  }
0x443: {  	v31 =	vor.u32 v58, v49;
	v13 =	vld.idx.msk [tilespmem:v13+s11+$0x0], $0xffff;
	[tilespmem:v27+s7+$0x0] =	vst.idx.msk $0xffff, v21  }
0x444: {  	v32 =	vor.u32 v16, v43;
	v25 =	vor.u32 s22, v26;
	[tilespmem:v23+s7+$0x0] =	vst.idx.msk $0xffff, v7;
	v11 =	vld.idx.msk [tilespmem:v29+s11+$0x0], $0xffff  }
0x445: {  	v7 =	vor.u32 v57, v47;
	v23 =	vor.u32 s3, v22;
	v57 =	vld [tilespmem:$0x1FC30];
	[tilespmem:v3+s7+$0x0] =	vst.idx.msk $0xffff, v9  }
0x446: {  	v1 =	vor.u32 v59, v45;
	v27 =	vor.u32 s15, v26;
	[tilespmem:v15+s7+$0x0] =	vst.idx.msk $0xffff, v5;
	v0 =	vld.idx.msk [tilespmem:v0+s11+$0x0], $0xffff  }
0x447: {  	v21 =	vor.u32 s21, v14;
	v3 =	vor.u32 v41, v42;
	v16 =	vld [tilespmem:$0x1FD40]  }
0x448: {  	v9 =	vld.idx.msk [tilespmem:v31+s11+$0x0], $0xffff;
	v29 =	vor.u32 s24, v6  }
0x449: {  	v15 =	vld.idx.msk [tilespmem:v32+s11+$0x0], $0xffff;
	[tilespmem:v25+s7+$0x0] =	vst.idx.msk $0xffff, v13  }
0x44a: {  	v31 =	vor.u32 v55, v49;
	v7 =	vld.idx.msk [tilespmem:v7+s11+$0x0], $0xffff;
	[tilespmem:v23+s7+$0x0] =	vst.idx.msk $0xffff, v17;
	v17 =	vor.u32 s18, v20  }
0x44b: {  	v19 =	vor.u32 v57, v48;
	v1 =	vld.idx.msk [tilespmem:v1+s11+$0x0], $0xffff;
	[tilespmem:v27+s7+$0x0] =	vst.idx.msk $0xffff, v11  }
0x44c: {  	v23 =	vor.u32 s23, v26;
	v5 =	vor.u32 v16, v46;
	[tilespmem:v21+s7+$0x0] =	vst.idx.msk $0xffff, v0;
	v3 =	vld.idx.msk [tilespmem:v3+s11+$0x0], $0xffff  }
0x44d: {  	v53 =	vor.u32 v18, v46;
	v32 =	vor.u32 v40, v43;
	v21 =	vor.u32 s3, v14;
	v18 =	vld [tilespmem:$0x1FD90];
	[tilespmem:v29+s7+$0x0] =	vst.idx.msk $0xffff, v9  }
0x44e: {  	v25 =	vor.u32 s15, v34;
	v0 =	vor.u32 v16, v47;
	v20 =	vld [tilespmem:$0x1FC60]  }
0x44f: {  	v29 =	vor.u32 s24, v22;
	[tilespmem:v17+s7+$0x0] =	vst.idx.msk $0xffff, v15;
	v17 =	vld.idx.msk [tilespmem:v31+s11+$0x0], $0xffff  }
0x450: {  	v11 =	vld.idx.msk [tilespmem:v19+s11+$0x0], $0xffff;
	v19 =	vor.u32 s21, v33  }
0x451: {  	s31 =	sor.u32 $0x2000, s18;
	v27 =	vor.u32 s22, v34;
	[tilespmem:v23+s7+$0x0] =	vst.idx.msk $0xffff, v7;
	v5 =	vld.idx.msk [tilespmem:v5+s11+$0x0], $0xffff  }
0x452: {  	v23 =	vld.idx.msk [tilespmem:v32+s11+$0x0], $0xffff;
	[tilespmem:v21+s7+$0x0] =	vst.idx.msk $0xffff, v1;
	v1 =	vor.u32 s31, v63  }
0x453: {  	v31 =	vor.u32 s23, v34;
	v0 =	vld.idx.msk [tilespmem:v0+s11+$0x0], $0xffff;
	[tilespmem:v25+s7+$0x0] =	vst.idx.msk $0xffff, v3;
	v13 =	vor.u32 v18, v45  }
0x454: {  	[tilespmem:v29+s7+$0x0] =	vst.idx.msk $0xffff, v17  }
0x455: {  	v9 =	vor.u32 v20, v48;
	[tilespmem:v19+s7+$0x0] =	vst.idx.msk $0xffff, v11  }
0x456: {  	v15 =	vor.u32 v28, v42;
	[tilespmem:v27+s7+$0x0] =	vst.idx.msk $0xffff, v5  }
0x457: {  	v7 =	vor.u32 v39, v44;
	[tilespmem:v1+s7+$0x0] =	vst.idx.msk $0xffff, v23  }
0x458: {  	v21 =	vor.u32 v8, v49;
	[tilespmem:v31+s7+$0x0] =	vst.idx.msk $0xffff, v0;
	v13 =	vld.idx.msk [tilespmem:v13+s11+$0x0], $0xffff  }
0x459: {  	v39 =	vor.u32 v50, v43;
	v50 =	vld [tilespmem:$0x1FC70]  }
0x45a: {  	v11 =	vor.u32 v54, v47;
	v19 =	vor.u32 s3, v33;
	v3 =	vld.idx.msk [tilespmem:v9+s11+$0x0], $0xffff  }
0x45b: {  	v5 =	vor.u32 v54, v46;
	v9 =	vld.idx.msk [tilespmem:v15+s11+$0x0], $0xffff;
	v15 =	vor.u32 s21, v51  }
0x45c: {  	v7 =	vld.idx.msk [tilespmem:v7+s11+$0x0], $0xffff  }
0x45d: {  	v25 =	vor.u32 v36, v45;
	v27 =	vor.u32 s15, v24;
	v21 =	vld.idx.msk [tilespmem:v21+s11+$0x0], $0xffff  }
0x45e: {  	v17 =	vor.u32 s1, v22;
	v1 =	vor.u32 v4, v42;
	v0 =	vld.idx.msk [tilespmem:v39+s11+$0x0], $0xffff  }
0x45f: {  	v23 =	vor.u32 s24, v14;
	v31 =	vor.u32 v59, v44;
	v11 =	vld.idx.msk [tilespmem:v11+s11+$0x0], $0xffff;
	[tilespmem:v19+s7+$0x0] =	vst.idx.msk $0xffff, v13  }
0x460: {  	v5 =	vld.idx.msk [tilespmem:v5+s11+$0x0], $0xffff;
	v29 =	vor.u32 v50, v48;
	v13 =	vor.u32 s31, v26;
	[tilespmem:v15+s7+$0x0] =	vst.idx.msk $0xffff, v3  }
0x461: {  	v30 =	vmov v12;
	v41 =	vor.u32 v41, v43;
	v19 =	vor.u32 s23, v24;
	v12 =	vld [tilespmem:$0x1FD60]  }
0x462: {  	v15 =	vor.u32 s22, v24;
	v25 =	vld.idx.msk [tilespmem:v25+s11+$0x0], $0xffff;
	[tilespmem:v27+s7+$0x0] =	vst.idx.msk $0xffff, v9  }
0x463: {  	[tilespmem:v17+s7+$0x0] =	vst.idx.msk $0xffff, v7;
	v7 =	vor.u32 s3, v51;
	v1 =	vld.idx.msk [tilespmem:v1+s11+$0x0], $0xffff  }
0x464: {  	v27 =	vor.u32 s15, v10;
	[tilespmem:v23+s7+$0x0] =	vst.idx.msk $0xffff, v21;
	v23 =	vld.idx.msk [tilespmem:v31+s11+$0x0], $0xffff  }
0x465: {  	v21 =	vld.idx.msk [tilespmem:v29+s11+$0x0], $0xffff;
	[tilespmem:v13+s7+$0x0] =	vst.idx.msk $0xffff, v0;
	v13 =	vor.u32 s21, v37  }
0x466: {  	[tilespmem:v19+s7+$0x0] =	vst.idx.msk $0xffff, v11;
	v11 =	vor.u32 s1, v14;
	v19 =	vld.idx.msk [tilespmem:v41+s11+$0x0], $0xffff;
	v3 =	vor.u32 v12, v47  }
0x467: {  	v9 =	vor.u32 v57, v49;
	v39 =	vld [tilespmem:$0x1FCA0];
	[tilespmem:v15+s7+$0x0] =	vst.idx.msk $0xffff, v5;
	v15 =	vor.u32 s31, v34  }
0x468: {  	[tilespmem:v7+s7+$0x0] =	vst.idx.msk $0xffff, v25  }
0x469: {  	v0 =	vor.u32 v52, v42;
	[tilespmem:v27+s7+$0x0] =	vst.idx.msk $0xffff, v1  }
0x46a: {  	v17 =	vor.u32 v12, v46;
	[tilespmem:v13+s7+$0x0] =	vst.idx.msk $0xffff, v21  }
0x46b: {  	v31 =	vor.u32 s23, v10;
	v7 =	vor.u32 v28, v43;
	[tilespmem:v11+s7+$0x0] =	vst.idx.msk $0xffff, v23;
	v3 =	vld.idx.msk [tilespmem:v3+s11+$0x0], $0xffff  }
0x46c: {  	v9 =	vld.idx.msk [tilespmem:v9+s11+$0x0], $0xffff;
	[tilespmem:v15+s7+$0x0] =	vst.idx.msk $0xffff, v19  }
0x46d: {  	v5 =	vor.u32 v18, v44;
	v28 =	vld [tilespmem:$0x1FC20]  }
0x46e: {  	v25 =	vor.u32 s24, v33;
	v0 =	vld.idx.msk [tilespmem:v0+s11+$0x0], $0xffff;
	v29 =	vor.u32 v39, v48  }
0x46f: {  	v54 =	vor.u32 v2, v47;
	v27 =	vor.u32 s22, v10;
	v17 =	vld.idx.msk [tilespmem:v17+s11+$0x0], $0xffff  }
0x470: {  	v1 =	vor.u32 v20, v49;
	v11 =	vor.u32 s15, v60;
	v7 =	vld.idx.msk [tilespmem:v7+s11+$0x0], $0xffff;
	[tilespmem:v31+s7+$0x0] =	vst.idx.msk $0xffff, v3  }
0x471: {  	v59 =	vor.u32 s31, v24;
	v13 =	vor.u32 v2, v46;
	v2 =	vld [tilespmem:$0x1FFE0]  }
0x472: {  	v5 =	vld.idx.msk [tilespmem:v5+s11+$0x0], $0xffff;
	v15 =	vor.u32 v28, v42;
	v3 =	vor.u32 s1, v33  }
0x473: {  	v19 =	vor.u32 s21, v30;
	v21 =	vld.idx.msk [tilespmem:v29+s11+$0x0], $0xffff;
	v31 =	vor.u32 v36, v44;
	[tilespmem:v25+s7+$0x0] =	vst.idx.msk $0xffff, v9  }
0x474: {  	v29 =	vld.idx.msk [tilespmem:v54+s11+$0x0], $0xffff;
	v9 =	vor.u32 s23, v60;
	[tilespmem:v27+s7+$0x0] =	vst.idx.msk $0xffff, v17;
	v17 =	vor.u32 v4, v43  }
0x475: {  	[tilespmem:v11+s7+$0x0] =	vst.idx.msk $0xffff, v0;
	v1 =	vld.idx.msk [tilespmem:v1+s11+$0x0], $0xffff  }
0x476: {  	v25 =	vor.u32 s24, v51;
	[tilespmem:v59+s7+$0x0] =	vst.idx.msk $0xffff, v7;
	v13 =	vld.idx.msk [tilespmem:v13+s11+$0x0], $0xffff;
	v23 =	vor.u32 v2, v45  }
0x477: {  	v11 =	vor.u32 s22, v60;
	v15 =	vld.idx.msk [tilespmem:v15+s11+$0x0], $0xffff;
	[tilespmem:v3+s7+$0x0] =	vst.idx.msk $0xffff, v5  }
0x478: {  	v27 =	vor.u32 v38, v47;
	[tilespmem:v19+s7+$0x0] =	vst.idx.msk $0xffff, v21;
	v5 =	vor.u32 s15, v62;
	v21 =	vld.idx.msk [tilespmem:v31+s11+$0x0], $0xffff  }
0x479: {  	v0 =	vor.u32 v50, v49;
	[tilespmem:v9+s7+$0x0] =	vst.idx.msk $0xffff, v29;
	v9 =	vor.u32 s1, v51;
	v17 =	vld.idx.msk [tilespmem:v17+s11+$0x0], $0xffff  }
0x47a: {  	v32 =	vor.u32 s31, v10;
	v19 =	vor.u32 v38, v46;
	v4 =	vld [tilespmem:$0x1FFA0]  }
0x47b: {  	v7 =	vor.u32 v61, v42;
	[tilespmem:v25+s7+$0x0] =	vst.idx.msk $0xffff, v1;
	v3 =	vld.idx.msk [tilespmem:v23+s11+$0x0], $0xffff;
	v23 =	vor.u32 s3, v37  }
0x47c: {  	[tilespmem:v11+s7+$0x0] =	vst.idx.msk $0xffff, v13  }
0x47d: {  	v31 =	vor.u32 v2, v44;
	v27 =	vld.idx.msk [tilespmem:v27+s11+$0x0], $0xffff;
	v1 =	vor.u32 s23, v62;
	[tilespmem:v5+s7+$0x0] =	vst.idx.msk $0xffff, v15  }
0x47e: {  	v13 =	vor.u32 s24, v37;
	v0 =	vld.idx.msk [tilespmem:v0+s11+$0x0], $0xffff;
	[tilespmem:v9+s7+$0x0] =	vst.idx.msk $0xffff, v21  }
0x47f: {  	v50 =	vor.u32 s22, v62;
	v19 =	vld.idx.msk [tilespmem:v19+s11+$0x0], $0xffff;
	[tilespmem:v32+s7+$0x0] =	vst.idx.msk $0xffff, v17;
	v29 =	vor.u32 v4, v45  }
0x480: {  	v7 =	vld.idx.msk [tilespmem:v7+s11+$0x0], $0xffff;
	[tilespmem:v23+s7+$0x0] =	vst.idx.msk $0xffff, v3  }
0x481: {  	v59 =	vmovc v57;
	v57 =	vmov v58;
	v58 =	vmov v55;
	v55 =	vor.u32 v56, v46;
	v2 =	vld [tilespmem:$0x1FCF0]  }
0x482: {  	v25 =	vld.idx.msk [tilespmem:v31+s11+$0x0], $0xffff;
	[tilespmem:v1+s7+$0x0] =	vst.idx.msk $0xffff, v27  }
0x483: {  	v1 =	vld [tilespmem:$0x1FDB0];
	[tilespmem:v13+s7+$0x0] =	vst.idx.msk $0xffff, v0  }
0x484: {  	v11 =	vor.u32 v52, v43;
	v21 =	vld.idx.msk [tilespmem:v29+s11+$0x0], $0xffff;
	[tilespmem:v50+s7+$0x0] =	vst.idx.msk $0xffff, v19  }
0x485: {  	v36 =	vor.u32 v56, v47;
	v0 =	vld [tilespmem:$0x1FD80]  }
0x486: {  	v41 =	vor.u32 v39, v49;
	v56 =	vor.u32 s15, v35;
	v3 =	vor.u32 v2, v49;
	v49 =	vld.idx.msk [tilespmem:v55+s11+$0x0], $0xffff  }
0x487: {  	s19 =	sor.u32 $0x2000, s22;
	s18 =	sor.u32 $0x2000, s3;
	v40 =	vmovc v16;
	v54 =	vor.u32 s15, v6;
	v32 =	vor.u32 v57, v42;
	v31 =	vor.u32 s3, v30;
	v55 =	vld [tilespmem:$0x1FFD0]  }
0x488: {  	v16 =	vmovc v51;
	v38 =	vmovc v40;
	v40 =	vor.u32 s23, v35;
	v51 =	vor.u32 s19, v6;
	v52 =	vor.u32 s18, v6  }
0x489: {  	v15 =	vor.u32 s24, v30;
	v5 =	vld.idx.msk [tilespmem:v11+s11+$0x0], $0xffff;
	v29 =	vor.u32 s1, v37;
	v27 =	vor.u32 v1, v45  }
0x48a: {  	v39 =	vmovc v12;
	v11 =	vor.u32 v61, v43;
	v23 =	vor.u32 s31, v60;
	v36 =	vld.idx.msk [tilespmem:v36+s11+$0x0], $0xffff;
	v19 =	vor.u32 v28, v43  }
0x48b: {  	s30 =	simm.s32 $0x6;
	s20 =	sor.u32 $0x2000, s1;
	v13 =	vor.u32 s31, v62;
	v17 =	vld.idx.msk [tilespmem:v41+s11+$0x0], $0xffff;
	v41 =	vor.u32 s22, v35;
	v9 =	vor.u32 v2, v48;
	[tilespmem:v56+s7+$0x0] =	vst.idx.msk $0xffff, v7  }
0x48c: {  	s8 =	simm.s32 $0x90;
	[tilespmem:v31+s7+$0x0] =	vst.idx.msk $0xffff, v21;
	v21 =	vld.idx.msk [tilespmem:v32+s11+$0x0], $0xffff;
	v48 =	vor.u32 v0, v47;
	v0 =	vor.u32 s24, v55;
	v7 =	vor.u32 s21, v55;
	s21 =	sor.u32 $0x2000, s23;
	s24 =	simm.s32 $0x400  }
.LBB2_12:
0x48d: {  	_ = 	snop  }
0x48e: {  	[tilespmem:v29+s7+$0x0] =	vst.idx.msk $0xffff, v25;
	v25 =	vld.idx.msk [tilespmem:v27+s11+$0x0], $0xffff  }
0x48f: {  	v28 =	vld [tilespmem:$0x1FFF0]  }
0x490: {  	v61 =	vld [tilespmem:$0x1FD20]  }
0x491: {  	v50 =	vor.u32 s3, v55;
	v9 =	vld.idx.msk [tilespmem:v9+s11+$0x0], $0xffff;
	[tilespmem:v41+s7+$0x0] =	vst.idx.msk $0xffff, v49  }
0x492: {  	v12 =	vld [tilespmem:$0x1FD80];
	[tilespmem:v23+s7+$0x0] =	vst.idx.msk $0xffff, v5  }
0x493: {  	s5 =	sadd.s32 $0xFFFFFFF0, s8;
	v2 =	vmov s8;
	[tilespmem:v40+s7+$0x0] =	vst.idx.msk $0xffff, v36;
	v40 =	vld.idx.msk [tilespmem:v53+s11+$0x0], $0xffff  }
0x494: {  	v31 =	vmov s5;
	v32 =	vshll.u32 v2, $0x5;
	v19 =	vld.idx.msk [tilespmem:v19+s11+$0x0], $0xffff  }
0x495: {  	v23 =	vshll.u32 v31, $0x5;
	[tilespmem:v54+s7+$0x0] =	vst.idx.msk $0xffff, v21;
	v5 =	vor.u32 v61, v32;
	v32 =	vld.idx.msk [tilespmem:v48+s11+$0x0], $0xffff  }
0x496: {  	v29 =	vor.u32 v58, v42;
	v1 =	vmovc v47;
	v56 =	vlaneseq.u32;
	v47 =	vor.u32 v61, v23;
	[tilespmem:v50+s7+$0x0] =	vst.idx.msk $0xffff, v25;
	v50 =	vld [tilespmem:$0x1FF60]  }
0x497: {  	[tilespmem:v15+s7+$0x0] =	vst.idx.msk $0xffff, v17;
	v23 =	vor.u32 v56, v5;
	v15 =	vor.u32 v56, v47;
	v56 =	vld [tilespmem:$0x1FFA0]  }
0x498: {  	v49 =	vld [tilespmem:$0x1FD30];
	v27 =	vor.u32 v28, v45  }
0x499: {  	s3 =	smov.u32 s22;
	v4 =	vld [tilespmem:$0x1FDB0];
	v31 =	vor.u32 s23, v6;
	v17 =	vor.u32 v12, v5  }
0x49a: {  	v2 =	vld [tilespmem:$0x1FFB0];
	v53 =	vmov v17;
	v17 =	vor.u32 s3, v6  }
0x49b: {  	v25 =	vld.idx.msk [tilespmem:v29+s11+$0x0], $0xffff;
	v29 =	vor.u32 v50, v46  }
0x49c: {  	v3 =	vld.idx.msk [tilespmem:v3+s11+$0x0], $0xffff;
	[tilespmem:v13+s7+$0x0] =	vst.idx.msk $0xffff, v19;
	v61 =	vor.u32 v56, v44  }
0x49d: {  	s9 =	sand.u32 $0xC00, s24;
	s10 =	sand.u32 $0x70, s8;
	v27 =	vld.idx.msk [tilespmem:v27+s11+$0x0], $0xffff;
	[tilespmem:v7+s7+$0x0] =	vst.idx.msk $0xffff, v9  }
0x49e: {  	s5 =	sand.u32 $0x60, s5;
	s10 =	sor.u32 s9, s10;
	v48 =	vor.u32 s15, v22;
	[tilespmem:v31+s7+$0x0] =	vst.idx.msk $0xffff, v32;
	v7 =	vld.idx.msk [tilespmem:v23+s11+$0x0], $0xffff  }
0x49f: {  	s5 =	sor.u32 s5, s9;
	s9 =	sor.u32 $0x2000, s10;
	s22 =	smov.u32 s10;
	v9 =	vor.u32 s18, v63;
	v11 =	vld.idx.msk [tilespmem:v11+s11+$0x0], $0xffff;
	[tilespmem:v17+s7+$0x0] =	vst.idx.msk $0xffff, v40  }
0x4a0: {  	v36 =	vor.u32 s9, v6;
	v13 =	vor.u32 v8, v42;
	v19 =	vor.u32 s22, v63;
	v17 =	vld.idx.msk [tilespmem:v29+s11+$0x0], $0xffff  }
0x4a1: {  	v54 =	vmovc v52;
	v52 =	vmov v51;
	v51 =	vmov v36;
	v23 =	vor.u32 v2, v45;
	v36 =	vld.idx.msk [tilespmem:v61+s11+$0x0], $0xffff  }
0x4a2: {  	v32 =	vor.u32 v49, v5;
	v61 =	vor.u32 s31, v35;
	[tilespmem:v0+s7+$0x0] =	vst.idx.msk $0xffff, v3;
	v3 =	vor.u32 v49, v47;
	v49 =	vld [tilespmem:$0x1FF70]  }
0x4a3: {  	[tilespmem:v48+s7+$0x0] =	vst.idx.msk $0xffff, v25;
	v0 =	vld.idx.msk [tilespmem:v15+s11+$0x0], $0xffff;
	v15 =	vor.u32 s1, v30  }
0x4a4: {  	v21 =	vor.u32 v57, v43;
	v31 =	vor.u32 s5, v63;
	[tilespmem:v9+s7+$0x0] =	vst.idx.msk $0xffff, v27  }
0x4a5: {  	v29 =	vor.u32 v4, v44;
	v25 =	vor.u32 s3, v22;
	v13 =	vld.idx.msk [tilespmem:v13+s11+$0x0], $0xffff;
	[tilespmem:v19+s7+$0x0] =	vst.idx.msk $0xffff, v7  }
0x4a6: {  	v19 =	vld.idx.msk [tilespmem:v23+s11+$0x0], $0xffff  }
0x4a7: {  	v23 =	vor.u32 s15, v14;
	v7 =	vor.u32 v49, v46;
	[tilespmem:v61+s7+$0x0] =	vst.idx.msk $0xffff, v11;
	v61 =	vld [tilespmem:$0x1FFC0]  }
0x4a8: {  	v27 =	vld.idx.msk [tilespmem:v32+s11+$0x0], $0xffff;
	v32 =	vor.u32 s18, v26;
	[tilespmem:v15+s7+$0x0] =	vst.idx.msk $0xffff, v36  }
0x4a9: {  	v36 =	vor.u32 s31, v6;
	v21 =	vld.idx.msk [tilespmem:v21+s11+$0x0], $0xffff;
	[tilespmem:v31+s7+$0x0] =	vst.idx.msk $0xffff, v0  }
0x4aa: {  	[tilespmem:v25+s7+$0x0] =	vst.idx.msk $0xffff, v17;
	v17 =	vor.u32 s1, v55;
	v11 =	vor.u32 v59, v42;
	v29 =	vld.idx.msk [tilespmem:v29+s11+$0x0], $0xffff  }
0x4ab: {  	v40 =	vor.u32 s22, v26;
	v9 =	vor.u32 v58, v43;
	v3 =	vld.idx.msk [tilespmem:v3+s11+$0x0], $0xffff  }
0x4ac: {  	v0 =	vor.u32 s5, v26;
	v15 =	vor.u32 v61, v45;
	v7 =	vld.idx.msk [tilespmem:v7+s11+$0x0], $0xffff;
	[tilespmem:v23+s7+$0x0] =	vst.idx.msk $0xffff, v13  }
0x4ad: {  	v25 =	vor.u32 v28, v44;
	v55 =	vld [tilespmem:$0x1FC00];
	[tilespmem:v32+s7+$0x0] =	vst.idx.msk $0xffff, v19  }
0x4ae: {  	v48 =	vor.u32 v38, v47;
	v28 =	vld [tilespmem:$0x1FC70];
	[tilespmem:v36+s7+$0x0] =	vst.idx.msk $0xffff, v21  }
0x4af: {  	v11 =	vld.idx.msk [tilespmem:v11+s11+$0x0], $0xffff;
	[tilespmem:v17+s7+$0x0] =	vst.idx.msk $0xffff, v29  }
0x4b0: {  	v31 =	vor.u32 v38, v5;
	v13 =	vor.u32 s3, v14;
	[tilespmem:v40+s7+$0x0] =	vst.idx.msk $0xffff, v27;
	v9 =	vld.idx.msk [tilespmem:v9+s11+$0x0], $0xffff  }
0x4b1: {  	v23 =	vor.u32 v18, v46;
	v27 =	vor.u32 s15, v33;
	[tilespmem:v0+s7+$0x0] =	vst.idx.msk $0xffff, v3;
	v15 =	vld.idx.msk [tilespmem:v15+s11+$0x0], $0xffff  }
0x4b2: {  	v32 =	vor.u32 s18, v34;
	v0 =	vor.u32 v50, v1;
	v3 =	vld.idx.msk [tilespmem:v25+s11+$0x0], $0xffff  }
0x4b3: {  	v21 =	vor.u32 v20, v42;
	v29 =	vld.idx.msk [tilespmem:v48+s11+$0x0], $0xffff  }
0x4b4: {  	v25 =	vor.u32 s31, v22;
	v48 =	vld [tilespmem:$0x1FD50]  }
0x4b5: {  	s10 =	smov.u32 s20;
	v36 =	vor.u32 s22, v34;
	v31 =	vld.idx.msk [tilespmem:v31+s11+$0x0], $0xffff;
	[tilespmem:v13+s7+$0x0] =	vst.idx.msk $0xffff, v7  }
0x4b6: {  	s1 =	smov.u32 s23;
	s23 =	smov.u32 s5;
	v17 =	vor.u32 v55, v45;
	v7 =	vor.u32 s10, v63;
	v23 =	vld.idx.msk [tilespmem:v23+s11+$0x0], $0xffff;
	[tilespmem:v27+s7+$0x0] =	vst.idx.msk $0xffff, v11  }
0x4b7: {  	v40 =	vor.u32 s23, v34;
	v13 =	vor.u32 v8, v43;
	v0 =	vld.idx.msk [tilespmem:v0+s11+$0x0], $0xffff;
	[tilespmem:v32+s7+$0x0] =	vst.idx.msk $0xffff, v15  }
0x4b8: {  	v41 =	vor.u32 v2, v44;
	v27 =	vor.u32 s3, v33;
	v15 =	vld.idx.msk [tilespmem:v21+s11+$0x0], $0xffff  }
0x4b9: {  	v11 =	vor.u32 v48, v47;
	[tilespmem:v25+s7+$0x0] =	vst.idx.msk $0xffff, v9;
	v21 =	vor.u32 v48, v5;
	v48 =	vld [tilespmem:$0x1FF90]  }
0x4ba: {  	v50 =	vld [tilespmem:$0x1FBE0];
	v9 =	vor.u32 s1, v22;
	[tilespmem:v36+s7+$0x0] =	vst.idx.msk $0xffff, v31  }
0x4bb: {  	v31 =	vor.u32 s15, v16;
	[tilespmem:v7+s7+$0x0] =	vst.idx.msk $0xffff, v3;
	v17 =	vld.idx.msk [tilespmem:v17+s11+$0x0], $0xffff  }
0x4bc: {  	v25 =	vor.u32 s31, v14;
	v7 =	vld.idx.msk [tilespmem:v13+s11+$0x0], $0xffff;
	[tilespmem:v40+s7+$0x0] =	vst.idx.msk $0xffff, v29  }
0x4bd: {  	v40 =	vor.u32 v49, v1;
	[tilespmem:v27+s7+$0x0] =	vst.idx.msk $0xffff, v23;
	v23 =	vor.u32 s10, v26;
	v13 =	vld.idx.msk [tilespmem:v41+s11+$0x0], $0xffff  }
0x4be: {  	v27 =	vor.u32 s23, v24;
	v11 =	vld.idx.msk [tilespmem:v11+s11+$0x0], $0xffff;
	v32 =	vor.u32 v48, v46  }
0x4bf: {  	v2 =	vld [tilespmem:$0x1FF10];
	v49 =	vor.u32 v61, v44;
	[tilespmem:v9+s7+$0x0] =	vst.idx.msk $0xffff, v0  }
0x4c0: {  	v21 =	vld.idx.msk [tilespmem:v21+s11+$0x0], $0xffff;
	[tilespmem:v31+s7+$0x0] =	vst.idx.msk $0xffff, v15  }
0x4c1: {  	v36 =	vor.u32 s18, v24;
	v61 =	vld [tilespmem:$0x1FC10];
	v15 =	vor.u32 v39, v47;
	[tilespmem:v25+s7+$0x0] =	vst.idx.msk $0xffff, v7  }
0x4c2: {  	v3 =	vor.u32 v50, v45;
	v25 =	vld.idx.msk [tilespmem:v40+s11+$0x0], $0xffff;
	[tilespmem:v23+s7+$0x0] =	vst.idx.msk $0xffff, v13  }
0x4c3: {  	v29 =	vor.u32 v28, v42;
	v31 =	vor.u32 s22, v24;
	[tilespmem:v27+s7+$0x0] =	vst.idx.msk $0xffff, v11;
	v32 =	vld.idx.msk [tilespmem:v32+s11+$0x0], $0xffff  }
0x4c4: {  	v19 =	vor.u32 v59, v43;
	v27 =	vld.idx.msk [tilespmem:v49+s11+$0x0], $0xffff  }
0x4c5: {  	v0 =	vor.u32 s3, v16;
	v49 =	vld [tilespmem:$0x1FCA0]  }
0x4c6: {  	v11 =	vor.u32 s1, v14;
	[tilespmem:v36+s7+$0x0] =	vst.idx.msk $0xffff, v17;
	v17 =	vor.u32 v39, v5;
	v15 =	vld.idx.msk [tilespmem:v15+s11+$0x0], $0xffff  }
0x4c7: {  	v36 =	vor.u32 s18, v10;
	v3 =	vld.idx.msk [tilespmem:v3+s11+$0x0], $0xffff  }
0x4c8: {  	v7 =	vld.idx.msk [tilespmem:v29+s11+$0x0], $0xffff;
	[tilespmem:v31+s7+$0x0] =	vst.idx.msk $0xffff, v21;
	v21 =	vor.u32 v18, v1  }
0x4c9: {  	v13 =	vor.u32 v61, v45;
	v19 =	vld.idx.msk [tilespmem:v19+s11+$0x0], $0xffff;
	v31 =	vor.u32 s10, v34  }
0x4ca: {  	v23 =	vor.u32 s15, v37;
	[tilespmem:v0+s7+$0x0] =	vst.idx.msk $0xffff, v32;
	v0 =	vor.u32 v55, v44;
	v55 =	vld [tilespmem:$0x1FFE0]  }
0x4cb: {  	v41 =	vor.u32 s23, v10;
	[tilespmem:v11+s7+$0x0] =	vst.idx.msk $0xffff, v25;
	v40 =	vor.u32 v49, v42;
	v17 =	vld.idx.msk [tilespmem:v17+s11+$0x0], $0xffff  }
0x4cc: {  	[tilespmem:v36+s7+$0x0] =	vst.idx.msk $0xffff, v3;
	v36 =	vor.u32 v28, v43;
	v28 =	vld [tilespmem:$0x1FC20]  }
0x4cd: {  	v32 =	vor.u32 v2, v47;
	v21 =	vld.idx.msk [tilespmem:v21+s11+$0x0], $0xffff  }
0x4ce: {  	v29 =	vor.u32 s31, v33;
	[tilespmem:v31+s7+$0x0] =	vst.idx.msk $0xffff, v27;
	v13 =	vld.idx.msk [tilespmem:v13+s11+$0x0], $0xffff  }
0x4cf: {  	v9 =	vor.u32 v20, v43;
	v3 =	vor.u32 s22, v10;
	[tilespmem:v23+s7+$0x0] =	vst.idx.msk $0xffff, v7;
	v7 =	vor.u32 v2, v5;
	v2 =	vld [tilespmem:$0x1FD70]  }
0x4d0: {  	v11 =	vor.u32 s18, v60;
	[tilespmem:v41+s7+$0x0] =	vst.idx.msk $0xffff, v15;
	v23 =	vld.idx.msk [tilespmem:v40+s11+$0x0], $0xffff  }
0x4d1: {  	v15 =	vor.u32 s1, v33;
	v0 =	vld.idx.msk [tilespmem:v0+s11+$0x0], $0xffff;
	v25 =	vor.u32 v28, v45  }
0x4d2: {  	v27 =	vor.u32 s15, v30;
	v32 =	vld.idx.msk [tilespmem:v32+s11+$0x0], $0xffff  }
0x4d3: {  	v41 =	vor.u32 v48, v1;
	v48 =	vor.u32 s10, v24;
	[tilespmem:v29+s7+$0x0] =	vst.idx.msk $0xffff, v19;
	v29 =	vor.u32 v56, v46;
	v56 =	vld [tilespmem:$0x1FF50]  }
0x4d4: {  	v31 =	vor.u32 v55, v46;
	v19 =	vor.u32 s23, v60;
	[tilespmem:v3+s7+$0x0] =	vst.idx.msk $0xffff, v17;
	v9 =	vld.idx.msk [tilespmem:v9+s11+$0x0], $0xffff  }
0x4d5: {  	v7 =	vld.idx.msk [tilespmem:v7+s11+$0x0], $0xffff;
	[tilespmem:v11+s7+$0x0] =	vst.idx.msk $0xffff, v13;
	v11 =	vor.u32 s22, v60  }
0x4d6: {  	v3 =	vor.u32 v50, v44;
	[tilespmem:v15+s7+$0x0] =	vst.idx.msk $0xffff, v21;
	v13 =	vld.idx.msk [tilespmem:v25+s11+$0x0], $0xffff  }
0x4d7: {  	v40 =	vor.u32 s31, v16;
	v17 =	vor.u32 v2, v47;
	[tilespmem:v27+s7+$0x0] =	vst.idx.msk $0xffff, v23;
	v23 =	vor.u32 v2, v5;
	v2 =	vld [tilespmem:$0x1FC80]  }
0x4d8: {  	v21 =	vor.u32 s18, v62;
	v25 =	vld.idx.msk [tilespmem:v41+s11+$0x0], $0xffff;
	[tilespmem:v48+s7+$0x0] =	vst.idx.msk $0xffff, v0  }
0x4d9: {  	v27 =	vor.u32 s3, v37;
	v15 =	vld.idx.msk [tilespmem:v31+s11+$0x0], $0xffff;
	[tilespmem:v19+s7+$0x0] =	vst.idx.msk $0xffff, v32  }
0x4da: {  	v19 =	vor.u32 s1, v16;
	[tilespmem:v11+s7+$0x0] =	vst.idx.msk $0xffff, v7;
	v7 =	vor.u32 v61, v44;
	v61 =	vld [tilespmem:$0x1FCF0]  }
0x4db: {  	v41 =	vor.u32 s10, v10;
	v32 =	vor.u32 v55, v1;
	v3 =	vld.idx.msk [tilespmem:v3+s11+$0x0], $0xffff  }
0x4dc: {  	v17 =	vld.idx.msk [tilespmem:v17+s11+$0x0], $0xffff;
	[tilespmem:v40+s7+$0x0] =	vst.idx.msk $0xffff, v9;
	v40 =	vor.u32 s23, v62;
	v0 =	vor.u32 v2, v45  }
0x4dd: {  	v48 =	vld.idx.msk [tilespmem:v23+s11+$0x0], $0xffff;
	[tilespmem:v21+s7+$0x0] =	vst.idx.msk $0xffff, v13  }
0x4de: {  	v31 =	vor.u32 s31, v37;
	v11 =	vld.idx.msk [tilespmem:v36+s11+$0x0], $0xffff;
	v36 =	vor.u32 v56, v47;
	[tilespmem:v27+s7+$0x0] =	vst.idx.msk $0xffff, v15  }
0x4df: {  	v49 =	vor.u32 v49, v43;
	v13 =	vor.u32 s22, v62;
	[tilespmem:v19+s7+$0x0] =	vst.idx.msk $0xffff, v25;
	v50 =	vld.idx.msk [tilespmem:v29+s11+$0x0], $0xffff  }
0x4e0: {  	v21 =	vor.u32 v56, v5;
	v25 =	vld.idx.msk [tilespmem:v32+s11+$0x0], $0xffff;
	[tilespmem:v41+s7+$0x0] =	vst.idx.msk $0xffff, v3  }
0x4e1: {  	v55 =	vor.u32 s18, v35;
	[tilespmem:v40+s7+$0x0] =	vst.idx.msk $0xffff, v17;
	v0 =	vld.idx.msk [tilespmem:v0+s11+$0x0], $0xffff  }
0x4e2: {  	v9 =	vor.u32 v61, v42;
	v42 =	vmovc v45;
	v45 =	vmov v46;
	v46 =	vmov v5;
	v5 =	vld.idx.msk [tilespmem:v7+s11+$0x0], $0xffff  }
0x4e3: {  	v36 =	vld.idx.msk [tilespmem:v36+s11+$0x0], $0xffff;
	[tilespmem:v31+s7+$0x0] =	vst.idx.msk $0xffff, v11  }
0x4e4: {  	[tilespmem:v13+s7+$0x0] =	vst.idx.msk $0xffff, v48;
	v17 =	vld.idx.msk [tilespmem:v49+s11+$0x0], $0xffff  }
0x4e5: {  	v49 =	vld.idx.msk [tilespmem:v21+s11+$0x0], $0xffff  }
0x4e6: {  	s30 =	sadd.s32 $0x2, s30;
	v32 =	vor.u32 s3, v30;
	[tilespmem:v55+s7+$0x0] =	vst.idx.msk $0xffff, v0;
	v55 =	vld [tilespmem:$0x1FFD0]  }
0x4e7: {  	p0 =	slt.u32 s30, $0x1E;
	v56 =	vor.u32 v57, v42  }
.Ltmp6:
0x4e8: {  	v23 =	vor.u32 s10, v60;
	(pc) =	sbr.rel @p0 .LBB2_12-.Ltmp6, $4  }
0x4e9: {  	v15 =	vor.u32 s31, v30;
	v29 =	vor.u32 s1, v37;
	v27 =	vor.u32 v4, v45  }
0x4ea: {  	s24 =	sadd.s32 $0x100, s24;
	s8 =	sadd.s32 $0x20, s8;
	s12 =	sor.u32 $0x2000, s5;
	v3 =	vor.u32 v61, v43;
	v43 =	vmovc v44;
	v41 =	vor.u32 s22, v35;
	v40 =	vor.u32 s23, v35  }
0x4eb: {  	s20 =	smov.u32 s21;
	s21 =	smov.u32 s12;
	v19 =	vor.u32 v28, v43;
	v11 =	vor.u32 v2, v43;
	[tilespmem:v32+s7+$0x0] =	vst.idx.msk $0xffff, v50;
	v7 =	vor.u32 s15, v55;
	s15 =	smov.u32 s18  }
0x4ec: {  	v44 =	vmovc v1;
	v48 =	vor.u32 v12, v47;
	v13 =	vor.u32 s10, v62;
	v21 =	vld.idx.msk [tilespmem:v56+s11+$0x0], $0xffff;
	v0 =	vor.u32 s31, v55;
	s18 =	smov.u32 s19;
	s19 =	smov.u32 s9;
	s31 =	smov.u32 s10  }
0x4ed: {  	_ =	sdelay $0x3  }
0x4ee: {  	[tilespmem:v41+s7+$0x0] =	vst.idx.msk $0xffff, v49  }
0x4ef: {  	[tilespmem:v40+s7+$0x0] =	vst.idx.msk $0xffff, v36  }
0x4f0: {  	v39 =	vld [tilespmem:$0x1FF60];
	_ =	sdelay $0x3  }
0x4f1: {  	v31 =	vor.u32 s22, v6;
	v1 =	vld.idx.msk [tilespmem:v53+s11+$0x0], $0xffff  }
0x4f2: {  	v32 =	vor.u32 s23, v6;
	v36 =	vld.idx.msk [tilespmem:v48+s11+$0x0], $0xffff;
	v53 =	vor.u32 v39, v46;
	_ =	sdelay $0x3  }
0x4f3: {  	[tilespmem:v31+s7+$0x0] =	vst.idx.msk $0xffff, v1  }
0x4f4: {  	[tilespmem:v32+s7+$0x0] =	vst.idx.msk $0xffff, v36;
	v1 =	vld.idx.msk [tilespmem:v53+s11+$0x0], $0xffff  }
0x4f5: {  	v56 =	vor.u32 v39, v47;
	v53 =	vld [tilespmem:$0x1FF70];
	_ =	sdelay $0x3  }
0x4f6: {  	v31 =	vor.u32 s22, v22  }
0x4f7: {  	v38 =	vor.u32 s23, v22;
	v36 =	vld.idx.msk [tilespmem:v56+s11+$0x0], $0xffff;
	v61 =	vor.u32 v53, v46  }
0x4f8: {  	v48 =	vor.u32 v53, v47;
	_ =	sdelay $0x2  }
0x4f9: {  	[tilespmem:v31+s7+$0x0] =	vst.idx.msk $0xffff, v1  }
0x4fa: {  	v31 =	vor.u32 s22, v14;
	[tilespmem:v38+s7+$0x0] =	vst.idx.msk $0xffff, v36;
	v1 =	vld.idx.msk [tilespmem:v61+s11+$0x0], $0xffff  }
0x4fb: {  	v49 =	vor.u32 v18, v46;
	v50 =	vor.u32 s23, v14;
	v36 =	vld.idx.msk [tilespmem:v48+s11+$0x0], $0xffff;
	_ =	sdelay $0x1  }
0x4fc: {  	v56 =	vor.u32 v18, v47;
	_ =	sdelay $0x1  }
0x4fd: {  	[tilespmem:v31+s7+$0x0] =	vst.idx.msk $0xffff, v1  }
0x4fe: {  	[tilespmem:v50+s7+$0x0] =	vst.idx.msk $0xffff, v36;
	v1 =	vld.idx.msk [tilespmem:v49+s11+$0x0], $0xffff  }
0x4ff: {  	v31 =	vor.u32 s22, v33;
	v18 =	vld [tilespmem:$0x1FF90]  }
0x500: {  	v38 =	vor.u32 s23, v33;
	v36 =	vld.idx.msk [tilespmem:v56+s11+$0x0], $0xffff;
	_ =	sdelay $0x3  }
0x501: {  	v61 =	vor.u32 v18, v46;
	[tilespmem:v31+s7+$0x0] =	vst.idx.msk $0xffff, v1  }
0x502: {  	[tilespmem:v38+s7+$0x0] =	vst.idx.msk $0xffff, v36  }
0x503: {  	v12 =	vld [tilespmem:$0x1FFE0];
	_ =	sdelay $0x2  }
0x504: {  	v48 =	vor.u32 v18, v47;
	v31 =	vor.u32 s22, v16;
	v1 =	vld.idx.msk [tilespmem:v61+s11+$0x0], $0xffff;
	_ =	sdelay $0x1  }
0x505: {  	v49 =	vor.u32 v12, v46;
	_ =	sdelay $0x2  }
0x506: {  	v50 =	vor.u32 s23, v16;
	v36 =	vld.idx.msk [tilespmem:v48+s11+$0x0], $0xffff;
	[tilespmem:v31+s7+$0x0] =	vst.idx.msk $0xffff, v1  }
0x507: {  	v56 =	vld [tilespmem:$0x1FFA0]  }
0x508: {  	v32 =	vor.u32 s22, v37;
	v31 =	vld.idx.msk [tilespmem:v49+s11+$0x0], $0xffff;
	_ =	sdelay $0x2  }
0x509: {  	v61 =	vor.u32 v12, v47;
	[tilespmem:v50+s7+$0x0] =	vst.idx.msk $0xffff, v36  }
0x50a: {  	[tilespmem:v29+s7+$0x0] =	vst.idx.msk $0xffff, v25;
	v1 =	vor.u32 v56, v44  }
0x50b: {  	[tilespmem:v32+s7+$0x0] =	vst.idx.msk $0xffff, v31  }
0x50c: {  	v2 =	vld [tilespmem:$0x1FDB0];
	_ =	sdelay $0x1  }
0x50d: {  	v38 =	vor.u32 s23, v37;
	v40 =	vld.idx.msk [tilespmem:v61+s11+$0x0], $0xffff;
	v33 =	vor.u32 v56, v46  }
0x50e: {  	v25 =	vor.u32 s1, v30;
	v61 =	vor.u32 v56, v47;
	v1 =	vld.idx.msk [tilespmem:v1+s11+$0x0], $0xffff;
	_ =	sdelay $0x1  }
0x50f: {  	v29 =	vor.u32 v2, v44  }
0x510: {  	v27 =	vld.idx.msk [tilespmem:v27+s11+$0x0], $0xffff  }
0x511: {  	v32 =	vor.u32 s22, v30;
	[tilespmem:v38+s7+$0x0] =	vst.idx.msk $0xffff, v40;
	v31 =	vld.idx.msk [tilespmem:v33+s11+$0x0], $0xffff  }
0x512: {  	v41 =	vor.u32 s23, v30;
	v40 =	vld.idx.msk [tilespmem:v61+s11+$0x0], $0xffff;
	[tilespmem:v25+s7+$0x0] =	vst.idx.msk $0xffff, v1  }
0x513: {  	v49 =	vor.u32 s3, v55;
	v28 =	vld [tilespmem:$0x1FFF0]  }
0x514: {  	v25 =	vld.idx.msk [tilespmem:v29+s11+$0x0], $0xffff;
	v29 =	vor.u32 s1, v55;
	_ =	sdelay $0x1  }
0x515: {  	[tilespmem:v32+s7+$0x0] =	vst.idx.msk $0xffff, v31  }
0x516: {  	v33 =	vor.u32 v2, v46;
	[tilespmem:v41+s7+$0x0] =	vst.idx.msk $0xffff, v40  }
0x517: {  	v61 =	vor.u32 v2, v47;
	[tilespmem:v49+s7+$0x0] =	vst.idx.msk $0xffff, v27  }
0x518: {  	v1 =	vor.u32 v28, v45;
	[tilespmem:v29+s7+$0x0] =	vst.idx.msk $0xffff, v25  }
0x519: {  	v31 =	vor.u32 v28, v44;
	v38 =	vld [tilespmem:$0x1FFB0];
	_ =	sdelay $0x1  }
0x51a: {  	v32 =	vld.idx.msk [tilespmem:v33+s11+$0x0], $0xffff;
	v33 =	vor.u32 s22, v55  }
0x51b: {  	v41 =	vld.idx.msk [tilespmem:v61+s11+$0x0], $0xffff;
	v61 =	vor.u32 s23, v55;
	v40 =	vor.u32 v28, v46  }
0x51c: {  	v27 =	vor.u32 s18, v63;
	v50 =	vor.u32 v28, v47;
	v1 =	vld.idx.msk [tilespmem:v1+s11+$0x0], $0xffff  }
0x51d: {  	v29 =	vld.idx.msk [tilespmem:v31+s11+$0x0], $0xffff;
	v31 =	vor.u32 s20, v63;
	v25 =	vor.u32 v38, v45;
	_ =	sdelay $0x1  }
0x51e: {  	[tilespmem:v33+s7+$0x0] =	vst.idx.msk $0xffff, v32;
	v32 =	vor.u32 v38, v44  }
0x51f: {  	[tilespmem:v61+s7+$0x0] =	vst.idx.msk $0xffff, v41;
	v36 =	vld.idx.msk [tilespmem:v40+s11+$0x0], $0xffff  }
0x520: {  	v33 =	vor.u32 s19, v63;
	v48 =	vld.idx.msk [tilespmem:v50+s11+$0x0], $0xffff;
	[tilespmem:v27+s7+$0x0] =	vst.idx.msk $0xffff, v1  }
0x521: {  	v49 =	vor.u32 s21, v63;
	[tilespmem:v31+s7+$0x0] =	vst.idx.msk $0xffff, v29;
	v1 =	vld.idx.msk [tilespmem:v25+s11+$0x0], $0xffff  }
0x522: {  	v25 =	vor.u32 s18, v26;
	v2 =	vld [tilespmem:$0x1FFC0]  }
0x523: {  	v31 =	vor.u32 s20, v26;
	v29 =	vld.idx.msk [tilespmem:v32+s11+$0x0], $0xffff;
	_ =	sdelay $0x1  }
0x524: {  	[tilespmem:v33+s7+$0x0] =	vst.idx.msk $0xffff, v36  }
0x525: {  	v41 =	vor.u32 v38, v46;
	[tilespmem:v49+s7+$0x0] =	vst.idx.msk $0xffff, v48  }
0x526: {  	v61 =	vor.u32 v38, v47;
	[tilespmem:v25+s7+$0x0] =	vst.idx.msk $0xffff, v1  }
0x527: {  	v27 =	vor.u32 v2, v45;
	[tilespmem:v31+s7+$0x0] =	vst.idx.msk $0xffff, v29  }
0x528: {  	v32 =	vor.u32 v2, v44;
	v4 =	vld [tilespmem:$0x1FC00];
	_ =	sdelay $0x1  }
0x529: {  	v33 =	vor.u32 s19, v26;
	v36 =	vld.idx.msk [tilespmem:v41+s11+$0x0], $0xffff  }
0x52a: {  	v49 =	vor.u32 s21, v26;
	v48 =	vld.idx.msk [tilespmem:v61+s11+$0x0], $0xffff;
	v41 =	vor.u32 v2, v46  }
0x52b: {  	v61 =	vor.u32 v2, v47;
	v25 =	vor.u32 s18, v34;
	v1 =	vld.idx.msk [tilespmem:v27+s11+$0x0], $0xffff  }
0x52c: {  	v31 =	vor.u32 s20, v34;
	v29 =	vld.idx.msk [tilespmem:v32+s11+$0x0], $0xffff;
	v27 =	vor.u32 v4, v45;
	_ =	sdelay $0x1  }
0x52d: {  	[tilespmem:v33+s7+$0x0] =	vst.idx.msk $0xffff, v36;
	v32 =	vor.u32 v4, v44  }
0x52e: {  	[tilespmem:v49+s7+$0x0] =	vst.idx.msk $0xffff, v48;
	v36 =	vld.idx.msk [tilespmem:v41+s11+$0x0], $0xffff  }
0x52f: {  	v33 =	vor.u32 s19, v34;
	v48 =	vld.idx.msk [tilespmem:v61+s11+$0x0], $0xffff;
	[tilespmem:v25+s7+$0x0] =	vst.idx.msk $0xffff, v1  }
0x530: {  	v49 =	vor.u32 s21, v34;
	[tilespmem:v31+s7+$0x0] =	vst.idx.msk $0xffff, v29;
	v1 =	vld.idx.msk [tilespmem:v27+s11+$0x0], $0xffff  }
0x531: {  	v41 =	vor.u32 v4, v46;
	v61 =	vor.u32 v4, v47;
	v25 =	vor.u32 s18, v24;
	v4 =	vld [tilespmem:$0x1FBE0]  }
0x532: {  	v31 =	vor.u32 s20, v24;
	v29 =	vld.idx.msk [tilespmem:v32+s11+$0x0], $0xffff;
	_ =	sdelay $0x1  }
0x533: {  	[tilespmem:v33+s7+$0x0] =	vst.idx.msk $0xffff, v36  }
0x534: {  	[tilespmem:v49+s7+$0x0] =	vst.idx.msk $0xffff, v48  }
0x535: {  	v36 =	vld.idx.msk [tilespmem:v41+s11+$0x0], $0xffff;
	v27 =	vor.u32 v4, v45;
	[tilespmem:v25+s7+$0x0] =	vst.idx.msk $0xffff, v1  }
0x536: {  	v33 =	vor.u32 s19, v24;
	v48 =	vld.idx.msk [tilespmem:v61+s11+$0x0], $0xffff;
	v32 =	vor.u32 v4, v44;
	[tilespmem:v31+s7+$0x0] =	vst.idx.msk $0xffff, v29  }
0x537: {  	v41 =	vor.u32 v4, v46;
	v61 =	vor.u32 v4, v47;
	v4 =	vld [tilespmem:$0x1FC10];
	_ =	sdelay $0x1  }
0x538: {  	v49 =	vor.u32 s21, v24  }
0x539: {  	v25 =	vor.u32 s18, v10;
	v1 =	vld.idx.msk [tilespmem:v27+s11+$0x0], $0xffff  }
0x53a: {  	v31 =	vor.u32 s20, v10;
	[tilespmem:v33+s7+$0x0] =	vst.idx.msk $0xffff, v36;
	v29 =	vld.idx.msk [tilespmem:v32+s11+$0x0], $0xffff  }
0x53b: {  	v40 =	vor.u32 s19, v10;
	v36 =	vld.idx.msk [tilespmem:v41+s11+$0x0], $0xffff;
	v27 =	vor.u32 v4, v45;
	_ =	sdelay $0x1  }
0x53c: {  	[tilespmem:v49+s7+$0x0] =	vst.idx.msk $0xffff, v48;
	v32 =	vor.u32 v4, v44  }
0x53d: {  	v49 =	vor.u32 s21, v10;
	v48 =	vld.idx.msk [tilespmem:v61+s11+$0x0], $0xffff;
	v41 =	vor.u32 v4, v46;
	[tilespmem:v25+s7+$0x0] =	vst.idx.msk $0xffff, v1  }
0x53e: {  	[tilespmem:v31+s7+$0x0] =	vst.idx.msk $0xffff, v29  }
0x53f: {  	[tilespmem:v40+s7+$0x0] =	vst.idx.msk $0xffff, v36;
	v1 =	vld.idx.msk [tilespmem:v27+s11+$0x0], $0xffff  }
0x540: {  	v61 =	vor.u32 v4, v47;
	v25 =	vor.u32 s18, v60;
	v4 =	vld [tilespmem:$0x1FC20]  }
0x541: {  	v31 =	vor.u32 s20, v60;
	v29 =	vld.idx.msk [tilespmem:v32+s11+$0x0], $0xffff  }
0x542: {  	[tilespmem:v49+s7+$0x0] =	vst.idx.msk $0xffff, v48;
	v36 =	vld.idx.msk [tilespmem:v41+s11+$0x0], $0xffff;
	v49 =	vor.u32 s19, v60  }
0x543: {  	[tilespmem:v23+s7+$0x0] =	vst.idx.msk $0xffff, v5  }
0x544: {  	[tilespmem:v15+s7+$0x0] =	vst.idx.msk $0xffff, v17  }
0x545: {  	v50 =	vor.u32 s21, v60;
	v23 =	vld.idx.msk [tilespmem:v61+s11+$0x0], $0xffff;
	[tilespmem:v25+s7+$0x0] =	vst.idx.msk $0xffff, v1  }
0x546: {  	[tilespmem:v31+s7+$0x0] =	vst.idx.msk $0xffff, v29  }
0x547: {  	v27 =	vor.u32 v4, v45;
	[tilespmem:v49+s7+$0x0] =	vst.idx.msk $0xffff, v36  }
0x548: {  	v48 =	vor.u32 v4, v44;
	v5 =	vor.u32 v4, v46;
	v15 =	vor.u32 v4, v47;
	v4 =	vld [tilespmem:$0x1FC80];
	_ =	sdelay $0x1  }
0x549: {  	v1 =	vld.idx.msk [tilespmem:v19+s11+$0x0], $0xffff;
	[tilespmem:v50+s7+$0x0] =	vst.idx.msk $0xffff, v23  }
0x54a: {  	v33 =	vld [tilespmem:$0x1FF80]  }
0x54b: {  	v19 =	vor.u32 s18, v62;
	v17 =	vld.idx.msk [tilespmem:v27+s11+$0x0], $0xffff  }
0x54c: {  	v27 =	vor.u32 s20, v62;
	v29 =	vld.idx.msk [tilespmem:v48+s11+$0x0], $0xffff;
	v25 =	vor.u32 v4, v45  }
0x54d: {  	v31 =	vor.u32 s19, v62;
	v5 =	vld.idx.msk [tilespmem:v5+s11+$0x0], $0xffff;
	v23 =	vor.u32 v4, v44  }
0x54e: {  	v61 =	vor.u32 s21, v62;
	[tilespmem:v54+s7+$0x0] =	vst.idx.msk $0xffff, v21;
	v15 =	vld.idx.msk [tilespmem:v15+s11+$0x0], $0xffff;
	v21 =	vor.u32 v4, v46  }
0x54f: {  	[tilespmem:v13+s7+$0x0] =	vst.idx.msk $0xffff, v1;
	v1 =	vld.idx.msk [tilespmem:v9+s11+$0x0], $0xffff;
	v9 =	vor.u32 v4, v47  }
0x550: {  	v13 =	vor.u32 s31, v35;
	v11 =	vld.idx.msk [tilespmem:v11+s11+$0x0], $0xffff;
	[tilespmem:v19+s7+$0x0] =	vst.idx.msk $0xffff, v17  }
0x551: {  	[tilespmem:v27+s7+$0x0] =	vst.idx.msk $0xffff, v29;
	v17 =	vor.u32 v57, v43;
	v19 =	vld.idx.msk [tilespmem:v25+s11+$0x0], $0xffff;
	v25 =	vor.u32 s18, v35  }
0x552: {  	[tilespmem:v31+s7+$0x0] =	vst.idx.msk $0xffff, v5;
	v5 =	vor.u32 v57, v45;
	v27 =	vor.u32 s20, v35;
	v23 =	vld.idx.msk [tilespmem:v23+s11+$0x0], $0xffff  }
0x553: {  	[tilespmem:v61+s7+$0x0] =	vst.idx.msk $0xffff, v15;
	v15 =	vor.u32 v57, v44;
	v29 =	vor.u32 s19, v35;
	v21 =	vld.idx.msk [tilespmem:v21+s11+$0x0], $0xffff  }
0x554: {  	[tilespmem:v7+s7+$0x0] =	vst.idx.msk $0xffff, v1;
	v1 =	vor.u32 v57, v46;
	v7 =	vld.idx.msk [tilespmem:v9+s11+$0x0], $0xffff;
	v9 =	vor.u32 s21, v35  }
0x555: {  	v3 =	vld.idx.msk [tilespmem:v3+s11+$0x0], $0xffff;
	[tilespmem:v13+s7+$0x0] =	vst.idx.msk $0xffff, v11;
	v11 =	vor.u32 v57, v47  }
0x556: {  	v13 =	vor.u32 v58, v42;
	v17 =	vld.idx.msk [tilespmem:v17+s11+$0x0], $0xffff;
	[tilespmem:v25+s7+$0x0] =	vst.idx.msk $0xffff, v19;
	v19 =	vor.u32 s31, v6  }
0x557: {  	[tilespmem:v27+s7+$0x0] =	vst.idx.msk $0xffff, v23;
	v23 =	vor.u32 v58, v43;
	v5 =	vld.idx.msk [tilespmem:v5+s11+$0x0], $0xffff  }
0x558: {  	[tilespmem:v29+s7+$0x0] =	vst.idx.msk $0xffff, v21;
	v21 =	vor.u32 v58, v45;
	v25 =	vor.u32 s20, v6;
	v15 =	vld.idx.msk [tilespmem:v15+s11+$0x0], $0xffff  }
0x559: {  	[tilespmem:v9+s7+$0x0] =	vst.idx.msk $0xffff, v7;
	v7 =	vor.u32 v58, v44;
	v1 =	vld.idx.msk [tilespmem:v1+s11+$0x0], $0xffff  }
0x55a: {  	[tilespmem:v0+s7+$0x0] =	vst.idx.msk $0xffff, v3;
	v0 =	vor.u32 v58, v46;
	v9 =	vor.u32 s21, v6;
	v3 =	vld.idx.msk [tilespmem:v11+s11+$0x0], $0xffff  }
0x55b: {  	v11 =	vld.idx.msk [tilespmem:v13+s11+$0x0], $0xffff;
	v13 =	vor.u32 s15, v22;
	[tilespmem:v19+s7+$0x0] =	vst.idx.msk $0xffff, v17;
	v17 =	vor.u32 v58, v47  }
0x55c: {  	[tilespmem:v52+s7+$0x0] =	vst.idx.msk $0xffff, v5;
	v5 =	vor.u32 v8, v42;
	v19 =	vld.idx.msk [tilespmem:v23+s11+$0x0], $0xffff;
	v23 =	vor.u32 s31, v22  }
0x55d: {  	[tilespmem:v25+s7+$0x0] =	vst.idx.msk $0xffff, v15;
	v15 =	vor.u32 v8, v43;
	v25 =	vor.u32 s18, v22;
	v21 =	vld.idx.msk [tilespmem:v21+s11+$0x0], $0xffff  }
0x55e: {  	v27 =	vor.u32 s20, v22;
	[tilespmem:v51+s7+$0x0] =	vst.idx.msk $0xffff, v1;
	v1 =	vor.u32 v8, v45;
	v7 =	vld.idx.msk [tilespmem:v7+s11+$0x0], $0xffff  }
0x55f: {  	[tilespmem:v9+s7+$0x0] =	vst.idx.msk $0xffff, v3;
	v3 =	vor.u32 v8, v44;
	v9 =	vor.u32 s19, v22;
	v0 =	vld.idx.msk [tilespmem:v0+s11+$0x0], $0xffff  }
0x560: {  	[tilespmem:v13+s7+$0x0] =	vst.idx.msk $0xffff, v11;
	v11 =	vor.u32 v8, v46;
	v13 =	vld.idx.msk [tilespmem:v17+s11+$0x0], $0xffff;
	v17 =	vor.u32 s21, v22  }
0x561: {  	[tilespmem:v23+s7+$0x0] =	vst.idx.msk $0xffff, v19;
	v5 =	vld.idx.msk [tilespmem:v5+s11+$0x0], $0xffff;
	v19 =	vor.u32 s15, v14;
	v23 =	vor.u32 v8, v47  }
0x562: {  	[tilespmem:v25+s7+$0x0] =	vst.idx.msk $0xffff, v21;
	v21 =	vor.u32 v59, v42;
	v15 =	vld.idx.msk [tilespmem:v15+s11+$0x0], $0xffff;
	v25 =	vor.u32 s31, v14  }
0x563: {  	[tilespmem:v27+s7+$0x0] =	vst.idx.msk $0xffff, v7;
	v7 =	vor.u32 v59, v43;
	v27 =	vor.u32 s18, v14;
	v1 =	vld.idx.msk [tilespmem:v1+s11+$0x0], $0xffff  }
0x564: {  	[tilespmem:v9+s7+$0x0] =	vst.idx.msk $0xffff, v0;
	v0 =	vor.u32 v59, v45;
	v9 =	vor.u32 s20, v14;
	v3 =	vld.idx.msk [tilespmem:v3+s11+$0x0], $0xffff  }
0x565: {  	v11 =	vld.idx.msk [tilespmem:v11+s11+$0x0], $0xffff;
	[tilespmem:v17+s7+$0x0] =	vst.idx.msk $0xffff, v13;
	v17 =	vor.u32 s19, v14  }
0x566: {  	[tilespmem:v19+s7+$0x0] =	vst.idx.msk $0xffff, v5;
	v19 =	vld.idx.msk [tilespmem:v23+s11+$0x0], $0xffff;
	v23 =	vor.u32 s21, v14  }
0x567: {  	v13 =	vor.u32 v59, v44;
	[tilespmem:v25+s7+$0x0] =	vst.idx.msk $0xffff, v15;
	v15 =	vld.idx.msk [tilespmem:v21+s11+$0x0], $0xffff;
	v21 =	vor.u32 s15, v33  }
0x568: {  	v5 =	vor.u32 v59, v46;
	[tilespmem:v27+s7+$0x0] =	vst.idx.msk $0xffff, v1;
	v27 =	vor.u32 s31, v33;
	v7 =	vld.idx.msk [tilespmem:v7+s11+$0x0], $0xffff  }
0x569: {  	v25 =	vor.u32 v59, v47;
	[tilespmem:v9+s7+$0x0] =	vst.idx.msk $0xffff, v3;
	v9 =	vor.u32 s18, v33;
	v0 =	vld.idx.msk [tilespmem:v0+s11+$0x0], $0xffff  }
0x56a: {  	[tilespmem:v17+s7+$0x0] =	vst.idx.msk $0xffff, v11  }
0x56b: {  	v1 =	vor.u32 v20, v42;
	[tilespmem:v23+s7+$0x0] =	vst.idx.msk $0xffff, v19  }
0x56c: {  	v3 =	vor.u32 v20, v43;
	v13 =	vld.idx.msk [tilespmem:v13+s11+$0x0], $0xffff;
	[tilespmem:v21+s7+$0x0] =	vst.idx.msk $0xffff, v15  }
0x56d: {  	v11 =	vor.u32 v20, v45;
	v17 =	vor.u32 s20, v33;
	v5 =	vld.idx.msk [tilespmem:v5+s11+$0x0], $0xffff;
	[tilespmem:v27+s7+$0x0] =	vst.idx.msk $0xffff, v7  }
0x56e: {  	v23 =	vor.u32 s19, v33;
	v25 =	vld.idx.msk [tilespmem:v25+s11+$0x0], $0xffff;
	[tilespmem:v9+s7+$0x0] =	vst.idx.msk $0xffff, v0  }
0x56f: {  	v21 =	vor.u32 s21, v33;
	v4 =	vld [tilespmem:$0x1FC70]  }
0x570: {  	v19 =	vor.u32 v20, v44;
	v1 =	vld.idx.msk [tilespmem:v1+s11+$0x0], $0xffff;
	v7 =	vor.u32 s15, v16  }
0x571: {  	v15 =	vor.u32 v20, v46;
	v9 =	vor.u32 s31, v16;
	v3 =	vld.idx.msk [tilespmem:v3+s11+$0x0], $0xffff  }
0x572: {  	v27 =	vor.u32 v20, v47;
	[tilespmem:v17+s7+$0x0] =	vst.idx.msk $0xffff, v13;
	v11 =	vld.idx.msk [tilespmem:v11+s11+$0x0], $0xffff;
	v17 =	vor.u32 s18, v16  }
0x573: {  	[tilespmem:v23+s7+$0x0] =	vst.idx.msk $0xffff, v5  }
0x574: {  	[tilespmem:v21+s7+$0x0] =	vst.idx.msk $0xffff, v25;
	v0 =	vor.u32 v4, v42  }
0x575: {  	v19 =	vld.idx.msk [tilespmem:v19+s11+$0x0], $0xffff;
	[tilespmem:v7+s7+$0x0] =	vst.idx.msk $0xffff, v1;
	v13 =	vor.u32 v4, v43  }
0x576: {  	v23 =	vor.u32 s20, v16;
	v15 =	vld.idx.msk [tilespmem:v15+s11+$0x0], $0xffff;
	[tilespmem:v9+s7+$0x0] =	vst.idx.msk $0xffff, v3;
	v5 =	vor.u32 v4, v45  }
0x577: {  	v25 =	vor.u32 s19, v16;
	v7 =	vor.u32 s21, v16;
	v27 =	vld.idx.msk [tilespmem:v27+s11+$0x0], $0xffff;
	[tilespmem:v17+s7+$0x0] =	vst.idx.msk $0xffff, v11  }
0x578: {  	v21 =	vor.u32 v4, v44;
	v1 =	vor.u32 v4, v46;
	v9 =	vor.u32 v4, v47;
	v4 =	vld [tilespmem:$0x1FCA0]  }
0x579: {  	v3 =	vor.u32 s15, v37;
	v0 =	vld.idx.msk [tilespmem:v0+s11+$0x0], $0xffff  }
0x57a: {  	v17 =	vor.u32 s31, v37;
	v13 =	vld.idx.msk [tilespmem:v13+s11+$0x0], $0xffff  }
0x57b: {  	[tilespmem:v23+s7+$0x0] =	vst.idx.msk $0xffff, v19;
	v23 =	vor.u32 s18, v37;
	v5 =	vld.idx.msk [tilespmem:v5+s11+$0x0], $0xffff  }
0x57c: {  	[tilespmem:v25+s7+$0x0] =	vst.idx.msk $0xffff, v15  }
0x57d: {  	[tilespmem:v7+s7+$0x0] =	vst.idx.msk $0xffff, v27  }
0x57e: {  	[tilespmem:v3+s7+$0x0] =	vst.idx.msk $0xffff, v0  }
0x57f: {  	v11 =	vor.u32 v4, v42;
	[tilespmem:v17+s7+$0x0] =	vst.idx.msk $0xffff, v13  }
0x580: {  	v19 =	vor.u32 v4, v43;
	v15 =	vor.u32 v4, v45;
	[tilespmem:v23+s7+$0x0] =	vst.idx.msk $0xffff, v5  }
0x581: {  	v7 =	vor.u32 v4, v44;
	v0 =	vor.u32 v4, v46;
	v17 =	vor.u32 v4, v47;
	v4 =	vld [tilespmem:$0x1FCF0]  }
0x582: {  	v25 =	vor.u32 s20, v37;
	v21 =	vld.idx.msk [tilespmem:v21+s11+$0x0], $0xffff  }
0x583: {  	v27 =	vor.u32 s19, v37;
	v1 =	vld.idx.msk [tilespmem:v1+s11+$0x0], $0xffff  }
0x584: {  	v9 =	vld.idx.msk [tilespmem:v9+s11+$0x0], $0xffff;
	v3 =	vor.u32 s21, v37  }
0x585: {  	v13 =	vor.u32 s15, v30;
	v11 =	vld.idx.msk [tilespmem:v11+s11+$0x0], $0xffff  }
0x586: {  	v23 =	vor.u32 s31, v30;
	v19 =	vld.idx.msk [tilespmem:v19+s11+$0x0], $0xffff;
	v5 =	vor.u32 v4, v42  }
0x587: {  	[tilespmem:v25+s7+$0x0] =	vst.idx.msk $0xffff, v21;
	v15 =	vld.idx.msk [tilespmem:v15+s11+$0x0], $0xffff;
	v25 =	vor.u32 s18, v30;
	v21 =	vor.u32 v4, v43  }
0x588: {  	[tilespmem:v27+s7+$0x0] =	vst.idx.msk $0xffff, v1;
	v27 =	vor.u32 s20, v30;
	v7 =	vld.idx.msk [tilespmem:v7+s11+$0x0], $0xffff;
	v1 =	vor.u32 v4, v45  }
0x589: {  	[tilespmem:v3+s7+$0x0] =	vst.idx.msk $0xffff, v9;
	v0 =	vld.idx.msk [tilespmem:v0+s11+$0x0], $0xffff;
	v9 =	vor.u32 s19, v30;
	v3 =	vor.u32 v4, v44  }
0x58a: {  	[tilespmem:v13+s7+$0x0] =	vst.idx.msk $0xffff, v11;
	v11 =	vor.u32 v4, v46;
	v13 =	vor.u32 s21, v30;
	v17 =	vld.idx.msk [tilespmem:v17+s11+$0x0], $0xffff  }
0x58b: {  	[tilespmem:v23+s7+$0x0] =	vst.idx.msk $0xffff, v19;
	v19 =	vor.u32 v4, v47;
	v23 =	vor.u32 s15, v55;
	v5 =	vld.idx.msk [tilespmem:v5+s11+$0x0], $0xffff  }
0x58c: {  	[tilespmem:v25+s7+$0x0] =	vst.idx.msk $0xffff, v15;
	v15 =	vor.u32 s31, v55;
	v21 =	vld.idx.msk [tilespmem:v21+s11+$0x0], $0xffff  }
0x58d: {  	[tilespmem:v27+s7+$0x0] =	vst.idx.msk $0xffff, v7;
	v7 =	vor.u32 s18, v55;
	v1 =	vld.idx.msk [tilespmem:v1+s11+$0x0], $0xffff  }
0x58e: {  	[tilespmem:v9+s7+$0x0] =	vst.idx.msk $0xffff, v0;
	v0 =	vor.u32 s20, v55;
	v3 =	vld.idx.msk [tilespmem:v3+s11+$0x0], $0xffff  }
0x58f: {  	v9 =	vor.u32 s19, v55;
	[tilespmem:v13+s7+$0x0] =	vst.idx.msk $0xffff, v17;
	v11 =	vld.idx.msk [tilespmem:v11+s11+$0x0], $0xffff  }
0x590: {  	v13 =	vld.idx.msk [tilespmem:v19+s11+$0x0], $0xffff;
	[tilespmem:v23+s7+$0x0] =	vst.idx.msk $0xffff, v5;
	v5 =	vor.u32 s21, v55  }
0x591: {  	[tilespmem:v15+s7+$0x0] =	vst.idx.msk $0xffff, v21  }
0x592: {  	[tilespmem:v7+s7+$0x0] =	vst.idx.msk $0xffff, v1  }
0x593: {  	[tilespmem:v0+s7+$0x0] =	vst.idx.msk $0xffff, v3  }
0x594: {  	[tilespmem:v9+s7+$0x0] =	vst.idx.msk $0xffff, v11  }
0x595: {  	[tilespmem:v5+s7+$0x0] =	vst.idx.msk $0xffff, v13  }
0x596: {  	s20 =	rddreg [dreg:$0x13]  }
0x597: {  	s14 =	sadd.s32 $0x1, s14;
	s21 =	rddreg [dreg:$0x14];
	s1 =	sadd.s32 s16, s20  }
0x598: {  	[hbm4b:s1+s4] =	stream.linear.scatter [tilespmem:s7], [sflag:$0x6], $0x1000, $0x38;
	[tilespmem:$0x10400] =	vst v63  }
0x599: {  	p0 =	sne.s32 s14, $0x64;
	s22 =	simm.s32 $0xD400;
	s1 =	sadd.s32 s16, s21  }
0x59a: {  	[hbm4b:s1+s4] =	stream.linear.scatter [tilespmem:s22], [sflag:$0x6], $0x1000, $0x38;
	[tilespmem:$0x10400] =	vst v63  }
.Ltmp7:
0x59b: {  	s23 =	rddreg [dreg:$0x15];
	(pc) =	sbr.rel @p0 .LBB2_2-.Ltmp7, $4  }
0x59c: {  	s24 =	simm.s32 $0xE400;
	s30 =	rddreg [dreg:$0x16];
	s1 =	sadd.s32 s16, s23  }
0x59d: {  	v41 =	vmovc v35;
	v48 =	vmov v2;
	v2 =	vmov v39;
	v57 =	vmov v53;
	[hbm4b:s1+s4] =	stream.linear.scatter [tilespmem:s24], [sflag:$0x6], $0x1000, $0x38;
	[tilespmem:$0x10400] =	vst v63  }
0x59e: {  	v29 =	vmovc v6;
	v52 =	vmovc v63;
	v63 =	vmov v22;
	s31 =	simm.s32 $0xF400;
	v25 =	vmov v18;
	v18 =	vmov v14;
	v39 =	vld [tilespmem:$0x1FF10];
	s1 =	sadd.s32 s16, s30  }
0x59f: {  	v4 =	vmovc v26;
	v27 =	vmovc v12;
	v23 =	vmov v28;
	v28 =	vmov v16;
	v16 =	vmov v60;
	v14 =	vld [tilespmem:$0x1FF50];
	[hbm4b:s1+s4] =	stream.linear.scatter [tilespmem:s31], [sflag:$0x6], $0x1000, $0x38  }
0x5a0: {  	_ =	swait.ge [sflag:s2], $0x1000  }
0x5a1: {  	[sflag:s2] =	ssyncset.done $0x0  }
0x5a2: {  	[sflag:s2] =	ssyncadd.s32 $0xFFFFF000  }
0x5a3: {  	_ =	swait.ge [sflag:s2], $0x1000  }
0x5a4: {  	[sflag:s2] =	ssyncset.done $0x0  }
0x5a5: {  	[sflag:s2] =	ssyncadd.s32 $0xFFFFF000  }
0x5a6: {  	_ =	swait.ge [sflag:s2], $0x1000  }
0x5a7: {  	[sflag:s2] =	ssyncset.done $0x0  }
0x5a8: {  	[sflag:s2] =	ssyncadd.s32 $0xFFFFF000  }
0x5a9: {  	_ =	swait.ge [sflag:s2], $0x1000  }
0x5aa: {  	[sflag:s2] =	ssyncset.done $0x0  }
0x5ab: {  	[sflag:s2] =	ssyncadd.s32 $0xFFFFF000  }
0x5ac: {  	_ =	swait.ge [sflag:s25], $0x1000  }
0x5ad: {  	[sflag:s25] =	ssyncset.done $0x0  }
0x5ae: {  	[sflag:s25] =	ssyncadd.s32 $0xFFFFF000  }
0x5af: {  	_ =	swait.ge [sflag:s25], $0x1000  }
0x5b0: {  	[sflag:s25] =	ssyncset.done $0x0  }
0x5b1: {  	[sflag:s25] =	ssyncadd.s32 $0xFFFFF000  }
0x5b2: {  	_ =	swait.ge [sflag:s25], $0x1000  }
0x5b3: {  	[sflag:s25] =	ssyncset.done $0x0  }
0x5b4: {  	[sflag:s25] =	ssyncadd.s32 $0xFFFFF000  }
0x5b5: {  	_ =	swait.ge [sflag:s25], $0x1000  }
0x5b6: {  	s3 =	rddreg [dreg:$0x18]  }
0x5b7: {  	s1 =	rddreg [dreg:$0x17];
	s3 =	sadd.s32 $0x1, s3  }
0x5b8: {  	p0 =	sne.s32 s3, s1  }
.Ltmp8:
0x5b9: {  	_ = 	snop;
	(pc) =	sbr.rel @p0 .LBB2_1-.Ltmp8, $3  }
0x5ba: {  	_ =	sdelay $0x1  }
0x5bb: {  	[sflag:s25] =	ssyncset.done $0x0  }
0x5bc: {  	[sflag:s25] =	ssyncadd.s32 $0xFFFFF000  }
0x5bd: {  	_ =	sfence.sel $0x180000  }
0x5be: {  	[bflag:$0x0] =	sbarrier.arrive $0xFFFF  }
0x5bf: {  	_ =	strace $0x90000047  }
0x5c0: {  	s0 =	stileid.u32;
	[bflag:$0x2] =	sbarrier.arrive $0xFFFF  }
0x5c1: {  	p0 =	sne.s32 s0, $0x0;
	s0 =	rddreg [dreg:$0x3]  }
0x5c2: {  	s0 =	sadd.s32 @!p0 $0x100000, s0  }
0x5c3: {  	[sflag:s0] =	ssyncadd.tile.s32 @!p0 $0x1;
	_ =	shalt  }
.Lfunc_end2:
_tile_overlayer_lowered:
.L_overlay_start_2:
0x5c4: {  	(tag) =	ssettag $0x2  }
0x5c5: {  	s0 =	rddreg [dreg:$0x0];
	s2 =	stileid.u32  }
0x5c6: {  	s1 =	rddreg [dreg:$0x1];
	p0 =	sne.s32 s2, $0x0  }
0x5c7: {  	s3 =	rddreg [dreg:$0x2];
	[bflag:$0x3] =	sbarrier.arrive $0xFFFF;
	s2 =	simm.s32 @!p0 $0x1C07  }
0x5c8: {  	[timem:s3], [sflag:s2] =	dma.local @!p0 [hbm:s0], s1  }
0x5c9: {  	s0 =	simm.s32 @!p0 $0x7  }
0x5ca: {  	_ =	swait.ge @!p0 [sflag:s0], s1  }
0x5cb: {  	s1 =	ssub.s32 @!p0 $0x0, s1;
	[sflag:s0] =	ssyncset.done @!p0 $0x0  }
0x5cc: {  	[sflag:s0] =	ssyncadd.s32 @!p0 s1  }
0x5cd: {  	[bflag:$0x3] =	sbarrier.arrive $0xFFFF  }
0x5ce: {  	_ =	shalt  }

</sc_bundles>
